<compile_context>
chip_gen: v7x
topology: tpu7x:2x2x1
jax: 0.10.2.dev20260603
libtpu: 0.0.44.dev20260713+nightly
codegen_flags: <defaults>
</compile_context>

<pallas_src>
import functools

import jax
import jax.numpy as jnp
from jax import lax
from jax._src import core as _jax_core
from jax._src.pallas import core as _pl_core
from jax._src.pallas import mpmd as _mpmd
from jax.experimental import pallas as pl
from jax.experimental.pallas import tpu as pltpu
from jax.experimental.pallas import tpu_sc as plsc

NUM_NODES = 100000
DIM = 64
MOMENTUM = 0.9
_NC, _NS, _L = 2, 16, 16
_NW = _NC * _NS

_RNG = 3200
_LCAP = _RNG + _L
_CH = 128
_POSB = 14


def _sc_gather_scan(hidden, variance, idx):
    B = idx.shape[0]
    bpw = B // _NW
    mesh = plsc.VectorSubcoreMesh(core_axis_name="c", subcore_axis_name="s")

    @functools.partial(
        pl.kernel,
        mesh=mesh,
        out_type=(
            pltpu.HBM((B, 2 * DIM), jnp.float32),
            pltpu.HBM((_NW, _LCAP), jnp.int32),
            pltpu.HBM((_NW, _LCAP), jnp.int32),
            pltpu.HBM((_NW, _L), jnp.int32),
        ),
        compiler_params=pltpu.CompilerParams(needs_layout_passes=False),
        scratch_types=[
            pltpu.VMEM((B,), jnp.int32),
            pltpu.VMEM((bpw, 2 * DIM), jnp.float32),
            pltpu.VMEM((_RNG,), jnp.int32),
            pltpu.VMEM((B + _L,), jnp.int32),
            pltpu.VMEM((_LCAP,), jnp.int32),
            pltpu.VMEM((_LCAP,), jnp.int32),
            pltpu.VMEM((_L,), jnp.int32),
            pltpu.SemaphoreType.DMA,
        ],
    )
    def k(hid_hbm, var_hbm, idx_hbm, hv_hbm, nodes_hbm, pos_hbm, kcnt_hbm,
          idx_v, rows, P, cand, nodes_l, pos_l, kvec, s1):
        wid = lax.axis_index("s") * _NC + lax.axis_index("c")
        gbase = wid * bpw
        nbase = wid * _RNG
        hi = jnp.minimum(nbase + _RNG, NUM_NODES)
        pltpu.sync_copy(idx_hbm, idx_v)

        def grp(g, _):
            v = idx_v[pl.ds(gbase + g * _L, _L)]
            for j in range(_L):
                i = g * _L + j
                pltpu.async_copy(hid_hbm.at[v[j]], rows.at[i, pl.ds(0, DIM)], s1)
                pltpu.async_copy(var_hbm.at[v[j]], rows.at[i, pl.ds(DIM, DIM)], s1)
            return _

        lax.fori_loop(0, bpw // _L, grp, 0)

        neg1 = jnp.full((_L,), -1, jnp.int32)

        def initg(g, _):
            P[pl.ds(g * _L, _L)] = neg1
            return _

        lax.fori_loop(0, _RNG // _L, initg, 0)
        lane = lax.broadcasted_iota(jnp.int32, (_L,), 0)

        def filt(t, cnt):
            iv = idx_v[pl.ds(t * _L, _L)]
            inr = (iv >= nbase) & (iv < hi)
            key = iv * B + (t * _L + lane)
            plsc.store_compressed(cand.at[pl.ds(cnt, _L)], key, mask=inr)
            return cnt + jnp.sum(inr.astype(jnp.int32))

        kc = lax.fori_loop(0, B // _L, filt, jnp.int32(0))

        @pl.when(kc > 0)
        def _():
            o = (kc - 1) & ~(_L - 1)
            v = cand[pl.ds(o, _L)]
            safe = jnp.take(v, jnp.broadcast_to((kc - 1) - o, (_L,)), mode="fill")
            cand[pl.ds(o, _L)] = jnp.where(o + lane < kc, v, safe)

        shift_idx = (lane + 1) & (_L - 1)

        def dedup(g, _):
            kv = cand[pl.ds(g * _L, _L)]
            sk, _sv = plsc.sort_key_val(kv, kv)
            node = lax.shift_right_logical(sk, _POSB)
            nxt = jnp.take(node, shift_idx, mode="fill")
            is_run_last = (node != nxt) | (lane == _L - 1)
            posk = jnp.bitwise_and(sk, B - 1)
            plsc.store_scatter(P, [node - nbase], posk, mask=is_run_last)
            return _

        lax.fori_loop(0, (kc + _L - 1) // _L, dedup, 0)

        def compg(g, cnt):
            pv = P[pl.ds(g * _L, _L)]
            m = pv >= 0
            plsc.store_compressed(nodes_l.at[pl.ds(cnt, _L)],
                                  nbase + g * _L + lane, mask=m)
            plsc.store_compressed(pos_l.at[pl.ds(cnt, _L)], pv, mask=m)
            return cnt + jnp.sum(m.astype(jnp.int32))

        kcnt = lax.fori_loop(0, _RNG // _L, compg, jnp.int32(0))

        kvec[...] = jnp.broadcast_to(kcnt, (_L,))
        pltpu.sync_copy(nodes_l, nodes_hbm.at[wid])
        pltpu.sync_copy(pos_l, pos_hbm.at[wid])
        pltpu.sync_copy(kvec, kcnt_hbm.at[wid])

        pltpu.make_async_copy(hv_hbm.at[pl.ds(gbase, bpw)], rows, s1).wait()
        pltpu.sync_copy(rows, hv_hbm.at[pl.ds(gbase, bpw)])

    return k(hidden, variance, idx)


def _tc_gru(x, hv, wih_t, whh_t, b_r, b_z, b_in, b_hn):
    B = x.shape[0]
    blk = 2048

    def body(x_ref, hv_ref, wi_ref, wh_ref, br_ref, bz_ref, bi_ref, bh_ref,
             hn_ref):
        xb = x_ref[...]
        hb = hv_ref[:, 0:DIM]
        vb = hv_ref[:, DIM:2 * DIM]
        gi = jnp.dot(xb, wi_ref[...], preferred_element_type=jnp.float32)
        gh = jnp.dot(hb, wh_ref[...], preferred_element_type=jnp.float32)
        r = jax.nn.sigmoid(gi[:, 0:DIM] + gh[:, 0:DIM] + br_ref[...])
        z = jax.nn.sigmoid(gi[:, DIM:2 * DIM] + gh[:, DIM:2 * DIM] + bz_ref[...])
        n = jnp.tanh(gi[:, 2 * DIM:] + bi_ref[...] + r * (gh[:, 2 * DIM:] + bh_ref[...]))
        hn = (1.0 - z) * n + z * hb
        d = hn - hb
        hn_ref[:, 0:DIM] = hn
        hn_ref[:, DIM:2 * DIM] = MOMENTUM * vb + (1.0 - MOMENTUM) * d * d

    row_spec = pl.BlockSpec((blk, DIM), lambda i: (i, 0))
    wide_spec = pl.BlockSpec((blk, 2 * DIM), lambda i: (i, 0))
    full = pl.BlockSpec((DIM, 3 * DIM), lambda i: (0, 0))
    bias = pl.BlockSpec((1, DIM), lambda i: (0, 0))
    return pl.pallas_call(
        body,
        grid=(B // blk,),
        in_specs=[row_spec, wide_spec, full, full, bias, bias, bias, bias],
        out_specs=wide_spec,
        out_shape=jax.ShapeDtypeStruct((B, 2 * DIM), jnp.float32),
    )(x, hv, wih_t, whh_t, b_r, b_z, b_in, b_hn)


def _tc_copy(hidden, variance):
    rows = 4000

    def body(h_ref, v_ref, o_ref):
        o_ref[0] = h_ref[...]
        o_ref[1] = v_ref[...]

    blk = pl.BlockSpec((rows, DIM), lambda i: (i, 0))
    return pl.pallas_call(
        body,
        grid=(NUM_NODES // rows,),
        in_specs=[blk, blk],
        out_specs=pl.BlockSpec((2, rows, DIM), lambda i: (0, i, 0)),
        out_shape=jax.ShapeDtypeStruct((2, NUM_NODES, DIM), jnp.float32),
    )(hidden, variance)


def _sc_scatter(upd, nodes_all, pos_all, kcnt_all, out0):
    mesh = plsc.VectorSubcoreMesh(core_axis_name="c", subcore_axis_name="s")

    def k(upd_hbm, nodes_hbm, pos_hbm, kcnt_hbm, outin_hbm, out_hbm,
          nodes_l, pos_l, kvec, rowbuf, sg, ss):
        del outin_hbm
        wid = lax.axis_index("s") * _NC + lax.axis_index("c")
        pltpu.sync_copy(nodes_hbm.at[wid], nodes_l)
        pltpu.sync_copy(pos_hbm.at[wid], pos_l)
        pltpu.sync_copy(kcnt_hbm.at[wid], kvec)
        kcnt = kvec[pl.ds(0, _L)][0]
        lane = lax.broadcasted_iota(jnp.int32, (_L,), 0)
        n0 = nodes_l[pl.ds(0, _L)][0]
        p0 = pos_l[pl.ds(0, _L)][0]
        nch = (kcnt + (_CH - 1)) // _CH

        def chunk(c, _):
            co = c * _CH

            def ggrp(g, _):
                lid = co + g * _L + lane
                ok = lid < kcnt
                pv = jnp.where(ok, pos_l[pl.ds(co + g * _L, _L)], p0)
                for j in range(_L):
                    pltpu.async_copy(upd_hbm.at[pv[j]],
                                     rowbuf.at[g * _L + j], sg)
                return _

            lax.fori_loop(0, _CH // _L, ggrp, 0)
            pltpu.make_async_copy(upd_hbm.at[pl.ds(0, _CH)], rowbuf, sg).wait()

            def sgrp(g, _):
                lid = co + g * _L + lane
                ok = lid < kcnt
                nv = jnp.where(ok, nodes_l[pl.ds(co + g * _L, _L)], n0)
                for j in range(_L):
                    i = g * _L + j
                    pltpu.async_copy(rowbuf.at[i, pl.ds(0, DIM)],
                                     out_hbm.at[0, nv[j]], ss)
                    pltpu.async_copy(rowbuf.at[i, pl.ds(DIM, DIM)],
                                     out_hbm.at[1, nv[j]], ss)
                return _

            lax.fori_loop(0, _CH // _L, sgrp, 0)
            pltpu.make_async_copy(upd_hbm.at[pl.ds(0, _CH)], rowbuf, ss).wait()
            return _

        lax.fori_loop(0, nch, chunk, 0)

    run = _mpmd._mpmd_map(
        [(mesh, k)],
        out_types=pltpu.HBM((2, NUM_NODES, DIM), jnp.float32),
        input_output_aliases={4: 0},
        scratch_types=[
            pltpu.VMEM((_LCAP,), jnp.int32),
            pltpu.VMEM((_LCAP,), jnp.int32),
            pltpu.VMEM((_L,), jnp.int32),
            pltpu.VMEM((_CH, 2 * DIM), jnp.float32),
            pltpu.SemaphoreType.DMA,
            pltpu.SemaphoreType.DMA,
        ],
        compiler_params=pltpu.CompilerParams(needs_layout_passes=False),
    )
    return run(upd, nodes_all, pos_all, kcnt_all, out0)


def kernel(x, idx, hidden, variance, W_ih, W_hh, b_ih, b_hh):
    idx = idx.astype(jnp.int32)
    hv, nodes_all, pos_all, kcnt_all = _sc_gather_scan(hidden, variance, idx)
    wih_t = W_ih.T
    whh_t = W_hh.T
    b_r = (b_ih[0:DIM] + b_hh[0:DIM]).reshape(1, DIM)
    b_z = (b_ih[DIM:2 * DIM] + b_hh[DIM:2 * DIM]).reshape(1, DIM)
    b_in = b_ih[2 * DIM:].reshape(1, DIM)
    b_hn = b_hh[2 * DIM:].reshape(1, DIM)
    upd = _tc_gru(x, hv, wih_t, whh_t, b_r, b_z, b_in, b_hn)
    out0 = _tc_copy(hidden, variance)
    out = _sc_scatter(upd, nodes_all, pos_all, kcnt_all, out0)
    return _pl_core.with_memory_space_constraint_p.bind(
        out, memory_space=_jax_core.MemorySpace.Device)

# --- scband reference (transcript-rebuilt; emitter-appended) ---
"""Pipeline reference for scband-recurrent-memory-76836964926318 (READ-ONLY COPY).

The authoritative reference and input builder live on the scoring server;
editing this copy changes nothing except your own understanding.
"""

import jax, jax.numpy as jnp
import numpy as np

NUM_NODES = 100000
DIM = 64
B = 16384
MOMENTUM = 0.9


def setup_inputs(seed: int = 0) -> dict:
    key = jax.random.key(seed)
    k1, k2, k3, k4, k5, k6 = jax.random.split(key, 6)
    idx = jax.random.randint(k1, (B,), 0, NUM_NODES)
    x = jax.random.normal(k2, (B, DIM), dtype=jnp.float32)
    hidden = jnp.zeros((NUM_NODES, DIM), dtype=jnp.float32)
    variance = jnp.ones((NUM_NODES, DIM), dtype=jnp.float32) * 0.1
    s = 1.0 / np.sqrt(DIM)
    W_ih = jax.random.uniform(k3, (3 * DIM, DIM), minval=-s, maxval=s, dtype=jnp.float32)
    W_hh = jax.random.uniform(k4, (3 * DIM, DIM), minval=-s, maxval=s, dtype=jnp.float32)
    b_ih = jax.random.uniform(k5, (3 * DIM,), minval=-s, maxval=s, dtype=jnp.float32)
    b_hh = jax.random.uniform(k6, (3 * DIM,), minval=-s, maxval=s, dtype=jnp.float32)
    return {"x": x, "idx": idx, "hidden": hidden, "variance": variance,
            "W_ih": W_ih, "W_hh": W_hh, "b_ih": b_ih, "b_hh": b_hh}


def gru_cell(x, h, W_ih, W_hh, b_ih, b_hh):
    # Faithful PyTorch GRUCell math
    gi = x @ W_ih.T + b_ih
    gh = h @ W_hh.T + b_hh
    i_r, i_z, i_n = jnp.split(gi, 3, axis=1)
    h_r, h_z, h_n = jnp.split(gh, 3, axis=1)
    r = jax.nn.sigmoid(i_r + h_r)
    z = jax.nn.sigmoid(i_z + h_z)
    n = jnp.tanh(i_n + r * h_n)
    return (1.0 - z) * n + z * h


def reference(x, idx, hidden, variance, W_ih, W_hh, b_ih, b_hh):
    # RecurrentMemory.write: gather old state, GRU update, scatter-overwrite
    h_old = hidden[idx]
    h_new = gru_cell(x, h_old, W_ih, W_hh, b_ih, b_hh)
    delta = h_new - h_old
    var_idx = MOMENTUM * variance[idx] + (1.0 - MOMENTUM) * jnp.square(delta)
    hidden_new = hidden.at[idx].set(h_new)
    variance_new = variance.at[idx].set(var_idx)
    return jnp.stack([hidden_new, variance_new], axis=0)

if __name__ == "__main__":
    import jax
    _d = setup_inputs()
    print(jax.jit(kernel)(*tuple(_d.values())))

</pallas_src>

<mosaic_0001>
#map = affine_map<(d0, d1) -> (0, 0)>
#map1 = affine_map<(d0, d1) -> (0, 0, 0)>
module attributes {stable_mosaic.version = 14 : i64} {
  func.func @k(%arg0: i32, %arg1: i32, %arg2: memref<16384x128xf32, #tpu.memory_space<hbm>>, %arg3: memref<32x3216xi32, #tpu.memory_space<hbm>>, %arg4: memref<32x3216xi32, #tpu.memory_space<hbm>>, %arg5: memref<32x16xi32, #tpu.memory_space<hbm>>, %arg6: memref<2x100000x64xf32, #tpu.memory_space<hbm>>, %arg7: memref<2x100000x64xf32, #tpu.memory_space<hbm>>, %arg8: memref<3216xi32, #tpu.memory_space<vmem>>, %arg9: memref<3216xi32, #tpu.memory_space<vmem>>, %arg10: memref<16xi32, #tpu.memory_space<vmem>>, %arg11: memref<128x128xf32, #tpu.memory_space<vmem>>, %arg12: memref<!tpu.dma_semaphore, #tpu.memory_space<semaphore_mem>>, %arg13: memref<!tpu.dma_semaphore, #tpu.memory_space<semaphore_mem>>) attributes {dimension_semantics = [#tpu.dimension_semantics<core_parallel>, #tpu.dimension_semantics<subcore_parallel>], iteration_bounds = array<i64: 2, 16>, scalar_prefetch = 0 : i64, scratch_operands = 6 : i64, tpu.core_type = #tpu.core_type<sc_vector_subcore>, window_params = [{transform_indices = #map}, {transform_indices = #map}, {transform_indices = #map}, {transform_indices = #map}, {transform_indices = #map1}, {transform_indices = #map1}]} {
    %mul3A = arith.constant 2 : i32
    %mul3A_0 = arith.muli %arg1, %mul3A : i32
    %add3A = arith.addi %mul3A_0, %arg0 : i32
    "tpu.region"() ({
      %run_scoped3A = tpu.sem_alloc : memref<!tpu.dma_semaphore, #tpu.memory_space<semaphore_mem>>
      %dma_start3A = arith.constant 0 : i32
      %dma_start3A_37 = tpu.memref_slice %arg3[%add3A, %dma_start3A] : memref<32x3216xi32, #tpu.memory_space<hbm>> -> memref<1x3216xi32, #tpu.memory_space<hbm>>
      %dma_start3A_38 = tpu.memref_squeeze %dma_start3A_37 : memref<1x3216xi32, #tpu.memory_space<hbm>> -> memref<3216xi32, #tpu.memory_space<hbm>>
      %dma_start3A_39 = arith.constant 0 : i32
      %dma_start3A_40 = tpu.memref_slice %arg3[%add3A, %dma_start3A_39] : memref<32x3216xi32, #tpu.memory_space<hbm>> -> memref<1x3216xi32, #tpu.memory_space<hbm>>
      %dma_start3A_41 = tpu.memref_squeeze %dma_start3A_40 : memref<1x3216xi32, #tpu.memory_space<hbm>> -> memref<3216xi32, #tpu.memory_space<hbm>>
      tpu.enqueue_dma source(%dma_start3A_41 : memref<3216xi32, #tpu.memory_space<hbm>>) target(%arg8 : memref<3216xi32, #tpu.memory_space<vmem>>) target_semaphore(%run_scoped3A : memref<!tpu.dma_semaphore, #tpu.memory_space<semaphore_mem>>)
      %dma_wait3A = arith.constant 0 : i32
      %dma_wait3A_42 = tpu.memref_slice %arg3[%add3A, %dma_wait3A] : memref<32x3216xi32, #tpu.memory_space<hbm>> -> memref<1x3216xi32, #tpu.memory_space<hbm>>
      %dma_wait3A_43 = tpu.memref_squeeze %dma_wait3A_42 : memref<1x3216xi32, #tpu.memory_space<hbm>> -> memref<3216xi32, #tpu.memory_space<hbm>>
      %dma_wait3A_44 = arith.constant 0 : i32
      %dma_wait3A_45 = tpu.memref_slice %arg3[%add3A, %dma_wait3A_44] : memref<32x3216xi32, #tpu.memory_space<hbm>> -> memref<1x3216xi32, #tpu.memory_space<hbm>>
      %dma_wait3A_46 = tpu.memref_squeeze %dma_wait3A_45 : memref<1x3216xi32, #tpu.memory_space<hbm>> -> memref<3216xi32, #tpu.memory_space<hbm>>
      tpu.wait_dma2 semaphore(%run_scoped3A : memref<!tpu.dma_semaphore, #tpu.memory_space<semaphore_mem>>) src(%dma_wait3A_46 : memref<3216xi32, #tpu.memory_space<hbm>>) dst(%arg8 : memref<3216xi32, #tpu.memory_space<vmem>>)
      tpu.yield
    }) : () -> ()
    "tpu.region"() ({
      %run_scoped3A = tpu.sem_alloc : memref<!tpu.dma_semaphore, #tpu.memory_space<semaphore_mem>>
      %dma_start3A = arith.constant 0 : i32
      %dma_start3A_37 = tpu.memref_slice %arg4[%add3A, %dma_start3A] : memref<32x3216xi32, #tpu.memory_space<hbm>> -> memref<1x3216xi32, #tpu.memory_space<hbm>>
      %dma_start3A_38 = tpu.memref_squeeze %dma_start3A_37 : memref<1x3216xi32, #tpu.memory_space<hbm>> -> memref<3216xi32, #tpu.memory_space<hbm>>
      %dma_start3A_39 = arith.constant 0 : i32
      %dma_start3A_40 = tpu.memref_slice %arg4[%add3A, %dma_start3A_39] : memref<32x3216xi32, #tpu.memory_space<hbm>> -> memref<1x3216xi32, #tpu.memory_space<hbm>>
      %dma_start3A_41 = tpu.memref_squeeze %dma_start3A_40 : memref<1x3216xi32, #tpu.memory_space<hbm>> -> memref<3216xi32, #tpu.memory_space<hbm>>
      tpu.enqueue_dma source(%dma_start3A_41 : memref<3216xi32, #tpu.memory_space<hbm>>) target(%arg9 : memref<3216xi32, #tpu.memory_space<vmem>>) target_semaphore(%run_scoped3A : memref<!tpu.dma_semaphore, #tpu.memory_space<semaphore_mem>>)
      %dma_wait3A = arith.constant 0 : i32
      %dma_wait3A_42 = tpu.memref_slice %arg4[%add3A, %dma_wait3A] : memref<32x3216xi32, #tpu.memory_space<hbm>> -> memref<1x3216xi32, #tpu.memory_space<hbm>>
      %dma_wait3A_43 = tpu.memref_squeeze %dma_wait3A_42 : memref<1x3216xi32, #tpu.memory_space<hbm>> -> memref<3216xi32, #tpu.memory_space<hbm>>
      %dma_wait3A_44 = arith.constant 0 : i32
      %dma_wait3A_45 = tpu.memref_slice %arg4[%add3A, %dma_wait3A_44] : memref<32x3216xi32, #tpu.memory_space<hbm>> -> memref<1x3216xi32, #tpu.memory_space<hbm>>
      %dma_wait3A_46 = tpu.memref_squeeze %dma_wait3A_45 : memref<1x3216xi32, #tpu.memory_space<hbm>> -> memref<3216xi32, #tpu.memory_space<hbm>>
      tpu.wait_dma2 semaphore(%run_scoped3A : memref<!tpu.dma_semaphore, #tpu.memory_space<semaphore_mem>>) src(%dma_wait3A_46 : memref<3216xi32, #tpu.memory_space<hbm>>) dst(%arg9 : memref<3216xi32, #tpu.memory_space<vmem>>)
      tpu.yield
    }) : () -> ()
    "tpu.region"() ({
      %run_scoped3A = tpu.sem_alloc : memref<!tpu.dma_semaphore, #tpu.memory_space<semaphore_mem>>
      %dma_start3A = arith.constant 0 : i32
      %dma_start3A_37 = tpu.memref_slice %arg5[%add3A, %dma_start3A] : memref<32x16xi32, #tpu.memory_space<hbm>> -> memref<1x16xi32, #tpu.memory_space<hbm>>
      %dma_start3A_38 = tpu.memref_squeeze %dma_start3A_37 : memref<1x16xi32, #tpu.memory_space<hbm>> -> memref<16xi32, #tpu.memory_space<hbm>>
      %dma_start3A_39 = arith.constant 0 : i32
      %dma_start3A_40 = tpu.memref_slice %arg5[%add3A, %dma_start3A_39] : memref<32x16xi32, #tpu.memory_space<hbm>> -> memref<1x16xi32, #tpu.memory_space<hbm>>
      %dma_start3A_41 = tpu.memref_squeeze %dma_start3A_40 : memref<1x16xi32, #tpu.memory_space<hbm>> -> memref<16xi32, #tpu.memory_space<hbm>>
      tpu.enqueue_dma source(%dma_start3A_41 : memref<16xi32, #tpu.memory_space<hbm>>) target(%arg10 : memref<16xi32, #tpu.memory_space<vmem>>) target_semaphore(%run_scoped3A : memref<!tpu.dma_semaphore, #tpu.memory_space<semaphore_mem>>)
      %dma_wait3A = arith.constant 0 : i32
      %dma_wait3A_42 = tpu.memref_slice %arg5[%add3A, %dma_wait3A] : memref<32x16xi32, #tpu.memory_space<hbm>> -> memref<1x16xi32, #tpu.memory_space<hbm>>
      %dma_wait3A_43 = tpu.memref_squeeze %dma_wait3A_42 : memref<1x16xi32, #tpu.memory_space<hbm>> -> memref<16xi32, #tpu.memory_space<hbm>>
      %dma_wait3A_44 = arith.constant 0 : i32
      %dma_wait3A_45 = tpu.memref_slice %arg5[%add3A, %dma_wait3A_44] : memref<32x16xi32, #tpu.memory_space<hbm>> -> memref<1x16xi32, #tpu.memory_space<hbm>>
      %dma_wait3A_46 = tpu.memref_squeeze %dma_wait3A_45 : memref<1x16xi32, #tpu.memory_space<hbm>> -> memref<16xi32, #tpu.memory_space<hbm>>
      tpu.wait_dma2 semaphore(%run_scoped3A : memref<!tpu.dma_semaphore, #tpu.memory_space<semaphore_mem>>) src(%dma_wait3A_46 : memref<16xi32, #tpu.memory_space<hbm>>) dst(%arg10 : memref<16xi32, #tpu.memory_space<vmem>>)
      tpu.yield
    }) : () -> ()
    %get3A = arith.constant 0 : index
    %get3A_1 = tpu.vector_load %arg10[%get3A] {strides = array<i32>} : memref<16xi32, #tpu.memory_space<vmem>>, vector<16xi32>,
    %slice3A = vector.extract_strided_slice %get3A_1 {offsets = [0], sizes = [1], strides = [1]} : vector<16xi32> to vector<1xi32>
    %squeeze3A = vector.extract %slice3A[0] : i32 from vector<1xi32>
    %iota3A = tpu.iota {dimensions = array<i32: 0>} : vector<16xi32>
    %get3A_2 = arith.constant 0 : index
    %get3A_3 = tpu.vector_load %arg8[%get3A_2] {strides = array<i32>} : memref<3216xi32, #tpu.memory_space<vmem>>, vector<16xi32>,
    %slice3A_4 = vector.extract_strided_slice %get3A_3 {offsets = [0], sizes = [1], strides = [1]} : vector<16xi32> to vector<1xi32>
    %squeeze3A_5 = vector.extract %slice3A_4[0] : i32 from vector<1xi32>
    %get3A_6 = arith.constant 0 : index
    %get3A_7 = tpu.vector_load %arg9[%get3A_6] {strides = array<i32>} : memref<3216xi32, #tpu.memory_space<vmem>>, vector<16xi32>,
    %slice3A_8 = vector.extract_strided_slice %get3A_7 {offsets = [0], sizes = [1], strides = [1]} : vector<16xi32> to vector<1xi32>
    %squeeze3A_9 = vector.extract %slice3A_8[0] : i32 from vector<1xi32>
    %add3A_10 = arith.constant 127 : i32
    %add3A_11 = arith.addi %squeeze3A, %add3A_10 : i32
    %jit3A = arith.constant 128 : i32
    %div3A = arith.divsi %add3A_11, %jit3A : i32
    %sign3A = arith.constant 0 : i32
    %sign3A_12 = arith.cmpi sgt, %add3A_11, %sign3A : i32
    %sign3A_13 = arith.extui %sign3A_12 : i1 to i32
    %sign3A_14 = arith.constant 0 : i32
    %sign3A_15 = arith.cmpi slt, %add3A_11, %sign3A_14 : i32
    %sign3A_16 = arith.extui %sign3A_15 : i1 to i32
    %sign3A_17 = arith.subi %sign3A_13, %sign3A_16 : i32
    %sign3A_18 = arith.constant 0 : i32
    %sign3A_19 = arith.cmpi sgt, %jit3A, %sign3A_18 : i32
    %sign3A_20 = arith.extui %sign3A_19 : i1 to i32
    %sign3A_21 = arith.constant 0 : i32
    %sign3A_22 = arith.cmpi slt, %jit3A, %sign3A_21 : i32
    %sign3A_23 = arith.extui %sign3A_22 : i1 to i32
    %sign3A_24 = arith.subi %sign3A_20, %sign3A_23 : i32
    %ne3A = arith.cmpi ne, %sign3A_17, %sign3A_24 : i32
    %rem3A = arith.remsi %add3A_11, %jit3A : i32
    %ne3A_25 = arith.constant 0 : i32
    %ne3A_26 = arith.cmpi ne, %rem3A, %ne3A_25 : i32
    %and3A = arith.andi %ne3A, %ne3A_26 : i1
    %sub3A = arith.constant 1 : i32
    %sub3A_27 = arith.subi %div3A, %sub3A : i32
    %select_n3A = arith.select %and3A, %sub3A_27, %div3A : i32
    %while3A = arith.constant 0 : i32
    %while3A_28 = arith.constant 0 : i32
    %while3A_29 = arith.subi %select_n3A, %while3A_28 : i32
    %while3A_30 = arith.addi %while3A_28, %while3A_29 : i32
    %while3A_31 = arith.constant 1 : i32
    %while3A_32 = arith.divsi %while3A_29, %while3A_31 : i32
    %while3A_33 = arith.muli %while3A_32, %while3A_31 : i32
    %while3A_34 = arith.addi %while3A_28, %while3A_33 : i32
    %while3A_35 = arith.constant 1 : i32
    scf.for %while3A_37 = %while3A_28 to %while3A_34 step %while3A_35  : i32 {
      %mul3A_38 = arith.constant 128 : i32
      %mul3A_39 = arith.muli %while3A_37, %mul3A_38 : i32
      %scan3A = arith.constant 0 : i32
      %scan3A_40 = arith.constant 0 : i32
      %scan3A_41 = arith.constant 8 : i32
      %scan3A_42 = arith.addi %scan3A_40, %scan3A_41 : i32
      %scan3A_43 = arith.constant 1 : i32
      scf.for %scan3A_62 = %scan3A_40 to %scan3A_42 step %scan3A_43  : i32 {
        %mul3A_63 = arith.constant 16 : i32
        %mul3A_64 = arith.muli %scan3A_62, %mul3A_63 : i32
        %add3A_65 = arith.addi %mul3A_39, %mul3A_64 : i32
        %add3A_66 = vector.broadcast %add3A_65 : i32 to vector<16xi32>
        %add3A_67 = arith.addi %add3A_66, %iota3A : vector<16xi32>
        %lt3A = vector.broadcast %squeeze3A : i32 to vector<16xi32>
        %lt3A_68 = arith.cmpi slt, %add3A_67, %lt3A : vector<16xi32>
        %mul3A_69 = arith.constant 16 : i32
        %mul3A_70 = arith.muli %scan3A_62, %mul3A_69 : i32
        %add3A_71 = arith.addi %mul3A_39, %mul3A_70 : i32
        %get3A_72 = arith.index_cast %add3A_71 : i32 to index
        %get3A_73 = tpu.vector_load %arg9[%get3A_72] {strides = array<i32>} : memref<3216xi32, #tpu.memory_space<vmem>>, vector<16xi32>,
        %broadcast_in_dim3A = vector.broadcast %squeeze3A_9 : i32 to vector<16xi32>
        %select_n3A_74 = arith.select %lt3A_68, %get3A_73, %broadcast_in_dim3A : vector<16xi1>, vector<16xi32>
        %slice3A_75 = vector.extract_strided_slice %select_n3A_74 {offsets = [0], sizes = [1], strides = [1]} : vector<16xi32> to vector<1xi32>
        %squeeze3A_76 = vector.extract %slice3A_75[0] : i32 from vector<1xi32>
        %mul3A_77 = arith.constant 16 : i32
        %mul3A_78 = arith.muli %scan3A_62, %mul3A_77 : i32
        %add3A_79 = arith.constant 0 : i32
        %add3A_80 = arith.addi %mul3A_78, %add3A_79 : i32
        %dma_start3A = arith.constant 0 : i32
        %dma_start3A_81 = tpu.memref_slice %arg11[%add3A_80, %dma_start3A] : memref<128x128xf32, #tpu.memory_space<vmem>> -> memref<1x128xf32, #tpu.memory_space<vmem>>
        %dma_start3A_82 = tpu.memref_squeeze %dma_start3A_81 : memref<1x128xf32, #tpu.memory_space<vmem>> -> memref<128xf32, #tpu.memory_space<vmem>>
        %dma_start3A_83 = arith.constant 0 : i32
        %dma_start3A_84 = tpu.memref_slice %arg2[%squeeze3A_76, %dma_start3A_83] : memref<16384x128xf32, #tpu.memory_space<hbm>> -> memref<1x128xf32, #tpu.memory_space<hbm>>
        %dma_start3A_85 = tpu.memref_squeeze %dma_start3A_84 : memref<1x128xf32, #tpu.memory_space<hbm>> -> memref<128xf32, #tpu.memory_space<hbm>>
        %dma_start3A_86 = arith.constant 0 : i32
        %dma_start3A_87 = tpu.memref_slice %arg11[%add3A_80, %dma_start3A_86] : memref<128x128xf32, #tpu.memory_space<vmem>> -> memref<1x128xf32, #tpu.memory_space<vmem>>
        %dma_start3A_88 = tpu.memref_squeeze %dma_start3A_87 : memref<1x128xf32, #tpu.memory_space<vmem>> -> memref<128xf32, #tpu.memory_space<vmem>>
        %dma_start3A_89 = arith.constant 0 : i32
        %dma_start3A_90 = tpu.memref_slice %arg2[%squeeze3A_76, %dma_start3A_89] : memref<16384x128xf32, #tpu.memory_space<hbm>> -> memref<1x128xf32, #tpu.memory_space<hbm>>
        %dma_start3A_91 = tpu.memref_squeeze %dma_start3A_90 : memref<1x128xf32, #tpu.memory_space<hbm>> -> memref<128xf32, #tpu.memory_space<hbm>>
        tpu.enqueue_dma source(%dma_start3A_91 : memref<128xf32, #tpu.memory_space<hbm>>) target(%dma_start3A_88 : memref<128xf32, #tpu.memory_space<vmem>>) target_semaphore(%arg12 : memref<!tpu.dma_semaphore, #tpu.memory_space<semaphore_mem>>)
        %slice3A_92 = vector.extract_strided_slice %select_n3A_74 {offsets = [1], sizes = [1], strides = [1]} : vector<16xi32> to vector<1xi32>
        %squeeze3A_93 = vector.extract %slice3A_92[0] : i32 from vector<1xi32>
        %mul3A_94 = arith.constant 16 : i32
        %mul3A_95 = arith.muli %scan3A_62, %mul3A_94 : i32
        %add3A_96 = arith.constant 1 : i32
        %add3A_97 = arith.addi %mul3A_95, %add3A_96 : i32
        %dma_start3A_98 = arith.constant 0 : i32
        %dma_start3A_99 = tpu.memref_slice %arg11[%add3A_97, %dma_start3A_98] : memref<128x128xf32, #tpu.memory_space<vmem>> -> memref<1x128xf32, #tpu.memory_space<vmem>>
        %dma_start3A_100 = tpu.memref_squeeze %dma_start3A_99 : memref<1x128xf32, #tpu.memory_space<vmem>> -> memref<128xf32, #tpu.memory_space<vmem>>
        %dma_start3A_101 = arith.constant 0 : i32
        %dma_start3A_102 = tpu.memref_slice %arg2[%squeeze3A_93, %dma_start3A_101] : memref<16384x128xf32, #tpu.memory_space<hbm>> -> memref<1x128xf32, #tpu.memory_space<hbm>>
        %dma_start3A_103 = tpu.memref_squeeze %dma_start3A_102 : memref<1x128xf32, #tpu.memory_space<hbm>> -> memref<128xf32, #tpu.memory_space<hbm>>
        %dma_start3A_104 = arith.constant 0 : i32
        %dma_start3A_105 = tpu.memref_slice %arg11[%add3A_97, %dma_start3A_104] : memref<128x128xf32, #tpu.memory_space<vmem>> -> memref<1x128xf32, #tpu.memory_space<vmem>>
        %dma_start3A_106 = tpu.memref_squeeze %dma_start3A_105 : memref<1x128xf32, #tpu.memory_space<vmem>> -> memref<128xf32, #tpu.memory_space<vmem>>
        %dma_start3A_107 = arith.constant 0 : i32
        %dma_start3A_108 = tpu.memref_slice %arg2[%squeeze3A_93, %dma_start3A_107] : memref<16384x128xf32, #tpu.memory_space<hbm>> -> memref<1x128xf32, #tpu.memory_space<hbm>>
        %dma_start3A_109 = tpu.memref_squeeze %dma_start3A_108 : memref<1x128xf32, #tpu.memory_space<hbm>> -> memref<128xf32, #tpu.memory_space<hbm>>
        tpu.enqueue_dma source(%dma_start3A_109 : memref<128xf32, #tpu.memory_space<hbm>>) target(%dma_start3A_106 : memref<128xf32, #tpu.memory_space<vmem>>) target_semaphore(%arg12 : memref<!tpu.dma_semaphore, #tpu.memory_space<semaphore_mem>>)
        %slice3A_110 = vector.extract_strided_slice %select_n3A_74 {offsets = [2], sizes = [1], strides = [1]} : vector<16xi32> to vector<1xi32>
        %squeeze3A_111 = vector.extract %slice3A_110[0] : i32 from vector<1xi32>
        %mul3A_112 = arith.constant 16 : i32
        %mul3A_113 = arith.muli %scan3A_62, %mul3A_112 : i32
        %add3A_114 = arith.constant 2 : i32
        %add3A_115 = arith.addi %mul3A_113, %add3A_114 : i32
        %dma_start3A_116 = arith.constant 0 : i32
        %dma_start3A_117 = tpu.memref_slice %arg11[%add3A_115, %dma_start3A_116] : memref<128x128xf32, #tpu.memory_space<vmem>> -> memref<1x128xf32, #tpu.memory_space<vmem>>
        %dma_start3A_118 = tpu.memref_squeeze %dma_start3A_117 : memref<1x128xf32, #tpu.memory_space<vmem>> -> memref<128xf32, #tpu.memory_space<vmem>>
        %dma_start3A_119 = arith.constant 0 : i32
        %dma_start3A_120 = tpu.memref_slice %arg2[%squeeze3A_111, %dma_start3A_119] : memref<16384x128xf32, #tpu.memory_space<hbm>> -> memref<1x128xf32, #tpu.memory_space<hbm>>
        %dma_start3A_121 = tpu.memref_squeeze %dma_start3A_120 : memref<1x128xf32, #tpu.memory_space<hbm>> -> memref<128xf32, #tpu.memory_space<hbm>>
        %dma_start3A_122 = arith.constant 0 : i32
        %dma_start3A_123 = tpu.memref_slice %arg11[%add3A_115, %dma_start3A_122] : memref<128x128xf32, #tpu.memory_space<vmem>> -> memref<1x128xf32, #tpu.memory_space<vmem>>
        %dma_start3A_124 = tpu.memref_squeeze %dma_start3A_123 : memref<1x128xf32, #tpu.memory_space<vmem>> -> memref<128xf32, #tpu.memory_space<vmem>>
        %dma_start3A_125 = arith.constant 0 : i32
        %dma_start3A_126 = tpu.memref_slice %arg2[%squeeze3A_111, %dma_start3A_125] : memref<16384x128xf32, #tpu.memory_space<hbm>> -> memref<1x128xf32, #tpu.memory_space<hbm>>
        %dma_start3A_127 = tpu.memref_squeeze %dma_start3A_126 : memref<1x128xf32, #tpu.memory_space<hbm>> -> memref<128xf32, #tpu.memory_space<hbm>>
        tpu.enqueue_dma source(%dma_start3A_127 : memref<128xf32, #tpu.memory_space<hbm>>) target(%dma_start3A_124 : memref<128xf32, #tpu.memory_space<vmem>>) target_semaphore(%arg12 : memref<!tpu.dma_semaphore, #tpu.memory_space<semaphore_mem>>)
        %slice3A_128 = vector.extract_strided_slice %select_n3A_74 {offsets = [3], sizes = [1], strides = [1]} : vector<16xi32> to vector<1xi32>
        %squeeze3A_129 = vector.extract %slice3A_128[0] : i32 from vector<1xi32>
        %mul3A_130 = arith.constant 16 : i32
        %mul3A_131 = arith.muli %scan3A_62, %mul3A_130 : i32
        %add3A_132 = arith.constant 3 : i32
        %add3A_133 = arith.addi %mul3A_131, %add3A_132 : i32
        %dma_start3A_134 = arith.constant 0 : i32
        %dma_start3A_135 = tpu.memref_slice %arg11[%add3A_133, %dma_start3A_134] : memref<128x128xf32, #tpu.memory_space<vmem>> -> memref<1x128xf32, #tpu.memory_space<vmem>>
        %dma_start3A_136 = tpu.memref_squeeze %dma_start3A_135 : memref<1x128xf32, #tpu.memory_space<vmem>> -> memref<128xf32, #tpu.memory_space<vmem>>
        %dma_start3A_137 = arith.constant 0 : i32
        %dma_start3A_138 = tpu.memref_slice %arg2[%squeeze3A_129, %dma_start3A_137] : memref<16384x128xf32, #tpu.memory_space<hbm>> -> memref<1x128xf32, #tpu.memory_space<hbm>>
        %dma_start3A_139 = tpu.memref_squeeze %dma_start3A_138 : memref<1x128xf32, #tpu.memory_space<hbm>> -> memref<128xf32, #tpu.memory_space<hbm>>
        %dma_start3A_140 = arith.constant 0 : i32
        %dma_start3A_141 = tpu.memref_slice %arg11[%add3A_133, %dma_start3A_140] : memref<128x128xf32, #tpu.memory_space<vmem>> -> memref<1x128xf32, #tpu.memory_space<vmem>>
        %dma_start3A_142 = tpu.memref_squeeze %dma_start3A_141 : memref<1x128xf32, #tpu.memory_space<vmem>> -> memref<128xf32, #tpu.memory_space<vmem>>
        %dma_start3A_143 = arith.constant 0 : i32
        %dma_start3A_144 = tpu.memref_slice %arg2[%squeeze3A_129, %dma_start3A_143] : memref<16384x128xf32, #tpu.memory_space<hbm>> -> memref<1x128xf32, #tpu.memory_space<hbm>>
        %dma_start3A_145 = tpu.memref_squeeze %dma_start3A_144 : memref<1x128xf32, #tpu.memory_space<hbm>> -> memref<128xf32, #tpu.memory_space<hbm>>
        tpu.enqueue_dma source(%dma_start3A_145 : memref<128xf32, #tpu.memory_space<hbm>>) target(%dma_start3A_142 : memref<128xf32, #tpu.memory_space<vmem>>) target_semaphore(%arg12 : memref<!tpu.dma_semaphore, #tpu.memory_space<semaphore_mem>>)
        %slice3A_146 = vector.extract_strided_slice %select_n3A_74 {offsets = [4], sizes = [1], strides = [1]} : vector<16xi32> to vector<1xi32>
        %squeeze3A_147 = vector.extract %slice3A_146[0] : i32 from vector<1xi32>
        %mul3A_148 = arith.constant 16 : i32
        %mul3A_149 = arith.muli %scan3A_62, %mul3A_148 : i32
        %add3A_150 = arith.constant 4 : i32
        %add3A_151 = arith.addi %mul3A_149, %add3A_150 : i32
        %dma_start3A_152 = arith.constant 0 : i32
        %dma_start3A_153 = tpu.memref_slice %arg11[%add3A_151, %dma_start3A_152] : memref<128x128xf32, #tpu.memory_space<vmem>> -> memref<1x128xf32, #tpu.memory_space<vmem>>
        %dma_start3A_154 = tpu.memref_squeeze %dma_start3A_153 : memref<1x128xf32, #tpu.memory_space<vmem>> -> memref<128xf32, #tpu.memory_space<vmem>>
        %dma_start3A_155 = arith.constant 0 : i32
        %dma_start3A_156 = tpu.memref_slice %arg2[%squeeze3A_147, %dma_start3A_155] : memref<16384x128xf32, #tpu.memory_space<hbm>> -> memref<1x128xf32, #tpu.memory_space<hbm>>
        %dma_start3A_157 = tpu.memref_squeeze %dma_start3A_156 : memref<1x128xf32, #tpu.memory_space<hbm>> -> memref<128xf32, #tpu.memory_space<hbm>>
        %dma_start3A_158 = arith.constant 0 : i32
        %dma_start3A_159 = tpu.memref_slice %arg11[%add3A_151, %dma_start3A_158] : memref<128x128xf32, #tpu.memory_space<vmem>> -> memref<1x128xf32, #tpu.memory_space<vmem>>
        %dma_start3A_160 = tpu.memref_squeeze %dma_start3A_159 : memref<1x128xf32, #tpu.memory_space<vmem>> -> memref<128xf32, #tpu.memory_space<vmem>>
        %dma_start3A_161 = arith.constant 0 : i32
        %dma_start3A_162 = tpu.memref_slice %arg2[%squeeze3A_147, %dma_start3A_161] : memref<16384x128xf32, #tpu.memory_space<hbm>> -> memref<1x128xf32, #tpu.memory_space<hbm>>
        %dma_start3A_163 = tpu.memref_squeeze %dma_start3A_162 : memref<1x128xf32, #tpu.memory_space<hbm>> -> memref<128xf32, #tpu.memory_space<hbm>>
        tpu.enqueue_dma source(%dma_start3A_163 : memref<128xf32, #tpu.memory_space<hbm>>) target(%dma_start3A_160 : memref<128xf32, #tpu.memory_space<vmem>>) target_semaphore(%arg12 : memref<!tpu.dma_semaphore, #tpu.memory_space<semaphore_mem>>)
        %slice3A_164 = vector.extract_strided_slice %select_n3A_74 {offsets = [5], sizes = [1], strides = [1]} : vector<16xi32> to vector<1xi32>
        %squeeze3A_165 = vector.extract %slice3A_164[0] : i32 from vector<1xi32>
        %mul3A_166 = arith.constant 16 : i32
        %mul3A_167 = arith.muli %scan3A_62, %mul3A_166 : i32
        %add3A_168 = arith.constant 5 : i32
        %add3A_169 = arith.addi %mul3A_167, %add3A_168 : i32
        %dma_start3A_170 = arith.constant 0 : i32
        %dma_start3A_171 = tpu.memref_slice %arg11[%add3A_169, %dma_start3A_170] : memref<128x128xf32, #tpu.memory_space<vmem>> -> memref<1x128xf32, #tpu.memory_space<vmem>>
        %dma_start3A_172 = tpu.memref_squeeze %dma_start3A_171 : memref<1x128xf32, #tpu.memory_space<vmem>> -> memref<128xf32, #tpu.memory_space<vmem>>
        %dma_start3A_173 = arith.constant 0 : i32
        %dma_start3A_174 = tpu.memref_slice %arg2[%squeeze3A_165, %dma_start3A_173] : memref<16384x128xf32, #tpu.memory_space<hbm>> -> memref<1x128xf32, #tpu.memory_space<hbm>>
        %dma_start3A_175 = tpu.memref_squeeze %dma_start3A_174 : memref<1x128xf32, #tpu.memory_space<hbm>> -> memref<128xf32, #tpu.memory_space<hbm>>
        %dma_start3A_176 = arith.constant 0 : i32
        %dma_start3A_177 = tpu.memref_slice %arg11[%add3A_169, %dma_start3A_176] : memref<128x128xf32, #tpu.memory_space<vmem>> -> memref<1x128xf32, #tpu.memory_space<vmem>>
        %dma_start3A_178 = tpu.memref_squeeze %dma_start3A_177 : memref<1x128xf32, #tpu.memory_space<vmem>> -> memref<128xf32, #tpu.memory_space<vmem>>
        %dma_start3A_179 = arith.constant 0 : i32
        %dma_start3A_180 = tpu.memref_slice %arg2[%squeeze3A_165, %dma_start3A_179] : memref<16384x128xf32, #tpu.memory_space<hbm>> -> memref<1x128xf32, #tpu.memory_space<hbm>>
        %dma_start3A_181 = tpu.memref_squeeze %dma_start3A_180 : memref<1x128xf32, #tpu.memory_space<hbm>> -> memref<128xf32, #tpu.memory_space<hbm>>
        tpu.enqueue_dma source(%dma_start3A_181 : memref<128xf32, #tpu.memory_space<hbm>>) target(%dma_start3A_178 : memref<128xf32, #tpu.memory_space<vmem>>) target_semaphore(%arg12 : memref<!tpu.dma_semaphore, #tpu.memory_space<semaphore_mem>>)
        %slice3A_182 = vector.extract_strided_slice %select_n3A_74 {offsets = [6], sizes = [1], strides = [1]} : vector<16xi32> to vector<1xi32>
        %squeeze3A_183 = vector.extract %slice3A_182[0] : i32 from vector<1xi32>
        %mul3A_184 = arith.constant 16 : i32
        %mul3A_185 = arith.muli %scan3A_62, %mul3A_184 : i32
        %add3A_186 = arith.constant 6 : i32
        %add3A_187 = arith.addi %mul3A_185, %add3A_186 : i32
        %dma_start3A_188 = arith.constant 0 : i32
        %dma_start3A_189 = tpu.memref_slice %arg11[%add3A_187, %dma_start3A_188] : memref<128x128xf32, #tpu.memory_space<vmem>> -> memref<1x128xf32, #tpu.memory_space<vmem>>
        %dma_start3A_190 = tpu.memref_squeeze %dma_start3A_189 : memref<1x128xf32, #tpu.memory_space<vmem>> -> memref<128xf32, #tpu.memory_space<vmem>>
        %dma_start3A_191 = arith.constant 0 : i32
        %dma_start3A_192 = tpu.memref_slice %arg2[%squeeze3A_183, %dma_start3A_191] : memref<16384x128xf32, #tpu.memory_space<hbm>> -> memref<1x128xf32, #tpu.memory_space<hbm>>
        %dma_start3A_193 = tpu.memref_squeeze %dma_start3A_192 : memref<1x128xf32, #tpu.memory_space<hbm>> -> memref<128xf32, #tpu.memory_space<hbm>>
        %dma_start3A_194 = arith.constant 0 : i32
        %dma_start3A_195 = tpu.memref_slice %arg11[%add3A_187, %dma_start3A_194] : memref<128x128xf32, #tpu.memory_space<vmem>> -> memref<1x128xf32, #tpu.memory_space<vmem>>
        %dma_start3A_196 = tpu.memref_squeeze %dma_start3A_195 : memref<1x128xf32, #tpu.memory_space<vmem>> -> memref<128xf32, #tpu.memory_space<vmem>>
        %dma_start3A_197 = arith.constant 0 : i32
        %dma_start3A_198 = tpu.memref_slice %arg2[%squeeze3A_183, %dma_start3A_197] : memref<16384x128xf32, #tpu.memory_space<hbm>> -> memref<1x128xf32, #tpu.memory_space<hbm>>
        %dma_start3A_199 = tpu.memref_squeeze %dma_start3A_198 : memref<1x128xf32, #tpu.memory_space<hbm>> -> memref<128xf32, #tpu.memory_space<hbm>>
        tpu.enqueue_dma source(%dma_start3A_199 : memref<128xf32, #tpu.memory_space<hbm>>) target(%dma_start3A_196 : memref<128xf32, #tpu.memory_space<vmem>>) target_semaphore(%arg12 : memref<!tpu.dma_semaphore, #tpu.memory_space<semaphore_mem>>)
        %slice3A_200 = vector.extract_strided_slice %select_n3A_74 {offsets = [7], sizes = [1], strides = [1]} : vector<16xi32> to vector<1xi32>
        %squeeze3A_201 = vector.extract %slice3A_200[0] : i32 from vector<1xi32>
        %mul3A_202 = arith.constant 16 : i32
        %mul3A_203 = arith.muli %scan3A_62, %mul3A_202 : i32
        %add3A_204 = arith.constant 7 : i32
        %add3A_205 = arith.addi %mul3A_203, %add3A_204 : i32
        %dma_start3A_206 = arith.constant 0 : i32
        %dma_start3A_207 = tpu.memref_slice %arg11[%add3A_205, %dma_start3A_206] : memref<128x128xf32, #tpu.memory_space<vmem>> -> memref<1x128xf32, #tpu.memory_space<vmem>>
        %dma_start3A_208 = tpu.memref_squeeze %dma_start3A_207 : memref<1x128xf32, #tpu.memory_space<vmem>> -> memref<128xf32, #tpu.memory_space<vmem>>
        %dma_start3A_209 = arith.constant 0 : i32
        %dma_start3A_210 = tpu.memref_slice %arg2[%squeeze3A_201, %dma_start3A_209] : memref<16384x128xf32, #tpu.memory_space<hbm>> -> memref<1x128xf32, #tpu.memory_space<hbm>>
        %dma_start3A_211 = tpu.memref_squeeze %dma_start3A_210 : memref<1x128xf32, #tpu.memory_space<hbm>> -> memref<128xf32, #tpu.memory_space<hbm>>
        %dma_start3A_212 = arith.constant 0 : i32
        %dma_start3A_213 = tpu.memref_slice %arg11[%add3A_205, %dma_start3A_212] : memref<128x128xf32, #tpu.memory_space<vmem>> -> memref<1x128xf32, #tpu.memory_space<vmem>>
        %dma_start3A_214 = tpu.memref_squeeze %dma_start3A_213 : memref<1x128xf32, #tpu.memory_space<vmem>> -> memref<128xf32, #tpu.memory_space<vmem>>
        %dma_start3A_215 = arith.constant 0 : i32
        %dma_start3A_216 = tpu.memref_slice %arg2[%squeeze3A_201, %dma_start3A_215] : memref<16384x128xf32, #tpu.memory_space<hbm>> -> memref<1x128xf32, #tpu.memory_space<hbm>>
        %dma_start3A_217 = tpu.memref_squeeze %dma_start3A_216 : memref<1x128xf32, #tpu.memory_space<hbm>> -> memref<128xf32, #tpu.memory_space<hbm>>
        tpu.enqueue_dma source(%dma_start3A_217 : memref<128xf32, #tpu.memory_space<hbm>>) target(%dma_start3A_214 : memref<128xf32, #tpu.memory_space<vmem>>) target_semaphore(%arg12 : memref<!tpu.dma_semaphore, #tpu.memory_space<semaphore_mem>>)
        %slice3A_218 = vector.extract_strided_slice %select_n3A_74 {offsets = [8], sizes = [1], strides = [1]} : vector<16xi32> to vector<1xi32>
        %squeeze3A_219 = vector.extract %slice3A_218[0] : i32 from vector<1xi32>
        %mul3A_220 = arith.constant 16 : i32
        %mul3A_221 = arith.muli %scan3A_62, %mul3A_220 : i32
        %add3A_222 = arith.constant 8 : i32
        %add3A_223 = arith.addi %mul3A_221, %add3A_222 : i32
        %dma_start3A_224 = arith.constant 0 : i32
        %dma_start3A_225 = tpu.memref_slice %arg11[%add3A_223, %dma_start3A_224] : memref<128x128xf32, #tpu.memory_space<vmem>> -> memref<1x128xf32, #tpu.memory_space<vmem>>
        %dma_start3A_226 = tpu.memref_squeeze %dma_start3A_225 : memref<1x128xf32, #tpu.memory_space<vmem>> -> memref<128xf32, #tpu.memory_space<vmem>>
        %dma_start3A_227 = arith.constant 0 : i32
        %dma_start3A_228 = tpu.memref_slice %arg2[%squeeze3A_219, %dma_start3A_227] : memref<16384x128xf32, #tpu.memory_space<hbm>> -> memref<1x128xf32, #tpu.memory_space<hbm>>
        %dma_start3A_229 = tpu.memref_squeeze %dma_start3A_228 : memref<1x128xf32, #tpu.memory_space<hbm>> -> memref<128xf32, #tpu.memory_space<hbm>>
        %dma_start3A_230 = arith.constant 0 : i32
        %dma_start3A_231 = tpu.memref_slice %arg11[%add3A_223, %dma_start3A_230] : memref<128x128xf32, #tpu.memory_space<vmem>> -> memref<1x128xf32, #tpu.memory_space<vmem>>
        %dma_start3A_232 = tpu.memref_squeeze %dma_start3A_231 : memref<1x128xf32, #tpu.memory_space<vmem>> -> memref<128xf32, #tpu.memory_space<vmem>>
        %dma_start3A_233 = arith.constant 0 : i32
        %dma_start3A_234 = tpu.memref_slice %arg2[%squeeze3A_219, %dma_start3A_233] : memref<16384x128xf32, #tpu.memory_space<hbm>> -> memref<1x128xf32, #tpu.memory_space<hbm>>
        %dma_start3A_235 = tpu.memref_squeeze %dma_start3A_234 : memref<1x128xf32, #tpu.memory_space<hbm>> -> memref<128xf32, #tpu.memory_space<hbm>>
        tpu.enqueue_dma source(%dma_start3A_235 : memref<128xf32, #tpu.memory_space<hbm>>) target(%dma_start3A_232 : memref<128xf32, #tpu.memory_space<vmem>>) target_semaphore(%arg12 : memref<!tpu.dma_semaphore, #tpu.memory_space<semaphore_mem>>)
        %slice3A_236 = vector.extract_strided_slice %select_n3A_74 {offsets = [9], sizes = [1], strides = [1]} : vector<16xi32> to vector<1xi32>
        %squeeze3A_237 = vector.extract %slice3A_236[0] : i32 from vector<1xi32>
        %mul3A_238 = arith.constant 16 : i32
        %mul3A_239 = arith.muli %scan3A_62, %mul3A_238 : i32
        %add3A_240 = arith.constant 9 : i32
        %add3A_241 = arith.addi %mul3A_239, %add3A_240 : i32
        %dma_start3A_242 = arith.constant 0 : i32
        %dma_start3A_243 = tpu.memref_slice %arg11[%add3A_241, %dma_start3A_242] : memref<128x128xf32, #tpu.memory_space<vmem>> -> memref<1x128xf32, #tpu.memory_space<vmem>>
        %dma_start3A_244 = tpu.memref_squeeze %dma_start3A_243 : memref<1x128xf32, #tpu.memory_space<vmem>> -> memref<128xf32, #tpu.memory_space<vmem>>
        %dma_start3A_245 = arith.constant 0 : i32
        %dma_start3A_246 = tpu.memref_slice %arg2[%squeeze3A_237, %dma_start3A_245] : memref<16384x128xf32, #tpu.memory_space<hbm>> -> memref<1x128xf32, #tpu.memory_space<hbm>>
        %dma_start3A_247 = tpu.memref_squeeze %dma_start3A_246 : memref<1x128xf32, #tpu.memory_space<hbm>> -> memref<128xf32, #tpu.memory_space<hbm>>
        %dma_start3A_248 = arith.constant 0 : i32
        %dma_start3A_249 = tpu.memref_slice %arg11[%add3A_241, %dma_start3A_248] : memref<128x128xf32, #tpu.memory_space<vmem>> -> memref<1x128xf32, #tpu.memory_space<vmem>>
        %dma_start3A_250 = tpu.memref_squeeze %dma_start3A_249 : memref<1x128xf32, #tpu.memory_space<vmem>> -> memref<128xf32, #tpu.memory_space<vmem>>
        %dma_start3A_251 = arith.constant 0 : i32
        %dma_start3A_252 = tpu.memref_slice %arg2[%squeeze3A_237, %dma_start3A_251] : memref<16384x128xf32, #tpu.memory_space<hbm>> -> memref<1x128xf32, #tpu.memory_space<hbm>>
        %dma_start3A_253 = tpu.memref_squeeze %dma_start3A_252 : memref<1x128xf32, #tpu.memory_space<hbm>> -> memref<128xf32, #tpu.memory_space<hbm>>
        tpu.enqueue_dma source(%dma_start3A_253 : memref<128xf32, #tpu.memory_space<hbm>>) target(%dma_start3A_250 : memref<128xf32, #tpu.memory_space<vmem>>) target_semaphore(%arg12 : memref<!tpu.dma_semaphore, #tpu.memory_space<semaphore_mem>>)
        %slice3A_254 = vector.extract_strided_slice %select_n3A_74 {offsets = [10], sizes = [1], strides = [1]} : vector<16xi32> to vector<1xi32>
        %squeeze3A_255 = vector.extract %slice3A_254[0] : i32 from vector<1xi32>
        %mul3A_256 = arith.constant 16 : i32
        %mul3A_257 = arith.muli %scan3A_62, %mul3A_256 : i32
        %add3A_258 = arith.constant 10 : i32
        %add3A_259 = arith.addi %mul3A_257, %add3A_258 : i32
        %dma_start3A_260 = arith.constant 0 : i32
        %dma_start3A_261 = tpu.memref_slice %arg11[%add3A_259, %dma_start3A_260] : memref<128x128xf32, #tpu.memory_space<vmem>> -> memref<1x128xf32, #tpu.memory_space<vmem>>
        %dma_start3A_262 = tpu.memref_squeeze %dma_start3A_261 : memref<1x128xf32, #tpu.memory_space<vmem>> -> memref<128xf32, #tpu.memory_space<vmem>>
        %dma_start3A_263 = arith.constant 0 : i32
        %dma_start3A_264 = tpu.memref_slice %arg2[%squeeze3A_255, %dma_start3A_263] : memref<16384x128xf32, #tpu.memory_space<hbm>> -> memref<1x128xf32, #tpu.memory_space<hbm>>
        %dma_start3A_265 = tpu.memref_squeeze %dma_start3A_264 : memref<1x128xf32, #tpu.memory_space<hbm>> -> memref<128xf32, #tpu.memory_space<hbm>>
        %dma_start3A_266 = arith.constant 0 : i32
        %dma_start3A_267 = tpu.memref_slice %arg11[%add3A_259, %dma_start3A_266] : memref<128x128xf32, #tpu.memory_space<vmem>> -> memref<1x128xf32, #tpu.memory_space<vmem>>
        %dma_start3A_268 = tpu.memref_squeeze %dma_start3A_267 : memref<1x128xf32, #tpu.memory_space<vmem>> -> memref<128xf32, #tpu.memory_space<vmem>>
        %dma_start3A_269 = arith.constant 0 : i32
        %dma_start3A_270 = tpu.memref_slice %arg2[%squeeze3A_255, %dma_start3A_269] : memref<16384x128xf32, #tpu.memory_space<hbm>> -> memref<1x128xf32, #tpu.memory_space<hbm>>
        %dma_start3A_271 = tpu.memref_squeeze %dma_start3A_270 : memref<1x128xf32, #tpu.memory_space<hbm>> -> memref<128xf32, #tpu.memory_space<hbm>>
        tpu.enqueue_dma source(%dma_start3A_271 : memref<128xf32, #tpu.memory_space<hbm>>) target(%dma_start3A_268 : memref<128xf32, #tpu.memory_space<vmem>>) target_semaphore(%arg12 : memref<!tpu.dma_semaphore, #tpu.memory_space<semaphore_mem>>)
        %slice3A_272 = vector.extract_strided_slice %select_n3A_74 {offsets = [11], sizes = [1], strides = [1]} : vector<16xi32> to vector<1xi32>
        %squeeze3A_273 = vector.extract %slice3A_272[0] : i32 from vector<1xi32>
        %mul3A_274 = arith.constant 16 : i32
        %mul3A_275 = arith.muli %scan3A_62, %mul3A_274 : i32
        %add3A_276 = arith.constant 11 : i32
        %add3A_277 = arith.addi %mul3A_275, %add3A_276 : i32
        %dma_start3A_278 = arith.constant 0 : i32
        %dma_start3A_279 = tpu.memref_slice %arg11[%add3A_277, %dma_start3A_278] : memref<128x128xf32, #tpu.memory_space<vmem>> -> memref<1x128xf32, #tpu.memory_space<vmem>>
        %dma_start3A_280 = tpu.memref_squeeze %dma_start3A_279 : memref<1x128xf32, #tpu.memory_space<vmem>> -> memref<128xf32, #tpu.memory_space<vmem>>
        %dma_start3A_281 = arith.constant 0 : i32
        %dma_start3A_282 = tpu.memref_slice %arg2[%squeeze3A_273, %dma_start3A_281] : memref<16384x128xf32, #tpu.memory_space<hbm>> -> memref<1x128xf32, #tpu.memory_space<hbm>>
        %dma_start3A_283 = tpu.memref_squeeze %dma_start3A_282 : memref<1x128xf32, #tpu.memory_space<hbm>> -> memref<128xf32, #tpu.memory_space<hbm>>
        %dma_start3A_284 = arith.constant 0 : i32
        %dma_start3A_285 = tpu.memref_slice %arg11[%add3A_277, %dma_start3A_284] : memref<128x128xf32, #tpu.memory_space<vmem>> -> memref<1x128xf32, #tpu.memory_space<vmem>>
        %dma_start3A_286 = tpu.memref_squeeze %dma_start3A_285 : memref<1x128xf32, #tpu.memory_space<vmem>> -> memref<128xf32, #tpu.memory_space<vmem>>
        %dma_start3A_287 = arith.constant 0 : i32
        %dma_start3A_288 = tpu.memref_slice %arg2[%squeeze3A_273, %dma_start3A_287] : memref<16384x128xf32, #tpu.memory_space<hbm>> -> memref<1x128xf32, #tpu.memory_space<hbm>>
        %dma_start3A_289 = tpu.memref_squeeze %dma_start3A_288 : memref<1x128xf32, #tpu.memory_space<hbm>> -> memref<128xf32, #tpu.memory_space<hbm>>
        tpu.enqueue_dma source(%dma_start3A_289 : memref<128xf32, #tpu.memory_space<hbm>>) target(%dma_start3A_286 : memref<128xf32, #tpu.memory_space<vmem>>) target_semaphore(%arg12 : memref<!tpu.dma_semaphore, #tpu.memory_space<semaphore_mem>>)
        %slice3A_290 = vector.extract_strided_slice %select_n3A_74 {offsets = [12], sizes = [1], strides = [1]} : vector<16xi32> to vector<1xi32>
        %squeeze3A_291 = vector.extract %slice3A_290[0] : i32 from vector<1xi32>
        %mul3A_292 = arith.constant 16 : i32
        %mul3A_293 = arith.muli %scan3A_62, %mul3A_292 : i32
        %add3A_294 = arith.constant 12 : i32
        %add3A_295 = arith.addi %mul3A_293, %add3A_294 : i32
        %dma_start3A_296 = arith.constant 0 : i32
        %dma_start3A_297 = tpu.memref_slice %arg11[%add3A_295, %dma_start3A_296] : memref<128x128xf32, #tpu.memory_space<vmem>> -> memref<1x128xf32, #tpu.memory_space<vmem>>
        %dma_start3A_298 = tpu.memref_squeeze %dma_start3A_297 : memref<1x128xf32, #tpu.memory_space<vmem>> -> memref<128xf32, #tpu.memory_space<vmem>>
        %dma_start3A_299 = arith.constant 0 : i32
        %dma_start3A_300 = tpu.memref_slice %arg2[%squeeze3A_291, %dma_start3A_299] : memref<16384x128xf32, #tpu.memory_space<hbm>> -> memref<1x128xf32, #tpu.memory_space<hbm>>
        %dma_start3A_301 = tpu.memref_squeeze %dma_start3A_300 : memref<1x128xf32, #tpu.memory_space<hbm>> -> memref<128xf32, #tpu.memory_space<hbm>>
        %dma_start3A_302 = arith.constant 0 : i32
        %dma_start3A_303 = tpu.memref_slice %arg11[%add3A_295, %dma_start3A_302] : memref<128x128xf32, #tpu.memory_space<vmem>> -> memref<1x128xf32, #tpu.memory_space<vmem>>
        %dma_start3A_304 = tpu.memref_squeeze %dma_start3A_303 : memref<1x128xf32, #tpu.memory_space<vmem>> -> memref<128xf32, #tpu.memory_space<vmem>>
        %dma_start3A_305 = arith.constant 0 : i32
        %dma_start3A_306 = tpu.memref_slice %arg2[%squeeze3A_291, %dma_start3A_305] : memref<16384x128xf32, #tpu.memory_space<hbm>> -> memref<1x128xf32, #tpu.memory_space<hbm>>
        %dma_start3A_307 = tpu.memref_squeeze %dma_start3A_306 : memref<1x128xf32, #tpu.memory_space<hbm>> -> memref<128xf32, #tpu.memory_space<hbm>>
        tpu.enqueue_dma source(%dma_start3A_307 : memref<128xf32, #tpu.memory_space<hbm>>) target(%dma_start3A_304 : memref<128xf32, #tpu.memory_space<vmem>>) target_semaphore(%arg12 : memref<!tpu.dma_semaphore, #tpu.memory_space<semaphore_mem>>)
        %slice3A_308 = vector.extract_strided_slice %select_n3A_74 {offsets = [13], sizes = [1], strides = [1]} : vector<16xi32> to vector<1xi32>
        %squeeze3A_309 = vector.extract %slice3A_308[0] : i32 from vector<1xi32>
        %mul3A_310 = arith.constant 16 : i32
        %mul3A_311 = arith.muli %scan3A_62, %mul3A_310 : i32
        %add3A_312 = arith.constant 13 : i32
        %add3A_313 = arith.addi %mul3A_311, %add3A_312 : i32
        %dma_start3A_314 = arith.constant 0 : i32
        %dma_start3A_315 = tpu.memref_slice %arg11[%add3A_313, %dma_start3A_314] : memref<128x128xf32, #tpu.memory_space<vmem>> -> memref<1x128xf32, #tpu.memory_space<vmem>>
        %dma_start3A_316 = tpu.memref_squeeze %dma_start3A_315 : memref<1x128xf32, #tpu.memory_space<vmem>> -> memref<128xf32, #tpu.memory_space<vmem>>
        %dma_start3A_317 = arith.constant 0 : i32
        %dma_start3A_318 = tpu.memref_slice %arg2[%squeeze3A_309, %dma_start3A_317] : memref<16384x128xf32, #tpu.memory_space<hbm>> -> memref<1x128xf32, #tpu.memory_space<hbm>>
        %dma_start3A_319 = tpu.memref_squeeze %dma_start3A_318 : memref<1x128xf32, #tpu.memory_space<hbm>> -> memref<128xf32, #tpu.memory_space<hbm>>
        %dma_start3A_320 = arith.constant 0 : i32
        %dma_start3A_321 = tpu.memref_slice %arg11[%add3A_313, %dma_start3A_320] : memref<128x128xf32, #tpu.memory_space<vmem>> -> memref<1x128xf32, #tpu.memory_space<vmem>>
        %dma_start3A_322 = tpu.memref_squeeze %dma_start3A_321 : memref<1x128xf32, #tpu.memory_space<vmem>> -> memref<128xf32, #tpu.memory_space<vmem>>
        %dma_start3A_323 = arith.constant 0 : i32
        %dma_start3A_324 = tpu.memref_slice %arg2[%squeeze3A_309, %dma_start3A_323] : memref<16384x128xf32, #tpu.memory_space<hbm>> -> memref<1x128xf32, #tpu.memory_space<hbm>>
        %dma_start3A_325 = tpu.memref_squeeze %dma_start3A_324 : memref<1x128xf32, #tpu.memory_space<hbm>> -> memref<128xf32, #tpu.memory_space<hbm>>
        tpu.enqueue_dma source(%dma_start3A_325 : memref<128xf32, #tpu.memory_space<hbm>>) target(%dma_start3A_322 : memref<128xf32, #tpu.memory_space<vmem>>) target_semaphore(%arg12 : memref<!tpu.dma_semaphore, #tpu.memory_space<semaphore_mem>>)
        %slice3A_326 = vector.extract_strided_slice %select_n3A_74 {offsets = [14], sizes = [1], strides = [1]} : vector<16xi32> to vector<1xi32>
        %squeeze3A_327 = vector.extract %slice3A_326[0] : i32 from vector<1xi32>
        %mul3A_328 = arith.constant 16 : i32
        %mul3A_329 = arith.muli %scan3A_62, %mul3A_328 : i32
        %add3A_330 = arith.constant 14 : i32
        %add3A_331 = arith.addi %mul3A_329, %add3A_330 : i32
        %dma_start3A_332 = arith.constant 0 : i32
        %dma_start3A_333 = tpu.memref_slice %arg11[%add3A_331, %dma_start3A_332] : memref<128x128xf32, #tpu.memory_space<vmem>> -> memref<1x128xf32, #tpu.memory_space<vmem>>
        %dma_start3A_334 = tpu.memref_squeeze %dma_start3A_333 : memref<1x128xf32, #tpu.memory_space<vmem>> -> memref<128xf32, #tpu.memory_space<vmem>>
        %dma_start3A_335 = arith.constant 0 : i32
        %dma_start3A_336 = tpu.memref_slice %arg2[%squeeze3A_327, %dma_start3A_335] : memref<16384x128xf32, #tpu.memory_space<hbm>> -> memref<1x128xf32, #tpu.memory_space<hbm>>
        %dma_start3A_337 = tpu.memref_squeeze %dma_start3A_336 : memref<1x128xf32, #tpu.memory_space<hbm>> -> memref<128xf32, #tpu.memory_space<hbm>>
        %dma_start3A_338 = arith.constant 0 : i32
        %dma_start3A_339 = tpu.memref_slice %arg11[%add3A_331, %dma_start3A_338] : memref<128x128xf32, #tpu.memory_space<vmem>> -> memref<1x128xf32, #tpu.memory_space<vmem>>
        %dma_start3A_340 = tpu.memref_squeeze %dma_start3A_339 : memref<1x128xf32, #tpu.memory_space<vmem>> -> memref<128xf32, #tpu.memory_space<vmem>>
        %dma_start3A_341 = arith.constant 0 : i32
        %dma_start3A_342 = tpu.memref_slice %arg2[%squeeze3A_327, %dma_start3A_341] : memref<16384x128xf32, #tpu.memory_space<hbm>> -> memref<1x128xf32, #tpu.memory_space<hbm>>
        %dma_start3A_343 = tpu.memref_squeeze %dma_start3A_342 : memref<1x128xf32, #tpu.memory_space<hbm>> -> memref<128xf32, #tpu.memory_space<hbm>>
        tpu.enqueue_dma source(%dma_start3A_343 : memref<128xf32, #tpu.memory_space<hbm>>) target(%dma_start3A_340 : memref<128xf32, #tpu.memory_space<vmem>>) target_semaphore(%arg12 : memref<!tpu.dma_semaphore, #tpu.memory_space<semaphore_mem>>)
        %slice3A_344 = vector.extract_strided_slice %select_n3A_74 {offsets = [15], sizes = [1], strides = [1]} : vector<16xi32> to vector<1xi32>
        %squeeze3A_345 = vector.extract %slice3A_344[0] : i32 from vector<1xi32>
        %mul3A_346 = arith.constant 16 : i32
        %mul3A_347 = arith.muli %scan3A_62, %mul3A_346 : i32
        %add3A_348 = arith.constant 15 : i32
        %add3A_349 = arith.addi %mul3A_347, %add3A_348 : i32
        %dma_start3A_350 = arith.constant 0 : i32
        %dma_start3A_351 = tpu.memref_slice %arg11[%add3A_349, %dma_start3A_350] : memref<128x128xf32, #tpu.memory_space<vmem>> -> memref<1x128xf32, #tpu.memory_space<vmem>>
        %dma_start3A_352 = tpu.memref_squeeze %dma_start3A_351 : memref<1x128xf32, #tpu.memory_space<vmem>> -> memref<128xf32, #tpu.memory_space<vmem>>
        %dma_start3A_353 = arith.constant 0 : i32
        %dma_start3A_354 = tpu.memref_slice %arg2[%squeeze3A_345, %dma_start3A_353] : memref<16384x128xf32, #tpu.memory_space<hbm>> -> memref<1x128xf32, #tpu.memory_space<hbm>>
        %dma_start3A_355 = tpu.memref_squeeze %dma_start3A_354 : memref<1x128xf32, #tpu.memory_space<hbm>> -> memref<128xf32, #tpu.memory_space<hbm>>
        %dma_start3A_356 = arith.constant 0 : i32
        %dma_start3A_357 = tpu.memref_slice %arg11[%add3A_349, %dma_start3A_356] : memref<128x128xf32, #tpu.memory_space<vmem>> -> memref<1x128xf32, #tpu.memory_space<vmem>>
        %dma_start3A_358 = tpu.memref_squeeze %dma_start3A_357 : memref<1x128xf32, #tpu.memory_space<vmem>> -> memref<128xf32, #tpu.memory_space<vmem>>
        %dma_start3A_359 = arith.constant 0 : i32
        %dma_start3A_360 = tpu.memref_slice %arg2[%squeeze3A_345, %dma_start3A_359] : memref<16384x128xf32, #tpu.memory_space<hbm>> -> memref<1x128xf32, #tpu.memory_space<hbm>>
        %dma_start3A_361 = tpu.memref_squeeze %dma_start3A_360 : memref<1x128xf32, #tpu.memory_space<hbm>> -> memref<128xf32, #tpu.memory_space<hbm>>
        tpu.enqueue_dma source(%dma_start3A_361 : memref<128xf32, #tpu.memory_space<hbm>>) target(%dma_start3A_358 : memref<128xf32, #tpu.memory_space<vmem>>) target_semaphore(%arg12 : memref<!tpu.dma_semaphore, #tpu.memory_space<semaphore_mem>>)
      }
      %scan3A_44 = arith.constant 8 : i32
      %dma_wait3A = arith.constant 0 : i32
      %dma_wait3A_45 = arith.constant 0 : i32
      %dma_wait3A_46 = tpu.memref_slice %arg2[%dma_wait3A, %dma_wait3A_45] : memref<16384x128xf32, #tpu.memory_space<hbm>> -> memref<128x128xf32, #tpu.memory_space<hbm>>
      %dma_wait3A_47 = arith.constant 0 : i32
      %dma_wait3A_48 = arith.constant 0 : i32
      %dma_wait3A_49 = tpu.memref_slice %arg2[%dma_wait3A_47, %dma_wait3A_48] : memref<16384x128xf32, #tpu.memory_space<hbm>> -> memref<128x128xf32, #tpu.memory_space<hbm>>
      tpu.wait_dma2 semaphore(%arg12 : memref<!tpu.dma_semaphore, #tpu.memory_space<semaphore_mem>>) src(%dma_wait3A_49 : memref<128x128xf32, #tpu.memory_space<hbm>>) dst(%arg11 : memref<128x128xf32, #tpu.memory_space<vmem>>)
      %scan3A_50 = arith.constant 0 : i32
      %scan3A_51 = arith.constant 0 : i32
      %scan3A_52 = arith.constant 8 : i32
      %scan3A_53 = arith.addi %scan3A_51, %scan3A_52 : i32
      %scan3A_54 = arith.constant 1 : i32
      scf.for %scan3A_62 = %scan3A_51 to %scan3A_53 step %scan3A_54  : i32 {
        %mul3A_63 = arith.constant 16 : i32
        %mul3A_64 = arith.muli %scan3A_62, %mul3A_63 : i32
        %add3A_65 = arith.addi %mul3A_39, %mul3A_64 : i32
        %add3A_66 = vector.broadcast %add3A_65 : i32 to vector<16xi32>
        %add3A_67 = arith.addi %add3A_66, %iota3A : vector<16xi32>
        %lt3A = vector.broadcast %squeeze3A : i32 to vector<16xi32>
        %lt3A_68 = arith.cmpi slt, %add3A_67, %lt3A : vector<16xi32>
        %mul3A_69 = arith.constant 16 : i32
        %mul3A_70 = arith.muli %scan3A_62, %mul3A_69 : i32
        %add3A_71 = arith.addi %mul3A_39, %mul3A_70 : i32
        %get3A_72 = arith.index_cast %add3A_71 : i32 to index
        %get3A_73 = tpu.vector_load %arg8[%get3A_72] {strides = array<i32>} : memref<3216xi32, #tpu.memory_space<vmem>>, vector<16xi32>,
        %broadcast_in_dim3A = vector.broadcast %squeeze3A_5 : i32 to vector<16xi32>
        %select_n3A_74 = arith.select %lt3A_68, %get3A_73, %broadcast_in_dim3A : vector<16xi1>, vector<16xi32>
        %mul3A_75 = arith.constant 16 : i32
        %mul3A_76 = arith.muli %scan3A_62, %mul3A_75 : i32
        %add3A_77 = arith.constant 0 : i32
        %add3A_78 = arith.addi %mul3A_76, %add3A_77 : i32
        %slice3A_79 = vector.extract_strided_slice %select_n3A_74 {offsets = [0], sizes = [1], strides = [1]} : vector<16xi32> to vector<1xi32>
        %squeeze3A_80 = vector.extract %slice3A_79[0] : i32 from vector<1xi32>
        %dma_start3A = arith.constant 0 : i32
        %dma_start3A_81 = arith.constant 0 : i32
        %dma_start3A_82 = tpu.memref_slice %arg11[%add3A_78, %dma_start3A_81] : memref<128x128xf32, #tpu.memory_space<vmem>> -> memref<1x64xf32, #tpu.memory_space<vmem>>
        %dma_start3A_83 = tpu.memref_squeeze %dma_start3A_82 : memref<1x64xf32, #tpu.memory_space<vmem>> -> memref<64xf32, #tpu.memory_space<vmem>>
        %dma_start3A_84 = arith.constant 0 : i32
        %dma_start3A_85 = tpu.memref_slice %arg7[%dma_start3A, %squeeze3A_80, %dma_start3A_84] : memref<2x100000x64xf32, #tpu.memory_space<hbm>> -> memref<1x1x64xf32, #tpu.memory_space<hbm>>
        %dma_start3A_86 = tpu.memref_squeeze %dma_start3A_85 : memref<1x1x64xf32, #tpu.memory_space<hbm>> -> memref<64xf32, #tpu.memory_space<hbm>>
        %dma_start3A_87 = arith.constant 0 : i32
        %dma_start3A_88 = tpu.memref_slice %arg7[%dma_start3A, %squeeze3A_80, %dma_start3A_87] : memref<2x100000x64xf32, #tpu.memory_space<hbm>> -> memref<1x1x64xf32, #tpu.memory_space<hbm>>
        %dma_start3A_89 = tpu.memref_squeeze %dma_start3A_88 : memref<1x1x64xf32, #tpu.memory_space<hbm>> -> memref<64xf32, #tpu.memory_space<hbm>>
        %dma_start3A_90 = arith.constant 0 : i32
        %dma_start3A_91 = tpu.memref_slice %arg11[%add3A_78, %dma_start3A_90] : memref<128x128xf32, #tpu.memory_space<vmem>> -> memref<1x64xf32, #tpu.memory_space<vmem>>
        %dma_start3A_92 = tpu.memref_squeeze %dma_start3A_91 : memref<1x64xf32, #tpu.memory_space<vmem>> -> memref<64xf32, #tpu.memory_space<vmem>>
        tpu.enqueue_dma source(%dma_start3A_92 : memref<64xf32, #tpu.memory_space<vmem>>) target(%dma_start3A_89 : memref<64xf32, #tpu.memory_space<hbm>>) target_semaphore(%arg13 : memref<!tpu.dma_semaphore, #tpu.memory_space<semaphore_mem>>)
        %slice3A_93 = vector.extract_strided_slice %select_n3A_74 {offsets = [0], sizes = [1], strides = [1]} : vector<16xi32> to vector<1xi32>
        %squeeze3A_94 = vector.extract %slice3A_93[0] : i32 from vector<1xi32>
        %dma_start3A_95 = arith.constant 1 : i32
        %dma_start3A_96 = arith.constant 64 : i32
        %dma_start3A_97 = tpu.memref_slice %arg11[%add3A_78, %dma_start3A_96] : memref<128x128xf32, #tpu.memory_space<vmem>> -> memref<1x64xf32, #tpu.memory_space<vmem>>
        %dma_start3A_98 = tpu.memref_squeeze %dma_start3A_97 : memref<1x64xf32, #tpu.memory_space<vmem>> -> memref<64xf32, #tpu.memory_space<vmem>>
        %dma_start3A_99 = arith.constant 0 : i32
        %dma_start3A_100 = tpu.memref_slice %arg7[%dma_start3A_95, %squeeze3A_94, %dma_start3A_99] : memref<2x100000x64xf32, #tpu.memory_space<hbm>> -> memref<1x1x64xf32, #tpu.memory_space<hbm>>
        %dma_start3A_101 = tpu.memref_squeeze %dma_start3A_100 : memref<1x1x64xf32, #tpu.memory_space<hbm>> -> memref<64xf32, #tpu.memory_space<hbm>>
        %dma_start3A_102 = arith.constant 0 : i32
        %dma_start3A_103 = tpu.memref_slice %arg7[%dma_start3A_95, %squeeze3A_94, %dma_start3A_102] : memref<2x100000x64xf32, #tpu.memory_space<hbm>> -> memref<1x1x64xf32, #tpu.memory_space<hbm>>
        %dma_start3A_104 = tpu.memref_squeeze %dma_start3A_103 : memref<1x1x64xf32, #tpu.memory_space<hbm>> -> memref<64xf32, #tpu.memory_space<hbm>>
        %dma_start3A_105 = arith.constant 64 : i32
        %dma_start3A_106 = tpu.memref_slice %arg11[%add3A_78, %dma_start3A_105] : memref<128x128xf32, #tpu.memory_space<vmem>> -> memref<1x64xf32, #tpu.memory_space<vmem>>
        %dma_start3A_107 = tpu.memref_squeeze %dma_start3A_106 : memref<1x64xf32, #tpu.memory_space<vmem>> -> memref<64xf32, #tpu.memory_space<vmem>>
        tpu.enqueue_dma source(%dma_start3A_107 : memref<64xf32, #tpu.memory_space<vmem>>) target(%dma_start3A_104 : memref<64xf32, #tpu.memory_space<hbm>>) target_semaphore(%arg13 : memref<!tpu.dma_semaphore, #tpu.memory_space<semaphore_mem>>)
        %mul3A_108 = arith.constant 16 : i32
        %mul3A_109 = arith.muli %scan3A_62, %mul3A_108 : i32
        %add3A_110 = arith.constant 1 : i32
        %add3A_111 = arith.addi %mul3A_109, %add3A_110 : i32
        %slice3A_112 = vector.extract_strided_slice %select_n3A_74 {offsets = [1], sizes = [1], strides = [1]} : vector<16xi32> to vector<1xi32>
        %squeeze3A_113 = vector.extract %slice3A_112[0] : i32 from vector<1xi32>
        %dma_start3A_114 = arith.constant 0 : i32
        %dma_start3A_115 = arith.constant 0 : i32
        %dma_start3A_116 = tpu.memref_slice %arg11[%add3A_111, %dma_start3A_115] : memref<128x128xf32, #tpu.memory_space<vmem>> -> memref<1x64xf32, #tpu.memory_space<vmem>>
        %dma_start3A_117 = tpu.memref_squeeze %dma_start3A_116 : memref<1x64xf32, #tpu.memory_space<vmem>> -> memref<64xf32, #tpu.memory_space<vmem>>
        %dma_start3A_118 = arith.constant 0 : i32
        %dma_start3A_119 = tpu.memref_slice %arg7[%dma_start3A_114, %squeeze3A_113, %dma_start3A_118] : memref<2x100000x64xf32, #tpu.memory_space<hbm>> -> memref<1x1x64xf32, #tpu.memory_space<hbm>>
        %dma_start3A_120 = tpu.memref_squeeze %dma_start3A_119 : memref<1x1x64xf32, #tpu.memory_space<hbm>> -> memref<64xf32, #tpu.memory_space<hbm>>
        %dma_start3A_121 = arith.constant 0 : i32
        %dma_start3A_122 = tpu.memref_slice %arg7[%dma_start3A_114, %squeeze3A_113, %dma_start3A_121] : memref<2x100000x64xf32, #tpu.memory_space<hbm>> -> memref<1x1x64xf32, #tpu.memory_space<hbm>>
        %dma_start3A_123 = tpu.memref_squeeze %dma_start3A_122 : memref<1x1x64xf32, #tpu.memory_space<hbm>> -> memref<64xf32, #tpu.memory_space<hbm>>
        %dma_start3A_124 = arith.constant 0 : i32
        %dma_start3A_125 = tpu.memref_slice %arg11[%add3A_111, %dma_start3A_124] : memref<128x128xf32, #tpu.memory_space<vmem>> -> memref<1x64xf32, #tpu.memory_space<vmem>>
        %dma_start3A_126 = tpu.memref_squeeze %dma_start3A_125 : memref<1x64xf32, #tpu.memory_space<vmem>> -> memref<64xf32, #tpu.memory_space<vmem>>
        tpu.enqueue_dma source(%dma_start3A_126 : memref<64xf32, #tpu.memory_space<vmem>>) target(%dma_start3A_123 : memref<64xf32, #tpu.memory_space<hbm>>) target_semaphore(%arg13 : memref<!tpu.dma_semaphore, #tpu.memory_space<semaphore_mem>>)
        %slice3A_127 = vector.extract_strided_slice %select_n3A_74 {offsets = [1], sizes = [1], strides = [1]} : vector<16xi32> to vector<1xi32>
        %squeeze3A_128 = vector.extract %slice3A_127[0] : i32 from vector<1xi32>
        %dma_start3A_129 = arith.constant 1 : i32
        %dma_start3A_130 = arith.constant 64 : i32
        %dma_start3A_131 = tpu.memref_slice %arg11[%add3A_111, %dma_start3A_130] : memref<128x128xf32, #tpu.memory_space<vmem>> -> memref<1x64xf32, #tpu.memory_space<vmem>>
        %dma_start3A_132 = tpu.memref_squeeze %dma_start3A_131 : memref<1x64xf32, #tpu.memory_space<vmem>> -> memref<64xf32, #tpu.memory_space<vmem>>
        %dma_start3A_133 = arith.constant 0 : i32
        %dma_start3A_134 = tpu.memref_slice %arg7[%dma_start3A_129, %squeeze3A_128, %dma_start3A_133] : memref<2x100000x64xf32, #tpu.memory_space<hbm>> -> memref<1x1x64xf32, #tpu.memory_space<hbm>>
        %dma_start3A_135 = tpu.memref_squeeze %dma_start3A_134 : memref<1x1x64xf32, #tpu.memory_space<hbm>> -> memref<64xf32, #tpu.memory_space<hbm>>
        %dma_start3A_136 = arith.constant 0 : i32
        %dma_start3A_137 = tpu.memref_slice %arg7[%dma_start3A_129, %squeeze3A_128, %dma_start3A_136] : memref<2x100000x64xf32, #tpu.memory_space<hbm>> -> memref<1x1x64xf32, #tpu.memory_space<hbm>>
        %dma_start3A_138 = tpu.memref_squeeze %dma_start3A_137 : memref<1x1x64xf32, #tpu.memory_space<hbm>> -> memref<64xf32, #tpu.memory_space<hbm>>
        %dma_start3A_139 = arith.constant 64 : i32
        %dma_start3A_140 = tpu.memref_slice %arg11[%add3A_111, %dma_start3A_139] : memref<128x128xf32, #tpu.memory_space<vmem>> -> memref<1x64xf32, #tpu.memory_space<vmem>>
        %dma_start3A_141 = tpu.memref_squeeze %dma_start3A_140 : memref<1x64xf32, #tpu.memory_space<vmem>> -> memref<64xf32, #tpu.memory_space<vmem>>
        tpu.enqueue_dma source(%dma_start3A_141 : memref<64xf32, #tpu.memory_space<vmem>>) target(%dma_start3A_138 : memref<64xf32, #tpu.memory_space<hbm>>) target_semaphore(%arg13 : memref<!tpu.dma_semaphore, #tpu.memory_space<semaphore_mem>>)
        %mul3A_142 = arith.constant 16 : i32
        %mul3A_143 = arith.muli %scan3A_62, %mul3A_142 : i32
        %add3A_144 = arith.constant 2 : i32
        %add3A_145 = arith.addi %mul3A_143, %add3A_144 : i32
        %slice3A_146 = vector.extract_strided_slice %select_n3A_74 {offsets = [2], sizes = [1], strides = [1]} : vector<16xi32> to vector<1xi32>
        %squeeze3A_147 = vector.extract %slice3A_146[0] : i32 from vector<1xi32>
        %dma_start3A_148 = arith.constant 0 : i32
        %dma_start3A_149 = arith.constant 0 : i32
        %dma_start3A_150 = tpu.memref_slice %arg11[%add3A_145, %dma_start3A_149] : memref<128x128xf32, #tpu.memory_space<vmem>> -> memref<1x64xf32, #tpu.memory_space<vmem>>
        %dma_start3A_151 = tpu.memref_squeeze %dma_start3A_150 : memref<1x64xf32, #tpu.memory_space<vmem>> -> memref<64xf32, #tpu.memory_space<vmem>>
        %dma_start3A_152 = arith.constant 0 : i32
        %dma_start3A_153 = tpu.memref_slice %arg7[%dma_start3A_148, %squeeze3A_147, %dma_start3A_152] : memref<2x100000x64xf32, #tpu.memory_space<hbm>> -> memref<1x1x64xf32, #tpu.memory_space<hbm>>
        %dma_start3A_154 = tpu.memref_squeeze %dma_start3A_153 : memref<1x1x64xf32, #tpu.memory_space<hbm>> -> memref<64xf32, #tpu.memory_space<hbm>>
        %dma_start3A_155 = arith.constant 0 : i32
        %dma_start3A_156 = tpu.memref_slice %arg7[%dma_start3A_148, %squeeze3A_147, %dma_start3A_155] : memref<2x100000x64xf32, #tpu.memory_space<hbm>> -> memref<1x1x64xf32, #tpu.memory_space<hbm>>
        %dma_start3A_157 = tpu.memref_squeeze %dma_start3A_156 : memref<1x1x64xf32, #tpu.memory_space<hbm>> -> memref<64xf32, #tpu.memory_space<hbm>>
        %dma_start3A_158 = arith.constant 0 : i32
        %dma_start3A_159 = tpu.memref_slice %arg11[%add3A_145, %dma_start3A_158] : memref<128x128xf32, #tpu.memory_space<vmem>> -> memref<1x64xf32, #tpu.memory_space<vmem>>
        %dma_start3A_160 = tpu.memref_squeeze %dma_start3A_159 : memref<1x64xf32, #tpu.memory_space<vmem>> -> memref<64xf32, #tpu.memory_space<vmem>>
        tpu.enqueue_dma source(%dma_start3A_160 : memref<64xf32, #tpu.memory_space<vmem>>) target(%dma_start3A_157 : memref<64xf32, #tpu.memory_space<hbm>>) target_semaphore(%arg13 : memref<!tpu.dma_semaphore, #tpu.memory_space<semaphore_mem>>)
        %slice3A_161 = vector.extract_strided_slice %select_n3A_74 {offsets = [2], sizes = [1], strides = [1]} : vector<16xi32> to vector<1xi32>
        %squeeze3A_162 = vector.extract %slice3A_161[0] : i32 from vector<1xi32>
        %dma_start3A_163 = arith.constant 1 : i32
        %dma_start3A_164 = arith.constant 64 : i32
        %dma_start3A_165 = tpu.memref_slice %arg11[%add3A_145, %dma_start3A_164] : memref<128x128xf32, #tpu.memory_space<vmem>> -> memref<1x64xf32, #tpu.memory_space<vmem>>
        %dma_start3A_166 = tpu.memref_squeeze %dma_start3A_165 : memref<1x64xf32, #tpu.memory_space<vmem>> -> memref<64xf32, #tpu.memory_space<vmem>>
        %dma_start3A_167 = arith.constant 0 : i32
        %dma_start3A_168 = tpu.memref_slice %arg7[%dma_start3A_163, %squeeze3A_162, %dma_start3A_167] : memref<2x100000x64xf32, #tpu.memory_space<hbm>> -> memref<1x1x64xf32, #tpu.memory_space<hbm>>
        %dma_start3A_169 = tpu.memref_squeeze %dma_start3A_168 : memref<1x1x64xf32, #tpu.memory_space<hbm>> -> memref<64xf32, #tpu.memory_space<hbm>>
        %dma_start3A_170 = arith.constant 0 : i32
        %dma_start3A_171 = tpu.memref_slice %arg7[%dma_start3A_163, %squeeze3A_162, %dma_start3A_170] : memref<2x100000x64xf32, #tpu.memory_space<hbm>> -> memref<1x1x64xf32, #tpu.memory_space<hbm>>
        %dma_start3A_172 = tpu.memref_squeeze %dma_start3A_171 : memref<1x1x64xf32, #tpu.memory_space<hbm>> -> memref<64xf32, #tpu.memory_space<hbm>>
        %dma_start3A_173 = arith.constant 64 : i32
        %dma_start3A_174 = tpu.memref_slice %arg11[%add3A_145, %dma_start3A_173] : memref<128x128xf32, #tpu.memory_space<vmem>> -> memref<1x64xf32, #tpu.memory_space<vmem>>
        %dma_start3A_175 = tpu.memref_squeeze %dma_start3A_174 : memref<1x64xf32, #tpu.memory_space<vmem>> -> memref<64xf32, #tpu.memory_space<vmem>>
        tpu.enqueue_dma source(%dma_start3A_175 : memref<64xf32, #tpu.memory_space<vmem>>) target(%dma_start3A_172 : memref<64xf32, #tpu.memory_space<hbm>>) target_semaphore(%arg13 : memref<!tpu.dma_semaphore, #tpu.memory_space<semaphore_mem>>)
        %mul3A_176 = arith.constant 16 : i32
        %mul3A_177 = arith.muli %scan3A_62, %mul3A_176 : i32
        %add3A_178 = arith.constant 3 : i32
        %add3A_179 = arith.addi %mul3A_177, %add3A_178 : i32
        %slice3A_180 = vector.extract_strided_slice %select_n3A_74 {offsets = [3], sizes = [1], strides = [1]} : vector<16xi32> to vector<1xi32>
        %squeeze3A_181 = vector.extract %slice3A_180[0] : i32 from vector<1xi32>
        %dma_start3A_182 = arith.constant 0 : i32
        %dma_start3A_183 = arith.constant 0 : i32
        %dma_start3A_184 = tpu.memref_slice %arg11[%add3A_179, %dma_start3A_183] : memref<128x128xf32, #tpu.memory_space<vmem>> -> memref<1x64xf32, #tpu.memory_space<vmem>>
        %dma_start3A_185 = tpu.memref_squeeze %dma_start3A_184 : memref<1x64xf32, #tpu.memory_space<vmem>> -> memref<64xf32, #tpu.memory_space<vmem>>
        %dma_start3A_186 = arith.constant 0 : i32
        %dma_start3A_187 = tpu.memref_slice %arg7[%dma_start3A_182, %squeeze3A_181, %dma_start3A_186] : memref<2x100000x64xf32, #tpu.memory_space<hbm>> -> memref<1x1x64xf32, #tpu.memory_space<hbm>>
        %dma_start3A_188 = tpu.memref_squeeze %dma_start3A_187 : memref<1x1x64xf32, #tpu.memory_space<hbm>> -> memref<64xf32, #tpu.memory_space<hbm>>
        %dma_start3A_189 = arith.constant 0 : i32
        %dma_start3A_190 = tpu.memref_slice %arg7[%dma_start3A_182, %squeeze3A_181, %dma_start3A_189] : memref<2x100000x64xf32, #tpu.memory_space<hbm>> -> memref<1x1x64xf32, #tpu.memory_space<hbm>>
        %dma_start3A_191 = tpu.memref_squeeze %dma_start3A_190 : memref<1x1x64xf32, #tpu.memory_space<hbm>> -> memref<64xf32, #tpu.memory_space<hbm>>
        %dma_start3A_192 = arith.constant 0 : i32
        %dma_start3A_193 = tpu.memref_slice %arg11[%add3A_179, %dma_start3A_192] : memref<128x128xf32, #tpu.memory_space<vmem>> -> memref<1x64xf32, #tpu.memory_space<vmem>>
        %dma_start3A_194 = tpu.memref_squeeze %dma_start3A_193 : memref<1x64xf32, #tpu.memory_space<vmem>> -> memref<64xf32, #tpu.memory_space<vmem>>
        tpu.enqueue_dma source(%dma_start3A_194 : memref<64xf32, #tpu.memory_space<vmem>>) target(%dma_start3A_191 : memref<64xf32, #tpu.memory_space<hbm>>) target_semaphore(%arg13 : memref<!tpu.dma_semaphore, #tpu.memory_space<semaphore_mem>>)
        %slice3A_195 = vector.extract_strided_slice %select_n3A_74 {offsets = [3], sizes = [1], strides = [1]} : vector<16xi32> to vector<1xi32>
        %squeeze3A_196 = vector.extract %slice3A_195[0] : i32 from vector<1xi32>
        %dma_start3A_197 = arith.constant 1 : i32
        %dma_start3A_198 = arith.constant 64 : i32
        %dma_start3A_199 = tpu.memref_slice %arg11[%add3A_179, %dma_start3A_198] : memref<128x128xf32, #tpu.memory_space<vmem>> -> memref<1x64xf32, #tpu.memory_space<vmem>>
        %dma_start3A_200 = tpu.memref_squeeze %dma_start3A_199 : memref<1x64xf32, #tpu.memory_space<vmem>> -> memref<64xf32, #tpu.memory_space<vmem>>
        %dma_start3A_201 = arith.constant 0 : i32
        %dma_start3A_202 = tpu.memref_slice %arg7[%dma_start3A_197, %squeeze3A_196, %dma_start3A_201] : memref<2x100000x64xf32, #tpu.memory_space<hbm>> -> memref<1x1x64xf32, #tpu.memory_space<hbm>>
        %dma_start3A_203 = tpu.memref_squeeze %dma_start3A_202 : memref<1x1x64xf32, #tpu.memory_space<hbm>> -> memref<64xf32, #tpu.memory_space<hbm>>
        %dma_start3A_204 = arith.constant 0 : i32
        %dma_start3A_205 = tpu.memref_slice %arg7[%dma_start3A_197, %squeeze3A_196, %dma_start3A_204] : memref<2x100000x64xf32, #tpu.memory_space<hbm>> -> memref<1x1x64xf32, #tpu.memory_space<hbm>>
        %dma_start3A_206 = tpu.memref_squeeze %dma_start3A_205 : memref<1x1x64xf32, #tpu.memory_space<hbm>> -> memref<64xf32, #tpu.memory_space<hbm>>
        %dma_start3A_207 = arith.constant 64 : i32
        %dma_start3A_208 = tpu.memref_slice %arg11[%add3A_179, %dma_start3A_207] : memref<128x128xf32, #tpu.memory_space<vmem>> -> memref<1x64xf32, #tpu.memory_space<vmem>>
        %dma_start3A_209 = tpu.memref_squeeze %dma_start3A_208 : memref<1x64xf32, #tpu.memory_space<vmem>> -> memref<64xf32, #tpu.memory_space<vmem>>
        tpu.enqueue_dma source(%dma_start3A_209 : memref<64xf32, #tpu.memory_space<vmem>>) target(%dma_start3A_206 : memref<64xf32, #tpu.memory_space<hbm>>) target_semaphore(%arg13 : memref<!tpu.dma_semaphore, #tpu.memory_space<semaphore_mem>>)
        %mul3A_210 = arith.constant 16 : i32
        %mul3A_211 = arith.muli %scan3A_62, %mul3A_210 : i32
        %add3A_212 = arith.constant 4 : i32
        %add3A_213 = arith.addi %mul3A_211, %add3A_212 : i32
        %slice3A_214 = vector.extract_strided_slice %select_n3A_74 {offsets = [4], sizes = [1], strides = [1]} : vector<16xi32> to vector<1xi32>
        %squeeze3A_215 = vector.extract %slice3A_214[0] : i32 from vector<1xi32>
        %dma_start3A_216 = arith.constant 0 : i32
        %dma_start3A_217 = arith.constant 0 : i32
        %dma_start3A_218 = tpu.memref_slice %arg11[%add3A_213, %dma_start3A_217] : memref<128x128xf32, #tpu.memory_space<vmem>> -> memref<1x64xf32, #tpu.memory_space<vmem>>
        %dma_start3A_219 = tpu.memref_squeeze %dma_start3A_218 : memref<1x64xf32, #tpu.memory_space<vmem>> -> memref<64xf32, #tpu.memory_space<vmem>>
        %dma_start3A_220 = arith.constant 0 : i32
        %dma_start3A_221 = tpu.memref_slice %arg7[%dma_start3A_216, %squeeze3A_215, %dma_start3A_220] : memref<2x100000x64xf32, #tpu.memory_space<hbm>> -> memref<1x1x64xf32, #tpu.memory_space<hbm>>
        %dma_start3A_222 = tpu.memref_squeeze %dma_start3A_221 : memref<1x1x64xf32, #tpu.memory_space<hbm>> -> memref<64xf32, #tpu.memory_space<hbm>>
        %dma_start3A_223 = arith.constant 0 : i32
        %dma_start3A_224 = tpu.memref_slice %arg7[%dma_start3A_216, %squeeze3A_215, %dma_start3A_223] : memref<2x100000x64xf32, #tpu.memory_space<hbm>> -> memref<1x1x64xf32, #tpu.memory_space<hbm>>
        %dma_start3A_225 = tpu.memref_squeeze %dma_start3A_224 : memref<1x1x64xf32, #tpu.memory_space<hbm>> -> memref<64xf32, #tpu.memory_space<hbm>>
        %dma_start3A_226 = arith.constant 0 : i32
        %dma_start3A_227 = tpu.memref_slice %arg11[%add3A_213, %dma_start3A_226] : memref<128x128xf32, #tpu.memory_space<vmem>> -> memref<1x64xf32, #tpu.memory_space<vmem>>
        %dma_start3A_228 = tpu.memref_squeeze %dma_start3A_227 : memref<1x64xf32, #tpu.memory_space<vmem>> -> memref<64xf32, #tpu.memory_space<vmem>>
        tpu.enqueue_dma source(%dma_start3A_228 : memref<64xf32, #tpu.memory_space<vmem>>) target(%dma_start3A_225 : memref<64xf32, #tpu.memory_space<hbm>>) target_semaphore(%arg13 : memref<!tpu.dma_semaphore, #tpu.memory_space<semaphore_mem>>)
        %slice3A_229 = vector.extract_strided_slice %select_n3A_74 {offsets = [4], sizes = [1], strides = [1]} : vector<16xi32> to vector<1xi32>
        %squeeze3A_230 = vector.extract %slice3A_229[0] : i32 from vector<1xi32>
        %dma_start3A_231 = arith.constant 1 : i32
        %dma_start3A_232 = arith.constant 64 : i32
        %dma_start3A_233 = tpu.memref_slice %arg11[%add3A_213, %dma_start3A_232] : memref<128x128xf32, #tpu.memory_space<vmem>> -> memref<1x64xf32, #tpu.memory_space<vmem>>
        %dma_start3A_234 = tpu.memref_squeeze %dma_start3A_233 : memref<1x64xf32, #tpu.memory_space<vmem>> -> memref<64xf32, #tpu.memory_space<vmem>>
        %dma_start3A_235 = arith.constant 0 : i32
        %dma_start3A_236 = tpu.memref_slice %arg7[%dma_start3A_231, %squeeze3A_230, %dma_start3A_235] : memref<2x100000x64xf32, #tpu.memory_space<hbm>> -> memref<1x1x64xf32, #tpu.memory_space<hbm>>
        %dma_start3A_237 = tpu.memref_squeeze %dma_start3A_236 : memref<1x1x64xf32, #tpu.memory_space<hbm>> -> memref<64xf32, #tpu.memory_space<hbm>>
        %dma_start3A_238 = arith.constant 0 : i32
        %dma_start3A_239 = tpu.memref_slice %arg7[%dma_start3A_231, %squeeze3A_230, %dma_start3A_238] : memref<2x100000x64xf32, #tpu.memory_space<hbm>> -> memref<1x1x64xf32, #tpu.memory_space<hbm>>
        %dma_start3A_240 = tpu.memref_squeeze %dma_start3A_239 : memref<1x1x64xf32, #tpu.memory_space<hbm>> -> memref<64xf32, #tpu.memory_space<hbm>>
        %dma_start3A_241 = arith.constant 64 : i32
        %dma_start3A_242 = tpu.memref_slice %arg11[%add3A_213, %dma_start3A_241] : memref<128x128xf32, #tpu.memory_space<vmem>> -> memref<1x64xf32, #tpu.memory_space<vmem>>
        %dma_start3A_243 = tpu.memref_squeeze %dma_start3A_242 : memref<1x64xf32, #tpu.memory_space<vmem>> -> memref<64xf32, #tpu.memory_space<vmem>>
        tpu.enqueue_dma source(%dma_start3A_243 : memref<64xf32, #tpu.memory_space<vmem>>) target(%dma_start3A_240 : memref<64xf32, #tpu.memory_space<hbm>>) target_semaphore(%arg13 : memref<!tpu.dma_semaphore, #tpu.memory_space<semaphore_mem>>)
        %mul3A_244 = arith.constant 16 : i32
        %mul3A_245 = arith.muli %scan3A_62, %mul3A_244 : i32
        %add3A_246 = arith.constant 5 : i32
        %add3A_247 = arith.addi %mul3A_245, %add3A_246 : i32
        %slice3A_248 = vector.extract_strided_slice %select_n3A_74 {offsets = [5], sizes = [1], strides = [1]} : vector<16xi32> to vector<1xi32>
        %squeeze3A_249 = vector.extract %slice3A_248[0] : i32 from vector<1xi32>
        %dma_start3A_250 = arith.constant 0 : i32
        %dma_start3A_251 = arith.constant 0 : i32
        %dma_start3A_252 = tpu.memref_slice %arg11[%add3A_247, %dma_start3A_251] : memref<128x128xf32, #tpu.memory_space<vmem>> -> memref<1x64xf32, #tpu.memory_space<vmem>>
        %dma_start3A_253 = tpu.memref_squeeze %dma_start3A_252 : memref<1x64xf32, #tpu.memory_space<vmem>> -> memref<64xf32, #tpu.memory_space<vmem>>
        %dma_start3A_254 = arith.constant 0 : i32
        %dma_start3A_255 = tpu.memref_slice %arg7[%dma_start3A_250, %squeeze3A_249, %dma_start3A_254] : memref<2x100000x64xf32, #tpu.memory_space<hbm>> -> memref<1x1x64xf32, #tpu.memory_space<hbm>>
        %dma_start3A_256 = tpu.memref_squeeze %dma_start3A_255 : memref<1x1x64xf32, #tpu.memory_space<hbm>> -> memref<64xf32, #tpu.memory_space<hbm>>
        %dma_start3A_257 = arith.constant 0 : i32
        %dma_start3A_258 = tpu.memref_slice %arg7[%dma_start3A_250, %squeeze3A_249, %dma_start3A_257] : memref<2x100000x64xf32, #tpu.memory_space<hbm>> -> memref<1x1x64xf32, #tpu.memory_space<hbm>>
        %dma_start3A_259 = tpu.memref_squeeze %dma_start3A_258 : memref<1x1x64xf32, #tpu.memory_space<hbm>> -> memref<64xf32, #tpu.memory_space<hbm>>
        %dma_start3A_260 = arith.constant 0 : i32
        %dma_start3A_261 = tpu.memref_slice %arg11[%add3A_247, %dma_start3A_260] : memref<128x128xf32, #tpu.memory_space<vmem>> -> memref<1x64xf32, #tpu.memory_space<vmem>>
        %dma_start3A_262 = tpu.memref_squeeze %dma_start3A_261 : memref<1x64xf32, #tpu.memory_space<vmem>> -> memref<64xf32, #tpu.memory_space<vmem>>
        tpu.enqueue_dma source(%dma_start3A_262 : memref<64xf32, #tpu.memory_space<vmem>>) target(%dma_start3A_259 : memref<64xf32, #tpu.memory_space<hbm>>) target_semaphore(%arg13 : memref<!tpu.dma_semaphore, #tpu.memory_space<semaphore_mem>>)
        %slice3A_263 = vector.extract_strided_slice %select_n3A_74 {offsets = [5], sizes = [1], strides = [1]} : vector<16xi32> to vector<1xi32>
        %squeeze3A_264 = vector.extract %slice3A_263[0] : i32 from vector<1xi32>
        %dma_start3A_265 = arith.constant 1 : i32
        %dma_start3A_266 = arith.constant 64 : i32
        %dma_start3A_267 = tpu.memref_slice %arg11[%add3A_247, %dma_start3A_266] : memref<128x128xf32, #tpu.memory_space<vmem>> -> memref<1x64xf32, #tpu.memory_space<vmem>>
        %dma_start3A_268 = tpu.memref_squeeze %dma_start3A_267 : memref<1x64xf32, #tpu.memory_space<vmem>> -> memref<64xf32, #tpu.memory_space<vmem>>
        %dma_start3A_269 = arith.constant 0 : i32
        %dma_start3A_270 = tpu.memref_slice %arg7[%dma_start3A_265, %squeeze3A_264, %dma_start3A_269] : memref<2x100000x64xf32, #tpu.memory_space<hbm>> -> memref<1x1x64xf32, #tpu.memory_space<hbm>>
        %dma_start3A_271 = tpu.memref_squeeze %dma_start3A_270 : memref<1x1x64xf32, #tpu.memory_space<hbm>> -> memref<64xf32, #tpu.memory_space<hbm>>
        %dma_start3A_272 = arith.constant 0 : i32
        %dma_start3A_273 = tpu.memref_slice %arg7[%dma_start3A_265, %squeeze3A_264, %dma_start3A_272] : memref<2x100000x64xf32, #tpu.memory_space<hbm>> -> memref<1x1x64xf32, #tpu.memory_space<hbm>>
        %dma_start3A_274 = tpu.memref_squeeze %dma_start3A_273 : memref<1x1x64xf32, #tpu.memory_space<hbm>> -> memref<64xf32, #tpu.memory_space<hbm>>
        %dma_start3A_275 = arith.constant 64 : i32
        %dma_start3A_276 = tpu.memref_slice %arg11[%add3A_247, %dma_start3A_275] : memref<128x128xf32, #tpu.memory_space<vmem>> -> memref<1x64xf32, #tpu.memory_space<vmem>>
        %dma_start3A_277 = tpu.memref_squeeze %dma_start3A_276 : memref<1x64xf32, #tpu.memory_space<vmem>> -> memref<64xf32, #tpu.memory_space<vmem>>
        tpu.enqueue_dma source(%dma_start3A_277 : memref<64xf32, #tpu.memory_space<vmem>>) target(%dma_start3A_274 : memref<64xf32, #tpu.memory_space<hbm>>) target_semaphore(%arg13 : memref<!tpu.dma_semaphore, #tpu.memory_space<semaphore_mem>>)
        %mul3A_278 = arith.constant 16 : i32
        %mul3A_279 = arith.muli %scan3A_62, %mul3A_278 : i32
        %add3A_280 = arith.constant 6 : i32
        %add3A_281 = arith.addi %mul3A_279, %add3A_280 : i32
        %slice3A_282 = vector.extract_strided_slice %select_n3A_74 {offsets = [6], sizes = [1], strides = [1]} : vector<16xi32> to vector<1xi32>
        %squeeze3A_283 = vector.extract %slice3A_282[0] : i32 from vector<1xi32>
        %dma_start3A_284 = arith.constant 0 : i32
        %dma_start3A_285 = arith.constant 0 : i32
        %dma_start3A_286 = tpu.memref_slice %arg11[%add3A_281, %dma_start3A_285] : memref<128x128xf32, #tpu.memory_space<vmem>> -> memref<1x64xf32, #tpu.memory_space<vmem>>
        %dma_start3A_287 = tpu.memref_squeeze %dma_start3A_286 : memref<1x64xf32, #tpu.memory_space<vmem>> -> memref<64xf32, #tpu.memory_space<vmem>>
        %dma_start3A_288 = arith.constant 0 : i32
        %dma_start3A_289 = tpu.memref_slice %arg7[%dma_start3A_284, %squeeze3A_283, %dma_start3A_288] : memref<2x100000x64xf32, #tpu.memory_space<hbm>> -> memref<1x1x64xf32, #tpu.memory_space<hbm>>
        %dma_start3A_290 = tpu.memref_squeeze %dma_start3A_289 : memref<1x1x64xf32, #tpu.memory_space<hbm>> -> memref<64xf32, #tpu.memory_space<hbm>>
        %dma_start3A_291 = arith.constant 0 : i32
        %dma_start3A_292 = tpu.memref_slice %arg7[%dma_start3A_284, %squeeze3A_283, %dma_start3A_291] : memref<2x100000x64xf32, #tpu.memory_space<hbm>> -> memref<1x1x64xf32, #tpu.memory_space<hbm>>
        %dma_start3A_293 = tpu.memref_squeeze %dma_start3A_292 : memref<1x1x64xf32, #tpu.memory_space<hbm>> -> memref<64xf32, #tpu.memory_space<hbm>>
        %dma_start3A_294 = arith.constant 0 : i32
        %dma_start3A_295 = tpu.memref_slice %arg11[%add3A_281, %dma_start3A_294] : memref<128x128xf32, #tpu.memory_space<vmem>> -> memref<1x64xf32, #tpu.memory_space<vmem>>
        %dma_start3A_296 = tpu.memref_squeeze %dma_start3A_295 : memref<1x64xf32, #tpu.memory_space<vmem>> -> memref<64xf32, #tpu.memory_space<vmem>>
        tpu.enqueue_dma source(%dma_start3A_296 : memref<64xf32, #tpu.memory_space<vmem>>) target(%dma_start3A_293 : memref<64xf32, #tpu.memory_space<hbm>>) target_semaphore(%arg13 : memref<!tpu.dma_semaphore, #tpu.memory_space<semaphore_mem>>)
        %slice3A_297 = vector.extract_strided_slice %select_n3A_74 {offsets = [6], sizes = [1], strides = [1]} : vector<16xi32> to vector<1xi32>
        %squeeze3A_298 = vector.extract %slice3A_297[0] : i32 from vector<1xi32>
        %dma_start3A_299 = arith.constant 1 : i32
        %dma_start3A_300 = arith.constant 64 : i32
        %dma_start3A_301 = tpu.memref_slice %arg11[%add3A_281, %dma_start3A_300] : memref<128x128xf32, #tpu.memory_space<vmem>> -> memref<1x64xf32, #tpu.memory_space<vmem>>
        %dma_start3A_302 = tpu.memref_squeeze %dma_start3A_301 : memref<1x64xf32, #tpu.memory_space<vmem>> -> memref<64xf32, #tpu.memory_space<vmem>>
        %dma_start3A_303 = arith.constant 0 : i32
        %dma_start3A_304 = tpu.memref_slice %arg7[%dma_start3A_299, %squeeze3A_298, %dma_start3A_303] : memref<2x100000x64xf32, #tpu.memory_space<hbm>> -> memref<1x1x64xf32, #tpu.memory_space<hbm>>
        %dma_start3A_305 = tpu.memref_squeeze %dma_start3A_304 : memref<1x1x64xf32, #tpu.memory_space<hbm>> -> memref<64xf32, #tpu.memory_space<hbm>>
        %dma_start3A_306 = arith.constant 0 : i32
        %dma_start3A_307 = tpu.memref_slice %arg7[%dma_start3A_299, %squeeze3A_298, %dma_start3A_306] : memref<2x100000x64xf32, #tpu.memory_space<hbm>> -> memref<1x1x64xf32, #tpu.memory_space<hbm>>
        %dma_start3A_308 = tpu.memref_squeeze %dma_start3A_307 : memref<1x1x64xf32, #tpu.memory_space<hbm>> -> memref<64xf32, #tpu.memory_space<hbm>>
        %dma_start3A_309 = arith.constant 64 : i32
        %dma_start3A_310 = tpu.memref_slice %arg11[%add3A_281, %dma_start3A_309] : memref<128x128xf32, #tpu.memory_space<vmem>> -> memref<1x64xf32, #tpu.memory_space<vmem>>
        %dma_start3A_311 = tpu.memref_squeeze %dma_start3A_310 : memref<1x64xf32, #tpu.memory_space<vmem>> -> memref<64xf32, #tpu.memory_space<vmem>>
        tpu.enqueue_dma source(%dma_start3A_311 : memref<64xf32, #tpu.memory_space<vmem>>) target(%dma_start3A_308 : memref<64xf32, #tpu.memory_space<hbm>>) target_semaphore(%arg13 : memref<!tpu.dma_semaphore, #tpu.memory_space<semaphore_mem>>)
        %mul3A_312 = arith.constant 16 : i32
        %mul3A_313 = arith.muli %scan3A_62, %mul3A_312 : i32
        %add3A_314 = arith.constant 7 : i32
        %add3A_315 = arith.addi %mul3A_313, %add3A_314 : i32
        %slice3A_316 = vector.extract_strided_slice %select_n3A_74 {offsets = [7], sizes = [1], strides = [1]} : vector<16xi32> to vector<1xi32>
        %squeeze3A_317 = vector.extract %slice3A_316[0] : i32 from vector<1xi32>
        %dma_start3A_318 = arith.constant 0 : i32
        %dma_start3A_319 = arith.constant 0 : i32
        %dma_start3A_320 = tpu.memref_slice %arg11[%add3A_315, %dma_start3A_319] : memref<128x128xf32, #tpu.memory_space<vmem>> -> memref<1x64xf32, #tpu.memory_space<vmem>>
        %dma_start3A_321 = tpu.memref_squeeze %dma_start3A_320 : memref<1x64xf32, #tpu.memory_space<vmem>> -> memref<64xf32, #tpu.memory_space<vmem>>
        %dma_start3A_322 = arith.constant 0 : i32
        %dma_start3A_323 = tpu.memref_slice %arg7[%dma_start3A_318, %squeeze3A_317, %dma_start3A_322] : memref<2x100000x64xf32, #tpu.memory_space<hbm>> -> memref<1x1x64xf32, #tpu.memory_space<hbm>>
        %dma_start3A_324 = tpu.memref_squeeze %dma_start3A_323 : memref<1x1x64xf32, #tpu.memory_space<hbm>> -> memref<64xf32, #tpu.memory_space<hbm>>
        %dma_start3A_325 = arith.constant 0 : i32
        %dma_start3A_326 = tpu.memref_slice %arg7[%dma_start3A_318, %squeeze3A_317, %dma_start3A_325] : memref<2x100000x64xf32, #tpu.memory_space<hbm>> -> memref<1x1x64xf32, #tpu.memory_space<hbm>>
        %dma_start3A_327 = tpu.memref_squeeze %dma_start3A_326 : memref<1x1x64xf32, #tpu.memory_space<hbm>> -> memref<64xf32, #tpu.memory_space<hbm>>
        %dma_start3A_328 = arith.constant 0 : i32
        %dma_start3A_329 = tpu.memref_slice %arg11[%add3A_315, %dma_start3A_328] : memref<128x128xf32, #tpu.memory_space<vmem>> -> memref<1x64xf32, #tpu.memory_space<vmem>>
        %dma_start3A_330 = tpu.memref_squeeze %dma_start3A_329 : memref<1x64xf32, #tpu.memory_space<vmem>> -> memref<64xf32, #tpu.memory_space<vmem>>
        tpu.enqueue_dma source(%dma_start3A_330 : memref<64xf32, #tpu.memory_space<vmem>>) target(%dma_start3A_327 : memref<64xf32, #tpu.memory_space<hbm>>) target_semaphore(%arg13 : memref<!tpu.dma_semaphore, #tpu.memory_space<semaphore_mem>>)
        %slice3A_331 = vector.extract_strided_slice %select_n3A_74 {offsets = [7], sizes = [1], strides = [1]} : vector<16xi32> to vector<1xi32>
        %squeeze3A_332 = vector.extract %slice3A_331[0] : i32 from vector<1xi32>
        %dma_start3A_333 = arith.constant 1 : i32
        %dma_start3A_334 = arith.constant 64 : i32
        %dma_start3A_335 = tpu.memref_slice %arg11[%add3A_315, %dma_start3A_334] : memref<128x128xf32, #tpu.memory_space<vmem>> -> memref<1x64xf32, #tpu.memory_space<vmem>>
        %dma_start3A_336 = tpu.memref_squeeze %dma_start3A_335 : memref<1x64xf32, #tpu.memory_space<vmem>> -> memref<64xf32, #tpu.memory_space<vmem>>
        %dma_start3A_337 = arith.constant 0 : i32
        %dma_start3A_338 = tpu.memref_slice %arg7[%dma_start3A_333, %squeeze3A_332, %dma_start3A_337] : memref<2x100000x64xf32, #tpu.memory_space<hbm>> -> memref<1x1x64xf32, #tpu.memory_space<hbm>>
        %dma_start3A_339 = tpu.memref_squeeze %dma_start3A_338 : memref<1x1x64xf32, #tpu.memory_space<hbm>> -> memref<64xf32, #tpu.memory_space<hbm>>
        %dma_start3A_340 = arith.constant 0 : i32
        %dma_start3A_341 = tpu.memref_slice %arg7[%dma_start3A_333, %squeeze3A_332, %dma_start3A_340] : memref<2x100000x64xf32, #tpu.memory_space<hbm>> -> memref<1x1x64xf32, #tpu.memory_space<hbm>>
        %dma_start3A_342 = tpu.memref_squeeze %dma_start3A_341 : memref<1x1x64xf32, #tpu.memory_space<hbm>> -> memref<64xf32, #tpu.memory_space<hbm>>
        %dma_start3A_343 = arith.constant 64 : i32
        %dma_start3A_344 = tpu.memref_slice %arg11[%add3A_315, %dma_start3A_343] : memref<128x128xf32, #tpu.memory_space<vmem>> -> memref<1x64xf32, #tpu.memory_space<vmem>>
        %dma_start3A_345 = tpu.memref_squeeze %dma_start3A_344 : memref<1x64xf32, #tpu.memory_space<vmem>> -> memref<64xf32, #tpu.memory_space<vmem>>
        tpu.enqueue_dma source(%dma_start3A_345 : memref<64xf32, #tpu.memory_space<vmem>>) target(%dma_start3A_342 : memref<64xf32, #tpu.memory_space<hbm>>) target_semaphore(%arg13 : memref<!tpu.dma_semaphore, #tpu.memory_space<semaphore_mem>>)
        %mul3A_346 = arith.constant 16 : i32
        %mul3A_347 = arith.muli %scan3A_62, %mul3A_346 : i32
        %add3A_348 = arith.constant 8 : i32
        %add3A_349 = arith.addi %mul3A_347, %add3A_348 : i32
        %slice3A_350 = vector.extract_strided_slice %select_n3A_74 {offsets = [8], sizes = [1], strides = [1]} : vector<16xi32> to vector<1xi32>
        %squeeze3A_351 = vector.extract %slice3A_350[0] : i32 from vector<1xi32>
        %dma_start3A_352 = arith.constant 0 : i32
        %dma_start3A_353 = arith.constant 0 : i32
        %dma_start3A_354 = tpu.memref_slice %arg11[%add3A_349, %dma_start3A_353] : memref<128x128xf32, #tpu.memory_space<vmem>> -> memref<1x64xf32, #tpu.memory_space<vmem>>
        %dma_start3A_355 = tpu.memref_squeeze %dma_start3A_354 : memref<1x64xf32, #tpu.memory_space<vmem>> -> memref<64xf32, #tpu.memory_space<vmem>>
        %dma_start3A_356 = arith.constant 0 : i32
        %dma_start3A_357 = tpu.memref_slice %arg7[%dma_start3A_352, %squeeze3A_351, %dma_start3A_356] : memref<2x100000x64xf32, #tpu.memory_space<hbm>> -> memref<1x1x64xf32, #tpu.memory_space<hbm>>
        %dma_start3A_358 = tpu.memref_squeeze %dma_start3A_357 : memref<1x1x64xf32, #tpu.memory_space<hbm>> -> memref<64xf32, #tpu.memory_space<hbm>>
        %dma_start3A_359 = arith.constant 0 : i32
        %dma_start3A_360 = tpu.memref_slice %arg7[%dma_start3A_352, %squeeze3A_351, %dma_start3A_359] : memref<2x100000x64xf32, #tpu.memory_space<hbm>> -> memref<1x1x64xf32, #tpu.memory_space<hbm>>
        %dma_start3A_361 = tpu.memref_squeeze %dma_start3A_360 : memref<1x1x64xf32, #tpu.memory_space<hbm>> -> memref<64xf32, #tpu.memory_space<hbm>>
        %dma_start3A_362 = arith.constant 0 : i32
        %dma_start3A_363 = tpu.memref_slice %arg11[%add3A_349, %dma_start3A_362] : memref<128x128xf32, #tpu.memory_space<vmem>> -> memref<1x64xf32, #tpu.memory_space<vmem>>
        %dma_start3A_364 = tpu.memref_squeeze %dma_start3A_363 : memref<1x64xf32, #tpu.memory_space<vmem>> -> memref<64xf32, #tpu.memory_space<vmem>>
        tpu.enqueue_dma source(%dma_start3A_364 : memref<64xf32, #tpu.memory_space<vmem>>) target(%dma_start3A_361 : memref<64xf32, #tpu.memory_space<hbm>>) target_semaphore(%arg13 : memref<!tpu.dma_semaphore, #tpu.memory_space<semaphore_mem>>)
        %slice3A_365 = vector.extract_strided_slice %select_n3A_74 {offsets = [8], sizes = [1], strides = [1]} : vector<16xi32> to vector<1xi32>
        %squeeze3A_366 = vector.extract %slice3A_365[0] : i32 from vector<1xi32>
        %dma_start3A_367 = arith.constant 1 : i32
        %dma_start3A_368 = arith.constant 64 : i32
        %dma_start3A_369 = tpu.memref_slice %arg11[%add3A_349, %dma_start3A_368] : memref<128x128xf32, #tpu.memory_space<vmem>> -> memref<1x64xf32, #tpu.memory_space<vmem>>
        %dma_start3A_370 = tpu.memref_squeeze %dma_start3A_369 : memref<1x64xf32, #tpu.memory_space<vmem>> -> memref<64xf32, #tpu.memory_space<vmem>>
        %dma_start3A_371 = arith.constant 0 : i32
        %dma_start3A_372 = tpu.memref_slice %arg7[%dma_start3A_367, %squeeze3A_366, %dma_start3A_371] : memref<2x100000x64xf32, #tpu.memory_space<hbm>> -> memref<1x1x64xf32, #tpu.memory_space<hbm>>
        %dma_start3A_373 = tpu.memref_squeeze %dma_start3A_372 : memref<1x1x64xf32, #tpu.memory_space<hbm>> -> memref<64xf32, #tpu.memory_space<hbm>>
        %dma_start3A_374 = arith.constant 0 : i32
        %dma_start3A_375 = tpu.memref_slice %arg7[%dma_start3A_367, %squeeze3A_366, %dma_start3A_374] : memref<2x100000x64xf32, #tpu.memory_space<hbm>> -> memref<1x1x64xf32, #tpu.memory_space<hbm>>
        %dma_start3A_376 = tpu.memref_squeeze %dma_start3A_375 : memref<1x1x64xf32, #tpu.memory_space<hbm>> -> memref<64xf32, #tpu.memory_space<hbm>>
        %dma_start3A_377 = arith.constant 64 : i32
        %dma_start3A_378 = tpu.memref_slice %arg11[%add3A_349, %dma_start3A_377] : memref<128x128xf32, #tpu.memory_space<vmem>> -> memref<1x64xf32, #tpu.memory_space<vmem>>
        %dma_start3A_379 = tpu.memref_squeeze %dma_start3A_378 : memref<1x64xf32, #tpu.memory_space<vmem>> -> memref<64xf32, #tpu.memory_space<vmem>>
        tpu.enqueue_dma source(%dma_start3A_379 : memref<64xf32, #tpu.memory_space<vmem>>) target(%dma_start3A_376 : memref<64xf32, #tpu.memory_space<hbm>>) target_semaphore(%arg13 : memref<!tpu.dma_semaphore, #tpu.memory_space<semaphore_mem>>)
        %mul3A_380 = arith.constant 16 : i32
        %mul3A_381 = arith.muli %scan3A_62, %mul3A_380 : i32
        %add3A_382 = arith.constant 9 : i32
        %add3A_383 = arith.addi %mul3A_381, %add3A_382 : i32
        %slice3A_384 = vector.extract_strided_slice %select_n3A_74 {offsets = [9], sizes = [1], strides = [1]} : vector<16xi32> to vector<1xi32>
        %squeeze3A_385 = vector.extract %slice3A_384[0] : i32 from vector<1xi32>
        %dma_start3A_386 = arith.constant 0 : i32
        %dma_start3A_387 = arith.constant 0 : i32
        %dma_start3A_388 = tpu.memref_slice %arg11[%add3A_383, %dma_start3A_387] : memref<128x128xf32, #tpu.memory_space<vmem>> -> memref<1x64xf32, #tpu.memory_space<vmem>>
        %dma_start3A_389 = tpu.memref_squeeze %dma_start3A_388 : memref<1x64xf32, #tpu.memory_space<vmem>> -> memref<64xf32, #tpu.memory_space<vmem>>
        %dma_start3A_390 = arith.constant 0 : i32
        %dma_start3A_391 = tpu.memref_slice %arg7[%dma_start3A_386, %squeeze3A_385, %dma_start3A_390] : memref<2x100000x64xf32, #tpu.memory_space<hbm>> -> memref<1x1x64xf32, #tpu.memory_space<hbm>>
        %dma_start3A_392 = tpu.memref_squeeze %dma_start3A_391 : memref<1x1x64xf32, #tpu.memory_space<hbm>> -> memref<64xf32, #tpu.memory_space<hbm>>
        %dma_start3A_393 = arith.constant 0 : i32
        %dma_start3A_394 = tpu.memref_slice %arg7[%dma_start3A_386, %squeeze3A_385, %dma_start3A_393] : memref<2x100000x64xf32, #tpu.memory_space<hbm>> -> memref<1x1x64xf32, #tpu.memory_space<hbm>>
        %dma_start3A_395 = tpu.memref_squeeze %dma_start3A_394 : memref<1x1x64xf32, #tpu.memory_space<hbm>> -> memref<64xf32, #tpu.memory_space<hbm>>
        %dma_start3A_396 = arith.constant 0 : i32
        %dma_start3A_397 = tpu.memref_slice %arg11[%add3A_383, %dma_start3A_396] : memref<128x128xf32, #tpu.memory_space<vmem>> -> memref<1x64xf32, #tpu.memory_space<vmem>>
        %dma_start3A_398 = tpu.memref_squeeze %dma_start3A_397 : memref<1x64xf32, #tpu.memory_space<vmem>> -> memref<64xf32, #tpu.memory_space<vmem>>
        tpu.enqueue_dma source(%dma_start3A_398 : memref<64xf32, #tpu.memory_space<vmem>>) target(%dma_start3A_395 : memref<64xf32, #tpu.memory_space<hbm>>) target_semaphore(%arg13 : memref<!tpu.dma_semaphore, #tpu.memory_space<semaphore_mem>>)
        %slice3A_399 = vector.extract_strided_slice %select_n3A_74 {offsets = [9], sizes = [1], strides = [1]} : vector<16xi32> to vector<1xi32>
        %squeeze3A_400 = vector.extract %slice3A_399[0] : i32 from vector<1xi32>
        %dma_start3A_401 = arith.constant 1 : i32
        %dma_start3A_402 = arith.constant 64 : i32
        %dma_start3A_403 = tpu.memref_slice %arg11[%add3A_383, %dma_start3A_402] : memref<128x128xf32, #tpu.memory_space<vmem>> -> memref<1x64xf32, #tpu.memory_space<vmem>>
        %dma_start3A_404 = tpu.memref_squeeze %dma_start3A_403 : memref<1x64xf32, #tpu.memory_space<vmem>> -> memref<64xf32, #tpu.memory_space<vmem>>
        %dma_start3A_405 = arith.constant 0 : i32
        %dma_start3A_406 = tpu.memref_slice %arg7[%dma_start3A_401, %squeeze3A_400, %dma_start3A_405] : memref<2x100000x64xf32, #tpu.memory_space<hbm>> -> memref<1x1x64xf32, #tpu.memory_space<hbm>>
        %dma_start3A_407 = tpu.memref_squeeze %dma_start3A_406 : memref<1x1x64xf32, #tpu.memory_space<hbm>> -> memref<64xf32, #tpu.memory_space<hbm>>
        %dma_start3A_408 = arith.constant 0 : i32
        %dma_start3A_409 = tpu.memref_slice %arg7[%dma_start3A_401, %squeeze3A_400, %dma_start3A_408] : memref<2x100000x64xf32, #tpu.memory_space<hbm>> -> memref<1x1x64xf32, #tpu.memory_space<hbm>>
        %dma_start3A_410 = tpu.memref_squeeze %dma_start3A_409 : memref<1x1x64xf32, #tpu.memory_space<hbm>> -> memref<64xf32, #tpu.memory_space<hbm>>
        %dma_start3A_411 = arith.constant 64 : i32
        %dma_start3A_412 = tpu.memref_slice %arg11[%add3A_383, %dma_start3A_411] : memref<128x128xf32, #tpu.memory_space<vmem>> -> memref<1x64xf32, #tpu.memory_space<vmem>>
        %dma_start3A_413 = tpu.memref_squeeze %dma_start3A_412 : memref<1x64xf32, #tpu.memory_space<vmem>> -> memref<64xf32, #tpu.memory_space<vmem>>
        tpu.enqueue_dma source(%dma_start3A_413 : memref<64xf32, #tpu.memory_space<vmem>>) target(%dma_start3A_410 : memref<64xf32, #tpu.memory_space<hbm>>) target_semaphore(%arg13 : memref<!tpu.dma_semaphore, #tpu.memory_space<semaphore_mem>>)
        %mul3A_414 = arith.constant 16 : i32
        %mul3A_415 = arith.muli %scan3A_62, %mul3A_414 : i32
        %add3A_416 = arith.constant 10 : i32
        %add3A_417 = arith.addi %mul3A_415, %add3A_416 : i32
        %slice3A_418 = vector.extract_strided_slice %select_n3A_74 {offsets = [10], sizes = [1], strides = [1]} : vector<16xi32> to vector<1xi32>
        %squeeze3A_419 = vector.extract %slice3A_418[0] : i32 from vector<1xi32>
        %dma_start3A_420 = arith.constant 0 : i32
        %dma_start3A_421 = arith.constant 0 : i32
        %dma_start3A_422 = tpu.memref_slice %arg11[%add3A_417, %dma_start3A_421] : memref<128x128xf32, #tpu.memory_space<vmem>> -> memref<1x64xf32, #tpu.memory_space<vmem>>
        %dma_start3A_423 = tpu.memref_squeeze %dma_start3A_422 : memref<1x64xf32, #tpu.memory_space<vmem>> -> memref<64xf32, #tpu.memory_space<vmem>>
        %dma_start3A_424 = arith.constant 0 : i32
        %dma_start3A_425 = tpu.memref_slice %arg7[%dma_start3A_420, %squeeze3A_419, %dma_start3A_424] : memref<2x100000x64xf32, #tpu.memory_space<hbm>> -> memref<1x1x64xf32, #tpu.memory_space<hbm>>
        %dma_start3A_426 = tpu.memref_squeeze %dma_start3A_425 : memref<1x1x64xf32, #tpu.memory_space<hbm>> -> memref<64xf32, #tpu.memory_space<hbm>>
        %dma_start3A_427 = arith.constant 0 : i32
        %dma_start3A_428 = tpu.memref_slice %arg7[%dma_start3A_420, %squeeze3A_419, %dma_start3A_427] : memref<2x100000x64xf32, #tpu.memory_space<hbm>> -> memref<1x1x64xf32, #tpu.memory_space<hbm>>
        %dma_start3A_429 = tpu.memref_squeeze %dma_start3A_428 : memref<1x1x64xf32, #tpu.memory_space<hbm>> -> memref<64xf32, #tpu.memory_space<hbm>>
        %dma_start3A_430 = arith.constant 0 : i32
        %dma_start3A_431 = tpu.memref_slice %arg11[%add3A_417, %dma_start3A_430] : memref<128x128xf32, #tpu.memory_space<vmem>> -> memref<1x64xf32, #tpu.memory_space<vmem>>
        %dma_start3A_432 = tpu.memref_squeeze %dma_start3A_431 : memref<1x64xf32, #tpu.memory_space<vmem>> -> memref<64xf32, #tpu.memory_space<vmem>>
        tpu.enqueue_dma source(%dma_start3A_432 : memref<64xf32, #tpu.memory_space<vmem>>) target(%dma_start3A_429 : memref<64xf32, #tpu.memory_space<hbm>>) target_semaphore(%arg13 : memref<!tpu.dma_semaphore, #tpu.memory_space<semaphore_mem>>)
        %slice3A_433 = vector.extract_strided_slice %select_n3A_74 {offsets = [10], sizes = [1], strides = [1]} : vector<16xi32> to vector<1xi32>
        %squeeze3A_434 = vector.extract %slice3A_433[0] : i32 from vector<1xi32>
        %dma_start3A_435 = arith.constant 1 : i32
        %dma_start3A_436 = arith.constant 64 : i32
        %dma_start3A_437 = tpu.memref_slice %arg11[%add3A_417, %dma_start3A_436] : memref<128x128xf32, #tpu.memory_space<vmem>> -> memref<1x64xf32, #tpu.memory_space<vmem>>
        %dma_start3A_438 = tpu.memref_squeeze %dma_start3A_437 : memref<1x64xf32, #tpu.memory_space<vmem>> -> memref<64xf32, #tpu.memory_space<vmem>>
        %dma_start3A_439 = arith.constant 0 : i32
        %dma_start3A_440 = tpu.memref_slice %arg7[%dma_start3A_435, %squeeze3A_434, %dma_start3A_439] : memref<2x100000x64xf32, #tpu.memory_space<hbm>> -> memref<1x1x64xf32, #tpu.memory_space<hbm>>
        %dma_start3A_441 = tpu.memref_squeeze %dma_start3A_440 : memref<1x1x64xf32, #tpu.memory_space<hbm>> -> memref<64xf32, #tpu.memory_space<hbm>>
        %dma_start3A_442 = arith.constant 0 : i32
        %dma_start3A_443 = tpu.memref_slice %arg7[%dma_start3A_435, %squeeze3A_434, %dma_start3A_442] : memref<2x100000x64xf32, #tpu.memory_space<hbm>> -> memref<1x1x64xf32, #tpu.memory_space<hbm>>
        %dma_start3A_444 = tpu.memref_squeeze %dma_start3A_443 : memref<1x1x64xf32, #tpu.memory_space<hbm>> -> memref<64xf32, #tpu.memory_space<hbm>>
        %dma_start3A_445 = arith.constant 64 : i32
        %dma_start3A_446 = tpu.memref_slice %arg11[%add3A_417, %dma_start3A_445] : memref<128x128xf32, #tpu.memory_space<vmem>> -> memref<1x64xf32, #tpu.memory_space<vmem>>
        %dma_start3A_447 = tpu.memref_squeeze %dma_start3A_446 : memref<1x64xf32, #tpu.memory_space<vmem>> -> memref<64xf32, #tpu.memory_space<vmem>>
        tpu.enqueue_dma source(%dma_start3A_447 : memref<64xf32, #tpu.memory_space<vmem>>) target(%dma_start3A_444 : memref<64xf32, #tpu.memory_space<hbm>>) target_semaphore(%arg13 : memref<!tpu.dma_semaphore, #tpu.memory_space<semaphore_mem>>)
        %mul3A_448 = arith.constant 16 : i32
        %mul3A_449 = arith.muli %scan3A_62, %mul3A_448 : i32
        %add3A_450 = arith.constant 11 : i32
        %add3A_451 = arith.addi %mul3A_449, %add3A_450 : i32
        %slice3A_452 = vector.extract_strided_slice %select_n3A_74 {offsets = [11], sizes = [1], strides = [1]} : vector<16xi32> to vector<1xi32>
        %squeeze3A_453 = vector.extract %slice3A_452[0] : i32 from vector<1xi32>
        %dma_start3A_454 = arith.constant 0 : i32
        %dma_start3A_455 = arith.constant 0 : i32
        %dma_start3A_456 = tpu.memref_slice %arg11[%add3A_451, %dma_start3A_455] : memref<128x128xf32, #tpu.memory_space<vmem>> -> memref<1x64xf32, #tpu.memory_space<vmem>>
        %dma_start3A_457 = tpu.memref_squeeze %dma_start3A_456 : memref<1x64xf32, #tpu.memory_space<vmem>> -> memref<64xf32, #tpu.memory_space<vmem>>
        %dma_start3A_458 = arith.constant 0 : i32
        %dma_start3A_459 = tpu.memref_slice %arg7[%dma_start3A_454, %squeeze3A_453, %dma_start3A_458] : memref<2x100000x64xf32, #tpu.memory_space<hbm>> -> memref<1x1x64xf32, #tpu.memory_space<hbm>>
        %dma_start3A_460 = tpu.memref_squeeze %dma_start3A_459 : memref<1x1x64xf32, #tpu.memory_space<hbm>> -> memref<64xf32, #tpu.memory_space<hbm>>
        %dma_start3A_461 = arith.constant 0 : i32
        %dma_start3A_462 = tpu.memref_slice %arg7[%dma_start3A_454, %squeeze3A_453, %dma_start3A_461] : memref<2x100000x64xf32, #tpu.memory_space<hbm>> -> memref<1x1x64xf32, #tpu.memory_space<hbm>>
        %dma_start3A_463 = tpu.memref_squeeze %dma_start3A_462 : memref<1x1x64xf32, #tpu.memory_space<hbm>> -> memref<64xf32, #tpu.memory_space<hbm>>
        %dma_start3A_464 = arith.constant 0 : i32
        %dma_start3A_465 = tpu.memref_slice %arg11[%add3A_451, %dma_start3A_464] : memref<128x128xf32, #tpu.memory_space<vmem>> -> memref<1x64xf32, #tpu.memory_space<vmem>>
        %dma_start3A_466 = tpu.memref_squeeze %dma_start3A_465 : memref<1x64xf32, #tpu.memory_space<vmem>> -> memref<64xf32, #tpu.memory_space<vmem>>
        tpu.enqueue_dma source(%dma_start3A_466 : memref<64xf32, #tpu.memory_space<vmem>>) target(%dma_start3A_463 : memref<64xf32, #tpu.memory_space<hbm>>) target_semaphore(%arg13 : memref<!tpu.dma_semaphore, #tpu.memory_space<semaphore_mem>>)
        %slice3A_467 = vector.extract_strided_slice %select_n3A_74 {offsets = [11], sizes = [1], strides = [1]} : vector<16xi32> to vector<1xi32>
        %squeeze3A_468 = vector.extract %slice3A_467[0] : i32 from vector<1xi32>
        %dma_start3A_469 = arith.constant 1 : i32
        %dma_start3A_470 = arith.constant 64 : i32
        %dma_start3A_471 = tpu.memref_slice %arg11[%add3A_451, %dma_start3A_470] : memref<128x128xf32, #tpu.memory_space<vmem>> -> memref<1x64xf32, #tpu.memory_space<vmem>>
        %dma_start3A_472 = tpu.memref_squeeze %dma_start3A_471 : memref<1x64xf32, #tpu.memory_space<vmem>> -> memref<64xf32, #tpu.memory_space<vmem>>
        %dma_start3A_473 = arith.constant 0 : i32
        %dma_start3A_474 = tpu.memref_slice %arg7[%dma_start3A_469, %squeeze3A_468, %dma_start3A_473] : memref<2x100000x64xf32, #tpu.memory_space<hbm>> -> memref<1x1x64xf32, #tpu.memory_space<hbm>>
        %dma_start3A_475 = tpu.memref_squeeze %dma_start3A_474 : memref<1x1x64xf32, #tpu.memory_space<hbm>> -> memref<64xf32, #tpu.memory_space<hbm>>
        %dma_start3A_476 = arith.constant 0 : i32
        %dma_start3A_477 = tpu.memref_slice %arg7[%dma_start3A_469, %squeeze3A_468, %dma_start3A_476] : memref<2x100000x64xf32, #tpu.memory_space<hbm>> -> memref<1x1x64xf32, #tpu.memory_space<hbm>>
        %dma_start3A_478 = tpu.memref_squeeze %dma_start3A_477 : memref<1x1x64xf32, #tpu.memory_space<hbm>> -> memref<64xf32, #tpu.memory_space<hbm>>
        %dma_start3A_479 = arith.constant 64 : i32
        %dma_start3A_480 = tpu.memref_slice %arg11[%add3A_451, %dma_start3A_479] : memref<128x128xf32, #tpu.memory_space<vmem>> -> memref<1x64xf32, #tpu.memory_space<vmem>>
        %dma_start3A_481 = tpu.memref_squeeze %dma_start3A_480 : memref<1x64xf32, #tpu.memory_space<vmem>> -> memref<64xf32, #tpu.memory_space<vmem>>
        tpu.enqueue_dma source(%dma_start3A_481 : memref<64xf32, #tpu.memory_space<vmem>>) target(%dma_start3A_478 : memref<64xf32, #tpu.memory_space<hbm>>) target_semaphore(%arg13 : memref<!tpu.dma_semaphore, #tpu.memory_space<semaphore_mem>>)
        %mul3A_482 = arith.constant 16 : i32
        %mul3A_483 = arith.muli %scan3A_62, %mul3A_482 : i32
        %add3A_484 = arith.constant 12 : i32
        %add3A_485 = arith.addi %mul3A_483, %add3A_484 : i32
        %slice3A_486 = vector.extract_strided_slice %select_n3A_74 {offsets = [12], sizes = [1], strides = [1]} : vector<16xi32> to vector<1xi32>
        %squeeze3A_487 = vector.extract %slice3A_486[0] : i32 from vector<1xi32>
        %dma_start3A_488 = arith.constant 0 : i32
        %dma_start3A_489 = arith.constant 0 : i32
        %dma_start3A_490 = tpu.memref_slice %arg11[%add3A_485, %dma_start3A_489] : memref<128x128xf32, #tpu.memory_space<vmem>> -> memref<1x64xf32, #tpu.memory_space<vmem>>
        %dma_start3A_491 = tpu.memref_squeeze %dma_start3A_490 : memref<1x64xf32, #tpu.memory_space<vmem>> -> memref<64xf32, #tpu.memory_space<vmem>>
        %dma_start3A_492 = arith.constant 0 : i32
        %dma_start3A_493 = tpu.memref_slice %arg7[%dma_start3A_488, %squeeze3A_487, %dma_start3A_492] : memref<2x100000x64xf32, #tpu.memory_space<hbm>> -> memref<1x1x64xf32, #tpu.memory_space<hbm>>
        %dma_start3A_494 = tpu.memref_squeeze %dma_start3A_493 : memref<1x1x64xf32, #tpu.memory_space<hbm>> -> memref<64xf32, #tpu.memory_space<hbm>>
        %dma_start3A_495 = arith.constant 0 : i32
        %dma_start3A_496 = tpu.memref_slice %arg7[%dma_start3A_488, %squeeze3A_487, %dma_start3A_495] : memref<2x100000x64xf32, #tpu.memory_space<hbm>> -> memref<1x1x64xf32, #tpu.memory_space<hbm>>
        %dma_start3A_497 = tpu.memref_squeeze %dma_start3A_496 : memref<1x1x64xf32, #tpu.memory_space<hbm>> -> memref<64xf32, #tpu.memory_space<hbm>>
        %dma_start3A_498 = arith.constant 0 : i32
        %dma_start3A_499 = tpu.memref_slice %arg11[%add3A_485, %dma_start3A_498] : memref<128x128xf32, #tpu.memory_space<vmem>> -> memref<1x64xf32, #tpu.memory_space<vmem>>
        %dma_start3A_500 = tpu.memref_squeeze %dma_start3A_499 : memref<1x64xf32, #tpu.memory_space<vmem>> -> memref<64xf32, #tpu.memory_space<vmem>>
        tpu.enqueue_dma source(%dma_start3A_500 : memref<64xf32, #tpu.memory_space<vmem>>) target(%dma_start3A_497 : memref<64xf32, #tpu.memory_space<hbm>>) target_semaphore(%arg13 : memref<!tpu.dma_semaphore, #tpu.memory_space<semaphore_mem>>)
        %slice3A_501 = vector.extract_strided_slice %select_n3A_74 {offsets = [12], sizes = [1], strides = [1]} : vector<16xi32> to vector<1xi32>
        %squeeze3A_502 = vector.extract %slice3A_501[0] : i32 from vector<1xi32>
        %dma_start3A_503 = arith.constant 1 : i32
        %dma_start3A_504 = arith.constant 64 : i32
        %dma_start3A_505 = tpu.memref_slice %arg11[%add3A_485, %dma_start3A_504] : memref<128x128xf32, #tpu.memory_space<vmem>> -> memref<1x64xf32, #tpu.memory_space<vmem>>
        %dma_start3A_506 = tpu.memref_squeeze %dma_start3A_505 : memref<1x64xf32, #tpu.memory_space<vmem>> -> memref<64xf32, #tpu.memory_space<vmem>>
        %dma_start3A_507 = arith.constant 0 : i32
        %dma_start3A_508 = tpu.memref_slice %arg7[%dma_start3A_503, %squeeze3A_502, %dma_start3A_507] : memref<2x100000x64xf32, #tpu.memory_space<hbm>> -> memref<1x1x64xf32, #tpu.memory_space<hbm>>
        %dma_start3A_509 = tpu.memref_squeeze %dma_start3A_508 : memref<1x1x64xf32, #tpu.memory_space<hbm>> -> memref<64xf32, #tpu.memory_space<hbm>>
        %dma_start3A_510 = arith.constant 0 : i32
        %dma_start3A_511 = tpu.memref_slice %arg7[%dma_start3A_503, %squeeze3A_502, %dma_start3A_510] : memref<2x100000x64xf32, #tpu.memory_space<hbm>> -> memref<1x1x64xf32, #tpu.memory_space<hbm>>
        %dma_start3A_512 = tpu.memref_squeeze %dma_start3A_511 : memref<1x1x64xf32, #tpu.memory_space<hbm>> -> memref<64xf32, #tpu.memory_space<hbm>>
        %dma_start3A_513 = arith.constant 64 : i32
        %dma_start3A_514 = tpu.memref_slice %arg11[%add3A_485, %dma_start3A_513] : memref<128x128xf32, #tpu.memory_space<vmem>> -> memref<1x64xf32, #tpu.memory_space<vmem>>
        %dma_start3A_515 = tpu.memref_squeeze %dma_start3A_514 : memref<1x64xf32, #tpu.memory_space<vmem>> -> memref<64xf32, #tpu.memory_space<vmem>>
        tpu.enqueue_dma source(%dma_start3A_515 : memref<64xf32, #tpu.memory_space<vmem>>) target(%dma_start3A_512 : memref<64xf32, #tpu.memory_space<hbm>>) target_semaphore(%arg13 : memref<!tpu.dma_semaphore, #tpu.memory_space<semaphore_mem>>)
        %mul3A_516 = arith.constant 16 : i32
        %mul3A_517 = arith.muli %scan3A_62, %mul3A_516 : i32
        %add3A_518 = arith.constant 13 : i32
        %add3A_519 = arith.addi %mul3A_517, %add3A_518 : i32
        %slice3A_520 = vector.extract_strided_slice %select_n3A_74 {offsets = [13], sizes = [1], strides = [1]} : vector<16xi32> to vector<1xi32>
        %squeeze3A_521 = vector.extract %slice3A_520[0] : i32 from vector<1xi32>
        %dma_start3A_522 = arith.constant 0 : i32
        %dma_start3A_523 = arith.constant 0 : i32
        %dma_start3A_524 = tpu.memref_slice %arg11[%add3A_519, %dma_start3A_523] : memref<128x128xf32, #tpu.memory_space<vmem>> -> memref<1x64xf32, #tpu.memory_space<vmem>>
        %dma_start3A_525 = tpu.memref_squeeze %dma_start3A_524 : memref<1x64xf32, #tpu.memory_space<vmem>> -> memref<64xf32, #tpu.memory_space<vmem>>
        %dma_start3A_526 = arith.constant 0 : i32
        %dma_start3A_527 = tpu.memref_slice %arg7[%dma_start3A_522, %squeeze3A_521, %dma_start3A_526] : memref<2x100000x64xf32, #tpu.memory_space<hbm>> -> memref<1x1x64xf32, #tpu.memory_space<hbm>>
        %dma_start3A_528 = tpu.memref_squeeze %dma_start3A_527 : memref<1x1x64xf32, #tpu.memory_space<hbm>> -> memref<64xf32, #tpu.memory_space<hbm>>
        %dma_start3A_529 = arith.constant 0 : i32
        %dma_start3A_530 = tpu.memref_slice %arg7[%dma_start3A_522, %squeeze3A_521, %dma_start3A_529] : memref<2x100000x64xf32, #tpu.memory_space<hbm>> -> memref<1x1x64xf32, #tpu.memory_space<hbm>>
        %dma_start3A_531 = tpu.memref_squeeze %dma_start3A_530 : memref<1x1x64xf32, #tpu.memory_space<hbm>> -> memref<64xf32, #tpu.memory_space<hbm>>
        %dma_start3A_532 = arith.constant 0 : i32
        %dma_start3A_533 = tpu.memref_slice %arg11[%add3A_519, %dma_start3A_532] : memref<128x128xf32, #tpu.memory_space<vmem>> -> memref<1x64xf32, #tpu.memory_space<vmem>>
        %dma_start3A_534 = tpu.memref_squeeze %dma_start3A_533 : memref<1x64xf32, #tpu.memory_space<vmem>> -> memref<64xf32, #tpu.memory_space<vmem>>
        tpu.enqueue_dma source(%dma_start3A_534 : memref<64xf32, #tpu.memory_space<vmem>>) target(%dma_start3A_531 : memref<64xf32, #tpu.memory_space<hbm>>) target_semaphore(%arg13 : memref<!tpu.dma_semaphore, #tpu.memory_space<semaphore_mem>>)
        %slice3A_535 = vector.extract_strided_slice %select_n3A_74 {offsets = [13], sizes = [1], strides = [1]} : vector<16xi32> to vector<1xi32>
        %squeeze3A_536 = vector.extract %slice3A_535[0] : i32 from vector<1xi32>
        %dma_start3A_537 = arith.constant 1 : i32
        %dma_start3A_538 = arith.constant 64 : i32
        %dma_start3A_539 = tpu.memref_slice %arg11[%add3A_519, %dma_start3A_538] : memref<128x128xf32, #tpu.memory_space<vmem>> -> memref<1x64xf32, #tpu.memory_space<vmem>>
        %dma_start3A_540 = tpu.memref_squeeze %dma_start3A_539 : memref<1x64xf32, #tpu.memory_space<vmem>> -> memref<64xf32, #tpu.memory_space<vmem>>
        %dma_start3A_541 = arith.constant 0 : i32
        %dma_start3A_542 = tpu.memref_slice %arg7[%dma_start3A_537, %squeeze3A_536, %dma_start3A_541] : memref<2x100000x64xf32, #tpu.memory_space<hbm>> -> memref<1x1x64xf32, #tpu.memory_space<hbm>>
        %dma_start3A_543 = tpu.memref_squeeze %dma_start3A_542 : memref<1x1x64xf32, #tpu.memory_space<hbm>> -> memref<64xf32, #tpu.memory_space<hbm>>
        %dma_start3A_544 = arith.constant 0 : i32
        %dma_start3A_545 = tpu.memref_slice %arg7[%dma_start3A_537, %squeeze3A_536, %dma_start3A_544] : memref<2x100000x64xf32, #tpu.memory_space<hbm>> -> memref<1x1x64xf32, #tpu.memory_space<hbm>>
        %dma_start3A_546 = tpu.memref_squeeze %dma_start3A_545 : memref<1x1x64xf32, #tpu.memory_space<hbm>> -> memref<64xf32, #tpu.memory_space<hbm>>
        %dma_start3A_547 = arith.constant 64 : i32
        %dma_start3A_548 = tpu.memref_slice %arg11[%add3A_519, %dma_start3A_547] : memref<128x128xf32, #tpu.memory_space<vmem>> -> memref<1x64xf32, #tpu.memory_space<vmem>>
        %dma_start3A_549 = tpu.memref_squeeze %dma_start3A_548 : memref<1x64xf32, #tpu.memory_space<vmem>> -> memref<64xf32, #tpu.memory_space<vmem>>
        tpu.enqueue_dma source(%dma_start3A_549 : memref<64xf32, #tpu.memory_space<vmem>>) target(%dma_start3A_546 : memref<64xf32, #tpu.memory_space<hbm>>) target_semaphore(%arg13 : memref<!tpu.dma_semaphore, #tpu.memory_space<semaphore_mem>>)
        %mul3A_550 = arith.constant 16 : i32
        %mul3A_551 = arith.muli %scan3A_62, %mul3A_550 : i32
        %add3A_552 = arith.constant 14 : i32
        %add3A_553 = arith.addi %mul3A_551, %add3A_552 : i32
        %slice3A_554 = vector.extract_strided_slice %select_n3A_74 {offsets = [14], sizes = [1], strides = [1]} : vector<16xi32> to vector<1xi32>
        %squeeze3A_555 = vector.extract %slice3A_554[0] : i32 from vector<1xi32>
        %dma_start3A_556 = arith.constant 0 : i32
        %dma_start3A_557 = arith.constant 0 : i32
        %dma_start3A_558 = tpu.memref_slice %arg11[%add3A_553, %dma_start3A_557] : memref<128x128xf32, #tpu.memory_space<vmem>> -> memref<1x64xf32, #tpu.memory_space<vmem>>
        %dma_start3A_559 = tpu.memref_squeeze %dma_start3A_558 : memref<1x64xf32, #tpu.memory_space<vmem>> -> memref<64xf32, #tpu.memory_space<vmem>>
        %dma_start3A_560 = arith.constant 0 : i32
        %dma_start3A_561 = tpu.memref_slice %arg7[%dma_start3A_556, %squeeze3A_555, %dma_start3A_560] : memref<2x100000x64xf32, #tpu.memory_space<hbm>> -> memref<1x1x64xf32, #tpu.memory_space<hbm>>
        %dma_start3A_562 = tpu.memref_squeeze %dma_start3A_561 : memref<1x1x64xf32, #tpu.memory_space<hbm>> -> memref<64xf32, #tpu.memory_space<hbm>>
        %dma_start3A_563 = arith.constant 0 : i32
        %dma_start3A_564 = tpu.memref_slice %arg7[%dma_start3A_556, %squeeze3A_555, %dma_start3A_563] : memref<2x100000x64xf32, #tpu.memory_space<hbm>> -> memref<1x1x64xf32, #tpu.memory_space<hbm>>
        %dma_start3A_565 = tpu.memref_squeeze %dma_start3A_564 : memref<1x1x64xf32, #tpu.memory_space<hbm>> -> memref<64xf32, #tpu.memory_space<hbm>>
        %dma_start3A_566 = arith.constant 0 : i32
        %dma_start3A_567 = tpu.memref_slice %arg11[%add3A_553, %dma_start3A_566] : memref<128x128xf32, #tpu.memory_space<vmem>> -> memref<1x64xf32, #tpu.memory_space<vmem>>
        %dma_start3A_568 = tpu.memref_squeeze %dma_start3A_567 : memref<1x64xf32, #tpu.memory_space<vmem>> -> memref<64xf32, #tpu.memory_space<vmem>>
        tpu.enqueue_dma source(%dma_start3A_568 : memref<64xf32, #tpu.memory_space<vmem>>) target(%dma_start3A_565 : memref<64xf32, #tpu.memory_space<hbm>>) target_semaphore(%arg13 : memref<!tpu.dma_semaphore, #tpu.memory_space<semaphore_mem>>)
        %slice3A_569 = vector.extract_strided_slice %select_n3A_74 {offsets = [14], sizes = [1], strides = [1]} : vector<16xi32> to vector<1xi32>
        %squeeze3A_570 = vector.extract %slice3A_569[0] : i32 from vector<1xi32>
        %dma_start3A_571 = arith.constant 1 : i32
        %dma_start3A_572 = arith.constant 64 : i32
        %dma_start3A_573 = tpu.memref_slice %arg11[%add3A_553, %dma_start3A_572] : memref<128x128xf32, #tpu.memory_space<vmem>> -> memref<1x64xf32, #tpu.memory_space<vmem>>
        %dma_start3A_574 = tpu.memref_squeeze %dma_start3A_573 : memref<1x64xf32, #tpu.memory_space<vmem>> -> memref<64xf32, #tpu.memory_space<vmem>>
        %dma_start3A_575 = arith.constant 0 : i32
        %dma_start3A_576 = tpu.memref_slice %arg7[%dma_start3A_571, %squeeze3A_570, %dma_start3A_575] : memref<2x100000x64xf32, #tpu.memory_space<hbm>> -> memref<1x1x64xf32, #tpu.memory_space<hbm>>
        %dma_start3A_577 = tpu.memref_squeeze %dma_start3A_576 : memref<1x1x64xf32, #tpu.memory_space<hbm>> -> memref<64xf32, #tpu.memory_space<hbm>>
        %dma_start3A_578 = arith.constant 0 : i32
        %dma_start3A_579 = tpu.memref_slice %arg7[%dma_start3A_571, %squeeze3A_570, %dma_start3A_578] : memref<2x100000x64xf32, #tpu.memory_space<hbm>> -> memref<1x1x64xf32, #tpu.memory_space<hbm>>
        %dma_start3A_580 = tpu.memref_squeeze %dma_start3A_579 : memref<1x1x64xf32, #tpu.memory_space<hbm>> -> memref<64xf32, #tpu.memory_space<hbm>>
        %dma_start3A_581 = arith.constant 64 : i32
        %dma_start3A_582 = tpu.memref_slice %arg11[%add3A_553, %dma_start3A_581] : memref<128x128xf32, #tpu.memory_space<vmem>> -> memref<1x64xf32, #tpu.memory_space<vmem>>
        %dma_start3A_583 = tpu.memref_squeeze %dma_start3A_582 : memref<1x64xf32, #tpu.memory_space<vmem>> -> memref<64xf32, #tpu.memory_space<vmem>>
        tpu.enqueue_dma source(%dma_start3A_583 : memref<64xf32, #tpu.memory_space<vmem>>) target(%dma_start3A_580 : memref<64xf32, #tpu.memory_space<hbm>>) target_semaphore(%arg13 : memref<!tpu.dma_semaphore, #tpu.memory_space<semaphore_mem>>)
        %mul3A_584 = arith.constant 16 : i32
        %mul3A_585 = arith.muli %scan3A_62, %mul3A_584 : i32
        %add3A_586 = arith.constant 15 : i32
        %add3A_587 = arith.addi %mul3A_585, %add3A_586 : i32
        %slice3A_588 = vector.extract_strided_slice %select_n3A_74 {offsets = [15], sizes = [1], strides = [1]} : vector<16xi32> to vector<1xi32>
        %squeeze3A_589 = vector.extract %slice3A_588[0] : i32 from vector<1xi32>
        %dma_start3A_590 = arith.constant 0 : i32
        %dma_start3A_591 = arith.constant 0 : i32
        %dma_start3A_592 = tpu.memref_slice %arg11[%add3A_587, %dma_start3A_591] : memref<128x128xf32, #tpu.memory_space<vmem>> -> memref<1x64xf32, #tpu.memory_space<vmem>>
        %dma_start3A_593 = tpu.memref_squeeze %dma_start3A_592 : memref<1x64xf32, #tpu.memory_space<vmem>> -> memref<64xf32, #tpu.memory_space<vmem>>
        %dma_start3A_594 = arith.constant 0 : i32
        %dma_start3A_595 = tpu.memref_slice %arg7[%dma_start3A_590, %squeeze3A_589, %dma_start3A_594] : memref<2x100000x64xf32, #tpu.memory_space<hbm>> -> memref<1x1x64xf32, #tpu.memory_space<hbm>>
        %dma_start3A_596 = tpu.memref_squeeze %dma_start3A_595 : memref<1x1x64xf32, #tpu.memory_space<hbm>> -> memref<64xf32, #tpu.memory_space<hbm>>
        %dma_start3A_597 = arith.constant 0 : i32
        %dma_start3A_598 = tpu.memref_slice %arg7[%dma_start3A_590, %squeeze3A_589, %dma_start3A_597] : memref<2x100000x64xf32, #tpu.memory_space<hbm>> -> memref<1x1x64xf32, #tpu.memory_space<hbm>>
        %dma_start3A_599 = tpu.memref_squeeze %dma_start3A_598 : memref<1x1x64xf32, #tpu.memory_space<hbm>> -> memref<64xf32, #tpu.memory_space<hbm>>
        %dma_start3A_600 = arith.constant 0 : i32
        %dma_start3A_601 = tpu.memref_slice %arg11[%add3A_587, %dma_start3A_600] : memref<128x128xf32, #tpu.memory_space<vmem>> -> memref<1x64xf32, #tpu.memory_space<vmem>>
        %dma_start3A_602 = tpu.memref_squeeze %dma_start3A_601 : memref<1x64xf32, #tpu.memory_space<vmem>> -> memref<64xf32, #tpu.memory_space<vmem>>
        tpu.enqueue_dma source(%dma_start3A_602 : memref<64xf32, #tpu.memory_space<vmem>>) target(%dma_start3A_599 : memref<64xf32, #tpu.memory_space<hbm>>) target_semaphore(%arg13 : memref<!tpu.dma_semaphore, #tpu.memory_space<semaphore_mem>>)
        %slice3A_603 = vector.extract_strided_slice %select_n3A_74 {offsets = [15], sizes = [1], strides = [1]} : vector<16xi32> to vector<1xi32>
        %squeeze3A_604 = vector.extract %slice3A_603[0] : i32 from vector<1xi32>
        %dma_start3A_605 = arith.constant 1 : i32
        %dma_start3A_606 = arith.constant 64 : i32
        %dma_start3A_607 = tpu.memref_slice %arg11[%add3A_587, %dma_start3A_606] : memref<128x128xf32, #tpu.memory_space<vmem>> -> memref<1x64xf32, #tpu.memory_space<vmem>>
        %dma_start3A_608 = tpu.memref_squeeze %dma_start3A_607 : memref<1x64xf32, #tpu.memory_space<vmem>> -> memref<64xf32, #tpu.memory_space<vmem>>
        %dma_start3A_609 = arith.constant 0 : i32
        %dma_start3A_610 = tpu.memref_slice %arg7[%dma_start3A_605, %squeeze3A_604, %dma_start3A_609] : memref<2x100000x64xf32, #tpu.memory_space<hbm>> -> memref<1x1x64xf32, #tpu.memory_space<hbm>>
        %dma_start3A_611 = tpu.memref_squeeze %dma_start3A_610 : memref<1x1x64xf32, #tpu.memory_space<hbm>> -> memref<64xf32, #tpu.memory_space<hbm>>
        %dma_start3A_612 = arith.constant 0 : i32
        %dma_start3A_613 = tpu.memref_slice %arg7[%dma_start3A_605, %squeeze3A_604, %dma_start3A_612] : memref<2x100000x64xf32, #tpu.memory_space<hbm>> -> memref<1x1x64xf32, #tpu.memory_space<hbm>>
        %dma_start3A_614 = tpu.memref_squeeze %dma_start3A_613 : memref<1x1x64xf32, #tpu.memory_space<hbm>> -> memref<64xf32, #tpu.memory_space<hbm>>
        %dma_start3A_615 = arith.constant 64 : i32
        %dma_start3A_616 = tpu.memref_slice %arg11[%add3A_587, %dma_start3A_615] : memref<128x128xf32, #tpu.memory_space<vmem>> -> memref<1x64xf32, #tpu.memory_space<vmem>>
        %dma_start3A_617 = tpu.memref_squeeze %dma_start3A_616 : memref<1x64xf32, #tpu.memory_space<vmem>> -> memref<64xf32, #tpu.memory_space<vmem>>
        tpu.enqueue_dma source(%dma_start3A_617 : memref<64xf32, #tpu.memory_space<vmem>>) target(%dma_start3A_614 : memref<64xf32, #tpu.memory_space<hbm>>) target_semaphore(%arg13 : memref<!tpu.dma_semaphore, #tpu.memory_space<semaphore_mem>>)
      }
      %scan3A_55 = arith.constant 8 : i32
      %dma_wait3A_56 = arith.constant 0 : i32
      %dma_wait3A_57 = arith.constant 0 : i32
      %dma_wait3A_58 = tpu.memref_slice %arg2[%dma_wait3A_56, %dma_wait3A_57] : memref<16384x128xf32, #tpu.memory_space<hbm>> -> memref<128x128xf32, #tpu.memory_space<hbm>>
      %dma_wait3A_59 = arith.constant 0 : i32
      %dma_wait3A_60 = arith.constant 0 : i32
      %dma_wait3A_61 = tpu.memref_slice %arg2[%dma_wait3A_59, %dma_wait3A_60] : memref<16384x128xf32, #tpu.memory_space<hbm>> -> memref<128x128xf32, #tpu.memory_space<hbm>>
      tpu.wait_dma2 semaphore(%arg13 : memref<!tpu.dma_semaphore, #tpu.memory_space<semaphore_mem>>) src(%dma_wait3A_61 : memref<128x128xf32, #tpu.memory_space<hbm>>) dst(%arg11 : memref<128x128xf32, #tpu.memory_space<vmem>>)
    }
    %while3A_36 = arith.constant 1 : i32
    scf.for %while3A_37 = %while3A_34 to %while3A_30 step %while3A_36  : i32 {
      %mul3A_38 = arith.constant 128 : i32
      %mul3A_39 = arith.muli %while3A_37, %mul3A_38 : i32
      %scan3A = arith.constant 0 : i32
      %scan3A_40 = arith.constant 0 : i32
      %scan3A_41 = arith.constant 8 : i32
      %scan3A_42 = arith.addi %scan3A_40, %scan3A_41 : i32
      %scan3A_43 = arith.constant 1 : i32
      scf.for %scan3A_62 = %scan3A_40 to %scan3A_42 step %scan3A_43  : i32 {
        %mul3A_63 = arith.constant 16 : i32
        %mul3A_64 = arith.muli %scan3A_62, %mul3A_63 : i32
        %add3A_65 = arith.addi %mul3A_39, %mul3A_64 : i32
        %add3A_66 = vector.broadcast %add3A_65 : i32 to vector<16xi32>
        %add3A_67 = arith.addi %add3A_66, %iota3A : vector<16xi32>
        %lt3A = vector.broadcast %squeeze3A : i32 to vector<16xi32>
        %lt3A_68 = arith.cmpi slt, %add3A_67, %lt3A : vector<16xi32>
        %mul3A_69 = arith.constant 16 : i32
        %mul3A_70 = arith.muli %scan3A_62, %mul3A_69 : i32
        %add3A_71 = arith.addi %mul3A_39, %mul3A_70 : i32
        %get3A_72 = arith.index_cast %add3A_71 : i32 to index
        %get3A_73 = tpu.vector_load %arg9[%get3A_72] {strides = array<i32>} : memref<3216xi32, #tpu.memory_space<vmem>>, vector<16xi32>,
        %broadcast_in_dim3A = vector.broadcast %squeeze3A_9 : i32 to vector<16xi32>
        %select_n3A_74 = arith.select %lt3A_68, %get3A_73, %broadcast_in_dim3A : vector<16xi1>, vector<16xi32>
        %slice3A_75 = vector.extract_strided_slice %select_n3A_74 {offsets = [0], sizes = [1], strides = [1]} : vector<16xi32> to vector<1xi32>
        %squeeze3A_76 = vector.extract %slice3A_75[0] : i32 from vector<1xi32>
        %mul3A_77 = arith.constant 16 : i32
        %mul3A_78 = arith.muli %scan3A_62, %mul3A_77 : i32
        %add3A_79 = arith.constant 0 : i32
        %add3A_80 = arith.addi %mul3A_78, %add3A_79 : i32
        %dma_start3A = arith.constant 0 : i32
        %dma_start3A_81 = tpu.memref_slice %arg11[%add3A_80, %dma_start3A] : memref<128x128xf32, #tpu.memory_space<vmem>> -> memref<1x128xf32, #tpu.memory_space<vmem>>
        %dma_start3A_82 = tpu.memref_squeeze %dma_start3A_81 : memref<1x128xf32, #tpu.memory_space<vmem>> -> memref<128xf32, #tpu.memory_space<vmem>>
        %dma_start3A_83 = arith.constant 0 : i32
        %dma_start3A_84 = tpu.memref_slice %arg2[%squeeze3A_76, %dma_start3A_83] : memref<16384x128xf32, #tpu.memory_space<hbm>> -> memref<1x128xf32, #tpu.memory_space<hbm>>
        %dma_start3A_85 = tpu.memref_squeeze %dma_start3A_84 : memref<1x128xf32, #tpu.memory_space<hbm>> -> memref<128xf32, #tpu.memory_space<hbm>>
        %dma_start3A_86 = arith.constant 0 : i32
        %dma_start3A_87 = tpu.memref_slice %arg11[%add3A_80, %dma_start3A_86] : memref<128x128xf32, #tpu.memory_space<vmem>> -> memref<1x128xf32, #tpu.memory_space<vmem>>
        %dma_start3A_88 = tpu.memref_squeeze %dma_start3A_87 : memref<1x128xf32, #tpu.memory_space<vmem>> -> memref<128xf32, #tpu.memory_space<vmem>>
        %dma_start3A_89 = arith.constant 0 : i32
        %dma_start3A_90 = tpu.memref_slice %arg2[%squeeze3A_76, %dma_start3A_89] : memref<16384x128xf32, #tpu.memory_space<hbm>> -> memref<1x128xf32, #tpu.memory_space<hbm>>
        %dma_start3A_91 = tpu.memref_squeeze %dma_start3A_90 : memref<1x128xf32, #tpu.memory_space<hbm>> -> memref<128xf32, #tpu.memory_space<hbm>>
        tpu.enqueue_dma source(%dma_start3A_91 : memref<128xf32, #tpu.memory_space<hbm>>) target(%dma_start3A_88 : memref<128xf32, #tpu.memory_space<vmem>>) target_semaphore(%arg12 : memref<!tpu.dma_semaphore, #tpu.memory_space<semaphore_mem>>)
        %slice3A_92 = vector.extract_strided_slice %select_n3A_74 {offsets = [1], sizes = [1], strides = [1]} : vector<16xi32> to vector<1xi32>
        %squeeze3A_93 = vector.extract %slice3A_92[0] : i32 from vector<1xi32>
        %mul3A_94 = arith.constant 16 : i32
        %mul3A_95 = arith.muli %scan3A_62, %mul3A_94 : i32
        %add3A_96 = arith.constant 1 : i32
        %add3A_97 = arith.addi %mul3A_95, %add3A_96 : i32
        %dma_start3A_98 = arith.constant 0 : i32
        %dma_start3A_99 = tpu.memref_slice %arg11[%add3A_97, %dma_start3A_98] : memref<128x128xf32, #tpu.memory_space<vmem>> -> memref<1x128xf32, #tpu.memory_space<vmem>>
        %dma_start3A_100 = tpu.memref_squeeze %dma_start3A_99 : memref<1x128xf32, #tpu.memory_space<vmem>> -> memref<128xf32, #tpu.memory_space<vmem>>
        %dma_start3A_101 = arith.constant 0 : i32
        %dma_start3A_102 = tpu.memref_slice %arg2[%squeeze3A_93, %dma_start3A_101] : memref<16384x128xf32, #tpu.memory_space<hbm>> -> memref<1x128xf32, #tpu.memory_space<hbm>>
        %dma_start3A_103 = tpu.memref_squeeze %dma_start3A_102 : memref<1x128xf32, #tpu.memory_space<hbm>> -> memref<128xf32, #tpu.memory_space<hbm>>
        %dma_start3A_104 = arith.constant 0 : i32
        %dma_start3A_105 = tpu.memref_slice %arg11[%add3A_97, %dma_start3A_104] : memref<128x128xf32, #tpu.memory_space<vmem>> -> memref<1x128xf32, #tpu.memory_space<vmem>>
        %dma_start3A_106 = tpu.memref_squeeze %dma_start3A_105 : memref<1x128xf32, #tpu.memory_space<vmem>> -> memref<128xf32, #tpu.memory_space<vmem>>
        %dma_start3A_107 = arith.constant 0 : i32
        %dma_start3A_108 = tpu.memref_slice %arg2[%squeeze3A_93, %dma_start3A_107] : memref<16384x128xf32, #tpu.memory_space<hbm>> -> memref<1x128xf32, #tpu.memory_space<hbm>>
        %dma_start3A_109 = tpu.memref_squeeze %dma_start3A_108 : memref<1x128xf32, #tpu.memory_space<hbm>> -> memref<128xf32, #tpu.memory_space<hbm>>
        tpu.enqueue_dma source(%dma_start3A_109 : memref<128xf32, #tpu.memory_space<hbm>>) target(%dma_start3A_106 : memref<128xf32, #tpu.memory_space<vmem>>) target_semaphore(%arg12 : memref<!tpu.dma_semaphore, #tpu.memory_space<semaphore_mem>>)
        %slice3A_110 = vector.extract_strided_slice %select_n3A_74 {offsets = [2], sizes = [1], strides = [1]} : vector<16xi32> to vector<1xi32>
        %squeeze3A_111 = vector.extract %slice3A_110[0] : i32 from vector<1xi32>
        %mul3A_112 = arith.constant 16 : i32
        %mul3A_113 = arith.muli %scan3A_62, %mul3A_112 : i32
        %add3A_114 = arith.constant 2 : i32
        %add3A_115 = arith.addi %mul3A_113, %add3A_114 : i32
        %dma_start3A_116 = arith.constant 0 : i32
        %dma_start3A_117 = tpu.memref_slice %arg11[%add3A_115, %dma_start3A_116] : memref<128x128xf32, #tpu.memory_space<vmem>> -> memref<1x128xf32, #tpu.memory_space<vmem>>
        %dma_start3A_118 = tpu.memref_squeeze %dma_start3A_117 : memref<1x128xf32, #tpu.memory_space<vmem>> -> memref<128xf32, #tpu.memory_space<vmem>>
        %dma_start3A_119 = arith.constant 0 : i32
        %dma_start3A_120 = tpu.memref_slice %arg2[%squeeze3A_111, %dma_start3A_119] : memref<16384x128xf32, #tpu.memory_space<hbm>> -> memref<1x128xf32, #tpu.memory_space<hbm>>
        %dma_start3A_121 = tpu.memref_squeeze %dma_start3A_120 : memref<1x128xf32, #tpu.memory_space<hbm>> -> memref<128xf32, #tpu.memory_space<hbm>>
        %dma_start3A_122 = arith.constant 0 : i32
        %dma_start3A_123 = tpu.memref_slice %arg11[%add3A_115, %dma_start3A_122] : memref<128x128xf32, #tpu.memory_space<vmem>> -> memref<1x128xf32, #tpu.memory_space<vmem>>
        %dma_start3A_124 = tpu.memref_squeeze %dma_start3A_123 : memref<1x128xf32, #tpu.memory_space<vmem>> -> memref<128xf32, #tpu.memory_space<vmem>>
        %dma_start3A_125 = arith.constant 0 : i32
        %dma_start3A_126 = tpu.memref_slice %arg2[%squeeze3A_111, %dma_start3A_125] : memref<16384x128xf32, #tpu.memory_space<hbm>> -> memref<1x128xf32, #tpu.memory_space<hbm>>
        %dma_start3A_127 = tpu.memref_squeeze %dma_start3A_126 : memref<1x128xf32, #tpu.memory_space<hbm>> -> memref<128xf32, #tpu.memory_space<hbm>>
        tpu.enqueue_dma source(%dma_start3A_127 : memref<128xf32, #tpu.memory_space<hbm>>) target(%dma_start3A_124 : memref<128xf32, #tpu.memory_space<vmem>>) target_semaphore(%arg12 : memref<!tpu.dma_semaphore, #tpu.memory_space<semaphore_mem>>)
        %slice3A_128 = vector.extract_strided_slice %select_n3A_74 {offsets = [3], sizes = [1], strides = [1]} : vector<16xi32> to vector<1xi32>
        %squeeze3A_129 = vector.extract %slice3A_128[0] : i32 from vector<1xi32>
        %mul3A_130 = arith.constant 16 : i32
        %mul3A_131 = arith.muli %scan3A_62, %mul3A_130 : i32
        %add3A_132 = arith.constant 3 : i32
        %add3A_133 = arith.addi %mul3A_131, %add3A_132 : i32
        %dma_start3A_134 = arith.constant 0 : i32
        %dma_start3A_135 = tpu.memref_slice %arg11[%add3A_133, %dma_start3A_134] : memref<128x128xf32, #tpu.memory_space<vmem>> -> memref<1x128xf32, #tpu.memory_space<vmem>>
        %dma_start3A_136 = tpu.memref_squeeze %dma_start3A_135 : memref<1x128xf32, #tpu.memory_space<vmem>> -> memref<128xf32, #tpu.memory_space<vmem>>
        %dma_start3A_137 = arith.constant 0 : i32
        %dma_start3A_138 = tpu.memref_slice %arg2[%squeeze3A_129, %dma_start3A_137] : memref<16384x128xf32, #tpu.memory_space<hbm>> -> memref<1x128xf32, #tpu.memory_space<hbm>>
        %dma_start3A_139 = tpu.memref_squeeze %dma_start3A_138 : memref<1x128xf32, #tpu.memory_space<hbm>> -> memref<128xf32, #tpu.memory_space<hbm>>
        %dma_start3A_140 = arith.constant 0 : i32
        %dma_start3A_141 = tpu.memref_slice %arg11[%add3A_133, %dma_start3A_140] : memref<128x128xf32, #tpu.memory_space<vmem>> -> memref<1x128xf32, #tpu.memory_space<vmem>>
        %dma_start3A_142 = tpu.memref_squeeze %dma_start3A_141 : memref<1x128xf32, #tpu.memory_space<vmem>> -> memref<128xf32, #tpu.memory_space<vmem>>
        %dma_start3A_143 = arith.constant 0 : i32
        %dma_start3A_144 = tpu.memref_slice %arg2[%squeeze3A_129, %dma_start3A_143] : memref<16384x128xf32, #tpu.memory_space<hbm>> -> memref<1x128xf32, #tpu.memory_space<hbm>>
        %dma_start3A_145 = tpu.memref_squeeze %dma_start3A_144 : memref<1x128xf32, #tpu.memory_space<hbm>> -> memref<128xf32, #tpu.memory_space<hbm>>
        tpu.enqueue_dma source(%dma_start3A_145 : memref<128xf32, #tpu.memory_space<hbm>>) target(%dma_start3A_142 : memref<128xf32, #tpu.memory_space<vmem>>) target_semaphore(%arg12 : memref<!tpu.dma_semaphore, #tpu.memory_space<semaphore_mem>>)
        %slice3A_146 = vector.extract_strided_slice %select_n3A_74 {offsets = [4], sizes = [1], strides = [1]} : vector<16xi32> to vector<1xi32>
        %squeeze3A_147 = vector.extract %slice3A_146[0] : i32 from vector<1xi32>
        %mul3A_148 = arith.constant 16 : i32
        %mul3A_149 = arith.muli %scan3A_62, %mul3A_148 : i32
        %add3A_150 = arith.constant 4 : i32
        %add3A_151 = arith.addi %mul3A_149, %add3A_150 : i32
        %dma_start3A_152 = arith.constant 0 : i32
        %dma_start3A_153 = tpu.memref_slice %arg11[%add3A_151, %dma_start3A_152] : memref<128x128xf32, #tpu.memory_space<vmem>> -> memref<1x128xf32, #tpu.memory_space<vmem>>
        %dma_start3A_154 = tpu.memref_squeeze %dma_start3A_153 : memref<1x128xf32, #tpu.memory_space<vmem>> -> memref<128xf32, #tpu.memory_space<vmem>>
        %dma_start3A_155 = arith.constant 0 : i32
        %dma_start3A_156 = tpu.memref_slice %arg2[%squeeze3A_147, %dma_start3A_155] : memref<16384x128xf32, #tpu.memory_space<hbm>> -> memref<1x128xf32, #tpu.memory_space<hbm>>
        %dma_start3A_157 = tpu.memref_squeeze %dma_start3A_156 : memref<1x128xf32, #tpu.memory_space<hbm>> -> memref<128xf32, #tpu.memory_space<hbm>>
        %dma_start3A_158 = arith.constant 0 : i32
        %dma_start3A_159 = tpu.memref_slice %arg11[%add3A_151, %dma_start3A_158] : memref<128x128xf32, #tpu.memory_space<vmem>> -> memref<1x128xf32, #tpu.memory_space<vmem>>
        %dma_start3A_160 = tpu.memref_squeeze %dma_start3A_159 : memref<1x128xf32, #tpu.memory_space<vmem>> -> memref<128xf32, #tpu.memory_space<vmem>>
        %dma_start3A_161 = arith.constant 0 : i32
        %dma_start3A_162 = tpu.memref_slice %arg2[%squeeze3A_147, %dma_start3A_161] : memref<16384x128xf32, #tpu.memory_space<hbm>> -> memref<1x128xf32, #tpu.memory_space<hbm>>
        %dma_start3A_163 = tpu.memref_squeeze %dma_start3A_162 : memref<1x128xf32, #tpu.memory_space<hbm>> -> memref<128xf32, #tpu.memory_space<hbm>>
        tpu.enqueue_dma source(%dma_start3A_163 : memref<128xf32, #tpu.memory_space<hbm>>) target(%dma_start3A_160 : memref<128xf32, #tpu.memory_space<vmem>>) target_semaphore(%arg12 : memref<!tpu.dma_semaphore, #tpu.memory_space<semaphore_mem>>)
        %slice3A_164 = vector.extract_strided_slice %select_n3A_74 {offsets = [5], sizes = [1], strides = [1]} : vector<16xi32> to vector<1xi32>
        %squeeze3A_165 = vector.extract %slice3A_164[0] : i32 from vector<1xi32>
        %mul3A_166 = arith.constant 16 : i32
        %mul3A_167 = arith.muli %scan3A_62, %mul3A_166 : i32
        %add3A_168 = arith.constant 5 : i32
        %add3A_169 = arith.addi %mul3A_167, %add3A_168 : i32
        %dma_start3A_170 = arith.constant 0 : i32
        %dma_start3A_171 = tpu.memref_slice %arg11[%add3A_169, %dma_start3A_170] : memref<128x128xf32, #tpu.memory_space<vmem>> -> memref<1x128xf32, #tpu.memory_space<vmem>>
        %dma_start3A_172 = tpu.memref_squeeze %dma_start3A_171 : memref<1x128xf32, #tpu.memory_space<vmem>> -> memref<128xf32, #tpu.memory_space<vmem>>
        %dma_start3A_173 = arith.constant 0 : i32
        %dma_start3A_174 = tpu.memref_slice %arg2[%squeeze3A_165, %dma_start3A_173] : memref<16384x128xf32, #tpu.memory_space<hbm>> -> memref<1x128xf32, #tpu.memory_space<hbm>>
        %dma_start3A_175 = tpu.memref_squeeze %dma_start3A_174 : memref<1x128xf32, #tpu.memory_space<hbm>> -> memref<128xf32, #tpu.memory_space<hbm>>
        %dma_start3A_176 = arith.constant 0 : i32
        %dma_start3A_177 = tpu.memref_slice %arg11[%add3A_169, %dma_start3A_176] : memref<128x128xf32, #tpu.memory_space<vmem>> -> memref<1x128xf32, #tpu.memory_space<vmem>>
        %dma_start3A_178 = tpu.memref_squeeze %dma_start3A_177 : memref<1x128xf32, #tpu.memory_space<vmem>> -> memref<128xf32, #tpu.memory_space<vmem>>
        %dma_start3A_179 = arith.constant 0 : i32
        %dma_start3A_180 = tpu.memref_slice %arg2[%squeeze3A_165, %dma_start3A_179] : memref<16384x128xf32, #tpu.memory_space<hbm>> -> memref<1x128xf32, #tpu.memory_space<hbm>>
        %dma_start3A_181 = tpu.memref_squeeze %dma_start3A_180 : memref<1x128xf32, #tpu.memory_space<hbm>> -> memref<128xf32, #tpu.memory_space<hbm>>
        tpu.enqueue_dma source(%dma_start3A_181 : memref<128xf32, #tpu.memory_space<hbm>>) target(%dma_start3A_178 : memref<128xf32, #tpu.memory_space<vmem>>) target_semaphore(%arg12 : memref<!tpu.dma_semaphore, #tpu.memory_space<semaphore_mem>>)
        %slice3A_182 = vector.extract_strided_slice %select_n3A_74 {offsets = [6], sizes = [1], strides = [1]} : vector<16xi32> to vector<1xi32>
        %squeeze3A_183 = vector.extract %slice3A_182[0] : i32 from vector<1xi32>
        %mul3A_184 = arith.constant 16 : i32
        %mul3A_185 = arith.muli %scan3A_62, %mul3A_184 : i32
        %add3A_186 = arith.constant 6 : i32
        %add3A_187 = arith.addi %mul3A_185, %add3A_186 : i32
        %dma_start3A_188 = arith.constant 0 : i32
        %dma_start3A_189 = tpu.memref_slice %arg11[%add3A_187, %dma_start3A_188] : memref<128x128xf32, #tpu.memory_space<vmem>> -> memref<1x128xf32, #tpu.memory_space<vmem>>
        %dma_start3A_190 = tpu.memref_squeeze %dma_start3A_189 : memref<1x128xf32, #tpu.memory_space<vmem>> -> memref<128xf32, #tpu.memory_space<vmem>>
        %dma_start3A_191 = arith.constant 0 : i32
        %dma_start3A_192 = tpu.memref_slice %arg2[%squeeze3A_183, %dma_start3A_191] : memref<16384x128xf32, #tpu.memory_space<hbm>> -> memref<1x128xf32, #tpu.memory_space<hbm>>
        %dma_start3A_193 = tpu.memref_squeeze %dma_start3A_192 : memref<1x128xf32, #tpu.memory_space<hbm>> -> memref<128xf32, #tpu.memory_space<hbm>>
        %dma_start3A_194 = arith.constant 0 : i32
        %dma_start3A_195 = tpu.memref_slice %arg11[%add3A_187, %dma_start3A_194] : memref<128x128xf32, #tpu.memory_space<vmem>> -> memref<1x128xf32, #tpu.memory_space<vmem>>
        %dma_start3A_196 = tpu.memref_squeeze %dma_start3A_195 : memref<1x128xf32, #tpu.memory_space<vmem>> -> memref<128xf32, #tpu.memory_space<vmem>>
        %dma_start3A_197 = arith.constant 0 : i32
        %dma_start3A_198 = tpu.memref_slice %arg2[%squeeze3A_183, %dma_start3A_197] : memref<16384x128xf32, #tpu.memory_space<hbm>> -> memref<1x128xf32, #tpu.memory_space<hbm>>
        %dma_start3A_199 = tpu.memref_squeeze %dma_start3A_198 : memref<1x128xf32, #tpu.memory_space<hbm>> -> memref<128xf32, #tpu.memory_space<hbm>>
        tpu.enqueue_dma source(%dma_start3A_199 : memref<128xf32, #tpu.memory_space<hbm>>) target(%dma_start3A_196 : memref<128xf32, #tpu.memory_space<vmem>>) target_semaphore(%arg12 : memref<!tpu.dma_semaphore, #tpu.memory_space<semaphore_mem>>)
        %slice3A_200 = vector.extract_strided_slice %select_n3A_74 {offsets = [7], sizes = [1], strides = [1]} : vector<16xi32> to vector<1xi32>
        %squeeze3A_201 = vector.extract %slice3A_200[0] : i32 from vector<1xi32>
        %mul3A_202 = arith.constant 16 : i32
        %mul3A_203 = arith.muli %scan3A_62, %mul3A_202 : i32
        %add3A_204 = arith.constant 7 : i32
        %add3A_205 = arith.addi %mul3A_203, %add3A_204 : i32
        %dma_start3A_206 = arith.constant 0 : i32
        %dma_start3A_207 = tpu.memref_slice %arg11[%add3A_205, %dma_start3A_206] : memref<128x128xf32, #tpu.memory_space<vmem>> -> memref<1x128xf32, #tpu.memory_space<vmem>>
        %dma_start3A_208 = tpu.memref_squeeze %dma_start3A_207 : memref<1x128xf32, #tpu.memory_space<vmem>> -> memref<128xf32, #tpu.memory_space<vmem>>
        %dma_start3A_209 = arith.constant 0 : i32
        %dma_start3A_210 = tpu.memref_slice %arg2[%squeeze3A_201, %dma_start3A_209] : memref<16384x128xf32, #tpu.memory_space<hbm>> -> memref<1x128xf32, #tpu.memory_space<hbm>>
        %dma_start3A_211 = tpu.memref_squeeze %dma_start3A_210 : memref<1x128xf32, #tpu.memory_space<hbm>> -> memref<128xf32, #tpu.memory_space<hbm>>
        %dma_start3A_212 = arith.constant 0 : i32
        %dma_start3A_213 = tpu.memref_slice %arg11[%add3A_205, %dma_start3A_212] : memref<128x128xf32, #tpu.memory_space<vmem>> -> memref<1x128xf32, #tpu.memory_space<vmem>>
        %dma_start3A_214 = tpu.memref_squeeze %dma_start3A_213 : memref<1x128xf32, #tpu.memory_space<vmem>> -> memref<128xf32, #tpu.memory_space<vmem>>
        %dma_start3A_215 = arith.constant 0 : i32
        %dma_start3A_216 = tpu.memref_slice %arg2[%squeeze3A_201, %dma_start3A_215] : memref<16384x128xf32, #tpu.memory_space<hbm>> -> memref<1x128xf32, #tpu.memory_space<hbm>>
        %dma_start3A_217 = tpu.memref_squeeze %dma_start3A_216 : memref<1x128xf32, #tpu.memory_space<hbm>> -> memref<128xf32, #tpu.memory_space<hbm>>
        tpu.enqueue_dma source(%dma_start3A_217 : memref<128xf32, #tpu.memory_space<hbm>>) target(%dma_start3A_214 : memref<128xf32, #tpu.memory_space<vmem>>) target_semaphore(%arg12 : memref<!tpu.dma_semaphore, #tpu.memory_space<semaphore_mem>>)
        %slice3A_218 = vector.extract_strided_slice %select_n3A_74 {offsets = [8], sizes = [1], strides = [1]} : vector<16xi32> to vector<1xi32>
        %squeeze3A_219 = vector.extract %slice3A_218[0] : i32 from vector<1xi32>
        %mul3A_220 = arith.constant 16 : i32
        %mul3A_221 = arith.muli %scan3A_62, %mul3A_220 : i32
        %add3A_222 = arith.constant 8 : i32
        %add3A_223 = arith.addi %mul3A_221, %add3A_222 : i32
        %dma_start3A_224 = arith.constant 0 : i32
        %dma_start3A_225 = tpu.memref_slice %arg11[%add3A_223, %dma_start3A_224] : memref<128x128xf32, #tpu.memory_space<vmem>> -> memref<1x128xf32, #tpu.memory_space<vmem>>
        %dma_start3A_226 = tpu.memref_squeeze %dma_start3A_225 : memref<1x128xf32, #tpu.memory_space<vmem>> -> memref<128xf32, #tpu.memory_space<vmem>>
        %dma_start3A_227 = arith.constant 0 : i32
        %dma_start3A_228 = tpu.memref_slice %arg2[%squeeze3A_219, %dma_start3A_227] : memref<16384x128xf32, #tpu.memory_space<hbm>> -> memref<1x128xf32, #tpu.memory_space<hbm>>
        %dma_start3A_229 = tpu.memref_squeeze %dma_start3A_228 : memref<1x128xf32, #tpu.memory_space<hbm>> -> memref<128xf32, #tpu.memory_space<hbm>>
        %dma_start3A_230 = arith.constant 0 : i32
        %dma_start3A_231 = tpu.memref_slice %arg11[%add3A_223, %dma_start3A_230] : memref<128x128xf32, #tpu.memory_space<vmem>> -> memref<1x128xf32, #tpu.memory_space<vmem>>
        %dma_start3A_232 = tpu.memref_squeeze %dma_start3A_231 : memref<1x128xf32, #tpu.memory_space<vmem>> -> memref<128xf32, #tpu.memory_space<vmem>>
        %dma_start3A_233 = arith.constant 0 : i32
        %dma_start3A_234 = tpu.memref_slice %arg2[%squeeze3A_219, %dma_start3A_233] : memref<16384x128xf32, #tpu.memory_space<hbm>> -> memref<1x128xf32, #tpu.memory_space<hbm>>
        %dma_start3A_235 = tpu.memref_squeeze %dma_start3A_234 : memref<1x128xf32, #tpu.memory_space<hbm>> -> memref<128xf32, #tpu.memory_space<hbm>>
        tpu.enqueue_dma source(%dma_start3A_235 : memref<128xf32, #tpu.memory_space<hbm>>) target(%dma_start3A_232 : memref<128xf32, #tpu.memory_space<vmem>>) target_semaphore(%arg12 : memref<!tpu.dma_semaphore, #tpu.memory_space<semaphore_mem>>)
        %slice3A_236 = vector.extract_strided_slice %select_n3A_74 {offsets = [9], sizes = [1], strides = [1]} : vector<16xi32> to vector<1xi32>
        %squeeze3A_237 = vector.extract %slice3A_236[0] : i32 from vector<1xi32>
        %mul3A_238 = arith.constant 16 : i32
        %mul3A_239 = arith.muli %scan3A_62, %mul3A_238 : i32
        %add3A_240 = arith.constant 9 : i32
        %add3A_241 = arith.addi %mul3A_239, %add3A_240 : i32
        %dma_start3A_242 = arith.constant 0 : i32
        %dma_start3A_243 = tpu.memref_slice %arg11[%add3A_241, %dma_start3A_242] : memref<128x128xf32, #tpu.memory_space<vmem>> -> memref<1x128xf32, #tpu.memory_space<vmem>>
        %dma_start3A_244 = tpu.memref_squeeze %dma_start3A_243 : memref<1x128xf32, #tpu.memory_space<vmem>> -> memref<128xf32, #tpu.memory_space<vmem>>
        %dma_start3A_245 = arith.constant 0 : i32
        %dma_start3A_246 = tpu.memref_slice %arg2[%squeeze3A_237, %dma_start3A_245] : memref<16384x128xf32, #tpu.memory_space<hbm>> -> memref<1x128xf32, #tpu.memory_space<hbm>>
        %dma_start3A_247 = tpu.memref_squeeze %dma_start3A_246 : memref<1x128xf32, #tpu.memory_space<hbm>> -> memref<128xf32, #tpu.memory_space<hbm>>
        %dma_start3A_248 = arith.constant 0 : i32
        %dma_start3A_249 = tpu.memref_slice %arg11[%add3A_241, %dma_start3A_248] : memref<128x128xf32, #tpu.memory_space<vmem>> -> memref<1x128xf32, #tpu.memory_space<vmem>>
        %dma_start3A_250 = tpu.memref_squeeze %dma_start3A_249 : memref<1x128xf32, #tpu.memory_space<vmem>> -> memref<128xf32, #tpu.memory_space<vmem>>
        %dma_start3A_251 = arith.constant 0 : i32
        %dma_start3A_252 = tpu.memref_slice %arg2[%squeeze3A_237, %dma_start3A_251] : memref<16384x128xf32, #tpu.memory_space<hbm>> -> memref<1x128xf32, #tpu.memory_space<hbm>>
        %dma_start3A_253 = tpu.memref_squeeze %dma_start3A_252 : memref<1x128xf32, #tpu.memory_space<hbm>> -> memref<128xf32, #tpu.memory_space<hbm>>
        tpu.enqueue_dma source(%dma_start3A_253 : memref<128xf32, #tpu.memory_space<hbm>>) target(%dma_start3A_250 : memref<128xf32, #tpu.memory_space<vmem>>) target_semaphore(%arg12 : memref<!tpu.dma_semaphore, #tpu.memory_space<semaphore_mem>>)
        %slice3A_254 = vector.extract_strided_slice %select_n3A_74 {offsets = [10], sizes = [1], strides = [1]} : vector<16xi32> to vector<1xi32>
        %squeeze3A_255 = vector.extract %slice3A_254[0] : i32 from vector<1xi32>
        %mul3A_256 = arith.constant 16 : i32
        %mul3A_257 = arith.muli %scan3A_62, %mul3A_256 : i32
        %add3A_258 = arith.constant 10 : i32
        %add3A_259 = arith.addi %mul3A_257, %add3A_258 : i32
        %dma_start3A_260 = arith.constant 0 : i32
        %dma_start3A_261 = tpu.memref_slice %arg11[%add3A_259, %dma_start3A_260] : memref<128x128xf32, #tpu.memory_space<vmem>> -> memref<1x128xf32, #tpu.memory_space<vmem>>
        %dma_start3A_262 = tpu.memref_squeeze %dma_start3A_261 : memref<1x128xf32, #tpu.memory_space<vmem>> -> memref<128xf32, #tpu.memory_space<vmem>>
        %dma_start3A_263 = arith.constant 0 : i32
        %dma_start3A_264 = tpu.memref_slice %arg2[%squeeze3A_255, %dma_start3A_263] : memref<16384x128xf32, #tpu.memory_space<hbm>> -> memref<1x128xf32, #tpu.memory_space<hbm>>
        %dma_start3A_265 = tpu.memref_squeeze %dma_start3A_264 : memref<1x128xf32, #tpu.memory_space<hbm>> -> memref<128xf32, #tpu.memory_space<hbm>>
        %dma_start3A_266 = arith.constant 0 : i32
        %dma_start3A_267 = tpu.memref_slice %arg11[%add3A_259, %dma_start3A_266] : memref<128x128xf32, #tpu.memory_space<vmem>> -> memref<1x128xf32, #tpu.memory_space<vmem>>
        %dma_start3A_268 = tpu.memref_squeeze %dma_start3A_267 : memref<1x128xf32, #tpu.memory_space<vmem>> -> memref<128xf32, #tpu.memory_space<vmem>>
        %dma_start3A_269 = arith.constant 0 : i32
        %dma_start3A_270 = tpu.memref_slice %arg2[%squeeze3A_255, %dma_start3A_269] : memref<16384x128xf32, #tpu.memory_space<hbm>> -> memref<1x128xf32, #tpu.memory_space<hbm>>
        %dma_start3A_271 = tpu.memref_squeeze %dma_start3A_270 : memref<1x128xf32, #tpu.memory_space<hbm>> -> memref<128xf32, #tpu.memory_space<hbm>>
        tpu.enqueue_dma source(%dma_start3A_271 : memref<128xf32, #tpu.memory_space<hbm>>) target(%dma_start3A_268 : memref<128xf32, #tpu.memory_space<vmem>>) target_semaphore(%arg12 : memref<!tpu.dma_semaphore, #tpu.memory_space<semaphore_mem>>)
        %slice3A_272 = vector.extract_strided_slice %select_n3A_74 {offsets = [11], sizes = [1], strides = [1]} : vector<16xi32> to vector<1xi32>
        %squeeze3A_273 = vector.extract %slice3A_272[0] : i32 from vector<1xi32>
        %mul3A_274 = arith.constant 16 : i32
        %mul3A_275 = arith.muli %scan3A_62, %mul3A_274 : i32
        %add3A_276 = arith.constant 11 : i32
        %add3A_277 = arith.addi %mul3A_275, %add3A_276 : i32
        %dma_start3A_278 = arith.constant 0 : i32
        %dma_start3A_279 = tpu.memref_slice %arg11[%add3A_277, %dma_start3A_278] : memref<128x128xf32, #tpu.memory_space<vmem>> -> memref<1x128xf32, #tpu.memory_space<vmem>>
        %dma_start3A_280 = tpu.memref_squeeze %dma_start3A_279 : memref<1x128xf32, #tpu.memory_space<vmem>> -> memref<128xf32, #tpu.memory_space<vmem>>
        %dma_start3A_281 = arith.constant 0 : i32
        %dma_start3A_282 = tpu.memref_slice %arg2[%squeeze3A_273, %dma_start3A_281] : memref<16384x128xf32, #tpu.memory_space<hbm>> -> memref<1x128xf32, #tpu.memory_space<hbm>>
        %dma_start3A_283 = tpu.memref_squeeze %dma_start3A_282 : memref<1x128xf32, #tpu.memory_space<hbm>> -> memref<128xf32, #tpu.memory_space<hbm>>
        %dma_start3A_284 = arith.constant 0 : i32
        %dma_start3A_285 = tpu.memref_slice %arg11[%add3A_277, %dma_start3A_284] : memref<128x128xf32, #tpu.memory_space<vmem>> -> memref<1x128xf32, #tpu.memory_space<vmem>>
        %dma_start3A_286 = tpu.memref_squeeze %dma_start3A_285 : memref<1x128xf32, #tpu.memory_space<vmem>> -> memref<128xf32, #tpu.memory_space<vmem>>
        %dma_start3A_287 = arith.constant 0 : i32
        %dma_start3A_288 = tpu.memref_slice %arg2[%squeeze3A_273, %dma_start3A_287] : memref<16384x128xf32, #tpu.memory_space<hbm>> -> memref<1x128xf32, #tpu.memory_space<hbm>>
        %dma_start3A_289 = tpu.memref_squeeze %dma_start3A_288 : memref<1x128xf32, #tpu.memory_space<hbm>> -> memref<128xf32, #tpu.memory_space<hbm>>
        tpu.enqueue_dma source(%dma_start3A_289 : memref<128xf32, #tpu.memory_space<hbm>>) target(%dma_start3A_286 : memref<128xf32, #tpu.memory_space<vmem>>) target_semaphore(%arg12 : memref<!tpu.dma_semaphore, #tpu.memory_space<semaphore_mem>>)
        %slice3A_290 = vector.extract_strided_slice %select_n3A_74 {offsets = [12], sizes = [1], strides = [1]} : vector<16xi32> to vector<1xi32>
        %squeeze3A_291 = vector.extract %slice3A_290[0] : i32 from vector<1xi32>
        %mul3A_292 = arith.constant 16 : i32
        %mul3A_293 = arith.muli %scan3A_62, %mul3A_292 : i32
        %add3A_294 = arith.constant 12 : i32
        %add3A_295 = arith.addi %mul3A_293, %add3A_294 : i32
        %dma_start3A_296 = arith.constant 0 : i32
        %dma_start3A_297 = tpu.memref_slice %arg11[%add3A_295, %dma_start3A_296] : memref<128x128xf32, #tpu.memory_space<vmem>> -> memref<1x128xf32, #tpu.memory_space<vmem>>
        %dma_start3A_298 = tpu.memref_squeeze %dma_start3A_297 : memref<1x128xf32, #tpu.memory_space<vmem>> -> memref<128xf32, #tpu.memory_space<vmem>>
        %dma_start3A_299 = arith.constant 0 : i32
        %dma_start3A_300 = tpu.memref_slice %arg2[%squeeze3A_291, %dma_start3A_299] : memref<16384x128xf32, #tpu.memory_space<hbm>> -> memref<1x128xf32, #tpu.memory_space<hbm>>
        %dma_start3A_301 = tpu.memref_squeeze %dma_start3A_300 : memref<1x128xf32, #tpu.memory_space<hbm>> -> memref<128xf32, #tpu.memory_space<hbm>>
        %dma_start3A_302 = arith.constant 0 : i32
        %dma_start3A_303 = tpu.memref_slice %arg11[%add3A_295, %dma_start3A_302] : memref<128x128xf32, #tpu.memory_space<vmem>> -> memref<1x128xf32, #tpu.memory_space<vmem>>
        %dma_start3A_304 = tpu.memref_squeeze %dma_start3A_303 : memref<1x128xf32, #tpu.memory_space<vmem>> -> memref<128xf32, #tpu.memory_space<vmem>>
        %dma_start3A_305 = arith.constant 0 : i32
        %dma_start3A_306 = tpu.memref_slice %arg2[%squeeze3A_291, %dma_start3A_305] : memref<16384x128xf32, #tpu.memory_space<hbm>> -> memref<1x128xf32, #tpu.memory_space<hbm>>
        %dma_start3A_307 = tpu.memref_squeeze %dma_start3A_306 : memref<1x128xf32, #tpu.memory_space<hbm>> -> memref<128xf32, #tpu.memory_space<hbm>>
        tpu.enqueue_dma source(%dma_start3A_307 : memref<128xf32, #tpu.memory_space<hbm>>) target(%dma_start3A_304 : memref<128xf32, #tpu.memory_space<vmem>>) target_semaphore(%arg12 : memref<!tpu.dma_semaphore, #tpu.memory_space<semaphore_mem>>)
        %slice3A_308 = vector.extract_strided_slice %select_n3A_74 {offsets = [13], sizes = [1], strides = [1]} : vector<16xi32> to vector<1xi32>
        %squeeze3A_309 = vector.extract %slice3A_308[0] : i32 from vector<1xi32>
        %mul3A_310 = arith.constant 16 : i32
        %mul3A_311 = arith.muli %scan3A_62, %mul3A_310 : i32
        %add3A_312 = arith.constant 13 : i32
        %add3A_313 = arith.addi %mul3A_311, %add3A_312 : i32
        %dma_start3A_314 = arith.constant 0 : i32
        %dma_start3A_315 = tpu.memref_slice %arg11[%add3A_313, %dma_start3A_314] : memref<128x128xf32, #tpu.memory_space<vmem>> -> memref<1x128xf32, #tpu.memory_space<vmem>>
        %dma_start3A_316 = tpu.memref_squeeze %dma_start3A_315 : memref<1x128xf32, #tpu.memory_space<vmem>> -> memref<128xf32, #tpu.memory_space<vmem>>
        %dma_start3A_317 = arith.constant 0 : i32
        %dma_start3A_318 = tpu.memref_slice %arg2[%squeeze3A_309, %dma_start3A_317] : memref<16384x128xf32, #tpu.memory_space<hbm>> -> memref<1x128xf32, #tpu.memory_space<hbm>>
        %dma_start3A_319 = tpu.memref_squeeze %dma_start3A_318 : memref<1x128xf32, #tpu.memory_space<hbm>> -> memref<128xf32, #tpu.memory_space<hbm>>
        %dma_start3A_320 = arith.constant 0 : i32
        %dma_start3A_321 = tpu.memref_slice %arg11[%add3A_313, %dma_start3A_320] : memref<128x128xf32, #tpu.memory_space<vmem>> -> memref<1x128xf32, #tpu.memory_space<vmem>>
        %dma_start3A_322 = tpu.memref_squeeze %dma_start3A_321 : memref<1x128xf32, #tpu.memory_space<vmem>> -> memref<128xf32, #tpu.memory_space<vmem>>
        %dma_start3A_323 = arith.constant 0 : i32
        %dma_start3A_324 = tpu.memref_slice %arg2[%squeeze3A_309, %dma_start3A_323] : memref<16384x128xf32, #tpu.memory_space<hbm>> -> memref<1x128xf32, #tpu.memory_space<hbm>>
        %dma_start3A_325 = tpu.memref_squeeze %dma_start3A_324 : memref<1x128xf32, #tpu.memory_space<hbm>> -> memref<128xf32, #tpu.memory_space<hbm>>
        tpu.enqueue_dma source(%dma_start3A_325 : memref<128xf32, #tpu.memory_space<hbm>>) target(%dma_start3A_322 : memref<128xf32, #tpu.memory_space<vmem>>) target_semaphore(%arg12 : memref<!tpu.dma_semaphore, #tpu.memory_space<semaphore_mem>>)
        %slice3A_326 = vector.extract_strided_slice %select_n3A_74 {offsets = [14], sizes = [1], strides = [1]} : vector<16xi32> to vector<1xi32>
        %squeeze3A_327 = vector.extract %slice3A_326[0] : i32 from vector<1xi32>
        %mul3A_328 = arith.constant 16 : i32
        %mul3A_329 = arith.muli %scan3A_62, %mul3A_328 : i32
        %add3A_330 = arith.constant 14 : i32
        %add3A_331 = arith.addi %mul3A_329, %add3A_330 : i32
        %dma_start3A_332 = arith.constant 0 : i32
        %dma_start3A_333 = tpu.memref_slice %arg11[%add3A_331, %dma_start3A_332] : memref<128x128xf32, #tpu.memory_space<vmem>> -> memref<1x128xf32, #tpu.memory_space<vmem>>
        %dma_start3A_334 = tpu.memref_squeeze %dma_start3A_333 : memref<1x128xf32, #tpu.memory_space<vmem>> -> memref<128xf32, #tpu.memory_space<vmem>>
        %dma_start3A_335 = arith.constant 0 : i32
        %dma_start3A_336 = tpu.memref_slice %arg2[%squeeze3A_327, %dma_start3A_335] : memref<16384x128xf32, #tpu.memory_space<hbm>> -> memref<1x128xf32, #tpu.memory_space<hbm>>
        %dma_start3A_337 = tpu.memref_squeeze %dma_start3A_336 : memref<1x128xf32, #tpu.memory_space<hbm>> -> memref<128xf32, #tpu.memory_space<hbm>>
        %dma_start3A_338 = arith.constant 0 : i32
        %dma_start3A_339 = tpu.memref_slice %arg11[%add3A_331, %dma_start3A_338] : memref<128x128xf32, #tpu.memory_space<vmem>> -> memref<1x128xf32, #tpu.memory_space<vmem>>
        %dma_start3A_340 = tpu.memref_squeeze %dma_start3A_339 : memref<1x128xf32, #tpu.memory_space<vmem>> -> memref<128xf32, #tpu.memory_space<vmem>>
        %dma_start3A_341 = arith.constant 0 : i32
        %dma_start3A_342 = tpu.memref_slice %arg2[%squeeze3A_327, %dma_start3A_341] : memref<16384x128xf32, #tpu.memory_space<hbm>> -> memref<1x128xf32, #tpu.memory_space<hbm>>
        %dma_start3A_343 = tpu.memref_squeeze %dma_start3A_342 : memref<1x128xf32, #tpu.memory_space<hbm>> -> memref<128xf32, #tpu.memory_space<hbm>>
        tpu.enqueue_dma source(%dma_start3A_343 : memref<128xf32, #tpu.memory_space<hbm>>) target(%dma_start3A_340 : memref<128xf32, #tpu.memory_space<vmem>>) target_semaphore(%arg12 : memref<!tpu.dma_semaphore, #tpu.memory_space<semaphore_mem>>)
        %slice3A_344 = vector.extract_strided_slice %select_n3A_74 {offsets = [15], sizes = [1], strides = [1]} : vector<16xi32> to vector<1xi32>
        %squeeze3A_345 = vector.extract %slice3A_344[0] : i32 from vector<1xi32>
        %mul3A_346 = arith.constant 16 : i32
        %mul3A_347 = arith.muli %scan3A_62, %mul3A_346 : i32
        %add3A_348 = arith.constant 15 : i32
        %add3A_349 = arith.addi %mul3A_347, %add3A_348 : i32
        %dma_start3A_350 = arith.constant 0 : i32
        %dma_start3A_351 = tpu.memref_slice %arg11[%add3A_349, %dma_start3A_350] : memref<128x128xf32, #tpu.memory_space<vmem>> -> memref<1x128xf32, #tpu.memory_space<vmem>>
        %dma_start3A_352 = tpu.memref_squeeze %dma_start3A_351 : memref<1x128xf32, #tpu.memory_space<vmem>> -> memref<128xf32, #tpu.memory_space<vmem>>
        %dma_start3A_353 = arith.constant 0 : i32
        %dma_start3A_354 = tpu.memref_slice %arg2[%squeeze3A_345, %dma_start3A_353] : memref<16384x128xf32, #tpu.memory_space<hbm>> -> memref<1x128xf32, #tpu.memory_space<hbm>>
        %dma_start3A_355 = tpu.memref_squeeze %dma_start3A_354 : memref<1x128xf32, #tpu.memory_space<hbm>> -> memref<128xf32, #tpu.memory_space<hbm>>
        %dma_start3A_356 = arith.constant 0 : i32
        %dma_start3A_357 = tpu.memref_slice %arg11[%add3A_349, %dma_start3A_356] : memref<128x128xf32, #tpu.memory_space<vmem>> -> memref<1x128xf32, #tpu.memory_space<vmem>>
        %dma_start3A_358 = tpu.memref_squeeze %dma_start3A_357 : memref<1x128xf32, #tpu.memory_space<vmem>> -> memref<128xf32, #tpu.memory_space<vmem>>
        %dma_start3A_359 = arith.constant 0 : i32
        %dma_start3A_360 = tpu.memref_slice %arg2[%squeeze3A_345, %dma_start3A_359] : memref<16384x128xf32, #tpu.memory_space<hbm>> -> memref<1x128xf32, #tpu.memory_space<hbm>>
        %dma_start3A_361 = tpu.memref_squeeze %dma_start3A_360 : memref<1x128xf32, #tpu.memory_space<hbm>> -> memref<128xf32, #tpu.memory_space<hbm>>
        tpu.enqueue_dma source(%dma_start3A_361 : memref<128xf32, #tpu.memory_space<hbm>>) target(%dma_start3A_358 : memref<128xf32, #tpu.memory_space<vmem>>) target_semaphore(%arg12 : memref<!tpu.dma_semaphore, #tpu.memory_space<semaphore_mem>>)
      }
      %scan3A_44 = arith.constant 8 : i32
      %dma_wait3A = arith.constant 0 : i32
      %dma_wait3A_45 = arith.constant 0 : i32
      %dma_wait3A_46 = tpu.memref_slice %arg2[%dma_wait3A, %dma_wait3A_45] : memref<16384x128xf32, #tpu.memory_space<hbm>> -> memref<128x128xf32, #tpu.memory_space<hbm>>
      %dma_wait3A_47 = arith.constant 0 : i32
      %dma_wait3A_48 = arith.constant 0 : i32
      %dma_wait3A_49 = tpu.memref_slice %arg2[%dma_wait3A_47, %dma_wait3A_48] : memref<16384x128xf32, #tpu.memory_space<hbm>> -> memref<128x128xf32, #tpu.memory_space<hbm>>
      tpu.wait_dma2 semaphore(%arg12 : memref<!tpu.dma_semaphore, #tpu.memory_space<semaphore_mem>>) src(%dma_wait3A_49 : memref<128x128xf32, #tpu.memory_space<hbm>>) dst(%arg11 : memref<128x128xf32, #tpu.memory_space<vmem>>)
      %scan3A_50 = arith.constant 0 : i32
      %scan3A_51 = arith.constant 0 : i32
      %scan3A_52 = arith.constant 8 : i32
      %scan3A_53 = arith.addi %scan3A_51, %scan3A_52 : i32
      %scan3A_54 = arith.constant 1 : i32
      scf.for %scan3A_62 = %scan3A_51 to %scan3A_53 step %scan3A_54  : i32 {
        %mul3A_63 = arith.constant 16 : i32
        %mul3A_64 = arith.muli %scan3A_62, %mul3A_63 : i32
        %add3A_65 = arith.addi %mul3A_39, %mul3A_64 : i32
        %add3A_66 = vector.broadcast %add3A_65 : i32 to vector<16xi32>
        %add3A_67 = arith.addi %add3A_66, %iota3A : vector<16xi32>
        %lt3A = vector.broadcast %squeeze3A : i32 to vector<16xi32>
        %lt3A_68 = arith.cmpi slt, %add3A_67, %lt3A : vector<16xi32>
        %mul3A_69 = arith.constant 16 : i32
        %mul3A_70 = arith.muli %scan3A_62, %mul3A_69 : i32
        %add3A_71 = arith.addi %mul3A_39, %mul3A_70 : i32
        %get3A_72 = arith.index_cast %add3A_71 : i32 to index
        %get3A_73 = tpu.vector_load %arg8[%get3A_72] {strides = array<i32>} : memref<3216xi32, #tpu.memory_space<vmem>>, vector<16xi32>,
        %broadcast_in_dim3A = vector.broadcast %squeeze3A_5 : i32 to vector<16xi32>
        %select_n3A_74 = arith.select %lt3A_68, %get3A_73, %broadcast_in_dim3A : vector<16xi1>, vector<16xi32>
        %mul3A_75 = arith.constant 16 : i32
        %mul3A_76 = arith.muli %scan3A_62, %mul3A_75 : i32
        %add3A_77 = arith.constant 0 : i32
        %add3A_78 = arith.addi %mul3A_76, %add3A_77 : i32
        %slice3A_79 = vector.extract_strided_slice %select_n3A_74 {offsets = [0], sizes = [1], strides = [1]} : vector<16xi32> to vector<1xi32>
        %squeeze3A_80 = vector.extract %slice3A_79[0] : i32 from vector<1xi32>
        %dma_start3A = arith.constant 0 : i32
        %dma_start3A_81 = arith.constant 0 : i32
        %dma_start3A_82 = tpu.memref_slice %arg11[%add3A_78, %dma_start3A_81] : memref<128x128xf32, #tpu.memory_space<vmem>> -> memref<1x64xf32, #tpu.memory_space<vmem>>
        %dma_start3A_83 = tpu.memref_squeeze %dma_start3A_82 : memref<1x64xf32, #tpu.memory_space<vmem>> -> memref<64xf32, #tpu.memory_space<vmem>>
        %dma_start3A_84 = arith.constant 0 : i32
        %dma_start3A_85 = tpu.memref_slice %arg7[%dma_start3A, %squeeze3A_80, %dma_start3A_84] : memref<2x100000x64xf32, #tpu.memory_space<hbm>> -> memref<1x1x64xf32, #tpu.memory_space<hbm>>
        %dma_start3A_86 = tpu.memref_squeeze %dma_start3A_85 : memref<1x1x64xf32, #tpu.memory_space<hbm>> -> memref<64xf32, #tpu.memory_space<hbm>>
        %dma_start3A_87 = arith.constant 0 : i32
        %dma_start3A_88 = tpu.memref_slice %arg7[%dma_start3A, %squeeze3A_80, %dma_start3A_87] : memref<2x100000x64xf32, #tpu.memory_space<hbm>> -> memref<1x1x64xf32, #tpu.memory_space<hbm>>
        %dma_start3A_89 = tpu.memref_squeeze %dma_start3A_88 : memref<1x1x64xf32, #tpu.memory_space<hbm>> -> memref<64xf32, #tpu.memory_space<hbm>>
        %dma_start3A_90 = arith.constant 0 : i32
        %dma_start3A_91 = tpu.memref_slice %arg11[%add3A_78, %dma_start3A_90] : memref<128x128xf32, #tpu.memory_space<vmem>> -> memref<1x64xf32, #tpu.memory_space<vmem>>
        %dma_start3A_92 = tpu.memref_squeeze %dma_start3A_91 : memref<1x64xf32, #tpu.memory_space<vmem>> -> memref<64xf32, #tpu.memory_space<vmem>>
        tpu.enqueue_dma source(%dma_start3A_92 : memref<64xf32, #tpu.memory_space<vmem>>) target(%dma_start3A_89 : memref<64xf32, #tpu.memory_space<hbm>>) target_semaphore(%arg13 : memref<!tpu.dma_semaphore, #tpu.memory_space<semaphore_mem>>)
        %slice3A_93 = vector.extract_strided_slice %select_n3A_74 {offsets = [0], sizes = [1], strides = [1]} : vector<16xi32> to vector<1xi32>
        %squeeze3A_94 = vector.extract %slice3A_93[0] : i32 from vector<1xi32>
        %dma_start3A_95 = arith.constant 1 : i32
        %dma_start3A_96 = arith.constant 64 : i32
        %dma_start3A_97 = tpu.memref_slice %arg11[%add3A_78, %dma_start3A_96] : memref<128x128xf32, #tpu.memory_space<vmem>> -> memref<1x64xf32, #tpu.memory_space<vmem>>
        %dma_start3A_98 = tpu.memref_squeeze %dma_start3A_97 : memref<1x64xf32, #tpu.memory_space<vmem>> -> memref<64xf32, #tpu.memory_space<vmem>>
        %dma_start3A_99 = arith.constant 0 : i32
        %dma_start3A_100 = tpu.memref_slice %arg7[%dma_start3A_95, %squeeze3A_94, %dma_start3A_99] : memref<2x100000x64xf32, #tpu.memory_space<hbm>> -> memref<1x1x64xf32, #tpu.memory_space<hbm>>
        %dma_start3A_101 = tpu.memref_squeeze %dma_start3A_100 : memref<1x1x64xf32, #tpu.memory_space<hbm>> -> memref<64xf32, #tpu.memory_space<hbm>>
        %dma_start3A_102 = arith.constant 0 : i32
        %dma_start3A_103 = tpu.memref_slice %arg7[%dma_start3A_95, %squeeze3A_94, %dma_start3A_102] : memref<2x100000x64xf32, #tpu.memory_space<hbm>> -> memref<1x1x64xf32, #tpu.memory_space<hbm>>
        %dma_start3A_104 = tpu.memref_squeeze %dma_start3A_103 : memref<1x1x64xf32, #tpu.memory_space<hbm>> -> memref<64xf32, #tpu.memory_space<hbm>>
        %dma_start3A_105 = arith.constant 64 : i32
        %dma_start3A_106 = tpu.memref_slice %arg11[%add3A_78, %dma_start3A_105] : memref<128x128xf32, #tpu.memory_space<vmem>> -> memref<1x64xf32, #tpu.memory_space<vmem>>
        %dma_start3A_107 = tpu.memref_squeeze %dma_start3A_106 : memref<1x64xf32, #tpu.memory_space<vmem>> -> memref<64xf32, #tpu.memory_space<vmem>>
        tpu.enqueue_dma source(%dma_start3A_107 : memref<64xf32, #tpu.memory_space<vmem>>) target(%dma_start3A_104 : memref<64xf32, #tpu.memory_space<hbm>>) target_semaphore(%arg13 : memref<!tpu.dma_semaphore, #tpu.memory_space<semaphore_mem>>)
        %mul3A_108 = arith.constant 16 : i32
        %mul3A_109 = arith.muli %scan3A_62, %mul3A_108 : i32
        %add3A_110 = arith.constant 1 : i32
        %add3A_111 = arith.addi %mul3A_109, %add3A_110 : i32
        %slice3A_112 = vector.extract_strided_slice %select_n3A_74 {offsets = [1], sizes = [1], strides = [1]} : vector<16xi32> to vector<1xi32>
        %squeeze3A_113 = vector.extract %slice3A_112[0] : i32 from vector<1xi32>
        %dma_start3A_114 = arith.constant 0 : i32
        %dma_start3A_115 = arith.constant 0 : i32
        %dma_start3A_116 = tpu.memref_slice %arg11[%add3A_111, %dma_start3A_115] : memref<128x128xf32, #tpu.memory_space<vmem>> -> memref<1x64xf32, #tpu.memory_space<vmem>>
        %dma_start3A_117 = tpu.memref_squeeze %dma_start3A_116 : memref<1x64xf32, #tpu.memory_space<vmem>> -> memref<64xf32, #tpu.memory_space<vmem>>
        %dma_start3A_118 = arith.constant 0 : i32
        %dma_start3A_119 = tpu.memref_slice %arg7[%dma_start3A_114, %squeeze3A_113, %dma_start3A_118] : memref<2x100000x64xf32, #tpu.memory_space<hbm>> -> memref<1x1x64xf32, #tpu.memory_space<hbm>>
        %dma_start3A_120 = tpu.memref_squeeze %dma_start3A_119 : memref<1x1x64xf32, #tpu.memory_space<hbm>> -> memref<64xf32, #tpu.memory_space<hbm>>
        %dma_start3A_121 = arith.constant 0 : i32
        %dma_start3A_122 = tpu.memref_slice %arg7[%dma_start3A_114, %squeeze3A_113, %dma_start3A_121] : memref<2x100000x64xf32, #tpu.memory_space<hbm>> -> memref<1x1x64xf32, #tpu.memory_space<hbm>>
        %dma_start3A_123 = tpu.memref_squeeze %dma_start3A_122 : memref<1x1x64xf32, #tpu.memory_space<hbm>> -> memref<64xf32, #tpu.memory_space<hbm>>
        %dma_start3A_124 = arith.constant 0 : i32
        %dma_start3A_125 = tpu.memref_slice %arg11[%add3A_111, %dma_start3A_124] : memref<128x128xf32, #tpu.memory_space<vmem>> -> memref<1x64xf32, #tpu.memory_space<vmem>>
        %dma_start3A_126 = tpu.memref_squeeze %dma_start3A_125 : memref<1x64xf32, #tpu.memory_space<vmem>> -> memref<64xf32, #tpu.memory_space<vmem>>
        tpu.enqueue_dma source(%dma_start3A_126 : memref<64xf32, #tpu.memory_space<vmem>>) target(%dma_start3A_123 : memref<64xf32, #tpu.memory_space<hbm>>) target_semaphore(%arg13 : memref<!tpu.dma_semaphore, #tpu.memory_space<semaphore_mem>>)
        %slice3A_127 = vector.extract_strided_slice %select_n3A_74 {offsets = [1], sizes = [1], strides = [1]} : vector<16xi32> to vector<1xi32>
        %squeeze3A_128 = vector.extract %slice3A_127[0] : i32 from vector<1xi32>
        %dma_start3A_129 = arith.constant 1 : i32
        %dma_start3A_130 = arith.constant 64 : i32
        %dma_start3A_131 = tpu.memref_slice %arg11[%add3A_111, %dma_start3A_130] : memref<128x128xf32, #tpu.memory_space<vmem>> -> memref<1x64xf32, #tpu.memory_space<vmem>>
        %dma_start3A_132 = tpu.memref_squeeze %dma_start3A_131 : memref<1x64xf32, #tpu.memory_space<vmem>> -> memref<64xf32, #tpu.memory_space<vmem>>
        %dma_start3A_133 = arith.constant 0 : i32
        %dma_start3A_134 = tpu.memref_slice %arg7[%dma_start3A_129, %squeeze3A_128, %dma_start3A_133] : memref<2x100000x64xf32, #tpu.memory_space<hbm>> -> memref<1x1x64xf32, #tpu.memory_space<hbm>>
        %dma_start3A_135 = tpu.memref_squeeze %dma_start3A_134 : memref<1x1x64xf32, #tpu.memory_space<hbm>> -> memref<64xf32, #tpu.memory_space<hbm>>
        %dma_start3A_136 = arith.constant 0 : i32
        %dma_start3A_137 = tpu.memref_slice %arg7[%dma_start3A_129, %squeeze3A_128, %dma_start3A_136] : memref<2x100000x64xf32, #tpu.memory_space<hbm>> -> memref<1x1x64xf32, #tpu.memory_space<hbm>>
        %dma_start3A_138 = tpu.memref_squeeze %dma_start3A_137 : memref<1x1x64xf32, #tpu.memory_space<hbm>> -> memref<64xf32, #tpu.memory_space<hbm>>
        %dma_start3A_139 = arith.constant 64 : i32
        %dma_start3A_140 = tpu.memref_slice %arg11[%add3A_111, %dma_start3A_139] : memref<128x128xf32, #tpu.memory_space<vmem>> -> memref<1x64xf32, #tpu.memory_space<vmem>>
        %dma_start3A_141 = tpu.memref_squeeze %dma_start3A_140 : memref<1x64xf32, #tpu.memory_space<vmem>> -> memref<64xf32, #tpu.memory_space<vmem>>
        tpu.enqueue_dma source(%dma_start3A_141 : memref<64xf32, #tpu.memory_space<vmem>>) target(%dma_start3A_138 : memref<64xf32, #tpu.memory_space<hbm>>) target_semaphore(%arg13 : memref<!tpu.dma_semaphore, #tpu.memory_space<semaphore_mem>>)
        %mul3A_142 = arith.constant 16 : i32
        %mul3A_143 = arith.muli %scan3A_62, %mul3A_142 : i32
        %add3A_144 = arith.constant 2 : i32
        %add3A_145 = arith.addi %mul3A_143, %add3A_144 : i32
        %slice3A_146 = vector.extract_strided_slice %select_n3A_74 {offsets = [2], sizes = [1], strides = [1]} : vector<16xi32> to vector<1xi32>
        %squeeze3A_147 = vector.extract %slice3A_146[0] : i32 from vector<1xi32>
        %dma_start3A_148 = arith.constant 0 : i32
        %dma_start3A_149 = arith.constant 0 : i32
        %dma_start3A_150 = tpu.memref_slice %arg11[%add3A_145, %dma_start3A_149] : memref<128x128xf32, #tpu.memory_space<vmem>> -> memref<1x64xf32, #tpu.memory_space<vmem>>
        %dma_start3A_151 = tpu.memref_squeeze %dma_start3A_150 : memref<1x64xf32, #tpu.memory_space<vmem>> -> memref<64xf32, #tpu.memory_space<vmem>>
        %dma_start3A_152 = arith.constant 0 : i32
        %dma_start3A_153 = tpu.memref_slice %arg7[%dma_start3A_148, %squeeze3A_147, %dma_start3A_152] : memref<2x100000x64xf32, #tpu.memory_space<hbm>> -> memref<1x1x64xf32, #tpu.memory_space<hbm>>
        %dma_start3A_154 = tpu.memref_squeeze %dma_start3A_153 : memref<1x1x64xf32, #tpu.memory_space<hbm>> -> memref<64xf32, #tpu.memory_space<hbm>>
        %dma_start3A_155 = arith.constant 0 : i32
        %dma_start3A_156 = tpu.memref_slice %arg7[%dma_start3A_148, %squeeze3A_147, %dma_start3A_155] : memref<2x100000x64xf32, #tpu.memory_space<hbm>> -> memref<1x1x64xf32, #tpu.memory_space<hbm>>
        %dma_start3A_157 = tpu.memref_squeeze %dma_start3A_156 : memref<1x1x64xf32, #tpu.memory_space<hbm>> -> memref<64xf32, #tpu.memory_space<hbm>>
        %dma_start3A_158 = arith.constant 0 : i32
        %dma_start3A_159 = tpu.memref_slice %arg11[%add3A_145, %dma_start3A_158] : memref<128x128xf32, #tpu.memory_space<vmem>> -> memref<1x64xf32, #tpu.memory_space<vmem>>
        %dma_start3A_160 = tpu.memref_squeeze %dma_start3A_159 : memref<1x64xf32, #tpu.memory_space<vmem>> -> memref<64xf32, #tpu.memory_space<vmem>>
        tpu.enqueue_dma source(%dma_start3A_160 : memref<64xf32, #tpu.memory_space<vmem>>) target(%dma_start3A_157 : memref<64xf32, #tpu.memory_space<hbm>>) target_semaphore(%arg13 : memref<!tpu.dma_semaphore, #tpu.memory_space<semaphore_mem>>)
        %slice3A_161 = vector.extract_strided_slice %select_n3A_74 {offsets = [2], sizes = [1], strides = [1]} : vector<16xi32> to vector<1xi32>
        %squeeze3A_162 = vector.extract %slice3A_161[0] : i32 from vector<1xi32>
        %dma_start3A_163 = arith.constant 1 : i32
        %dma_start3A_164 = arith.constant 64 : i32
        %dma_start3A_165 = tpu.memref_slice %arg11[%add3A_145, %dma_start3A_164] : memref<128x128xf32, #tpu.memory_space<vmem>> -> memref<1x64xf32, #tpu.memory_space<vmem>>
        %dma_start3A_166 = tpu.memref_squeeze %dma_start3A_165 : memref<1x64xf32, #tpu.memory_space<vmem>> -> memref<64xf32, #tpu.memory_space<vmem>>
        %dma_start3A_167 = arith.constant 0 : i32
        %dma_start3A_168 = tpu.memref_slice %arg7[%dma_start3A_163, %squeeze3A_162, %dma_start3A_167] : memref<2x100000x64xf32, #tpu.memory_space<hbm>> -> memref<1x1x64xf32, #tpu.memory_space<hbm>>
        %dma_start3A_169 = tpu.memref_squeeze %dma_start3A_168 : memref<1x1x64xf32, #tpu.memory_space<hbm>> -> memref<64xf32, #tpu.memory_space<hbm>>
        %dma_start3A_170 = arith.constant 0 : i32
        %dma_start3A_171 = tpu.memref_slice %arg7[%dma_start3A_163, %squeeze3A_162, %dma_start3A_170] : memref<2x100000x64xf32, #tpu.memory_space<hbm>> -> memref<1x1x64xf32, #tpu.memory_space<hbm>>
        %dma_start3A_172 = tpu.memref_squeeze %dma_start3A_171 : memref<1x1x64xf32, #tpu.memory_space<hbm>> -> memref<64xf32, #tpu.memory_space<hbm>>
        %dma_start3A_173 = arith.constant 64 : i32
        %dma_start3A_174 = tpu.memref_slice %arg11[%add3A_145, %dma_start3A_173] : memref<128x128xf32, #tpu.memory_space<vmem>> -> memref<1x64xf32, #tpu.memory_space<vmem>>
        %dma_start3A_175 = tpu.memref_squeeze %dma_start3A_174 : memref<1x64xf32, #tpu.memory_space<vmem>> -> memref<64xf32, #tpu.memory_space<vmem>>
        tpu.enqueue_dma source(%dma_start3A_175 : memref<64xf32, #tpu.memory_space<vmem>>) target(%dma_start3A_172 : memref<64xf32, #tpu.memory_space<hbm>>) target_semaphore(%arg13 : memref<!tpu.dma_semaphore, #tpu.memory_space<semaphore_mem>>)
        %mul3A_176 = arith.constant 16 : i32
        %mul3A_177 = arith.muli %scan3A_62, %mul3A_176 : i32
        %add3A_178 = arith.constant 3 : i32
        %add3A_179 = arith.addi %mul3A_177, %add3A_178 : i32
        %slice3A_180 = vector.extract_strided_slice %select_n3A_74 {offsets = [3], sizes = [1], strides = [1]} : vector<16xi32> to vector<1xi32>
        %squeeze3A_181 = vector.extract %slice3A_180[0] : i32 from vector<1xi32>
        %dma_start3A_182 = arith.constant 0 : i32
        %dma_start3A_183 = arith.constant 0 : i32
        %dma_start3A_184 = tpu.memref_slice %arg11[%add3A_179, %dma_start3A_183] : memref<128x128xf32, #tpu.memory_space<vmem>> -> memref<1x64xf32, #tpu.memory_space<vmem>>
        %dma_start3A_185 = tpu.memref_squeeze %dma_start3A_184 : memref<1x64xf32, #tpu.memory_space<vmem>> -> memref<64xf32, #tpu.memory_space<vmem>>
        %dma_start3A_186 = arith.constant 0 : i32
        %dma_start3A_187 = tpu.memref_slice %arg7[%dma_start3A_182, %squeeze3A_181, %dma_start3A_186] : memref<2x100000x64xf32, #tpu.memory_space<hbm>> -> memref<1x1x64xf32, #tpu.memory_space<hbm>>
        %dma_start3A_188 = tpu.memref_squeeze %dma_start3A_187 : memref<1x1x64xf32, #tpu.memory_space<hbm>> -> memref<64xf32, #tpu.memory_space<hbm>>
        %dma_start3A_189 = arith.constant 0 : i32
        %dma_start3A_190 = tpu.memref_slice %arg7[%dma_start3A_182, %squeeze3A_181, %dma_start3A_189] : memref<2x100000x64xf32, #tpu.memory_space<hbm>> -> memref<1x1x64xf32, #tpu.memory_space<hbm>>
        %dma_start3A_191 = tpu.memref_squeeze %dma_start3A_190 : memref<1x1x64xf32, #tpu.memory_space<hbm>> -> memref<64xf32, #tpu.memory_space<hbm>>
        %dma_start3A_192 = arith.constant 0 : i32
        %dma_start3A_193 = tpu.memref_slice %arg11[%add3A_179, %dma_start3A_192] : memref<128x128xf32, #tpu.memory_space<vmem>> -> memref<1x64xf32, #tpu.memory_space<vmem>>
        %dma_start3A_194 = tpu.memref_squeeze %dma_start3A_193 : memref<1x64xf32, #tpu.memory_space<vmem>> -> memref<64xf32, #tpu.memory_space<vmem>>
        tpu.enqueue_dma source(%dma_start3A_194 : memref<64xf32, #tpu.memory_space<vmem>>) target(%dma_start3A_191 : memref<64xf32, #tpu.memory_space<hbm>>) target_semaphore(%arg13 : memref<!tpu.dma_semaphore, #tpu.memory_space<semaphore_mem>>)
        %slice3A_195 = vector.extract_strided_slice %select_n3A_74 {offsets = [3], sizes = [1], strides = [1]} : vector<16xi32> to vector<1xi32>
        %squeeze3A_196 = vector.extract %slice3A_195[0] : i32 from vector<1xi32>
        %dma_start3A_197 = arith.constant 1 : i32
        %dma_start3A_198 = arith.constant 64 : i32
        %dma_start3A_199 = tpu.memref_slice %arg11[%add3A_179, %dma_start3A_198] : memref<128x128xf32, #tpu.memory_space<vmem>> -> memref<1x64xf32, #tpu.memory_space<vmem>>
        %dma_start3A_200 = tpu.memref_squeeze %dma_start3A_199 : memref<1x64xf32, #tpu.memory_space<vmem>> -> memref<64xf32, #tpu.memory_space<vmem>>
        %dma_start3A_201 = arith.constant 0 : i32
        %dma_start3A_202 = tpu.memref_slice %arg7[%dma_start3A_197, %squeeze3A_196, %dma_start3A_201] : memref<2x100000x64xf32, #tpu.memory_space<hbm>> -> memref<1x1x64xf32, #tpu.memory_space<hbm>>
        %dma_start3A_203 = tpu.memref_squeeze %dma_start3A_202 : memref<1x1x64xf32, #tpu.memory_space<hbm>> -> memref<64xf32, #tpu.memory_space<hbm>>
        %dma_start3A_204 = arith.constant 0 : i32
        %dma_start3A_205 = tpu.memref_slice %arg7[%dma_start3A_197, %squeeze3A_196, %dma_start3A_204] : memref<2x100000x64xf32, #tpu.memory_space<hbm>> -> memref<1x1x64xf32, #tpu.memory_space<hbm>>
        %dma_start3A_206 = tpu.memref_squeeze %dma_start3A_205 : memref<1x1x64xf32, #tpu.memory_space<hbm>> -> memref<64xf32, #tpu.memory_space<hbm>>
        %dma_start3A_207 = arith.constant 64 : i32
        %dma_start3A_208 = tpu.memref_slice %arg11[%add3A_179, %dma_start3A_207] : memref<128x128xf32, #tpu.memory_space<vmem>> -> memref<1x64xf32, #tpu.memory_space<vmem>>
        %dma_start3A_209 = tpu.memref_squeeze %dma_start3A_208 : memref<1x64xf32, #tpu.memory_space<vmem>> -> memref<64xf32, #tpu.memory_space<vmem>>
        tpu.enqueue_dma source(%dma_start3A_209 : memref<64xf32, #tpu.memory_space<vmem>>) target(%dma_start3A_206 : memref<64xf32, #tpu.memory_space<hbm>>) target_semaphore(%arg13 : memref<!tpu.dma_semaphore, #tpu.memory_space<semaphore_mem>>)
        %mul3A_210 = arith.constant 16 : i32
        %mul3A_211 = arith.muli %scan3A_62, %mul3A_210 : i32
        %add3A_212 = arith.constant 4 : i32
        %add3A_213 = arith.addi %mul3A_211, %add3A_212 : i32
        %slice3A_214 = vector.extract_strided_slice %select_n3A_74 {offsets = [4], sizes = [1], strides = [1]} : vector<16xi32> to vector<1xi32>
        %squeeze3A_215 = vector.extract %slice3A_214[0] : i32 from vector<1xi32>
        %dma_start3A_216 = arith.constant 0 : i32
        %dma_start3A_217 = arith.constant 0 : i32
        %dma_start3A_218 = tpu.memref_slice %arg11[%add3A_213, %dma_start3A_217] : memref<128x128xf32, #tpu.memory_space<vmem>> -> memref<1x64xf32, #tpu.memory_space<vmem>>
        %dma_start3A_219 = tpu.memref_squeeze %dma_start3A_218 : memref<1x64xf32, #tpu.memory_space<vmem>> -> memref<64xf32, #tpu.memory_space<vmem>>
        %dma_start3A_220 = arith.constant 0 : i32
        %dma_start3A_221 = tpu.memref_slice %arg7[%dma_start3A_216, %squeeze3A_215, %dma_start3A_220] : memref<2x100000x64xf32, #tpu.memory_space<hbm>> -> memref<1x1x64xf32, #tpu.memory_space<hbm>>
        %dma_start3A_222 = tpu.memref_squeeze %dma_start3A_221 : memref<1x1x64xf32, #tpu.memory_space<hbm>> -> memref<64xf32, #tpu.memory_space<hbm>>
        %dma_start3A_223 = arith.constant 0 : i32
        %dma_start3A_224 = tpu.memref_slice %arg7[%dma_start3A_216, %squeeze3A_215, %dma_start3A_223] : memref<2x100000x64xf32, #tpu.memory_space<hbm>> -> memref<1x1x64xf32, #tpu.memory_space<hbm>>
        %dma_start3A_225 = tpu.memref_squeeze %dma_start3A_224 : memref<1x1x64xf32, #tpu.memory_space<hbm>> -> memref<64xf32, #tpu.memory_space<hbm>>
        %dma_start3A_226 = arith.constant 0 : i32
        %dma_start3A_227 = tpu.memref_slice %arg11[%add3A_213, %dma_start3A_226] : memref<128x128xf32, #tpu.memory_space<vmem>> -> memref<1x64xf32, #tpu.memory_space<vmem>>
        %dma_start3A_228 = tpu.memref_squeeze %dma_start3A_227 : memref<1x64xf32, #tpu.memory_space<vmem>> -> memref<64xf32, #tpu.memory_space<vmem>>
        tpu.enqueue_dma source(%dma_start3A_228 : memref<64xf32, #tpu.memory_space<vmem>>) target(%dma_start3A_225 : memref<64xf32, #tpu.memory_space<hbm>>) target_semaphore(%arg13 : memref<!tpu.dma_semaphore, #tpu.memory_space<semaphore_mem>>)
        %slice3A_229 = vector.extract_strided_slice %select_n3A_74 {offsets = [4], sizes = [1], strides = [1]} : vector<16xi32> to vector<1xi32>
        %squeeze3A_230 = vector.extract %slice3A_229[0] : i32 from vector<1xi32>
        %dma_start3A_231 = arith.constant 1 : i32
        %dma_start3A_232 = arith.constant 64 : i32
        %dma_start3A_233 = tpu.memref_slice %arg11[%add3A_213, %dma_start3A_232] : memref<128x128xf32, #tpu.memory_space<vmem>> -> memref<1x64xf32, #tpu.memory_space<vmem>>
        %dma_start3A_234 = tpu.memref_squeeze %dma_start3A_233 : memref<1x64xf32, #tpu.memory_space<vmem>> -> memref<64xf32, #tpu.memory_space<vmem>>
        %dma_start3A_235 = arith.constant 0 : i32
        %dma_start3A_236 = tpu.memref_slice %arg7[%dma_start3A_231, %squeeze3A_230, %dma_start3A_235] : memref<2x100000x64xf32, #tpu.memory_space<hbm>> -> memref<1x1x64xf32, #tpu.memory_space<hbm>>
        %dma_start3A_237 = tpu.memref_squeeze %dma_start3A_236 : memref<1x1x64xf32, #tpu.memory_space<hbm>> -> memref<64xf32, #tpu.memory_space<hbm>>
        %dma_start3A_238 = arith.constant 0 : i32
        %dma_start3A_239 = tpu.memref_slice %arg7[%dma_start3A_231, %squeeze3A_230, %dma_start3A_238] : memref<2x100000x64xf32, #tpu.memory_space<hbm>> -> memref<1x1x64xf32, #tpu.memory_space<hbm>>
        %dma_start3A_240 = tpu.memref_squeeze %dma_start3A_239 : memref<1x1x64xf32, #tpu.memory_space<hbm>> -> memref<64xf32, #tpu.memory_space<hbm>>
        %dma_start3A_241 = arith.constant 64 : i32
        %dma_start3A_242 = tpu.memref_slice %arg11[%add3A_213, %dma_start3A_241] : memref<128x128xf32, #tpu.memory_space<vmem>> -> memref<1x64xf32, #tpu.memory_space<vmem>>
        %dma_start3A_243 = tpu.memref_squeeze %dma_start3A_242 : memref<1x64xf32, #tpu.memory_space<vmem>> -> memref<64xf32, #tpu.memory_space<vmem>>
        tpu.enqueue_dma source(%dma_start3A_243 : memref<64xf32, #tpu.memory_space<vmem>>) target(%dma_start3A_240 : memref<64xf32, #tpu.memory_space<hbm>>) target_semaphore(%arg13 : memref<!tpu.dma_semaphore, #tpu.memory_space<semaphore_mem>>)
        %mul3A_244 = arith.constant 16 : i32
        %mul3A_245 = arith.muli %scan3A_62, %mul3A_244 : i32
        %add3A_246 = arith.constant 5 : i32
        %add3A_247 = arith.addi %mul3A_245, %add3A_246 : i32
        %slice3A_248 = vector.extract_strided_slice %select_n3A_74 {offsets = [5], sizes = [1], strides = [1]} : vector<16xi32> to vector<1xi32>
        %squeeze3A_249 = vector.extract %slice3A_248[0] : i32 from vector<1xi32>
        %dma_start3A_250 = arith.constant 0 : i32
        %dma_start3A_251 = arith.constant 0 : i32
        %dma_start3A_252 = tpu.memref_slice %arg11[%add3A_247, %dma_start3A_251] : memref<128x128xf32, #tpu.memory_space<vmem>> -> memref<1x64xf32, #tpu.memory_space<vmem>>
        %dma_start3A_253 = tpu.memref_squeeze %dma_start3A_252 : memref<1x64xf32, #tpu.memory_space<vmem>> -> memref<64xf32, #tpu.memory_space<vmem>>
        %dma_start3A_254 = arith.constant 0 : i32
        %dma_start3A_255 = tpu.memref_slice %arg7[%dma_start3A_250, %squeeze3A_249, %dma_start3A_254] : memref<2x100000x64xf32, #tpu.memory_space<hbm>> -> memref<1x1x64xf32, #tpu.memory_space<hbm>>
        %dma_start3A_256 = tpu.memref_squeeze %dma_start3A_255 : memref<1x1x64xf32, #tpu.memory_space<hbm>> -> memref<64xf32, #tpu.memory_space<hbm>>
        %dma_start3A_257 = arith.constant 0 : i32
        %dma_start3A_258 = tpu.memref_slice %arg7[%dma_start3A_250, %squeeze3A_249, %dma_start3A_257] : memref<2x100000x64xf32, #tpu.memory_space<hbm>> -> memref<1x1x64xf32, #tpu.memory_space<hbm>>
        %dma_start3A_259 = tpu.memref_squeeze %dma_start3A_258 : memref<1x1x64xf32, #tpu.memory_space<hbm>> -> memref<64xf32, #tpu.memory_space<hbm>>
        %dma_start3A_260 = arith.constant 0 : i32
        %dma_start3A_261 = tpu.memref_slice %arg11[%add3A_247, %dma_start3A_260] : memref<128x128xf32, #tpu.memory_space<vmem>> -> memref<1x64xf32, #tpu.memory_space<vmem>>
        %dma_start3A_262 = tpu.memref_squeeze %dma_start3A_261 : memref<1x64xf32, #tpu.memory_space<vmem>> -> memref<64xf32, #tpu.memory_space<vmem>>
        tpu.enqueue_dma source(%dma_start3A_262 : memref<64xf32, #tpu.memory_space<vmem>>) target(%dma_start3A_259 : memref<64xf32, #tpu.memory_space<hbm>>) target_semaphore(%arg13 : memref<!tpu.dma_semaphore, #tpu.memory_space<semaphore_mem>>)
        %slice3A_263 = vector.extract_strided_slice %select_n3A_74 {offsets = [5], sizes = [1], strides = [1]} : vector<16xi32> to vector<1xi32>
        %squeeze3A_264 = vector.extract %slice3A_263[0] : i32 from vector<1xi32>
        %dma_start3A_265 = arith.constant 1 : i32
        %dma_start3A_266 = arith.constant 64 : i32
        %dma_start3A_267 = tpu.memref_slice %arg11[%add3A_247, %dma_start3A_266] : memref<128x128xf32, #tpu.memory_space<vmem>> -> memref<1x64xf32, #tpu.memory_space<vmem>>
        %dma_start3A_268 = tpu.memref_squeeze %dma_start3A_267 : memref<1x64xf32, #tpu.memory_space<vmem>> -> memref<64xf32, #tpu.memory_space<vmem>>
        %dma_start3A_269 = arith.constant 0 : i32
        %dma_start3A_270 = tpu.memref_slice %arg7[%dma_start3A_265, %squeeze3A_264, %dma_start3A_269] : memref<2x100000x64xf32, #tpu.memory_space<hbm>> -> memref<1x1x64xf32, #tpu.memory_space<hbm>>
        %dma_start3A_271 = tpu.memref_squeeze %dma_start3A_270 : memref<1x1x64xf32, #tpu.memory_space<hbm>> -> memref<64xf32, #tpu.memory_space<hbm>>
        %dma_start3A_272 = arith.constant 0 : i32
        %dma_start3A_273 = tpu.memref_slice %arg7[%dma_start3A_265, %squeeze3A_264, %dma_start3A_272] : memref<2x100000x64xf32, #tpu.memory_space<hbm>> -> memref<1x1x64xf32, #tpu.memory_space<hbm>>
        %dma_start3A_274 = tpu.memref_squeeze %dma_start3A_273 : memref<1x1x64xf32, #tpu.memory_space<hbm>> -> memref<64xf32, #tpu.memory_space<hbm>>
        %dma_start3A_275 = arith.constant 64 : i32
        %dma_start3A_276 = tpu.memref_slice %arg11[%add3A_247, %dma_start3A_275] : memref<128x128xf32, #tpu.memory_space<vmem>> -> memref<1x64xf32, #tpu.memory_space<vmem>>
        %dma_start3A_277 = tpu.memref_squeeze %dma_start3A_276 : memref<1x64xf32, #tpu.memory_space<vmem>> -> memref<64xf32, #tpu.memory_space<vmem>>
        tpu.enqueue_dma source(%dma_start3A_277 : memref<64xf32, #tpu.memory_space<vmem>>) target(%dma_start3A_274 : memref<64xf32, #tpu.memory_space<hbm>>) target_semaphore(%arg13 : memref<!tpu.dma_semaphore, #tpu.memory_space<semaphore_mem>>)
        %mul3A_278 = arith.constant 16 : i32
        %mul3A_279 = arith.muli %scan3A_62, %mul3A_278 : i32
        %add3A_280 = arith.constant 6 : i32
        %add3A_281 = arith.addi %mul3A_279, %add3A_280 : i32
        %slice3A_282 = vector.extract_strided_slice %select_n3A_74 {offsets = [6], sizes = [1], strides = [1]} : vector<16xi32> to vector<1xi32>
        %squeeze3A_283 = vector.extract %slice3A_282[0] : i32 from vector<1xi32>
        %dma_start3A_284 = arith.constant 0 : i32
        %dma_start3A_285 = arith.constant 0 : i32
        %dma_start3A_286 = tpu.memref_slice %arg11[%add3A_281, %dma_start3A_285] : memref<128x128xf32, #tpu.memory_space<vmem>> -> memref<1x64xf32, #tpu.memory_space<vmem>>
        %dma_start3A_287 = tpu.memref_squeeze %dma_start3A_286 : memref<1x64xf32, #tpu.memory_space<vmem>> -> memref<64xf32, #tpu.memory_space<vmem>>
        %dma_start3A_288 = arith.constant 0 : i32
        %dma_start3A_289 = tpu.memref_slice %arg7[%dma_start3A_284, %squeeze3A_283, %dma_start3A_288] : memref<2x100000x64xf32, #tpu.memory_space<hbm>> -> memref<1x1x64xf32, #tpu.memory_space<hbm>>
        %dma_start3A_290 = tpu.memref_squeeze %dma_start3A_289 : memref<1x1x64xf32, #tpu.memory_space<hbm>> -> memref<64xf32, #tpu.memory_space<hbm>>
        %dma_start3A_291 = arith.constant 0 : i32
        %dma_start3A_292 = tpu.memref_slice %arg7[%dma_start3A_284, %squeeze3A_283, %dma_start3A_291] : memref<2x100000x64xf32, #tpu.memory_space<hbm>> -> memref<1x1x64xf32, #tpu.memory_space<hbm>>
        %dma_start3A_293 = tpu.memref_squeeze %dma_start3A_292 : memref<1x1x64xf32, #tpu.memory_space<hbm>> -> memref<64xf32, #tpu.memory_space<hbm>>
        %dma_start3A_294 = arith.constant 0 : i32
        %dma_start3A_295 = tpu.memref_slice %arg11[%add3A_281, %dma_start3A_294] : memref<128x128xf32, #tpu.memory_space<vmem>> -> memref<1x64xf32, #tpu.memory_space<vmem>>
        %dma_start3A_296 = tpu.memref_squeeze %dma_start3A_295 : memref<1x64xf32, #tpu.memory_space<vmem>> -> memref<64xf32, #tpu.memory_space<vmem>>
        tpu.enqueue_dma source(%dma_start3A_296 : memref<64xf32, #tpu.memory_space<vmem>>) target(%dma_start3A_293 : memref<64xf32, #tpu.memory_space<hbm>>) target_semaphore(%arg13 : memref<!tpu.dma_semaphore, #tpu.memory_space<semaphore_mem>>)
        %slice3A_297 = vector.extract_strided_slice %select_n3A_74 {offsets = [6], sizes = [1], strides = [1]} : vector<16xi32> to vector<1xi32>
        %squeeze3A_298 = vector.extract %slice3A_297[0] : i32 from vector<1xi32>
        %dma_start3A_299 = arith.constant 1 : i32
        %dma_start3A_300 = arith.constant 64 : i32
        %dma_start3A_301 = tpu.memref_slice %arg11[%add3A_281, %dma_start3A_300] : memref<128x128xf32, #tpu.memory_space<vmem>> -> memref<1x64xf32, #tpu.memory_space<vmem>>
        %dma_start3A_302 = tpu.memref_squeeze %dma_start3A_301 : memref<1x64xf32, #tpu.memory_space<vmem>> -> memref<64xf32, #tpu.memory_space<vmem>>
        %dma_start3A_303 = arith.constant 0 : i32
        %dma_start3A_304 = tpu.memref_slice %arg7[%dma_start3A_299, %squeeze3A_298, %dma_start3A_303] : memref<2x100000x64xf32, #tpu.memory_space<hbm>> -> memref<1x1x64xf32, #tpu.memory_space<hbm>>
        %dma_start3A_305 = tpu.memref_squeeze %dma_start3A_304 : memref<1x1x64xf32, #tpu.memory_space<hbm>> -> memref<64xf32, #tpu.memory_space<hbm>>
        %dma_start3A_306 = arith.constant 0 : i32
        %dma_start3A_307 = tpu.memref_slice %arg7[%dma_start3A_299, %squeeze3A_298, %dma_start3A_306] : memref<2x100000x64xf32, #tpu.memory_space<hbm>> -> memref<1x1x64xf32, #tpu.memory_space<hbm>>
        %dma_start3A_308 = tpu.memref_squeeze %dma_start3A_307 : memref<1x1x64xf32, #tpu.memory_space<hbm>> -> memref<64xf32, #tpu.memory_space<hbm>>
        %dma_start3A_309 = arith.constant 64 : i32
        %dma_start3A_310 = tpu.memref_slice %arg11[%add3A_281, %dma_start3A_309] : memref<128x128xf32, #tpu.memory_space<vmem>> -> memref<1x64xf32, #tpu.memory_space<vmem>>
        %dma_start3A_311 = tpu.memref_squeeze %dma_start3A_310 : memref<1x64xf32, #tpu.memory_space<vmem>> -> memref<64xf32, #tpu.memory_space<vmem>>
        tpu.enqueue_dma source(%dma_start3A_311 : memref<64xf32, #tpu.memory_space<vmem>>) target(%dma_start3A_308 : memref<64xf32, #tpu.memory_space<hbm>>) target_semaphore(%arg13 : memref<!tpu.dma_semaphore, #tpu.memory_space<semaphore_mem>>)
        %mul3A_312 = arith.constant 16 : i32
        %mul3A_313 = arith.muli %scan3A_62, %mul3A_312 : i32
        %add3A_314 = arith.constant 7 : i32
        %add3A_315 = arith.addi %mul3A_313, %add3A_314 : i32
        %slice3A_316 = vector.extract_strided_slice %select_n3A_74 {offsets = [7], sizes = [1], strides = [1]} : vector<16xi32> to vector<1xi32>
        %squeeze3A_317 = vector.extract %slice3A_316[0] : i32 from vector<1xi32>
        %dma_start3A_318 = arith.constant 0 : i32
        %dma_start3A_319 = arith.constant 0 : i32
        %dma_start3A_320 = tpu.memref_slice %arg11[%add3A_315, %dma_start3A_319] : memref<128x128xf32, #tpu.memory_space<vmem>> -> memref<1x64xf32, #tpu.memory_space<vmem>>
        %dma_start3A_321 = tpu.memref_squeeze %dma_start3A_320 : memref<1x64xf32, #tpu.memory_space<vmem>> -> memref<64xf32, #tpu.memory_space<vmem>>
        %dma_start3A_322 = arith.constant 0 : i32
        %dma_start3A_323 = tpu.memref_slice %arg7[%dma_start3A_318, %squeeze3A_317, %dma_start3A_322] : memref<2x100000x64xf32, #tpu.memory_space<hbm>> -> memref<1x1x64xf32, #tpu.memory_space<hbm>>
        %dma_start3A_324 = tpu.memref_squeeze %dma_start3A_323 : memref<1x1x64xf32, #tpu.memory_space<hbm>> -> memref<64xf32, #tpu.memory_space<hbm>>
        %dma_start3A_325 = arith.constant 0 : i32
        %dma_start3A_326 = tpu.memref_slice %arg7[%dma_start3A_318, %squeeze3A_317, %dma_start3A_325] : memref<2x100000x64xf32, #tpu.memory_space<hbm>> -> memref<1x1x64xf32, #tpu.memory_space<hbm>>
        %dma_start3A_327 = tpu.memref_squeeze %dma_start3A_326 : memref<1x1x64xf32, #tpu.memory_space<hbm>> -> memref<64xf32, #tpu.memory_space<hbm>>
        %dma_start3A_328 = arith.constant 0 : i32
        %dma_start3A_329 = tpu.memref_slice %arg11[%add3A_315, %dma_start3A_328] : memref<128x128xf32, #tpu.memory_space<vmem>> -> memref<1x64xf32, #tpu.memory_space<vmem>>
        %dma_start3A_330 = tpu.memref_squeeze %dma_start3A_329 : memref<1x64xf32, #tpu.memory_space<vmem>> -> memref<64xf32, #tpu.memory_space<vmem>>
        tpu.enqueue_dma source(%dma_start3A_330 : memref<64xf32, #tpu.memory_space<vmem>>) target(%dma_start3A_327 : memref<64xf32, #tpu.memory_space<hbm>>) target_semaphore(%arg13 : memref<!tpu.dma_semaphore, #tpu.memory_space<semaphore_mem>>)
        %slice3A_331 = vector.extract_strided_slice %select_n3A_74 {offsets = [7], sizes = [1], strides = [1]} : vector<16xi32> to vector<1xi32>
        %squeeze3A_332 = vector.extract %slice3A_331[0] : i32 from vector<1xi32>
        %dma_start3A_333 = arith.constant 1 : i32
        %dma_start3A_334 = arith.constant 64 : i32
        %dma_start3A_335 = tpu.memref_slice %arg11[%add3A_315, %dma_start3A_334] : memref<128x128xf32, #tpu.memory_space<vmem>> -> memref<1x64xf32, #tpu.memory_space<vmem>>
        %dma_start3A_336 = tpu.memref_squeeze %dma_start3A_335 : memref<1x64xf32, #tpu.memory_space<vmem>> -> memref<64xf32, #tpu.memory_space<vmem>>
        %dma_start3A_337 = arith.constant 0 : i32
        %dma_start3A_338 = tpu.memref_slice %arg7[%dma_start3A_333, %squeeze3A_332, %dma_start3A_337] : memref<2x100000x64xf32, #tpu.memory_space<hbm>> -> memref<1x1x64xf32, #tpu.memory_space<hbm>>
        %dma_start3A_339 = tpu.memref_squeeze %dma_start3A_338 : memref<1x1x64xf32, #tpu.memory_space<hbm>> -> memref<64xf32, #tpu.memory_space<hbm>>
        %dma_start3A_340 = arith.constant 0 : i32
        %dma_start3A_341 = tpu.memref_slice %arg7[%dma_start3A_333, %squeeze3A_332, %dma_start3A_340] : memref<2x100000x64xf32, #tpu.memory_space<hbm>> -> memref<1x1x64xf32, #tpu.memory_space<hbm>>
        %dma_start3A_342 = tpu.memref_squeeze %dma_start3A_341 : memref<1x1x64xf32, #tpu.memory_space<hbm>> -> memref<64xf32, #tpu.memory_space<hbm>>
        %dma_start3A_343 = arith.constant 64 : i32
        %dma_start3A_344 = tpu.memref_slice %arg11[%add3A_315, %dma_start3A_343] : memref<128x128xf32, #tpu.memory_space<vmem>> -> memref<1x64xf32, #tpu.memory_space<vmem>>
        %dma_start3A_345 = tpu.memref_squeeze %dma_start3A_344 : memref<1x64xf32, #tpu.memory_space<vmem>> -> memref<64xf32, #tpu.memory_space<vmem>>
        tpu.enqueue_dma source(%dma_start3A_345 : memref<64xf32, #tpu.memory_space<vmem>>) target(%dma_start3A_342 : memref<64xf32, #tpu.memory_space<hbm>>) target_semaphore(%arg13 : memref<!tpu.dma_semaphore, #tpu.memory_space<semaphore_mem>>)
        %mul3A_346 = arith.constant 16 : i32
        %mul3A_347 = arith.muli %scan3A_62, %mul3A_346 : i32
        %add3A_348 = arith.constant 8 : i32
        %add3A_349 = arith.addi %mul3A_347, %add3A_348 : i32
        %slice3A_350 = vector.extract_strided_slice %select_n3A_74 {offsets = [8], sizes = [1], strides = [1]} : vector<16xi32> to vector<1xi32>
        %squeeze3A_351 = vector.extract %slice3A_350[0] : i32 from vector<1xi32>
        %dma_start3A_352 = arith.constant 0 : i32
        %dma_start3A_353 = arith.constant 0 : i32
        %dma_start3A_354 = tpu.memref_slice %arg11[%add3A_349, %dma_start3A_353] : memref<128x128xf32, #tpu.memory_space<vmem>> -> memref<1x64xf32, #tpu.memory_space<vmem>>
        %dma_start3A_355 = tpu.memref_squeeze %dma_start3A_354 : memref<1x64xf32, #tpu.memory_space<vmem>> -> memref<64xf32, #tpu.memory_space<vmem>>
        %dma_start3A_356 = arith.constant 0 : i32
        %dma_start3A_357 = tpu.memref_slice %arg7[%dma_start3A_352, %squeeze3A_351, %dma_start3A_356] : memref<2x100000x64xf32, #tpu.memory_space<hbm>> -> memref<1x1x64xf32, #tpu.memory_space<hbm>>
        %dma_start3A_358 = tpu.memref_squeeze %dma_start3A_357 : memref<1x1x64xf32, #tpu.memory_space<hbm>> -> memref<64xf32, #tpu.memory_space<hbm>>
        %dma_start3A_359 = arith.constant 0 : i32
        %dma_start3A_360 = tpu.memref_slice %arg7[%dma_start3A_352, %squeeze3A_351, %dma_start3A_359] : memref<2x100000x64xf32, #tpu.memory_space<hbm>> -> memref<1x1x64xf32, #tpu.memory_space<hbm>>
        %dma_start3A_361 = tpu.memref_squeeze %dma_start3A_360 : memref<1x1x64xf32, #tpu.memory_space<hbm>> -> memref<64xf32, #tpu.memory_space<hbm>>
        %dma_start3A_362 = arith.constant 0 : i32
        %dma_start3A_363 = tpu.memref_slice %arg11[%add3A_349, %dma_start3A_362] : memref<128x128xf32, #tpu.memory_space<vmem>> -> memref<1x64xf32, #tpu.memory_space<vmem>>
        %dma_start3A_364 = tpu.memref_squeeze %dma_start3A_363 : memref<1x64xf32, #tpu.memory_space<vmem>> -> memref<64xf32, #tpu.memory_space<vmem>>
        tpu.enqueue_dma source(%dma_start3A_364 : memref<64xf32, #tpu.memory_space<vmem>>) target(%dma_start3A_361 : memref<64xf32, #tpu.memory_space<hbm>>) target_semaphore(%arg13 : memref<!tpu.dma_semaphore, #tpu.memory_space<semaphore_mem>>)
        %slice3A_365 = vector.extract_strided_slice %select_n3A_74 {offsets = [8], sizes = [1], strides = [1]} : vector<16xi32> to vector<1xi32>
        %squeeze3A_366 = vector.extract %slice3A_365[0] : i32 from vector<1xi32>
        %dma_start3A_367 = arith.constant 1 : i32
        %dma_start3A_368 = arith.constant 64 : i32
        %dma_start3A_369 = tpu.memref_slice %arg11[%add3A_349, %dma_start3A_368] : memref<128x128xf32, #tpu.memory_space<vmem>> -> memref<1x64xf32, #tpu.memory_space<vmem>>
        %dma_start3A_370 = tpu.memref_squeeze %dma_start3A_369 : memref<1x64xf32, #tpu.memory_space<vmem>> -> memref<64xf32, #tpu.memory_space<vmem>>
        %dma_start3A_371 = arith.constant 0 : i32
        %dma_start3A_372 = tpu.memref_slice %arg7[%dma_start3A_367, %squeeze3A_366, %dma_start3A_371] : memref<2x100000x64xf32, #tpu.memory_space<hbm>> -> memref<1x1x64xf32, #tpu.memory_space<hbm>>
        %dma_start3A_373 = tpu.memref_squeeze %dma_start3A_372 : memref<1x1x64xf32, #tpu.memory_space<hbm>> -> memref<64xf32, #tpu.memory_space<hbm>>
        %dma_start3A_374 = arith.constant 0 : i32
        %dma_start3A_375 = tpu.memref_slice %arg7[%dma_start3A_367, %squeeze3A_366, %dma_start3A_374] : memref<2x100000x64xf32, #tpu.memory_space<hbm>> -> memref<1x1x64xf32, #tpu.memory_space<hbm>>
        %dma_start3A_376 = tpu.memref_squeeze %dma_start3A_375 : memref<1x1x64xf32, #tpu.memory_space<hbm>> -> memref<64xf32, #tpu.memory_space<hbm>>
        %dma_start3A_377 = arith.constant 64 : i32
        %dma_start3A_378 = tpu.memref_slice %arg11[%add3A_349, %dma_start3A_377] : memref<128x128xf32, #tpu.memory_space<vmem>> -> memref<1x64xf32, #tpu.memory_space<vmem>>
        %dma_start3A_379 = tpu.memref_squeeze %dma_start3A_378 : memref<1x64xf32, #tpu.memory_space<vmem>> -> memref<64xf32, #tpu.memory_space<vmem>>
        tpu.enqueue_dma source(%dma_start3A_379 : memref<64xf32, #tpu.memory_space<vmem>>) target(%dma_start3A_376 : memref<64xf32, #tpu.memory_space<hbm>>) target_semaphore(%arg13 : memref<!tpu.dma_semaphore, #tpu.memory_space<semaphore_mem>>)
        %mul3A_380 = arith.constant 16 : i32
        %mul3A_381 = arith.muli %scan3A_62, %mul3A_380 : i32
        %add3A_382 = arith.constant 9 : i32
        %add3A_383 = arith.addi %mul3A_381, %add3A_382 : i32
        %slice3A_384 = vector.extract_strided_slice %select_n3A_74 {offsets = [9], sizes = [1], strides = [1]} : vector<16xi32> to vector<1xi32>
        %squeeze3A_385 = vector.extract %slice3A_384[0] : i32 from vector<1xi32>
        %dma_start3A_386 = arith.constant 0 : i32
        %dma_start3A_387 = arith.constant 0 : i32
        %dma_start3A_388 = tpu.memref_slice %arg11[%add3A_383, %dma_start3A_387] : memref<128x128xf32, #tpu.memory_space<vmem>> -> memref<1x64xf32, #tpu.memory_space<vmem>>
        %dma_start3A_389 = tpu.memref_squeeze %dma_start3A_388 : memref<1x64xf32, #tpu.memory_space<vmem>> -> memref<64xf32, #tpu.memory_space<vmem>>
        %dma_start3A_390 = arith.constant 0 : i32
        %dma_start3A_391 = tpu.memref_slice %arg7[%dma_start3A_386, %squeeze3A_385, %dma_start3A_390] : memref<2x100000x64xf32, #tpu.memory_space<hbm>> -> memref<1x1x64xf32, #tpu.memory_space<hbm>>
        %dma_start3A_392 = tpu.memref_squeeze %dma_start3A_391 : memref<1x1x64xf32, #tpu.memory_space<hbm>> -> memref<64xf32, #tpu.memory_space<hbm>>
        %dma_start3A_393 = arith.constant 0 : i32
        %dma_start3A_394 = tpu.memref_slice %arg7[%dma_start3A_386, %squeeze3A_385, %dma_start3A_393] : memref<2x100000x64xf32, #tpu.memory_space<hbm>> -> memref<1x1x64xf32, #tpu.memory_space<hbm>>
        %dma_start3A_395 = tpu.memref_squeeze %dma_start3A_394 : memref<1x1x64xf32, #tpu.memory_space<hbm>> -> memref<64xf32, #tpu.memory_space<hbm>>
        %dma_start3A_396 = arith.constant 0 : i32
        %dma_start3A_397 = tpu.memref_slice %arg11[%add3A_383, %dma_start3A_396] : memref<128x128xf32, #tpu.memory_space<vmem>> -> memref<1x64xf32, #tpu.memory_space<vmem>>
        %dma_start3A_398 = tpu.memref_squeeze %dma_start3A_397 : memref<1x64xf32, #tpu.memory_space<vmem>> -> memref<64xf32, #tpu.memory_space<vmem>>
        tpu.enqueue_dma source(%dma_start3A_398 : memref<64xf32, #tpu.memory_space<vmem>>) target(%dma_start3A_395 : memref<64xf32, #tpu.memory_space<hbm>>) target_semaphore(%arg13 : memref<!tpu.dma_semaphore, #tpu.memory_space<semaphore_mem>>)
        %slice3A_399 = vector.extract_strided_slice %select_n3A_74 {offsets = [9], sizes = [1], strides = [1]} : vector<16xi32> to vector<1xi32>
        %squeeze3A_400 = vector.extract %slice3A_399[0] : i32 from vector<1xi32>
        %dma_start3A_401 = arith.constant 1 : i32
        %dma_start3A_402 = arith.constant 64 : i32
        %dma_start3A_403 = tpu.memref_slice %arg11[%add3A_383, %dma_start3A_402] : memref<128x128xf32, #tpu.memory_space<vmem>> -> memref<1x64xf32, #tpu.memory_space<vmem>>
        %dma_start3A_404 = tpu.memref_squeeze %dma_start3A_403 : memref<1x64xf32, #tpu.memory_space<vmem>> -> memref<64xf32, #tpu.memory_space<vmem>>
        %dma_start3A_405 = arith.constant 0 : i32
        %dma_start3A_406 = tpu.memref_slice %arg7[%dma_start3A_401, %squeeze3A_400, %dma_start3A_405] : memref<2x100000x64xf32, #tpu.memory_space<hbm>> -> memref<1x1x64xf32, #tpu.memory_space<hbm>>
        %dma_start3A_407 = tpu.memref_squeeze %dma_start3A_406 : memref<1x1x64xf32, #tpu.memory_space<hbm>> -> memref<64xf32, #tpu.memory_space<hbm>>
        %dma_start3A_408 = arith.constant 0 : i32
        %dma_start3A_409 = tpu.memref_slice %arg7[%dma_start3A_401, %squeeze3A_400, %dma_start3A_408] : memref<2x100000x64xf32, #tpu.memory_space<hbm>> -> memref<1x1x64xf32, #tpu.memory_space<hbm>>
        %dma_start3A_410 = tpu.memref_squeeze %dma_start3A_409 : memref<1x1x64xf32, #tpu.memory_space<hbm>> -> memref<64xf32, #tpu.memory_space<hbm>>
        %dma_start3A_411 = arith.constant 64 : i32
        %dma_start3A_412 = tpu.memref_slice %arg11[%add3A_383, %dma_start3A_411] : memref<128x128xf32, #tpu.memory_space<vmem>> -> memref<1x64xf32, #tpu.memory_space<vmem>>
        %dma_start3A_413 = tpu.memref_squeeze %dma_start3A_412 : memref<1x64xf32, #tpu.memory_space<vmem>> -> memref<64xf32, #tpu.memory_space<vmem>>
        tpu.enqueue_dma source(%dma_start3A_413 : memref<64xf32, #tpu.memory_space<vmem>>) target(%dma_start3A_410 : memref<64xf32, #tpu.memory_space<hbm>>) target_semaphore(%arg13 : memref<!tpu.dma_semaphore, #tpu.memory_space<semaphore_mem>>)
        %mul3A_414 = arith.constant 16 : i32
        %mul3A_415 = arith.muli %scan3A_62, %mul3A_414 : i32
        %add3A_416 = arith.constant 10 : i32
        %add3A_417 = arith.addi %mul3A_415, %add3A_416 : i32
        %slice3A_418 = vector.extract_strided_slice %select_n3A_74 {offsets = [10], sizes = [1], strides = [1]} : vector<16xi32> to vector<1xi32>
        %squeeze3A_419 = vector.extract %slice3A_418[0] : i32 from vector<1xi32>
        %dma_start3A_420 = arith.constant 0 : i32
        %dma_start3A_421 = arith.constant 0 : i32
        %dma_start3A_422 = tpu.memref_slice %arg11[%add3A_417, %dma_start3A_421] : memref<128x128xf32, #tpu.memory_space<vmem>> -> memref<1x64xf32, #tpu.memory_space<vmem>>
        %dma_start3A_423 = tpu.memref_squeeze %dma_start3A_422 : memref<1x64xf32, #tpu.memory_space<vmem>> -> memref<64xf32, #tpu.memory_space<vmem>>
        %dma_start3A_424 = arith.constant 0 : i32
        %dma_start3A_425 = tpu.memref_slice %arg7[%dma_start3A_420, %squeeze3A_419, %dma_start3A_424] : memref<2x100000x64xf32, #tpu.memory_space<hbm>> -> memref<1x1x64xf32, #tpu.memory_space<hbm>>
        %dma_start3A_426 = tpu.memref_squeeze %dma_start3A_425 : memref<1x1x64xf32, #tpu.memory_space<hbm>> -> memref<64xf32, #tpu.memory_space<hbm>>
        %dma_start3A_427 = arith.constant 0 : i32
        %dma_start3A_428 = tpu.memref_slice %arg7[%dma_start3A_420, %squeeze3A_419, %dma_start3A_427] : memref<2x100000x64xf32, #tpu.memory_space<hbm>> -> memref<1x1x64xf32, #tpu.memory_space<hbm>>
        %dma_start3A_429 = tpu.memref_squeeze %dma_start3A_428 : memref<1x1x64xf32, #tpu.memory_space<hbm>> -> memref<64xf32, #tpu.memory_space<hbm>>
        %dma_start3A_430 = arith.constant 0 : i32
        %dma_start3A_431 = tpu.memref_slice %arg11[%add3A_417, %dma_start3A_430] : memref<128x128xf32, #tpu.memory_space<vmem>> -> memref<1x64xf32, #tpu.memory_space<vmem>>
        %dma_start3A_432 = tpu.memref_squeeze %dma_start3A_431 : memref<1x64xf32, #tpu.memory_space<vmem>> -> memref<64xf32, #tpu.memory_space<vmem>>
        tpu.enqueue_dma source(%dma_start3A_432 : memref<64xf32, #tpu.memory_space<vmem>>) target(%dma_start3A_429 : memref<64xf32, #tpu.memory_space<hbm>>) target_semaphore(%arg13 : memref<!tpu.dma_semaphore, #tpu.memory_space<semaphore_mem>>)
        %slice3A_433 = vector.extract_strided_slice %select_n3A_74 {offsets = [10], sizes = [1], strides = [1]} : vector<16xi32> to vector<1xi32>
        %squeeze3A_434 = vector.extract %slice3A_433[0] : i32 from vector<1xi32>
        %dma_start3A_435 = arith.constant 1 : i32
        %dma_start3A_436 = arith.constant 64 : i32
        %dma_start3A_437 = tpu.memref_slice %arg11[%add3A_417, %dma_start3A_436] : memref<128x128xf32, #tpu.memory_space<vmem>> -> memref<1x64xf32, #tpu.memory_space<vmem>>
        %dma_start3A_438 = tpu.memref_squeeze %dma_start3A_437 : memref<1x64xf32, #tpu.memory_space<vmem>> -> memref<64xf32, #tpu.memory_space<vmem>>
        %dma_start3A_439 = arith.constant 0 : i32
        %dma_start3A_440 = tpu.memref_slice %arg7[%dma_start3A_435, %squeeze3A_434, %dma_start3A_439] : memref<2x100000x64xf32, #tpu.memory_space<hbm>> -> memref<1x1x64xf32, #tpu.memory_space<hbm>>
        %dma_start3A_441 = tpu.memref_squeeze %dma_start3A_440 : memref<1x1x64xf32, #tpu.memory_space<hbm>> -> memref<64xf32, #tpu.memory_space<hbm>>
        %dma_start3A_442 = arith.constant 0 : i32
        %dma_start3A_443 = tpu.memref_slice %arg7[%dma_start3A_435, %squeeze3A_434, %dma_start3A_442] : memref<2x100000x64xf32, #tpu.memory_space<hbm>> -> memref<1x1x64xf32, #tpu.memory_space<hbm>>
        %dma_start3A_444 = tpu.memref_squeeze %dma_start3A_443 : memref<1x1x64xf32, #tpu.memory_space<hbm>> -> memref<64xf32, #tpu.memory_space<hbm>>
        %dma_start3A_445 = arith.constant 64 : i32
        %dma_start3A_446 = tpu.memref_slice %arg11[%add3A_417, %dma_start3A_445] : memref<128x128xf32, #tpu.memory_space<vmem>> -> memref<1x64xf32, #tpu.memory_space<vmem>>
        %dma_start3A_447 = tpu.memref_squeeze %dma_start3A_446 : memref<1x64xf32, #tpu.memory_space<vmem>> -> memref<64xf32, #tpu.memory_space<vmem>>
        tpu.enqueue_dma source(%dma_start3A_447 : memref<64xf32, #tpu.memory_space<vmem>>) target(%dma_start3A_444 : memref<64xf32, #tpu.memory_space<hbm>>) target_semaphore(%arg13 : memref<!tpu.dma_semaphore, #tpu.memory_space<semaphore_mem>>)
        %mul3A_448 = arith.constant 16 : i32
        %mul3A_449 = arith.muli %scan3A_62, %mul3A_448 : i32
        %add3A_450 = arith.constant 11 : i32
        %add3A_451 = arith.addi %mul3A_449, %add3A_450 : i32
        %slice3A_452 = vector.extract_strided_slice %select_n3A_74 {offsets = [11], sizes = [1], strides = [1]} : vector<16xi32> to vector<1xi32>
        %squeeze3A_453 = vector.extract %slice3A_452[0] : i32 from vector<1xi32>
        %dma_start3A_454 = arith.constant 0 : i32
        %dma_start3A_455 = arith.constant 0 : i32
        %dma_start3A_456 = tpu.memref_slice %arg11[%add3A_451, %dma_start3A_455] : memref<128x128xf32, #tpu.memory_space<vmem>> -> memref<1x64xf32, #tpu.memory_space<vmem>>
        %dma_start3A_457 = tpu.memref_squeeze %dma_start3A_456 : memref<1x64xf32, #tpu.memory_space<vmem>> -> memref<64xf32, #tpu.memory_space<vmem>>
        %dma_start3A_458 = arith.constant 0 : i32
        %dma_start3A_459 = tpu.memref_slice %arg7[%dma_start3A_454, %squeeze3A_453, %dma_start3A_458] : memref<2x100000x64xf32, #tpu.memory_space<hbm>> -> memref<1x1x64xf32, #tpu.memory_space<hbm>>
        %dma_start3A_460 = tpu.memref_squeeze %dma_start3A_459 : memref<1x1x64xf32, #tpu.memory_space<hbm>> -> memref<64xf32, #tpu.memory_space<hbm>>
        %dma_start3A_461 = arith.constant 0 : i32
        %dma_start3A_462 = tpu.memref_slice %arg7[%dma_start3A_454, %squeeze3A_453, %dma_start3A_461] : memref<2x100000x64xf32, #tpu.memory_space<hbm>> -> memref<1x1x64xf32, #tpu.memory_space<hbm>>
        %dma_start3A_463 = tpu.memref_squeeze %dma_start3A_462 : memref<1x1x64xf32, #tpu.memory_space<hbm>> -> memref<64xf32, #tpu.memory_space<hbm>>
        %dma_start3A_464 = arith.constant 0 : i32
        %dma_start3A_465 = tpu.memref_slice %arg11[%add3A_451, %dma_start3A_464] : memref<128x128xf32, #tpu.memory_space<vmem>> -> memref<1x64xf32, #tpu.memory_space<vmem>>
        %dma_start3A_466 = tpu.memref_squeeze %dma_start3A_465 : memref<1x64xf32, #tpu.memory_space<vmem>> -> memref<64xf32, #tpu.memory_space<vmem>>
        tpu.enqueue_dma source(%dma_start3A_466 : memref<64xf32, #tpu.memory_space<vmem>>) target(%dma_start3A_463 : memref<64xf32, #tpu.memory_space<hbm>>) target_semaphore(%arg13 : memref<!tpu.dma_semaphore, #tpu.memory_space<semaphore_mem>>)
        %slice3A_467 = vector.extract_strided_slice %select_n3A_74 {offsets = [11], sizes = [1], strides = [1]} : vector<16xi32> to vector<1xi32>
        %squeeze3A_468 = vector.extract %slice3A_467[0] : i32 from vector<1xi32>
        %dma_start3A_469 = arith.constant 1 : i32
        %dma_start3A_470 = arith.constant 64 : i32
        %dma_start3A_471 = tpu.memref_slice %arg11[%add3A_451, %dma_start3A_470] : memref<128x128xf32, #tpu.memory_space<vmem>> -> memref<1x64xf32, #tpu.memory_space<vmem>>
        %dma_start3A_472 = tpu.memref_squeeze %dma_start3A_471 : memref<1x64xf32, #tpu.memory_space<vmem>> -> memref<64xf32, #tpu.memory_space<vmem>>
        %dma_start3A_473 = arith.constant 0 : i32
        %dma_start3A_474 = tpu.memref_slice %arg7[%dma_start3A_469, %squeeze3A_468, %dma_start3A_473] : memref<2x100000x64xf32, #tpu.memory_space<hbm>> -> memref<1x1x64xf32, #tpu.memory_space<hbm>>
        %dma_start3A_475 = tpu.memref_squeeze %dma_start3A_474 : memref<1x1x64xf32, #tpu.memory_space<hbm>> -> memref<64xf32, #tpu.memory_space<hbm>>
        %dma_start3A_476 = arith.constant 0 : i32
        %dma_start3A_477 = tpu.memref_slice %arg7[%dma_start3A_469, %squeeze3A_468, %dma_start3A_476] : memref<2x100000x64xf32, #tpu.memory_space<hbm>> -> memref<1x1x64xf32, #tpu.memory_space<hbm>>
        %dma_start3A_478 = tpu.memref_squeeze %dma_start3A_477 : memref<1x1x64xf32, #tpu.memory_space<hbm>> -> memref<64xf32, #tpu.memory_space<hbm>>
        %dma_start3A_479 = arith.constant 64 : i32
        %dma_start3A_480 = tpu.memref_slice %arg11[%add3A_451, %dma_start3A_479] : memref<128x128xf32, #tpu.memory_space<vmem>> -> memref<1x64xf32, #tpu.memory_space<vmem>>
        %dma_start3A_481 = tpu.memref_squeeze %dma_start3A_480 : memref<1x64xf32, #tpu.memory_space<vmem>> -> memref<64xf32, #tpu.memory_space<vmem>>
        tpu.enqueue_dma source(%dma_start3A_481 : memref<64xf32, #tpu.memory_space<vmem>>) target(%dma_start3A_478 : memref<64xf32, #tpu.memory_space<hbm>>) target_semaphore(%arg13 : memref<!tpu.dma_semaphore, #tpu.memory_space<semaphore_mem>>)
        %mul3A_482 = arith.constant 16 : i32
        %mul3A_483 = arith.muli %scan3A_62, %mul3A_482 : i32
        %add3A_484 = arith.constant 12 : i32
        %add3A_485 = arith.addi %mul3A_483, %add3A_484 : i32
        %slice3A_486 = vector.extract_strided_slice %select_n3A_74 {offsets = [12], sizes = [1], strides = [1]} : vector<16xi32> to vector<1xi32>
        %squeeze3A_487 = vector.extract %slice3A_486[0] : i32 from vector<1xi32>
        %dma_start3A_488 = arith.constant 0 : i32
        %dma_start3A_489 = arith.constant 0 : i32
        %dma_start3A_490 = tpu.memref_slice %arg11[%add3A_485, %dma_start3A_489] : memref<128x128xf32, #tpu.memory_space<vmem>> -> memref<1x64xf32, #tpu.memory_space<vmem>>
        %dma_start3A_491 = tpu.memref_squeeze %dma_start3A_490 : memref<1x64xf32, #tpu.memory_space<vmem>> -> memref<64xf32, #tpu.memory_space<vmem>>
        %dma_start3A_492 = arith.constant 0 : i32
        %dma_start3A_493 = tpu.memref_slice %arg7[%dma_start3A_488, %squeeze3A_487, %dma_start3A_492] : memref<2x100000x64xf32, #tpu.memory_space<hbm>> -> memref<1x1x64xf32, #tpu.memory_space<hbm>>
        %dma_start3A_494 = tpu.memref_squeeze %dma_start3A_493 : memref<1x1x64xf32, #tpu.memory_space<hbm>> -> memref<64xf32, #tpu.memory_space<hbm>>
        %dma_start3A_495 = arith.constant 0 : i32
        %dma_start3A_496 = tpu.memref_slice %arg7[%dma_start3A_488, %squeeze3A_487, %dma_start3A_495] : memref<2x100000x64xf32, #tpu.memory_space<hbm>> -> memref<1x1x64xf32, #tpu.memory_space<hbm>>
        %dma_start3A_497 = tpu.memref_squeeze %dma_start3A_496 : memref<1x1x64xf32, #tpu.memory_space<hbm>> -> memref<64xf32, #tpu.memory_space<hbm>>
        %dma_start3A_498 = arith.constant 0 : i32
        %dma_start3A_499 = tpu.memref_slice %arg11[%add3A_485, %dma_start3A_498] : memref<128x128xf32, #tpu.memory_space<vmem>> -> memref<1x64xf32, #tpu.memory_space<vmem>>
        %dma_start3A_500 = tpu.memref_squeeze %dma_start3A_499 : memref<1x64xf32, #tpu.memory_space<vmem>> -> memref<64xf32, #tpu.memory_space<vmem>>
        tpu.enqueue_dma source(%dma_start3A_500 : memref<64xf32, #tpu.memory_space<vmem>>) target(%dma_start3A_497 : memref<64xf32, #tpu.memory_space<hbm>>) target_semaphore(%arg13 : memref<!tpu.dma_semaphore, #tpu.memory_space<semaphore_mem>>)
        %slice3A_501 = vector.extract_strided_slice %select_n3A_74 {offsets = [12], sizes = [1], strides = [1]} : vector<16xi32> to vector<1xi32>
        %squeeze3A_502 = vector.extract %slice3A_501[0] : i32 from vector<1xi32>
        %dma_start3A_503 = arith.constant 1 : i32
        %dma_start3A_504 = arith.constant 64 : i32
        %dma_start3A_505 = tpu.memref_slice %arg11[%add3A_485, %dma_start3A_504] : memref<128x128xf32, #tpu.memory_space<vmem>> -> memref<1x64xf32, #tpu.memory_space<vmem>>
        %dma_start3A_506 = tpu.memref_squeeze %dma_start3A_505 : memref<1x64xf32, #tpu.memory_space<vmem>> -> memref<64xf32, #tpu.memory_space<vmem>>
        %dma_start3A_507 = arith.constant 0 : i32
        %dma_start3A_508 = tpu.memref_slice %arg7[%dma_start3A_503, %squeeze3A_502, %dma_start3A_507] : memref<2x100000x64xf32, #tpu.memory_space<hbm>> -> memref<1x1x64xf32, #tpu.memory_space<hbm>>
        %dma_start3A_509 = tpu.memref_squeeze %dma_start3A_508 : memref<1x1x64xf32, #tpu.memory_space<hbm>> -> memref<64xf32, #tpu.memory_space<hbm>>
        %dma_start3A_510 = arith.constant 0 : i32
        %dma_start3A_511 = tpu.memref_slice %arg7[%dma_start3A_503, %squeeze3A_502, %dma_start3A_510] : memref<2x100000x64xf32, #tpu.memory_space<hbm>> -> memref<1x1x64xf32, #tpu.memory_space<hbm>>
        %dma_start3A_512 = tpu.memref_squeeze %dma_start3A_511 : memref<1x1x64xf32, #tpu.memory_space<hbm>> -> memref<64xf32, #tpu.memory_space<hbm>>
        %dma_start3A_513 = arith.constant 64 : i32
        %dma_start3A_514 = tpu.memref_slice %arg11[%add3A_485, %dma_start3A_513] : memref<128x128xf32, #tpu.memory_space<vmem>> -> memref<1x64xf32, #tpu.memory_space<vmem>>
        %dma_start3A_515 = tpu.memref_squeeze %dma_start3A_514 : memref<1x64xf32, #tpu.memory_space<vmem>> -> memref<64xf32, #tpu.memory_space<vmem>>
        tpu.enqueue_dma source(%dma_start3A_515 : memref<64xf32, #tpu.memory_space<vmem>>) target(%dma_start3A_512 : memref<64xf32, #tpu.memory_space<hbm>>) target_semaphore(%arg13 : memref<!tpu.dma_semaphore, #tpu.memory_space<semaphore_mem>>)
        %mul3A_516 = arith.constant 16 : i32
        %mul3A_517 = arith.muli %scan3A_62, %mul3A_516 : i32
        %add3A_518 = arith.constant 13 : i32
        %add3A_519 = arith.addi %mul3A_517, %add3A_518 : i32
        %slice3A_520 = vector.extract_strided_slice %select_n3A_74 {offsets = [13], sizes = [1], strides = [1]} : vector<16xi32> to vector<1xi32>
        %squeeze3A_521 = vector.extract %slice3A_520[0] : i32 from vector<1xi32>
        %dma_start3A_522 = arith.constant 0 : i32
        %dma_start3A_523 = arith.constant 0 : i32
        %dma_start3A_524 = tpu.memref_slice %arg11[%add3A_519, %dma_start3A_523] : memref<128x128xf32, #tpu.memory_space<vmem>> -> memref<1x64xf32, #tpu.memory_space<vmem>>
        %dma_start3A_525 = tpu.memref_squeeze %dma_start3A_524 : memref<1x64xf32, #tpu.memory_space<vmem>> -> memref<64xf32, #tpu.memory_space<vmem>>
        %dma_start3A_526 = arith.constant 0 : i32
        %dma_start3A_527 = tpu.memref_slice %arg7[%dma_start3A_522, %squeeze3A_521, %dma_start3A_526] : memref<2x100000x64xf32, #tpu.memory_space<hbm>> -> memref<1x1x64xf32, #tpu.memory_space<hbm>>
        %dma_start3A_528 = tpu.memref_squeeze %dma_start3A_527 : memref<1x1x64xf32, #tpu.memory_space<hbm>> -> memref<64xf32, #tpu.memory_space<hbm>>
        %dma_start3A_529 = arith.constant 0 : i32
        %dma_start3A_530 = tpu.memref_slice %arg7[%dma_start3A_522, %squeeze3A_521, %dma_start3A_529] : memref<2x100000x64xf32, #tpu.memory_space<hbm>> -> memref<1x1x64xf32, #tpu.memory_space<hbm>>
        %dma_start3A_531 = tpu.memref_squeeze %dma_start3A_530 : memref<1x1x64xf32, #tpu.memory_space<hbm>> -> memref<64xf32, #tpu.memory_space<hbm>>
        %dma_start3A_532 = arith.constant 0 : i32
        %dma_start3A_533 = tpu.memref_slice %arg11[%add3A_519, %dma_start3A_532] : memref<128x128xf32, #tpu.memory_space<vmem>> -> memref<1x64xf32, #tpu.memory_space<vmem>>
        %dma_start3A_534 = tpu.memref_squeeze %dma_start3A_533 : memref<1x64xf32, #tpu.memory_space<vmem>> -> memref<64xf32, #tpu.memory_space<vmem>>
        tpu.enqueue_dma source(%dma_start3A_534 : memref<64xf32, #tpu.memory_space<vmem>>) target(%dma_start3A_531 : memref<64xf32, #tpu.memory_space<hbm>>) target_semaphore(%arg13 : memref<!tpu.dma_semaphore, #tpu.memory_space<semaphore_mem>>)
        %slice3A_535 = vector.extract_strided_slice %select_n3A_74 {offsets = [13], sizes = [1], strides = [1]} : vector<16xi32> to vector<1xi32>
        %squeeze3A_536 = vector.extract %slice3A_535[0] : i32 from vector<1xi32>
        %dma_start3A_537 = arith.constant 1 : i32
        %dma_start3A_538 = arith.constant 64 : i32
        %dma_start3A_539 = tpu.memref_slice %arg11[%add3A_519, %dma_start3A_538] : memref<128x128xf32, #tpu.memory_space<vmem>> -> memref<1x64xf32, #tpu.memory_space<vmem>>
        %dma_start3A_540 = tpu.memref_squeeze %dma_start3A_539 : memref<1x64xf32, #tpu.memory_space<vmem>> -> memref<64xf32, #tpu.memory_space<vmem>>
        %dma_start3A_541 = arith.constant 0 : i32
        %dma_start3A_542 = tpu.memref_slice %arg7[%dma_start3A_537, %squeeze3A_536, %dma_start3A_541] : memref<2x100000x64xf32, #tpu.memory_space<hbm>> -> memref<1x1x64xf32, #tpu.memory_space<hbm>>
        %dma_start3A_543 = tpu.memref_squeeze %dma_start3A_542 : memref<1x1x64xf32, #tpu.memory_space<hbm>> -> memref<64xf32, #tpu.memory_space<hbm>>
        %dma_start3A_544 = arith.constant 0 : i32
        %dma_start3A_545 = tpu.memref_slice %arg7[%dma_start3A_537, %squeeze3A_536, %dma_start3A_544] : memref<2x100000x64xf32, #tpu.memory_space<hbm>> -> memref<1x1x64xf32, #tpu.memory_space<hbm>>
        %dma_start3A_546 = tpu.memref_squeeze %dma_start3A_545 : memref<1x1x64xf32, #tpu.memory_space<hbm>> -> memref<64xf32, #tpu.memory_space<hbm>>
        %dma_start3A_547 = arith.constant 64 : i32
        %dma_start3A_548 = tpu.memref_slice %arg11[%add3A_519, %dma_start3A_547] : memref<128x128xf32, #tpu.memory_space<vmem>> -> memref<1x64xf32, #tpu.memory_space<vmem>>
        %dma_start3A_549 = tpu.memref_squeeze %dma_start3A_548 : memref<1x64xf32, #tpu.memory_space<vmem>> -> memref<64xf32, #tpu.memory_space<vmem>>
        tpu.enqueue_dma source(%dma_start3A_549 : memref<64xf32, #tpu.memory_space<vmem>>) target(%dma_start3A_546 : memref<64xf32, #tpu.memory_space<hbm>>) target_semaphore(%arg13 : memref<!tpu.dma_semaphore, #tpu.memory_space<semaphore_mem>>)
        %mul3A_550 = arith.constant 16 : i32
        %mul3A_551 = arith.muli %scan3A_62, %mul3A_550 : i32
        %add3A_552 = arith.constant 14 : i32
        %add3A_553 = arith.addi %mul3A_551, %add3A_552 : i32
        %slice3A_554 = vector.extract_strided_slice %select_n3A_74 {offsets = [14], sizes = [1], strides = [1]} : vector<16xi32> to vector<1xi32>
        %squeeze3A_555 = vector.extract %slice3A_554[0] : i32 from vector<1xi32>
        %dma_start3A_556 = arith.constant 0 : i32
        %dma_start3A_557 = arith.constant 0 : i32
        %dma_start3A_558 = tpu.memref_slice %arg11[%add3A_553, %dma_start3A_557] : memref<128x128xf32, #tpu.memory_space<vmem>> -> memref<1x64xf32, #tpu.memory_space<vmem>>
        %dma_start3A_559 = tpu.memref_squeeze %dma_start3A_558 : memref<1x64xf32, #tpu.memory_space<vmem>> -> memref<64xf32, #tpu.memory_space<vmem>>
        %dma_start3A_560 = arith.constant 0 : i32
        %dma_start3A_561 = tpu.memref_slice %arg7[%dma_start3A_556, %squeeze3A_555, %dma_start3A_560] : memref<2x100000x64xf32, #tpu.memory_space<hbm>> -> memref<1x1x64xf32, #tpu.memory_space<hbm>>
        %dma_start3A_562 = tpu.memref_squeeze %dma_start3A_561 : memref<1x1x64xf32, #tpu.memory_space<hbm>> -> memref<64xf32, #tpu.memory_space<hbm>>
        %dma_start3A_563 = arith.constant 0 : i32
        %dma_start3A_564 = tpu.memref_slice %arg7[%dma_start3A_556, %squeeze3A_555, %dma_start3A_563] : memref<2x100000x64xf32, #tpu.memory_space<hbm>> -> memref<1x1x64xf32, #tpu.memory_space<hbm>>
        %dma_start3A_565 = tpu.memref_squeeze %dma_start3A_564 : memref<1x1x64xf32, #tpu.memory_space<hbm>> -> memref<64xf32, #tpu.memory_space<hbm>>
        %dma_start3A_566 = arith.constant 0 : i32
        %dma_start3A_567 = tpu.memref_slice %arg11[%add3A_553, %dma_start3A_566] : memref<128x128xf32, #tpu.memory_space<vmem>> -> memref<1x64xf32, #tpu.memory_space<vmem>>
        %dma_start3A_568 = tpu.memref_squeeze %dma_start3A_567 : memref<1x64xf32, #tpu.memory_space<vmem>> -> memref<64xf32, #tpu.memory_space<vmem>>
        tpu.enqueue_dma source(%dma_start3A_568 : memref<64xf32, #tpu.memory_space<vmem>>) target(%dma_start3A_565 : memref<64xf32, #tpu.memory_space<hbm>>) target_semaphore(%arg13 : memref<!tpu.dma_semaphore, #tpu.memory_space<semaphore_mem>>)
        %slice3A_569 = vector.extract_strided_slice %select_n3A_74 {offsets = [14], sizes = [1], strides = [1]} : vector<16xi32> to vector<1xi32>
        %squeeze3A_570 = vector.extract %slice3A_569[0] : i32 from vector<1xi32>
        %dma_start3A_571 = arith.constant 1 : i32
        %dma_start3A_572 = arith.constant 64 : i32
        %dma_start3A_573 = tpu.memref_slice %arg11[%add3A_553, %dma_start3A_572] : memref<128x128xf32, #tpu.memory_space<vmem>> -> memref<1x64xf32, #tpu.memory_space<vmem>>
        %dma_start3A_574 = tpu.memref_squeeze %dma_start3A_573 : memref<1x64xf32, #tpu.memory_space<vmem>> -> memref<64xf32, #tpu.memory_space<vmem>>
        %dma_start3A_575 = arith.constant 0 : i32
        %dma_start3A_576 = tpu.memref_slice %arg7[%dma_start3A_571, %squeeze3A_570, %dma_start3A_575] : memref<2x100000x64xf32, #tpu.memory_space<hbm>> -> memref<1x1x64xf32, #tpu.memory_space<hbm>>
        %dma_start3A_577 = tpu.memref_squeeze %dma_start3A_576 : memref<1x1x64xf32, #tpu.memory_space<hbm>> -> memref<64xf32, #tpu.memory_space<hbm>>
        %dma_start3A_578 = arith.constant 0 : i32
        %dma_start3A_579 = tpu.memref_slice %arg7[%dma_start3A_571, %squeeze3A_570, %dma_start3A_578] : memref<2x100000x64xf32, #tpu.memory_space<hbm>> -> memref<1x1x64xf32, #tpu.memory_space<hbm>>
        %dma_start3A_580 = tpu.memref_squeeze %dma_start3A_579 : memref<1x1x64xf32, #tpu.memory_space<hbm>> -> memref<64xf32, #tpu.memory_space<hbm>>
        %dma_start3A_581 = arith.constant 64 : i32
        %dma_start3A_582 = tpu.memref_slice %arg11[%add3A_553, %dma_start3A_581] : memref<128x128xf32, #tpu.memory_space<vmem>> -> memref<1x64xf32, #tpu.memory_space<vmem>>
        %dma_start3A_583 = tpu.memref_squeeze %dma_start3A_582 : memref<1x64xf32, #tpu.memory_space<vmem>> -> memref<64xf32, #tpu.memory_space<vmem>>
        tpu.enqueue_dma source(%dma_start3A_583 : memref<64xf32, #tpu.memory_space<vmem>>) target(%dma_start3A_580 : memref<64xf32, #tpu.memory_space<hbm>>) target_semaphore(%arg13 : memref<!tpu.dma_semaphore, #tpu.memory_space<semaphore_mem>>)
        %mul3A_584 = arith.constant 16 : i32
        %mul3A_585 = arith.muli %scan3A_62, %mul3A_584 : i32
        %add3A_586 = arith.constant 15 : i32
        %add3A_587 = arith.addi %mul3A_585, %add3A_586 : i32
        %slice3A_588 = vector.extract_strided_slice %select_n3A_74 {offsets = [15], sizes = [1], strides = [1]} : vector<16xi32> to vector<1xi32>
        %squeeze3A_589 = vector.extract %slice3A_588[0] : i32 from vector<1xi32>
        %dma_start3A_590 = arith.constant 0 : i32
        %dma_start3A_591 = arith.constant 0 : i32
        %dma_start3A_592 = tpu.memref_slice %arg11[%add3A_587, %dma_start3A_591] : memref<128x128xf32, #tpu.memory_space<vmem>> -> memref<1x64xf32, #tpu.memory_space<vmem>>
        %dma_start3A_593 = tpu.memref_squeeze %dma_start3A_592 : memref<1x64xf32, #tpu.memory_space<vmem>> -> memref<64xf32, #tpu.memory_space<vmem>>
        %dma_start3A_594 = arith.constant 0 : i32
        %dma_start3A_595 = tpu.memref_slice %arg7[%dma_start3A_590, %squeeze3A_589, %dma_start3A_594] : memref<2x100000x64xf32, #tpu.memory_space<hbm>> -> memref<1x1x64xf32, #tpu.memory_space<hbm>>
        %dma_start3A_596 = tpu.memref_squeeze %dma_start3A_595 : memref<1x1x64xf32, #tpu.memory_space<hbm>> -> memref<64xf32, #tpu.memory_space<hbm>>
        %dma_start3A_597 = arith.constant 0 : i32
        %dma_start3A_598 = tpu.memref_slice %arg7[%dma_start3A_590, %squeeze3A_589, %dma_start3A_597] : memref<2x100000x64xf32, #tpu.memory_space<hbm>> -> memref<1x1x64xf32, #tpu.memory_space<hbm>>
        %dma_start3A_599 = tpu.memref_squeeze %dma_start3A_598 : memref<1x1x64xf32, #tpu.memory_space<hbm>> -> memref<64xf32, #tpu.memory_space<hbm>>
        %dma_start3A_600 = arith.constant 0 : i32
        %dma_start3A_601 = tpu.memref_slice %arg11[%add3A_587, %dma_start3A_600] : memref<128x128xf32, #tpu.memory_space<vmem>> -> memref<1x64xf32, #tpu.memory_space<vmem>>
        %dma_start3A_602 = tpu.memref_squeeze %dma_start3A_601 : memref<1x64xf32, #tpu.memory_space<vmem>> -> memref<64xf32, #tpu.memory_space<vmem>>
        tpu.enqueue_dma source(%dma_start3A_602 : memref<64xf32, #tpu.memory_space<vmem>>) target(%dma_start3A_599 : memref<64xf32, #tpu.memory_space<hbm>>) target_semaphore(%arg13 : memref<!tpu.dma_semaphore, #tpu.memory_space<semaphore_mem>>)
        %slice3A_603 = vector.extract_strided_slice %select_n3A_74 {offsets = [15], sizes = [1], strides = [1]} : vector<16xi32> to vector<1xi32>
        %squeeze3A_604 = vector.extract %slice3A_603[0] : i32 from vector<1xi32>
        %dma_start3A_605 = arith.constant 1 : i32
        %dma_start3A_606 = arith.constant 64 : i32
        %dma_start3A_607 = tpu.memref_slice %arg11[%add3A_587, %dma_start3A_606] : memref<128x128xf32, #tpu.memory_space<vmem>> -> memref<1x64xf32, #tpu.memory_space<vmem>>
        %dma_start3A_608 = tpu.memref_squeeze %dma_start3A_607 : memref<1x64xf32, #tpu.memory_space<vmem>> -> memref<64xf32, #tpu.memory_space<vmem>>
        %dma_start3A_609 = arith.constant 0 : i32
        %dma_start3A_610 = tpu.memref_slice %arg7[%dma_start3A_605, %squeeze3A_604, %dma_start3A_609] : memref<2x100000x64xf32, #tpu.memory_space<hbm>> -> memref<1x1x64xf32, #tpu.memory_space<hbm>>
        %dma_start3A_611 = tpu.memref_squeeze %dma_start3A_610 : memref<1x1x64xf32, #tpu.memory_space<hbm>> -> memref<64xf32, #tpu.memory_space<hbm>>
        %dma_start3A_612 = arith.constant 0 : i32
        %dma_start3A_613 = tpu.memref_slice %arg7[%dma_start3A_605, %squeeze3A_604, %dma_start3A_612] : memref<2x100000x64xf32, #tpu.memory_space<hbm>> -> memref<1x1x64xf32, #tpu.memory_space<hbm>>
        %dma_start3A_614 = tpu.memref_squeeze %dma_start3A_613 : memref<1x1x64xf32, #tpu.memory_space<hbm>> -> memref<64xf32, #tpu.memory_space<hbm>>
        %dma_start3A_615 = arith.constant 64 : i32
        %dma_start3A_616 = tpu.memref_slice %arg11[%add3A_587, %dma_start3A_615] : memref<128x128xf32, #tpu.memory_space<vmem>> -> memref<1x64xf32, #tpu.memory_space<vmem>>
        %dma_start3A_617 = tpu.memref_squeeze %dma_start3A_616 : memref<1x64xf32, #tpu.memory_space<vmem>> -> memref<64xf32, #tpu.memory_space<vmem>>
        tpu.enqueue_dma source(%dma_start3A_617 : memref<64xf32, #tpu.memory_space<vmem>>) target(%dma_start3A_614 : memref<64xf32, #tpu.memory_space<hbm>>) target_semaphore(%arg13 : memref<!tpu.dma_semaphore, #tpu.memory_space<semaphore_mem>>)
      }
      %scan3A_55 = arith.constant 8 : i32
      %dma_wait3A_56 = arith.constant 0 : i32
      %dma_wait3A_57 = arith.constant 0 : i32
      %dma_wait3A_58 = tpu.memref_slice %arg2[%dma_wait3A_56, %dma_wait3A_57] : memref<16384x128xf32, #tpu.memory_space<hbm>> -> memref<128x128xf32, #tpu.memory_space<hbm>>
      %dma_wait3A_59 = arith.constant 0 : i32
      %dma_wait3A_60 = arith.constant 0 : i32
      %dma_wait3A_61 = tpu.memref_slice %arg2[%dma_wait3A_59, %dma_wait3A_60] : memref<16384x128xf32, #tpu.memory_space<hbm>> -> memref<128x128xf32, #tpu.memory_space<hbm>>
      tpu.wait_dma2 semaphore(%arg13 : memref<!tpu.dma_semaphore, #tpu.memory_space<semaphore_mem>>) src(%dma_wait3A_61 : memref<128x128xf32, #tpu.memory_space<hbm>>) dst(%arg11 : memref<128x128xf32, #tpu.memory_space<vmem>>)
    }
    return
  }
}

#map = affine_map<(d0, d1) -> (0, 0)>
#map1 = affine_map<(d0, d1) -> (0)>
module attributes {stable_mosaic.version = 14 : i64} {
  func.func @k(%arg0: i32, %arg1: i32, %arg2: memref<100000x64xf32, #tpu.memory_space<hbm>>, %arg3: memref<100000x64xf32, #tpu.memory_space<hbm>>, %arg4: memref<16384xi32, #tpu.memory_space<hbm>>, %arg5: memref<16384x128xf32, #tpu.memory_space<hbm>>, %arg6: memref<32x3216xi32, #tpu.memory_space<hbm>>, %arg7: memref<32x3216xi32, #tpu.memory_space<hbm>>, %arg8: memref<32x16xi32, #tpu.memory_space<hbm>>, %arg9: memref<16384xi32, #tpu.memory_space<vmem>>, %arg10: memref<512x128xf32, #tpu.memory_space<vmem>>, %arg11: memref<3200xi32, #tpu.memory_space<vmem>>, %arg12: memref<16400xi32, #tpu.memory_space<vmem>>, %arg13: memref<3216xi32, #tpu.memory_space<vmem>>, %arg14: memref<3216xi32, #tpu.memory_space<vmem>>, %arg15: memref<16xi32, #tpu.memory_space<vmem>>, %arg16: memref<!tpu.dma_semaphore, #tpu.memory_space<semaphore_mem>>) attributes {dimension_semantics = [#tpu.dimension_semantics<core_parallel>, #tpu.dimension_semantics<subcore_parallel>], iteration_bounds = array<i64: 2, 16>, scalar_prefetch = 0 : i64, scratch_operands = 8 : i64, tpu.core_type = #tpu.core_type<sc_vector_subcore>, window_params = [{transform_indices = #map}, {transform_indices = #map}, {transform_indices = #map1}, {transform_indices = #map}, {transform_indices = #map}, {transform_indices = #map}, {transform_indices = #map}]} {
    %mul3A = arith.constant 2 : i32
    %mul3A_0 = arith.muli %arg1, %mul3A : i32
    %add3A = arith.addi %mul3A_0, %arg0 : i32
    %mul3A_1 = arith.constant 512 : i32
    %mul3A_2 = arith.muli %add3A, %mul3A_1 : i32
    %mul3A_3 = arith.constant 3200 : i32
    %mul3A_4 = arith.muli %add3A, %mul3A_3 : i32
    %add3A_5 = arith.constant 3200 : i32
    %add3A_6 = arith.addi %mul3A_4, %add3A_5 : i32
    %min3A = arith.constant 100000 : i32
    %min3A_7 = arith.minsi %add3A_6, %min3A : i32
    "tpu.region"() ({
      %run_scoped3A = tpu.sem_alloc : memref<!tpu.dma_semaphore, #tpu.memory_space<semaphore_mem>>
      tpu.enqueue_dma source(%arg4 : memref<16384xi32, #tpu.memory_space<hbm>>) target(%arg9 : memref<16384xi32, #tpu.memory_space<vmem>>) target_semaphore(%run_scoped3A : memref<!tpu.dma_semaphore, #tpu.memory_space<semaphore_mem>>)
      tpu.wait_dma2 semaphore(%run_scoped3A : memref<!tpu.dma_semaphore, #tpu.memory_space<semaphore_mem>>) src(%arg4 : memref<16384xi32, #tpu.memory_space<hbm>>) dst(%arg9 : memref<16384xi32, #tpu.memory_space<vmem>>)
      tpu.yield
    }) : () -> ()
    %scan3A = arith.constant 0 : i32
    %scan3A_8 = arith.constant 0 : i32
    %scan3A_9 = arith.constant 32 : i32
    %scan3A_10 = arith.addi %scan3A_8, %scan3A_9 : i32
    %scan3A_11 = arith.constant 1 : i32
    scf.for %scan3A_76 = %scan3A_8 to %scan3A_10 step %scan3A_11  : i32 {
      %mul3A_77 = arith.constant 16 : i32
      %mul3A_78 = arith.muli %scan3A_76, %mul3A_77 : i32
      %add3A_79 = arith.addi %mul3A_2, %mul3A_78 : i32
      %get3A = arith.index_cast %add3A_79 : i32 to index
      %get3A_80 = tpu.vector_load %arg9[%get3A] {strides = array<i32>} : memref<16384xi32, #tpu.memory_space<vmem>>, vector<16xi32>,
      %mul3A_81 = arith.constant 16 : i32
      %mul3A_82 = arith.muli %scan3A_76, %mul3A_81 : i32
      %add3A_83 = arith.constant 0 : i32
      %add3A_84 = arith.addi %mul3A_82, %add3A_83 : i32
      %slice3A = vector.extract_strided_slice %get3A_80 {offsets = [0], sizes = [1], strides = [1]} : vector<16xi32> to vector<1xi32>
      %squeeze3A = vector.extract %slice3A[0] : i32 from vector<1xi32>
      %dma_start3A = arith.constant 0 : i32
      %dma_start3A_85 = tpu.memref_slice %arg10[%add3A_84, %dma_start3A] : memref<512x128xf32, #tpu.memory_space<vmem>> -> memref<1x64xf32, #tpu.memory_space<vmem>>
      %dma_start3A_86 = tpu.memref_squeeze %dma_start3A_85 : memref<1x64xf32, #tpu.memory_space<vmem>> -> memref<64xf32, #tpu.memory_space<vmem>>
      %dma_start3A_87 = arith.constant 0 : i32
      %dma_start3A_88 = tpu.memref_slice %arg2[%squeeze3A, %dma_start3A_87] : memref<100000x64xf32, #tpu.memory_space<hbm>> -> memref<1x64xf32, #tpu.memory_space<hbm>>
      %dma_start3A_89 = tpu.memref_squeeze %dma_start3A_88 : memref<1x64xf32, #tpu.memory_space<hbm>> -> memref<64xf32, #tpu.memory_space<hbm>>
      %dma_start3A_90 = arith.constant 0 : i32
      %dma_start3A_91 = tpu.memref_slice %arg10[%add3A_84, %dma_start3A_90] : memref<512x128xf32, #tpu.memory_space<vmem>> -> memref<1x64xf32, #tpu.memory_space<vmem>>
      %dma_start3A_92 = tpu.memref_squeeze %dma_start3A_91 : memref<1x64xf32, #tpu.memory_space<vmem>> -> memref<64xf32, #tpu.memory_space<vmem>>
      %dma_start3A_93 = arith.constant 0 : i32
      %dma_start3A_94 = tpu.memref_slice %arg2[%squeeze3A, %dma_start3A_93] : memref<100000x64xf32, #tpu.memory_space<hbm>> -> memref<1x64xf32, #tpu.memory_space<hbm>>
      %dma_start3A_95 = tpu.memref_squeeze %dma_start3A_94 : memref<1x64xf32, #tpu.memory_space<hbm>> -> memref<64xf32, #tpu.memory_space<hbm>>
      tpu.enqueue_dma source(%dma_start3A_95 : memref<64xf32, #tpu.memory_space<hbm>>) target(%dma_start3A_92 : memref<64xf32, #tpu.memory_space<vmem>>) target_semaphore(%arg16 : memref<!tpu.dma_semaphore, #tpu.memory_space<semaphore_mem>>)
      %slice3A_96 = vector.extract_strided_slice %get3A_80 {offsets = [0], sizes = [1], strides = [1]} : vector<16xi32> to vector<1xi32>
      %squeeze3A_97 = vector.extract %slice3A_96[0] : i32 from vector<1xi32>
      %dma_start3A_98 = arith.constant 64 : i32
      %dma_start3A_99 = tpu.memref_slice %arg10[%add3A_84, %dma_start3A_98] : memref<512x128xf32, #tpu.memory_space<vmem>> -> memref<1x64xf32, #tpu.memory_space<vmem>>
      %dma_start3A_100 = tpu.memref_squeeze %dma_start3A_99 : memref<1x64xf32, #tpu.memory_space<vmem>> -> memref<64xf32, #tpu.memory_space<vmem>>
      %dma_start3A_101 = arith.constant 0 : i32
      %dma_start3A_102 = tpu.memref_slice %arg3[%squeeze3A_97, %dma_start3A_101] : memref<100000x64xf32, #tpu.memory_space<hbm>> -> memref<1x64xf32, #tpu.memory_space<hbm>>
      %dma_start3A_103 = tpu.memref_squeeze %dma_start3A_102 : memref<1x64xf32, #tpu.memory_space<hbm>> -> memref<64xf32, #tpu.memory_space<hbm>>
      %dma_start3A_104 = arith.constant 64 : i32
      %dma_start3A_105 = tpu.memref_slice %arg10[%add3A_84, %dma_start3A_104] : memref<512x128xf32, #tpu.memory_space<vmem>> -> memref<1x64xf32, #tpu.memory_space<vmem>>
      %dma_start3A_106 = tpu.memref_squeeze %dma_start3A_105 : memref<1x64xf32, #tpu.memory_space<vmem>> -> memref<64xf32, #tpu.memory_space<vmem>>
      %dma_start3A_107 = arith.constant 0 : i32
      %dma_start3A_108 = tpu.memref_slice %arg3[%squeeze3A_97, %dma_start3A_107] : memref<100000x64xf32, #tpu.memory_space<hbm>> -> memref<1x64xf32, #tpu.memory_space<hbm>>
      %dma_start3A_109 = tpu.memref_squeeze %dma_start3A_108 : memref<1x64xf32, #tpu.memory_space<hbm>> -> memref<64xf32, #tpu.memory_space<hbm>>
      tpu.enqueue_dma source(%dma_start3A_109 : memref<64xf32, #tpu.memory_space<hbm>>) target(%dma_start3A_106 : memref<64xf32, #tpu.memory_space<vmem>>) target_semaphore(%arg16 : memref<!tpu.dma_semaphore, #tpu.memory_space<semaphore_mem>>)
      %mul3A_110 = arith.constant 16 : i32
      %mul3A_111 = arith.muli %scan3A_76, %mul3A_110 : i32
      %add3A_112 = arith.constant 1 : i32
      %add3A_113 = arith.addi %mul3A_111, %add3A_112 : i32
      %slice3A_114 = vector.extract_strided_slice %get3A_80 {offsets = [1], sizes = [1], strides = [1]} : vector<16xi32> to vector<1xi32>
      %squeeze3A_115 = vector.extract %slice3A_114[0] : i32 from vector<1xi32>
      %dma_start3A_116 = arith.constant 0 : i32
      %dma_start3A_117 = tpu.memref_slice %arg10[%add3A_113, %dma_start3A_116] : memref<512x128xf32, #tpu.memory_space<vmem>> -> memref<1x64xf32, #tpu.memory_space<vmem>>
      %dma_start3A_118 = tpu.memref_squeeze %dma_start3A_117 : memref<1x64xf32, #tpu.memory_space<vmem>> -> memref<64xf32, #tpu.memory_space<vmem>>
      %dma_start3A_119 = arith.constant 0 : i32
      %dma_start3A_120 = tpu.memref_slice %arg2[%squeeze3A_115, %dma_start3A_119] : memref<100000x64xf32, #tpu.memory_space<hbm>> -> memref<1x64xf32, #tpu.memory_space<hbm>>
      %dma_start3A_121 = tpu.memref_squeeze %dma_start3A_120 : memref<1x64xf32, #tpu.memory_space<hbm>> -> memref<64xf32, #tpu.memory_space<hbm>>
      %dma_start3A_122 = arith.constant 0 : i32
      %dma_start3A_123 = tpu.memref_slice %arg10[%add3A_113, %dma_start3A_122] : memref<512x128xf32, #tpu.memory_space<vmem>> -> memref<1x64xf32, #tpu.memory_space<vmem>>
      %dma_start3A_124 = tpu.memref_squeeze %dma_start3A_123 : memref<1x64xf32, #tpu.memory_space<vmem>> -> memref<64xf32, #tpu.memory_space<vmem>>
      %dma_start3A_125 = arith.constant 0 : i32
      %dma_start3A_126 = tpu.memref_slice %arg2[%squeeze3A_115, %dma_start3A_125] : memref<100000x64xf32, #tpu.memory_space<hbm>> -> memref<1x64xf32, #tpu.memory_space<hbm>>
      %dma_start3A_127 = tpu.memref_squeeze %dma_start3A_126 : memref<1x64xf32, #tpu.memory_space<hbm>> -> memref<64xf32, #tpu.memory_space<hbm>>
      tpu.enqueue_dma source(%dma_start3A_127 : memref<64xf32, #tpu.memory_space<hbm>>) target(%dma_start3A_124 : memref<64xf32, #tpu.memory_space<vmem>>) target_semaphore(%arg16 : memref<!tpu.dma_semaphore, #tpu.memory_space<semaphore_mem>>)
      %slice3A_128 = vector.extract_strided_slice %get3A_80 {offsets = [1], sizes = [1], strides = [1]} : vector<16xi32> to vector<1xi32>
      %squeeze3A_129 = vector.extract %slice3A_128[0] : i32 from vector<1xi32>
      %dma_start3A_130 = arith.constant 64 : i32
      %dma_start3A_131 = tpu.memref_slice %arg10[%add3A_113, %dma_start3A_130] : memref<512x128xf32, #tpu.memory_space<vmem>> -> memref<1x64xf32, #tpu.memory_space<vmem>>
      %dma_start3A_132 = tpu.memref_squeeze %dma_start3A_131 : memref<1x64xf32, #tpu.memory_space<vmem>> -> memref<64xf32, #tpu.memory_space<vmem>>
      %dma_start3A_133 = arith.constant 0 : i32
      %dma_start3A_134 = tpu.memref_slice %arg3[%squeeze3A_129, %dma_start3A_133] : memref<100000x64xf32, #tpu.memory_space<hbm>> -> memref<1x64xf32, #tpu.memory_space<hbm>>
      %dma_start3A_135 = tpu.memref_squeeze %dma_start3A_134 : memref<1x64xf32, #tpu.memory_space<hbm>> -> memref<64xf32, #tpu.memory_space<hbm>>
      %dma_start3A_136 = arith.constant 64 : i32
      %dma_start3A_137 = tpu.memref_slice %arg10[%add3A_113, %dma_start3A_136] : memref<512x128xf32, #tpu.memory_space<vmem>> -> memref<1x64xf32, #tpu.memory_space<vmem>>
      %dma_start3A_138 = tpu.memref_squeeze %dma_start3A_137 : memref<1x64xf32, #tpu.memory_space<vmem>> -> memref<64xf32, #tpu.memory_space<vmem>>
      %dma_start3A_139 = arith.constant 0 : i32
      %dma_start3A_140 = tpu.memref_slice %arg3[%squeeze3A_129, %dma_start3A_139] : memref<100000x64xf32, #tpu.memory_space<hbm>> -> memref<1x64xf32, #tpu.memory_space<hbm>>
      %dma_start3A_141 = tpu.memref_squeeze %dma_start3A_140 : memref<1x64xf32, #tpu.memory_space<hbm>> -> memref<64xf32, #tpu.memory_space<hbm>>
      tpu.enqueue_dma source(%dma_start3A_141 : memref<64xf32, #tpu.memory_space<hbm>>) target(%dma_start3A_138 : memref<64xf32, #tpu.memory_space<vmem>>) target_semaphore(%arg16 : memref<!tpu.dma_semaphore, #tpu.memory_space<semaphore_mem>>)
      %mul3A_142 = arith.constant 16 : i32
      %mul3A_143 = arith.muli %scan3A_76, %mul3A_142 : i32
      %add3A_144 = arith.constant 2 : i32
      %add3A_145 = arith.addi %mul3A_143, %add3A_144 : i32
      %slice3A_146 = vector.extract_strided_slice %get3A_80 {offsets = [2], sizes = [1], strides = [1]} : vector<16xi32> to vector<1xi32>
      %squeeze3A_147 = vector.extract %slice3A_146[0] : i32 from vector<1xi32>
      %dma_start3A_148 = arith.constant 0 : i32
      %dma_start3A_149 = tpu.memref_slice %arg10[%add3A_145, %dma_start3A_148] : memref<512x128xf32, #tpu.memory_space<vmem>> -> memref<1x64xf32, #tpu.memory_space<vmem>>
      %dma_start3A_150 = tpu.memref_squeeze %dma_start3A_149 : memref<1x64xf32, #tpu.memory_space<vmem>> -> memref<64xf32, #tpu.memory_space<vmem>>
      %dma_start3A_151 = arith.constant 0 : i32
      %dma_start3A_152 = tpu.memref_slice %arg2[%squeeze3A_147, %dma_start3A_151] : memref<100000x64xf32, #tpu.memory_space<hbm>> -> memref<1x64xf32, #tpu.memory_space<hbm>>
      %dma_start3A_153 = tpu.memref_squeeze %dma_start3A_152 : memref<1x64xf32, #tpu.memory_space<hbm>> -> memref<64xf32, #tpu.memory_space<hbm>>
      %dma_start3A_154 = arith.constant 0 : i32
      %dma_start3A_155 = tpu.memref_slice %arg10[%add3A_145, %dma_start3A_154] : memref<512x128xf32, #tpu.memory_space<vmem>> -> memref<1x64xf32, #tpu.memory_space<vmem>>
      %dma_start3A_156 = tpu.memref_squeeze %dma_start3A_155 : memref<1x64xf32, #tpu.memory_space<vmem>> -> memref<64xf32, #tpu.memory_space<vmem>>
      %dma_start3A_157 = arith.constant 0 : i32
      %dma_start3A_158 = tpu.memref_slice %arg2[%squeeze3A_147, %dma_start3A_157] : memref<100000x64xf32, #tpu.memory_space<hbm>> -> memref<1x64xf32, #tpu.memory_space<hbm>>
      %dma_start3A_159 = tpu.memref_squeeze %dma_start3A_158 : memref<1x64xf32, #tpu.memory_space<hbm>> -> memref<64xf32, #tpu.memory_space<hbm>>
      tpu.enqueue_dma source(%dma_start3A_159 : memref<64xf32, #tpu.memory_space<hbm>>) target(%dma_start3A_156 : memref<64xf32, #tpu.memory_space<vmem>>) target_semaphore(%arg16 : memref<!tpu.dma_semaphore, #tpu.memory_space<semaphore_mem>>)
      %slice3A_160 = vector.extract_strided_slice %get3A_80 {offsets = [2], sizes = [1], strides = [1]} : vector<16xi32> to vector<1xi32>
      %squeeze3A_161 = vector.extract %slice3A_160[0] : i32 from vector<1xi32>
      %dma_start3A_162 = arith.constant 64 : i32
      %dma_start3A_163 = tpu.memref_slice %arg10[%add3A_145, %dma_start3A_162] : memref<512x128xf32, #tpu.memory_space<vmem>> -> memref<1x64xf32, #tpu.memory_space<vmem>>
      %dma_start3A_164 = tpu.memref_squeeze %dma_start3A_163 : memref<1x64xf32, #tpu.memory_space<vmem>> -> memref<64xf32, #tpu.memory_space<vmem>>
      %dma_start3A_165 = arith.constant 0 : i32
      %dma_start3A_166 = tpu.memref_slice %arg3[%squeeze3A_161, %dma_start3A_165] : memref<100000x64xf32, #tpu.memory_space<hbm>> -> memref<1x64xf32, #tpu.memory_space<hbm>>
      %dma_start3A_167 = tpu.memref_squeeze %dma_start3A_166 : memref<1x64xf32, #tpu.memory_space<hbm>> -> memref<64xf32, #tpu.memory_space<hbm>>
      %dma_start3A_168 = arith.constant 64 : i32
      %dma_start3A_169 = tpu.memref_slice %arg10[%add3A_145, %dma_start3A_168] : memref<512x128xf32, #tpu.memory_space<vmem>> -> memref<1x64xf32, #tpu.memory_space<vmem>>
      %dma_start3A_170 = tpu.memref_squeeze %dma_start3A_169 : memref<1x64xf32, #tpu.memory_space<vmem>> -> memref<64xf32, #tpu.memory_space<vmem>>
      %dma_start3A_171 = arith.constant 0 : i32
      %dma_start3A_172 = tpu.memref_slice %arg3[%squeeze3A_161, %dma_start3A_171] : memref<100000x64xf32, #tpu.memory_space<hbm>> -> memref<1x64xf32, #tpu.memory_space<hbm>>
      %dma_start3A_173 = tpu.memref_squeeze %dma_start3A_172 : memref<1x64xf32, #tpu.memory_space<hbm>> -> memref<64xf32, #tpu.memory_space<hbm>>
      tpu.enqueue_dma source(%dma_start3A_173 : memref<64xf32, #tpu.memory_space<hbm>>) target(%dma_start3A_170 : memref<64xf32, #tpu.memory_space<vmem>>) target_semaphore(%arg16 : memref<!tpu.dma_semaphore, #tpu.memory_space<semaphore_mem>>)
      %mul3A_174 = arith.constant 16 : i32
      %mul3A_175 = arith.muli %scan3A_76, %mul3A_174 : i32
      %add3A_176 = arith.constant 3 : i32
      %add3A_177 = arith.addi %mul3A_175, %add3A_176 : i32
      %slice3A_178 = vector.extract_strided_slice %get3A_80 {offsets = [3], sizes = [1], strides = [1]} : vector<16xi32> to vector<1xi32>
      %squeeze3A_179 = vector.extract %slice3A_178[0] : i32 from vector<1xi32>
      %dma_start3A_180 = arith.constant 0 : i32
      %dma_start3A_181 = tpu.memref_slice %arg10[%add3A_177, %dma_start3A_180] : memref<512x128xf32, #tpu.memory_space<vmem>> -> memref<1x64xf32, #tpu.memory_space<vmem>>
      %dma_start3A_182 = tpu.memref_squeeze %dma_start3A_181 : memref<1x64xf32, #tpu.memory_space<vmem>> -> memref<64xf32, #tpu.memory_space<vmem>>
      %dma_start3A_183 = arith.constant 0 : i32
      %dma_start3A_184 = tpu.memref_slice %arg2[%squeeze3A_179, %dma_start3A_183] : memref<100000x64xf32, #tpu.memory_space<hbm>> -> memref<1x64xf32, #tpu.memory_space<hbm>>
      %dma_start3A_185 = tpu.memref_squeeze %dma_start3A_184 : memref<1x64xf32, #tpu.memory_space<hbm>> -> memref<64xf32, #tpu.memory_space<hbm>>
      %dma_start3A_186 = arith.constant 0 : i32
      %dma_start3A_187 = tpu.memref_slice %arg10[%add3A_177, %dma_start3A_186] : memref<512x128xf32, #tpu.memory_space<vmem>> -> memref<1x64xf32, #tpu.memory_space<vmem>>
      %dma_start3A_188 = tpu.memref_squeeze %dma_start3A_187 : memref<1x64xf32, #tpu.memory_space<vmem>> -> memref<64xf32, #tpu.memory_space<vmem>>
      %dma_start3A_189 = arith.constant 0 : i32
      %dma_start3A_190 = tpu.memref_slice %arg2[%squeeze3A_179, %dma_start3A_189] : memref<100000x64xf32, #tpu.memory_space<hbm>> -> memref<1x64xf32, #tpu.memory_space<hbm>>
      %dma_start3A_191 = tpu.memref_squeeze %dma_start3A_190 : memref<1x64xf32, #tpu.memory_space<hbm>> -> memref<64xf32, #tpu.memory_space<hbm>>
      tpu.enqueue_dma source(%dma_start3A_191 : memref<64xf32, #tpu.memory_space<hbm>>) target(%dma_start3A_188 : memref<64xf32, #tpu.memory_space<vmem>>) target_semaphore(%arg16 : memref<!tpu.dma_semaphore, #tpu.memory_space<semaphore_mem>>)
      %slice3A_192 = vector.extract_strided_slice %get3A_80 {offsets = [3], sizes = [1], strides = [1]} : vector<16xi32> to vector<1xi32>
      %squeeze3A_193 = vector.extract %slice3A_192[0] : i32 from vector<1xi32>
      %dma_start3A_194 = arith.constant 64 : i32
      %dma_start3A_195 = tpu.memref_slice %arg10[%add3A_177, %dma_start3A_194] : memref<512x128xf32, #tpu.memory_space<vmem>> -> memref<1x64xf32, #tpu.memory_space<vmem>>
      %dma_start3A_196 = tpu.memref_squeeze %dma_start3A_195 : memref<1x64xf32, #tpu.memory_space<vmem>> -> memref<64xf32, #tpu.memory_space<vmem>>
      %dma_start3A_197 = arith.constant 0 : i32
      %dma_start3A_198 = tpu.memref_slice %arg3[%squeeze3A_193, %dma_start3A_197] : memref<100000x64xf32, #tpu.memory_space<hbm>> -> memref<1x64xf32, #tpu.memory_space<hbm>>
      %dma_start3A_199 = tpu.memref_squeeze %dma_start3A_198 : memref<1x64xf32, #tpu.memory_space<hbm>> -> memref<64xf32, #tpu.memory_space<hbm>>
      %dma_start3A_200 = arith.constant 64 : i32
      %dma_start3A_201 = tpu.memref_slice %arg10[%add3A_177, %dma_start3A_200] : memref<512x128xf32, #tpu.memory_space<vmem>> -> memref<1x64xf32, #tpu.memory_space<vmem>>
      %dma_start3A_202 = tpu.memref_squeeze %dma_start3A_201 : memref<1x64xf32, #tpu.memory_space<vmem>> -> memref<64xf32, #tpu.memory_space<vmem>>
      %dma_start3A_203 = arith.constant 0 : i32
      %dma_start3A_204 = tpu.memref_slice %arg3[%squeeze3A_193, %dma_start3A_203] : memref<100000x64xf32, #tpu.memory_space<hbm>> -> memref<1x64xf32, #tpu.memory_space<hbm>>
      %dma_start3A_205 = tpu.memref_squeeze %dma_start3A_204 : memref<1x64xf32, #tpu.memory_space<hbm>> -> memref<64xf32, #tpu.memory_space<hbm>>
      tpu.enqueue_dma source(%dma_start3A_205 : memref<64xf32, #tpu.memory_space<hbm>>) target(%dma_start3A_202 : memref<64xf32, #tpu.memory_space<vmem>>) target_semaphore(%arg16 : memref<!tpu.dma_semaphore, #tpu.memory_space<semaphore_mem>>)
      %mul3A_206 = arith.constant 16 : i32
      %mul3A_207 = arith.muli %scan3A_76, %mul3A_206 : i32
      %add3A_208 = arith.constant 4 : i32
      %add3A_209 = arith.addi %mul3A_207, %add3A_208 : i32
      %slice3A_210 = vector.extract_strided_slice %get3A_80 {offsets = [4], sizes = [1], strides = [1]} : vector<16xi32> to vector<1xi32>
      %squeeze3A_211 = vector.extract %slice3A_210[0] : i32 from vector<1xi32>
      %dma_start3A_212 = arith.constant 0 : i32
      %dma_start3A_213 = tpu.memref_slice %arg10[%add3A_209, %dma_start3A_212] : memref<512x128xf32, #tpu.memory_space<vmem>> -> memref<1x64xf32, #tpu.memory_space<vmem>>
      %dma_start3A_214 = tpu.memref_squeeze %dma_start3A_213 : memref<1x64xf32, #tpu.memory_space<vmem>> -> memref<64xf32, #tpu.memory_space<vmem>>
      %dma_start3A_215 = arith.constant 0 : i32
      %dma_start3A_216 = tpu.memref_slice %arg2[%squeeze3A_211, %dma_start3A_215] : memref<100000x64xf32, #tpu.memory_space<hbm>> -> memref<1x64xf32, #tpu.memory_space<hbm>>
      %dma_start3A_217 = tpu.memref_squeeze %dma_start3A_216 : memref<1x64xf32, #tpu.memory_space<hbm>> -> memref<64xf32, #tpu.memory_space<hbm>>
      %dma_start3A_218 = arith.constant 0 : i32
      %dma_start3A_219 = tpu.memref_slice %arg10[%add3A_209, %dma_start3A_218] : memref<512x128xf32, #tpu.memory_space<vmem>> -> memref<1x64xf32, #tpu.memory_space<vmem>>
      %dma_start3A_220 = tpu.memref_squeeze %dma_start3A_219 : memref<1x64xf32, #tpu.memory_space<vmem>> -> memref<64xf32, #tpu.memory_space<vmem>>
      %dma_start3A_221 = arith.constant 0 : i32
      %dma_start3A_222 = tpu.memref_slice %arg2[%squeeze3A_211, %dma_start3A_221] : memref<100000x64xf32, #tpu.memory_space<hbm>> -> memref<1x64xf32, #tpu.memory_space<hbm>>
      %dma_start3A_223 = tpu.memref_squeeze %dma_start3A_222 : memref<1x64xf32, #tpu.memory_space<hbm>> -> memref<64xf32, #tpu.memory_space<hbm>>
      tpu.enqueue_dma source(%dma_start3A_223 : memref<64xf32, #tpu.memory_space<hbm>>) target(%dma_start3A_220 : memref<64xf32, #tpu.memory_space<vmem>>) target_semaphore(%arg16 : memref<!tpu.dma_semaphore, #tpu.memory_space<semaphore_mem>>)
      %slice3A_224 = vector.extract_strided_slice %get3A_80 {offsets = [4], sizes = [1], strides = [1]} : vector<16xi32> to vector<1xi32>
      %squeeze3A_225 = vector.extract %slice3A_224[0] : i32 from vector<1xi32>
      %dma_start3A_226 = arith.constant 64 : i32
      %dma_start3A_227 = tpu.memref_slice %arg10[%add3A_209, %dma_start3A_226] : memref<512x128xf32, #tpu.memory_space<vmem>> -> memref<1x64xf32, #tpu.memory_space<vmem>>
      %dma_start3A_228 = tpu.memref_squeeze %dma_start3A_227 : memref<1x64xf32, #tpu.memory_space<vmem>> -> memref<64xf32, #tpu.memory_space<vmem>>
      %dma_start3A_229 = arith.constant 0 : i32
      %dma_start3A_230 = tpu.memref_slice %arg3[%squeeze3A_225, %dma_start3A_229] : memref<100000x64xf32, #tpu.memory_space<hbm>> -> memref<1x64xf32, #tpu.memory_space<hbm>>
      %dma_start3A_231 = tpu.memref_squeeze %dma_start3A_230 : memref<1x64xf32, #tpu.memory_space<hbm>> -> memref<64xf32, #tpu.memory_space<hbm>>
      %dma_start3A_232 = arith.constant 64 : i32
      %dma_start3A_233 = tpu.memref_slice %arg10[%add3A_209, %dma_start3A_232] : memref<512x128xf32, #tpu.memory_space<vmem>> -> memref<1x64xf32, #tpu.memory_space<vmem>>
      %dma_start3A_234 = tpu.memref_squeeze %dma_start3A_233 : memref<1x64xf32, #tpu.memory_space<vmem>> -> memref<64xf32, #tpu.memory_space<vmem>>
      %dma_start3A_235 = arith.constant 0 : i32
      %dma_start3A_236 = tpu.memref_slice %arg3[%squeeze3A_225, %dma_start3A_235] : memref<100000x64xf32, #tpu.memory_space<hbm>> -> memref<1x64xf32, #tpu.memory_space<hbm>>
      %dma_start3A_237 = tpu.memref_squeeze %dma_start3A_236 : memref<1x64xf32, #tpu.memory_space<hbm>> -> memref<64xf32, #tpu.memory_space<hbm>>
      tpu.enqueue_dma source(%dma_start3A_237 : memref<64xf32, #tpu.memory_space<hbm>>) target(%dma_start3A_234 : memref<64xf32, #tpu.memory_space<vmem>>) target_semaphore(%arg16 : memref<!tpu.dma_semaphore, #tpu.memory_space<semaphore_mem>>)
      %mul3A_238 = arith.constant 16 : i32
      %mul3A_239 = arith.muli %scan3A_76, %mul3A_238 : i32
      %add3A_240 = arith.constant 5 : i32
      %add3A_241 = arith.addi %mul3A_239, %add3A_240 : i32
      %slice3A_242 = vector.extract_strided_slice %get3A_80 {offsets = [5], sizes = [1], strides = [1]} : vector<16xi32> to vector<1xi32>
      %squeeze3A_243 = vector.extract %slice3A_242[0] : i32 from vector<1xi32>
      %dma_start3A_244 = arith.constant 0 : i32
      %dma_start3A_245 = tpu.memref_slice %arg10[%add3A_241, %dma_start3A_244] : memref<512x128xf32, #tpu.memory_space<vmem>> -> memref<1x64xf32, #tpu.memory_space<vmem>>
      %dma_start3A_246 = tpu.memref_squeeze %dma_start3A_245 : memref<1x64xf32, #tpu.memory_space<vmem>> -> memref<64xf32, #tpu.memory_space<vmem>>
      %dma_start3A_247 = arith.constant 0 : i32
      %dma_start3A_248 = tpu.memref_slice %arg2[%squeeze3A_243, %dma_start3A_247] : memref<100000x64xf32, #tpu.memory_space<hbm>> -> memref<1x64xf32, #tpu.memory_space<hbm>>
      %dma_start3A_249 = tpu.memref_squeeze %dma_start3A_248 : memref<1x64xf32, #tpu.memory_space<hbm>> -> memref<64xf32, #tpu.memory_space<hbm>>
      %dma_start3A_250 = arith.constant 0 : i32
      %dma_start3A_251 = tpu.memref_slice %arg10[%add3A_241, %dma_start3A_250] : memref<512x128xf32, #tpu.memory_space<vmem>> -> memref<1x64xf32, #tpu.memory_space<vmem>>
      %dma_start3A_252 = tpu.memref_squeeze %dma_start3A_251 : memref<1x64xf32, #tpu.memory_space<vmem>> -> memref<64xf32, #tpu.memory_space<vmem>>
      %dma_start3A_253 = arith.constant 0 : i32
      %dma_start3A_254 = tpu.memref_slice %arg2[%squeeze3A_243, %dma_start3A_253] : memref<100000x64xf32, #tpu.memory_space<hbm>> -> memref<1x64xf32, #tpu.memory_space<hbm>>
      %dma_start3A_255 = tpu.memref_squeeze %dma_start3A_254 : memref<1x64xf32, #tpu.memory_space<hbm>> -> memref<64xf32, #tpu.memory_space<hbm>>
      tpu.enqueue_dma source(%dma_start3A_255 : memref<64xf32, #tpu.memory_space<hbm>>) target(%dma_start3A_252 : memref<64xf32, #tpu.memory_space<vmem>>) target_semaphore(%arg16 : memref<!tpu.dma_semaphore, #tpu.memory_space<semaphore_mem>>)
      %slice3A_256 = vector.extract_strided_slice %get3A_80 {offsets = [5], sizes = [1], strides = [1]} : vector<16xi32> to vector<1xi32>
      %squeeze3A_257 = vector.extract %slice3A_256[0] : i32 from vector<1xi32>
      %dma_start3A_258 = arith.constant 64 : i32
      %dma_start3A_259 = tpu.memref_slice %arg10[%add3A_241, %dma_start3A_258] : memref<512x128xf32, #tpu.memory_space<vmem>> -> memref<1x64xf32, #tpu.memory_space<vmem>>
      %dma_start3A_260 = tpu.memref_squeeze %dma_start3A_259 : memref<1x64xf32, #tpu.memory_space<vmem>> -> memref<64xf32, #tpu.memory_space<vmem>>
      %dma_start3A_261 = arith.constant 0 : i32
      %dma_start3A_262 = tpu.memref_slice %arg3[%squeeze3A_257, %dma_start3A_261] : memref<100000x64xf32, #tpu.memory_space<hbm>> -> memref<1x64xf32, #tpu.memory_space<hbm>>
      %dma_start3A_263 = tpu.memref_squeeze %dma_start3A_262 : memref<1x64xf32, #tpu.memory_space<hbm>> -> memref<64xf32, #tpu.memory_space<hbm>>
      %dma_start3A_264 = arith.constant 64 : i32
      %dma_start3A_265 = tpu.memref_slice %arg10[%add3A_241, %dma_start3A_264] : memref<512x128xf32, #tpu.memory_space<vmem>> -> memref<1x64xf32, #tpu.memory_space<vmem>>
      %dma_start3A_266 = tpu.memref_squeeze %dma_start3A_265 : memref<1x64xf32, #tpu.memory_space<vmem>> -> memref<64xf32, #tpu.memory_space<vmem>>
      %dma_start3A_267 = arith.constant 0 : i32
      %dma_start3A_268 = tpu.memref_slice %arg3[%squeeze3A_257, %dma_start3A_267] : memref<100000x64xf32, #tpu.memory_space<hbm>> -> memref<1x64xf32, #tpu.memory_space<hbm>>
      %dma_start3A_269 = tpu.memref_squeeze %dma_start3A_268 : memref<1x64xf32, #tpu.memory_space<hbm>> -> memref<64xf32, #tpu.memory_space<hbm>>
      tpu.enqueue_dma source(%dma_start3A_269 : memref<64xf32, #tpu.memory_space<hbm>>) target(%dma_start3A_266 : memref<64xf32, #tpu.memory_space<vmem>>) target_semaphore(%arg16 : memref<!tpu.dma_semaphore, #tpu.memory_space<semaphore_mem>>)
      %mul3A_270 = arith.constant 16 : i32
      %mul3A_271 = arith.muli %scan3A_76, %mul3A_270 : i32
      %add3A_272 = arith.constant 6 : i32
      %add3A_273 = arith.addi %mul3A_271, %add3A_272 : i32
      %slice3A_274 = vector.extract_strided_slice %get3A_80 {offsets = [6], sizes = [1], strides = [1]} : vector<16xi32> to vector<1xi32>
      %squeeze3A_275 = vector.extract %slice3A_274[0] : i32 from vector<1xi32>
      %dma_start3A_276 = arith.constant 0 : i32
      %dma_start3A_277 = tpu.memref_slice %arg10[%add3A_273, %dma_start3A_276] : memref<512x128xf32, #tpu.memory_space<vmem>> -> memref<1x64xf32, #tpu.memory_space<vmem>>
      %dma_start3A_278 = tpu.memref_squeeze %dma_start3A_277 : memref<1x64xf32, #tpu.memory_space<vmem>> -> memref<64xf32, #tpu.memory_space<vmem>>
      %dma_start3A_279 = arith.constant 0 : i32
      %dma_start3A_280 = tpu.memref_slice %arg2[%squeeze3A_275, %dma_start3A_279] : memref<100000x64xf32, #tpu.memory_space<hbm>> -> memref<1x64xf32, #tpu.memory_space<hbm>>
      %dma_start3A_281 = tpu.memref_squeeze %dma_start3A_280 : memref<1x64xf32, #tpu.memory_space<hbm>> -> memref<64xf32, #tpu.memory_space<hbm>>
      %dma_start3A_282 = arith.constant 0 : i32
      %dma_start3A_283 = tpu.memref_slice %arg10[%add3A_273, %dma_start3A_282] : memref<512x128xf32, #tpu.memory_space<vmem>> -> memref<1x64xf32, #tpu.memory_space<vmem>>
      %dma_start3A_284 = tpu.memref_squeeze %dma_start3A_283 : memref<1x64xf32, #tpu.memory_space<vmem>> -> memref<64xf32, #tpu.memory_space<vmem>>
      %dma_start3A_285 = arith.constant 0 : i32
      %dma_start3A_286 = tpu.memref_slice %arg2[%squeeze3A_275, %dma_start3A_285] : memref<100000x64xf32, #tpu.memory_space<hbm>> -> memref<1x64xf32, #tpu.memory_space<hbm>>
      %dma_start3A_287 = tpu.memref_squeeze %dma_start3A_286 : memref<1x64xf32, #tpu.memory_space<hbm>> -> memref<64xf32, #tpu.memory_space<hbm>>
      tpu.enqueue_dma source(%dma_start3A_287 : memref<64xf32, #tpu.memory_space<hbm>>) target(%dma_start3A_284 : memref<64xf32, #tpu.memory_space<vmem>>) target_semaphore(%arg16 : memref<!tpu.dma_semaphore, #tpu.memory_space<semaphore_mem>>)
      %slice3A_288 = vector.extract_strided_slice %get3A_80 {offsets = [6], sizes = [1], strides = [1]} : vector<16xi32> to vector<1xi32>
      %squeeze3A_289 = vector.extract %slice3A_288[0] : i32 from vector<1xi32>
      %dma_start3A_290 = arith.constant 64 : i32
      %dma_start3A_291 = tpu.memref_slice %arg10[%add3A_273, %dma_start3A_290] : memref<512x128xf32, #tpu.memory_space<vmem>> -> memref<1x64xf32, #tpu.memory_space<vmem>>
      %dma_start3A_292 = tpu.memref_squeeze %dma_start3A_291 : memref<1x64xf32, #tpu.memory_space<vmem>> -> memref<64xf32, #tpu.memory_space<vmem>>
      %dma_start3A_293 = arith.constant 0 : i32
      %dma_start3A_294 = tpu.memref_slice %arg3[%squeeze3A_289, %dma_start3A_293] : memref<100000x64xf32, #tpu.memory_space<hbm>> -> memref<1x64xf32, #tpu.memory_space<hbm>>
      %dma_start3A_295 = tpu.memref_squeeze %dma_start3A_294 : memref<1x64xf32, #tpu.memory_space<hbm>> -> memref<64xf32, #tpu.memory_space<hbm>>
      %dma_start3A_296 = arith.constant 64 : i32
      %dma_start3A_297 = tpu.memref_slice %arg10[%add3A_273, %dma_start3A_296] : memref<512x128xf32, #tpu.memory_space<vmem>> -> memref<1x64xf32, #tpu.memory_space<vmem>>
      %dma_start3A_298 = tpu.memref_squeeze %dma_start3A_297 : memref<1x64xf32, #tpu.memory_space<vmem>> -> memref<64xf32, #tpu.memory_space<vmem>>
      %dma_start3A_299 = arith.constant 0 : i32
      %dma_start3A_300 = tpu.memref_slice %arg3[%squeeze3A_289, %dma_start3A_299] : memref<100000x64xf32, #tpu.memory_space<hbm>> -> memref<1x64xf32, #tpu.memory_space<hbm>>
      %dma_start3A_301 = tpu.memref_squeeze %dma_start3A_300 : memref<1x64xf32, #tpu.memory_space<hbm>> -> memref<64xf32, #tpu.memory_space<hbm>>
      tpu.enqueue_dma source(%dma_start3A_301 : memref<64xf32, #tpu.memory_space<hbm>>) target(%dma_start3A_298 : memref<64xf32, #tpu.memory_space<vmem>>) target_semaphore(%arg16 : memref<!tpu.dma_semaphore, #tpu.memory_space<semaphore_mem>>)
      %mul3A_302 = arith.constant 16 : i32
      %mul3A_303 = arith.muli %scan3A_76, %mul3A_302 : i32
      %add3A_304 = arith.constant 7 : i32
      %add3A_305 = arith.addi %mul3A_303, %add3A_304 : i32
      %slice3A_306 = vector.extract_strided_slice %get3A_80 {offsets = [7], sizes = [1], strides = [1]} : vector<16xi32> to vector<1xi32>
      %squeeze3A_307 = vector.extract %slice3A_306[0] : i32 from vector<1xi32>
      %dma_start3A_308 = arith.constant 0 : i32
      %dma_start3A_309 = tpu.memref_slice %arg10[%add3A_305, %dma_start3A_308] : memref<512x128xf32, #tpu.memory_space<vmem>> -> memref<1x64xf32, #tpu.memory_space<vmem>>
      %dma_start3A_310 = tpu.memref_squeeze %dma_start3A_309 : memref<1x64xf32, #tpu.memory_space<vmem>> -> memref<64xf32, #tpu.memory_space<vmem>>
      %dma_start3A_311 = arith.constant 0 : i32
      %dma_start3A_312 = tpu.memref_slice %arg2[%squeeze3A_307, %dma_start3A_311] : memref<100000x64xf32, #tpu.memory_space<hbm>> -> memref<1x64xf32, #tpu.memory_space<hbm>>
      %dma_start3A_313 = tpu.memref_squeeze %dma_start3A_312 : memref<1x64xf32, #tpu.memory_space<hbm>> -> memref<64xf32, #tpu.memory_space<hbm>>
      %dma_start3A_314 = arith.constant 0 : i32
      %dma_start3A_315 = tpu.memref_slice %arg10[%add3A_305, %dma_start3A_314] : memref<512x128xf32, #tpu.memory_space<vmem>> -> memref<1x64xf32, #tpu.memory_space<vmem>>
      %dma_start3A_316 = tpu.memref_squeeze %dma_start3A_315 : memref<1x64xf32, #tpu.memory_space<vmem>> -> memref<64xf32, #tpu.memory_space<vmem>>
      %dma_start3A_317 = arith.constant 0 : i32
      %dma_start3A_318 = tpu.memref_slice %arg2[%squeeze3A_307, %dma_start3A_317] : memref<100000x64xf32, #tpu.memory_space<hbm>> -> memref<1x64xf32, #tpu.memory_space<hbm>>
      %dma_start3A_319 = tpu.memref_squeeze %dma_start3A_318 : memref<1x64xf32, #tpu.memory_space<hbm>> -> memref<64xf32, #tpu.memory_space<hbm>>
      tpu.enqueue_dma source(%dma_start3A_319 : memref<64xf32, #tpu.memory_space<hbm>>) target(%dma_start3A_316 : memref<64xf32, #tpu.memory_space<vmem>>) target_semaphore(%arg16 : memref<!tpu.dma_semaphore, #tpu.memory_space<semaphore_mem>>)
      %slice3A_320 = vector.extract_strided_slice %get3A_80 {offsets = [7], sizes = [1], strides = [1]} : vector<16xi32> to vector<1xi32>
      %squeeze3A_321 = vector.extract %slice3A_320[0] : i32 from vector<1xi32>
      %dma_start3A_322 = arith.constant 64 : i32
      %dma_start3A_323 = tpu.memref_slice %arg10[%add3A_305, %dma_start3A_322] : memref<512x128xf32, #tpu.memory_space<vmem>> -> memref<1x64xf32, #tpu.memory_space<vmem>>
      %dma_start3A_324 = tpu.memref_squeeze %dma_start3A_323 : memref<1x64xf32, #tpu.memory_space<vmem>> -> memref<64xf32, #tpu.memory_space<vmem>>
      %dma_start3A_325 = arith.constant 0 : i32
      %dma_start3A_326 = tpu.memref_slice %arg3[%squeeze3A_321, %dma_start3A_325] : memref<100000x64xf32, #tpu.memory_space<hbm>> -> memref<1x64xf32, #tpu.memory_space<hbm>>
      %dma_start3A_327 = tpu.memref_squeeze %dma_start3A_326 : memref<1x64xf32, #tpu.memory_space<hbm>> -> memref<64xf32, #tpu.memory_space<hbm>>
      %dma_start3A_328 = arith.constant 64 : i32
      %dma_start3A_329 = tpu.memref_slice %arg10[%add3A_305, %dma_start3A_328] : memref<512x128xf32, #tpu.memory_space<vmem>> -> memref<1x64xf32, #tpu.memory_space<vmem>>
      %dma_start3A_330 = tpu.memref_squeeze %dma_start3A_329 : memref<1x64xf32, #tpu.memory_space<vmem>> -> memref<64xf32, #tpu.memory_space<vmem>>
      %dma_start3A_331 = arith.constant 0 : i32
      %dma_start3A_332 = tpu.memref_slice %arg3[%squeeze3A_321, %dma_start3A_331] : memref<100000x64xf32, #tpu.memory_space<hbm>> -> memref<1x64xf32, #tpu.memory_space<hbm>>
      %dma_start3A_333 = tpu.memref_squeeze %dma_start3A_332 : memref<1x64xf32, #tpu.memory_space<hbm>> -> memref<64xf32, #tpu.memory_space<hbm>>
      tpu.enqueue_dma source(%dma_start3A_333 : memref<64xf32, #tpu.memory_space<hbm>>) target(%dma_start3A_330 : memref<64xf32, #tpu.memory_space<vmem>>) target_semaphore(%arg16 : memref<!tpu.dma_semaphore, #tpu.memory_space<semaphore_mem>>)
      %mul3A_334 = arith.constant 16 : i32
      %mul3A_335 = arith.muli %scan3A_76, %mul3A_334 : i32
      %add3A_336 = arith.constant 8 : i32
      %add3A_337 = arith.addi %mul3A_335, %add3A_336 : i32
      %slice3A_338 = vector.extract_strided_slice %get3A_80 {offsets = [8], sizes = [1], strides = [1]} : vector<16xi32> to vector<1xi32>
      %squeeze3A_339 = vector.extract %slice3A_338[0] : i32 from vector<1xi32>
      %dma_start3A_340 = arith.constant 0 : i32
      %dma_start3A_341 = tpu.memref_slice %arg10[%add3A_337, %dma_start3A_340] : memref<512x128xf32, #tpu.memory_space<vmem>> -> memref<1x64xf32, #tpu.memory_space<vmem>>
      %dma_start3A_342 = tpu.memref_squeeze %dma_start3A_341 : memref<1x64xf32, #tpu.memory_space<vmem>> -> memref<64xf32, #tpu.memory_space<vmem>>
      %dma_start3A_343 = arith.constant 0 : i32
      %dma_start3A_344 = tpu.memref_slice %arg2[%squeeze3A_339, %dma_start3A_343] : memref<100000x64xf32, #tpu.memory_space<hbm>> -> memref<1x64xf32, #tpu.memory_space<hbm>>
      %dma_start3A_345 = tpu.memref_squeeze %dma_start3A_344 : memref<1x64xf32, #tpu.memory_space<hbm>> -> memref<64xf32, #tpu.memory_space<hbm>>
      %dma_start3A_346 = arith.constant 0 : i32
      %dma_start3A_347 = tpu.memref_slice %arg10[%add3A_337, %dma_start3A_346] : memref<512x128xf32, #tpu.memory_space<vmem>> -> memref<1x64xf32, #tpu.memory_space<vmem>>
      %dma_start3A_348 = tpu.memref_squeeze %dma_start3A_347 : memref<1x64xf32, #tpu.memory_space<vmem>> -> memref<64xf32, #tpu.memory_space<vmem>>
      %dma_start3A_349 = arith.constant 0 : i32
      %dma_start3A_350 = tpu.memref_slice %arg2[%squeeze3A_339, %dma_start3A_349] : memref<100000x64xf32, #tpu.memory_space<hbm>> -> memref<1x64xf32, #tpu.memory_space<hbm>>
      %dma_start3A_351 = tpu.memref_squeeze %dma_start3A_350 : memref<1x64xf32, #tpu.memory_space<hbm>> -> memref<64xf32, #tpu.memory_space<hbm>>
      tpu.enqueue_dma source(%dma_start3A_351 : memref<64xf32, #tpu.memory_space<hbm>>) target(%dma_start3A_348 : memref<64xf32, #tpu.memory_space<vmem>>) target_semaphore(%arg16 : memref<!tpu.dma_semaphore, #tpu.memory_space<semaphore_mem>>)
      %slice3A_352 = vector.extract_strided_slice %get3A_80 {offsets = [8], sizes = [1], strides = [1]} : vector<16xi32> to vector<1xi32>
      %squeeze3A_353 = vector.extract %slice3A_352[0] : i32 from vector<1xi32>
      %dma_start3A_354 = arith.constant 64 : i32
      %dma_start3A_355 = tpu.memref_slice %arg10[%add3A_337, %dma_start3A_354] : memref<512x128xf32, #tpu.memory_space<vmem>> -> memref<1x64xf32, #tpu.memory_space<vmem>>
      %dma_start3A_356 = tpu.memref_squeeze %dma_start3A_355 : memref<1x64xf32, #tpu.memory_space<vmem>> -> memref<64xf32, #tpu.memory_space<vmem>>
      %dma_start3A_357 = arith.constant 0 : i32
      %dma_start3A_358 = tpu.memref_slice %arg3[%squeeze3A_353, %dma_start3A_357] : memref<100000x64xf32, #tpu.memory_space<hbm>> -> memref<1x64xf32, #tpu.memory_space<hbm>>
      %dma_start3A_359 = tpu.memref_squeeze %dma_start3A_358 : memref<1x64xf32, #tpu.memory_space<hbm>> -> memref<64xf32, #tpu.memory_space<hbm>>
      %dma_start3A_360 = arith.constant 64 : i32
      %dma_start3A_361 = tpu.memref_slice %arg10[%add3A_337, %dma_start3A_360] : memref<512x128xf32, #tpu.memory_space<vmem>> -> memref<1x64xf32, #tpu.memory_space<vmem>>
      %dma_start3A_362 = tpu.memref_squeeze %dma_start3A_361 : memref<1x64xf32, #tpu.memory_space<vmem>> -> memref<64xf32, #tpu.memory_space<vmem>>
      %dma_start3A_363 = arith.constant 0 : i32
      %dma_start3A_364 = tpu.memref_slice %arg3[%squeeze3A_353, %dma_start3A_363] : memref<100000x64xf32, #tpu.memory_space<hbm>> -> memref<1x64xf32, #tpu.memory_space<hbm>>
      %dma_start3A_365 = tpu.memref_squeeze %dma_start3A_364 : memref<1x64xf32, #tpu.memory_space<hbm>> -> memref<64xf32, #tpu.memory_space<hbm>>
      tpu.enqueue_dma source(%dma_start3A_365 : memref<64xf32, #tpu.memory_space<hbm>>) target(%dma_start3A_362 : memref<64xf32, #tpu.memory_space<vmem>>) target_semaphore(%arg16 : memref<!tpu.dma_semaphore, #tpu.memory_space<semaphore_mem>>)
      %mul3A_366 = arith.constant 16 : i32
      %mul3A_367 = arith.muli %scan3A_76, %mul3A_366 : i32
      %add3A_368 = arith.constant 9 : i32
      %add3A_369 = arith.addi %mul3A_367, %add3A_368 : i32
      %slice3A_370 = vector.extract_strided_slice %get3A_80 {offsets = [9], sizes = [1], strides = [1]} : vector<16xi32> to vector<1xi32>
      %squeeze3A_371 = vector.extract %slice3A_370[0] : i32 from vector<1xi32>
      %dma_start3A_372 = arith.constant 0 : i32
      %dma_start3A_373 = tpu.memref_slice %arg10[%add3A_369, %dma_start3A_372] : memref<512x128xf32, #tpu.memory_space<vmem>> -> memref<1x64xf32, #tpu.memory_space<vmem>>
      %dma_start3A_374 = tpu.memref_squeeze %dma_start3A_373 : memref<1x64xf32, #tpu.memory_space<vmem>> -> memref<64xf32, #tpu.memory_space<vmem>>
      %dma_start3A_375 = arith.constant 0 : i32
      %dma_start3A_376 = tpu.memref_slice %arg2[%squeeze3A_371, %dma_start3A_375] : memref<100000x64xf32, #tpu.memory_space<hbm>> -> memref<1x64xf32, #tpu.memory_space<hbm>>
      %dma_start3A_377 = tpu.memref_squeeze %dma_start3A_376 : memref<1x64xf32, #tpu.memory_space<hbm>> -> memref<64xf32, #tpu.memory_space<hbm>>
      %dma_start3A_378 = arith.constant 0 : i32
      %dma_start3A_379 = tpu.memref_slice %arg10[%add3A_369, %dma_start3A_378] : memref<512x128xf32, #tpu.memory_space<vmem>> -> memref<1x64xf32, #tpu.memory_space<vmem>>
      %dma_start3A_380 = tpu.memref_squeeze %dma_start3A_379 : memref<1x64xf32, #tpu.memory_space<vmem>> -> memref<64xf32, #tpu.memory_space<vmem>>
      %dma_start3A_381 = arith.constant 0 : i32
      %dma_start3A_382 = tpu.memref_slice %arg2[%squeeze3A_371, %dma_start3A_381] : memref<100000x64xf32, #tpu.memory_space<hbm>> -> memref<1x64xf32, #tpu.memory_space<hbm>>
      %dma_start3A_383 = tpu.memref_squeeze %dma_start3A_382 : memref<1x64xf32, #tpu.memory_space<hbm>> -> memref<64xf32, #tpu.memory_space<hbm>>
      tpu.enqueue_dma source(%dma_start3A_383 : memref<64xf32, #tpu.memory_space<hbm>>) target(%dma_start3A_380 : memref<64xf32, #tpu.memory_space<vmem>>) target_semaphore(%arg16 : memref<!tpu.dma_semaphore, #tpu.memory_space<semaphore_mem>>)
      %slice3A_384 = vector.extract_strided_slice %get3A_80 {offsets = [9], sizes = [1], strides = [1]} : vector<16xi32> to vector<1xi32>
      %squeeze3A_385 = vector.extract %slice3A_384[0] : i32 from vector<1xi32>
      %dma_start3A_386 = arith.constant 64 : i32
      %dma_start3A_387 = tpu.memref_slice %arg10[%add3A_369, %dma_start3A_386] : memref<512x128xf32, #tpu.memory_space<vmem>> -> memref<1x64xf32, #tpu.memory_space<vmem>>
      %dma_start3A_388 = tpu.memref_squeeze %dma_start3A_387 : memref<1x64xf32, #tpu.memory_space<vmem>> -> memref<64xf32, #tpu.memory_space<vmem>>
      %dma_start3A_389 = arith.constant 0 : i32
      %dma_start3A_390 = tpu.memref_slice %arg3[%squeeze3A_385, %dma_start3A_389] : memref<100000x64xf32, #tpu.memory_space<hbm>> -> memref<1x64xf32, #tpu.memory_space<hbm>>
      %dma_start3A_391 = tpu.memref_squeeze %dma_start3A_390 : memref<1x64xf32, #tpu.memory_space<hbm>> -> memref<64xf32, #tpu.memory_space<hbm>>
      %dma_start3A_392 = arith.constant 64 : i32
      %dma_start3A_393 = tpu.memref_slice %arg10[%add3A_369, %dma_start3A_392] : memref<512x128xf32, #tpu.memory_space<vmem>> -> memref<1x64xf32, #tpu.memory_space<vmem>>
      %dma_start3A_394 = tpu.memref_squeeze %dma_start3A_393 : memref<1x64xf32, #tpu.memory_space<vmem>> -> memref<64xf32, #tpu.memory_space<vmem>>
      %dma_start3A_395 = arith.constant 0 : i32
      %dma_start3A_396 = tpu.memref_slice %arg3[%squeeze3A_385, %dma_start3A_395] : memref<100000x64xf32, #tpu.memory_space<hbm>> -> memref<1x64xf32, #tpu.memory_space<hbm>>
      %dma_start3A_397 = tpu.memref_squeeze %dma_start3A_396 : memref<1x64xf32, #tpu.memory_space<hbm>> -> memref<64xf32, #tpu.memory_space<hbm>>
      tpu.enqueue_dma source(%dma_start3A_397 : memref<64xf32, #tpu.memory_space<hbm>>) target(%dma_start3A_394 : memref<64xf32, #tpu.memory_space<vmem>>) target_semaphore(%arg16 : memref<!tpu.dma_semaphore, #tpu.memory_space<semaphore_mem>>)
      %mul3A_398 = arith.constant 16 : i32
      %mul3A_399 = arith.muli %scan3A_76, %mul3A_398 : i32
      %add3A_400 = arith.constant 10 : i32
      %add3A_401 = arith.addi %mul3A_399, %add3A_400 : i32
      %slice3A_402 = vector.extract_strided_slice %get3A_80 {offsets = [10], sizes = [1], strides = [1]} : vector<16xi32> to vector<1xi32>
      %squeeze3A_403 = vector.extract %slice3A_402[0] : i32 from vector<1xi32>
      %dma_start3A_404 = arith.constant 0 : i32
      %dma_start3A_405 = tpu.memref_slice %arg10[%add3A_401, %dma_start3A_404] : memref<512x128xf32, #tpu.memory_space<vmem>> -> memref<1x64xf32, #tpu.memory_space<vmem>>
      %dma_start3A_406 = tpu.memref_squeeze %dma_start3A_405 : memref<1x64xf32, #tpu.memory_space<vmem>> -> memref<64xf32, #tpu.memory_space<vmem>>
      %dma_start3A_407 = arith.constant 0 : i32
      %dma_start3A_408 = tpu.memref_slice %arg2[%squeeze3A_403, %dma_start3A_407] : memref<100000x64xf32, #tpu.memory_space<hbm>> -> memref<1x64xf32, #tpu.memory_space<hbm>>
      %dma_start3A_409 = tpu.memref_squeeze %dma_start3A_408 : memref<1x64xf32, #tpu.memory_space<hbm>> -> memref<64xf32, #tpu.memory_space<hbm>>
      %dma_start3A_410 = arith.constant 0 : i32
      %dma_start3A_411 = tpu.memref_slice %arg10[%add3A_401, %dma_start3A_410] : memref<512x128xf32, #tpu.memory_space<vmem>> -> memref<1x64xf32, #tpu.memory_space<vmem>>
      %dma_start3A_412 = tpu.memref_squeeze %dma_start3A_411 : memref<1x64xf32, #tpu.memory_space<vmem>> -> memref<64xf32, #tpu.memory_space<vmem>>
      %dma_start3A_413 = arith.constant 0 : i32
      %dma_start3A_414 = tpu.memref_slice %arg2[%squeeze3A_403, %dma_start3A_413] : memref<100000x64xf32, #tpu.memory_space<hbm>> -> memref<1x64xf32, #tpu.memory_space<hbm>>
      %dma_start3A_415 = tpu.memref_squeeze %dma_start3A_414 : memref<1x64xf32, #tpu.memory_space<hbm>> -> memref<64xf32, #tpu.memory_space<hbm>>
      tpu.enqueue_dma source(%dma_start3A_415 : memref<64xf32, #tpu.memory_space<hbm>>) target(%dma_start3A_412 : memref<64xf32, #tpu.memory_space<vmem>>) target_semaphore(%arg16 : memref<!tpu.dma_semaphore, #tpu.memory_space<semaphore_mem>>)
      %slice3A_416 = vector.extract_strided_slice %get3A_80 {offsets = [10], sizes = [1], strides = [1]} : vector<16xi32> to vector<1xi32>
      %squeeze3A_417 = vector.extract %slice3A_416[0] : i32 from vector<1xi32>
      %dma_start3A_418 = arith.constant 64 : i32
      %dma_start3A_419 = tpu.memref_slice %arg10[%add3A_401, %dma_start3A_418] : memref<512x128xf32, #tpu.memory_space<vmem>> -> memref<1x64xf32, #tpu.memory_space<vmem>>
      %dma_start3A_420 = tpu.memref_squeeze %dma_start3A_419 : memref<1x64xf32, #tpu.memory_space<vmem>> -> memref<64xf32, #tpu.memory_space<vmem>>
      %dma_start3A_421 = arith.constant 0 : i32
      %dma_start3A_422 = tpu.memref_slice %arg3[%squeeze3A_417, %dma_start3A_421] : memref<100000x64xf32, #tpu.memory_space<hbm>> -> memref<1x64xf32, #tpu.memory_space<hbm>>
      %dma_start3A_423 = tpu.memref_squeeze %dma_start3A_422 : memref<1x64xf32, #tpu.memory_space<hbm>> -> memref<64xf32, #tpu.memory_space<hbm>>
      %dma_start3A_424 = arith.constant 64 : i32
      %dma_start3A_425 = tpu.memref_slice %arg10[%add3A_401, %dma_start3A_424] : memref<512x128xf32, #tpu.memory_space<vmem>> -> memref<1x64xf32, #tpu.memory_space<vmem>>
      %dma_start3A_426 = tpu.memref_squeeze %dma_start3A_425 : memref<1x64xf32, #tpu.memory_space<vmem>> -> memref<64xf32, #tpu.memory_space<vmem>>
      %dma_start3A_427 = arith.constant 0 : i32
      %dma_start3A_428 = tpu.memref_slice %arg3[%squeeze3A_417, %dma_start3A_427] : memref<100000x64xf32, #tpu.memory_space<hbm>> -> memref<1x64xf32, #tpu.memory_space<hbm>>
      %dma_start3A_429 = tpu.memref_squeeze %dma_start3A_428 : memref<1x64xf32, #tpu.memory_space<hbm>> -> memref<64xf32, #tpu.memory_space<hbm>>
      tpu.enqueue_dma source(%dma_start3A_429 : memref<64xf32, #tpu.memory_space<hbm>>) target(%dma_start3A_426 : memref<64xf32, #tpu.memory_space<vmem>>) target_semaphore(%arg16 : memref<!tpu.dma_semaphore, #tpu.memory_space<semaphore_mem>>)
      %mul3A_430 = arith.constant 16 : i32
      %mul3A_431 = arith.muli %scan3A_76, %mul3A_430 : i32
      %add3A_432 = arith.constant 11 : i32
      %add3A_433 = arith.addi %mul3A_431, %add3A_432 : i32
      %slice3A_434 = vector.extract_strided_slice %get3A_80 {offsets = [11], sizes = [1], strides = [1]} : vector<16xi32> to vector<1xi32>
      %squeeze3A_435 = vector.extract %slice3A_434[0] : i32 from vector<1xi32>
      %dma_start3A_436 = arith.constant 0 : i32
      %dma_start3A_437 = tpu.memref_slice %arg10[%add3A_433, %dma_start3A_436] : memref<512x128xf32, #tpu.memory_space<vmem>> -> memref<1x64xf32, #tpu.memory_space<vmem>>
      %dma_start3A_438 = tpu.memref_squeeze %dma_start3A_437 : memref<1x64xf32, #tpu.memory_space<vmem>> -> memref<64xf32, #tpu.memory_space<vmem>>
      %dma_start3A_439 = arith.constant 0 : i32
      %dma_start3A_440 = tpu.memref_slice %arg2[%squeeze3A_435, %dma_start3A_439] : memref<100000x64xf32, #tpu.memory_space<hbm>> -> memref<1x64xf32, #tpu.memory_space<hbm>>
      %dma_start3A_441 = tpu.memref_squeeze %dma_start3A_440 : memref<1x64xf32, #tpu.memory_space<hbm>> -> memref<64xf32, #tpu.memory_space<hbm>>
      %dma_start3A_442 = arith.constant 0 : i32
      %dma_start3A_443 = tpu.memref_slice %arg10[%add3A_433, %dma_start3A_442] : memref<512x128xf32, #tpu.memory_space<vmem>> -> memref<1x64xf32, #tpu.memory_space<vmem>>
      %dma_start3A_444 = tpu.memref_squeeze %dma_start3A_443 : memref<1x64xf32, #tpu.memory_space<vmem>> -> memref<64xf32, #tpu.memory_space<vmem>>
      %dma_start3A_445 = arith.constant 0 : i32
      %dma_start3A_446 = tpu.memref_slice %arg2[%squeeze3A_435, %dma_start3A_445] : memref<100000x64xf32, #tpu.memory_space<hbm>> -> memref<1x64xf32, #tpu.memory_space<hbm>>
      %dma_start3A_447 = tpu.memref_squeeze %dma_start3A_446 : memref<1x64xf32, #tpu.memory_space<hbm>> -> memref<64xf32, #tpu.memory_space<hbm>>
      tpu.enqueue_dma source(%dma_start3A_447 : memref<64xf32, #tpu.memory_space<hbm>>) target(%dma_start3A_444 : memref<64xf32, #tpu.memory_space<vmem>>) target_semaphore(%arg16 : memref<!tpu.dma_semaphore, #tpu.memory_space<semaphore_mem>>)
      %slice3A_448 = vector.extract_strided_slice %get3A_80 {offsets = [11], sizes = [1], strides = [1]} : vector<16xi32> to vector<1xi32>
      %squeeze3A_449 = vector.extract %slice3A_448[0] : i32 from vector<1xi32>
      %dma_start3A_450 = arith.constant 64 : i32
      %dma_start3A_451 = tpu.memref_slice %arg10[%add3A_433, %dma_start3A_450] : memref<512x128xf32, #tpu.memory_space<vmem>> -> memref<1x64xf32, #tpu.memory_space<vmem>>
      %dma_start3A_452 = tpu.memref_squeeze %dma_start3A_451 : memref<1x64xf32, #tpu.memory_space<vmem>> -> memref<64xf32, #tpu.memory_space<vmem>>
      %dma_start3A_453 = arith.constant 0 : i32
      %dma_start3A_454 = tpu.memref_slice %arg3[%squeeze3A_449, %dma_start3A_453] : memref<100000x64xf32, #tpu.memory_space<hbm>> -> memref<1x64xf32, #tpu.memory_space<hbm>>
      %dma_start3A_455 = tpu.memref_squeeze %dma_start3A_454 : memref<1x64xf32, #tpu.memory_space<hbm>> -> memref<64xf32, #tpu.memory_space<hbm>>
      %dma_start3A_456 = arith.constant 64 : i32
      %dma_start3A_457 = tpu.memref_slice %arg10[%add3A_433, %dma_start3A_456] : memref<512x128xf32, #tpu.memory_space<vmem>> -> memref<1x64xf32, #tpu.memory_space<vmem>>
      %dma_start3A_458 = tpu.memref_squeeze %dma_start3A_457 : memref<1x64xf32, #tpu.memory_space<vmem>> -> memref<64xf32, #tpu.memory_space<vmem>>
      %dma_start3A_459 = arith.constant 0 : i32
      %dma_start3A_460 = tpu.memref_slice %arg3[%squeeze3A_449, %dma_start3A_459] : memref<100000x64xf32, #tpu.memory_space<hbm>> -> memref<1x64xf32, #tpu.memory_space<hbm>>
      %dma_start3A_461 = tpu.memref_squeeze %dma_start3A_460 : memref<1x64xf32, #tpu.memory_space<hbm>> -> memref<64xf32, #tpu.memory_space<hbm>>
      tpu.enqueue_dma source(%dma_start3A_461 : memref<64xf32, #tpu.memory_space<hbm>>) target(%dma_start3A_458 : memref<64xf32, #tpu.memory_space<vmem>>) target_semaphore(%arg16 : memref<!tpu.dma_semaphore, #tpu.memory_space<semaphore_mem>>)
      %mul3A_462 = arith.constant 16 : i32
      %mul3A_463 = arith.muli %scan3A_76, %mul3A_462 : i32
      %add3A_464 = arith.constant 12 : i32
      %add3A_465 = arith.addi %mul3A_463, %add3A_464 : i32
      %slice3A_466 = vector.extract_strided_slice %get3A_80 {offsets = [12], sizes = [1], strides = [1]} : vector<16xi32> to vector<1xi32>
      %squeeze3A_467 = vector.extract %slice3A_466[0] : i32 from vector<1xi32>
      %dma_start3A_468 = arith.constant 0 : i32
      %dma_start3A_469 = tpu.memref_slice %arg10[%add3A_465, %dma_start3A_468] : memref<512x128xf32, #tpu.memory_space<vmem>> -> memref<1x64xf32, #tpu.memory_space<vmem>>
      %dma_start3A_470 = tpu.memref_squeeze %dma_start3A_469 : memref<1x64xf32, #tpu.memory_space<vmem>> -> memref<64xf32, #tpu.memory_space<vmem>>
      %dma_start3A_471 = arith.constant 0 : i32
      %dma_start3A_472 = tpu.memref_slice %arg2[%squeeze3A_467, %dma_start3A_471] : memref<100000x64xf32, #tpu.memory_space<hbm>> -> memref<1x64xf32, #tpu.memory_space<hbm>>
      %dma_start3A_473 = tpu.memref_squeeze %dma_start3A_472 : memref<1x64xf32, #tpu.memory_space<hbm>> -> memref<64xf32, #tpu.memory_space<hbm>>
      %dma_start3A_474 = arith.constant 0 : i32
      %dma_start3A_475 = tpu.memref_slice %arg10[%add3A_465, %dma_start3A_474] : memref<512x128xf32, #tpu.memory_space<vmem>> -> memref<1x64xf32, #tpu.memory_space<vmem>>
      %dma_start3A_476 = tpu.memref_squeeze %dma_start3A_475 : memref<1x64xf32, #tpu.memory_space<vmem>> -> memref<64xf32, #tpu.memory_space<vmem>>
      %dma_start3A_477 = arith.constant 0 : i32
      %dma_start3A_478 = tpu.memref_slice %arg2[%squeeze3A_467, %dma_start3A_477] : memref<100000x64xf32, #tpu.memory_space<hbm>> -> memref<1x64xf32, #tpu.memory_space<hbm>>
      %dma_start3A_479 = tpu.memref_squeeze %dma_start3A_478 : memref<1x64xf32, #tpu.memory_space<hbm>> -> memref<64xf32, #tpu.memory_space<hbm>>
      tpu.enqueue_dma source(%dma_start3A_479 : memref<64xf32, #tpu.memory_space<hbm>>) target(%dma_start3A_476 : memref<64xf32, #tpu.memory_space<vmem>>) target_semaphore(%arg16 : memref<!tpu.dma_semaphore, #tpu.memory_space<semaphore_mem>>)
      %slice3A_480 = vector.extract_strided_slice %get3A_80 {offsets = [12], sizes = [1], strides = [1]} : vector<16xi32> to vector<1xi32>
      %squeeze3A_481 = vector.extract %slice3A_480[0] : i32 from vector<1xi32>
      %dma_start3A_482 = arith.constant 64 : i32
      %dma_start3A_483 = tpu.memref_slice %arg10[%add3A_465, %dma_start3A_482] : memref<512x128xf32, #tpu.memory_space<vmem>> -> memref<1x64xf32, #tpu.memory_space<vmem>>
      %dma_start3A_484 = tpu.memref_squeeze %dma_start3A_483 : memref<1x64xf32, #tpu.memory_space<vmem>> -> memref<64xf32, #tpu.memory_space<vmem>>
      %dma_start3A_485 = arith.constant 0 : i32
      %dma_start3A_486 = tpu.memref_slice %arg3[%squeeze3A_481, %dma_start3A_485] : memref<100000x64xf32, #tpu.memory_space<hbm>> -> memref<1x64xf32, #tpu.memory_space<hbm>>
      %dma_start3A_487 = tpu.memref_squeeze %dma_start3A_486 : memref<1x64xf32, #tpu.memory_space<hbm>> -> memref<64xf32, #tpu.memory_space<hbm>>
      %dma_start3A_488 = arith.constant 64 : i32
      %dma_start3A_489 = tpu.memref_slice %arg10[%add3A_465, %dma_start3A_488] : memref<512x128xf32, #tpu.memory_space<vmem>> -> memref<1x64xf32, #tpu.memory_space<vmem>>
      %dma_start3A_490 = tpu.memref_squeeze %dma_start3A_489 : memref<1x64xf32, #tpu.memory_space<vmem>> -> memref<64xf32, #tpu.memory_space<vmem>>
      %dma_start3A_491 = arith.constant 0 : i32
      %dma_start3A_492 = tpu.memref_slice %arg3[%squeeze3A_481, %dma_start3A_491] : memref<100000x64xf32, #tpu.memory_space<hbm>> -> memref<1x64xf32, #tpu.memory_space<hbm>>
      %dma_start3A_493 = tpu.memref_squeeze %dma_start3A_492 : memref<1x64xf32, #tpu.memory_space<hbm>> -> memref<64xf32, #tpu.memory_space<hbm>>
      tpu.enqueue_dma source(%dma_start3A_493 : memref<64xf32, #tpu.memory_space<hbm>>) target(%dma_start3A_490 : memref<64xf32, #tpu.memory_space<vmem>>) target_semaphore(%arg16 : memref<!tpu.dma_semaphore, #tpu.memory_space<semaphore_mem>>)
      %mul3A_494 = arith.constant 16 : i32
      %mul3A_495 = arith.muli %scan3A_76, %mul3A_494 : i32
      %add3A_496 = arith.constant 13 : i32
      %add3A_497 = arith.addi %mul3A_495, %add3A_496 : i32
      %slice3A_498 = vector.extract_strided_slice %get3A_80 {offsets = [13], sizes = [1], strides = [1]} : vector<16xi32> to vector<1xi32>
      %squeeze3A_499 = vector.extract %slice3A_498[0] : i32 from vector<1xi32>
      %dma_start3A_500 = arith.constant 0 : i32
      %dma_start3A_501 = tpu.memref_slice %arg10[%add3A_497, %dma_start3A_500] : memref<512x128xf32, #tpu.memory_space<vmem>> -> memref<1x64xf32, #tpu.memory_space<vmem>>
      %dma_start3A_502 = tpu.memref_squeeze %dma_start3A_501 : memref<1x64xf32, #tpu.memory_space<vmem>> -> memref<64xf32, #tpu.memory_space<vmem>>
      %dma_start3A_503 = arith.constant 0 : i32
      %dma_start3A_504 = tpu.memref_slice %arg2[%squeeze3A_499, %dma_start3A_503] : memref<100000x64xf32, #tpu.memory_space<hbm>> -> memref<1x64xf32, #tpu.memory_space<hbm>>
      %dma_start3A_505 = tpu.memref_squeeze %dma_start3A_504 : memref<1x64xf32, #tpu.memory_space<hbm>> -> memref<64xf32, #tpu.memory_space<hbm>>
      %dma_start3A_506 = arith.constant 0 : i32
      %dma_start3A_507 = tpu.memref_slice %arg10[%add3A_497, %dma_start3A_506] : memref<512x128xf32, #tpu.memory_space<vmem>> -> memref<1x64xf32, #tpu.memory_space<vmem>>
      %dma_start3A_508 = tpu.memref_squeeze %dma_start3A_507 : memref<1x64xf32, #tpu.memory_space<vmem>> -> memref<64xf32, #tpu.memory_space<vmem>>
      %dma_start3A_509 = arith.constant 0 : i32
      %dma_start3A_510 = tpu.memref_slice %arg2[%squeeze3A_499, %dma_start3A_509] : memref<100000x64xf32, #tpu.memory_space<hbm>> -> memref<1x64xf32, #tpu.memory_space<hbm>>
      %dma_start3A_511 = tpu.memref_squeeze %dma_start3A_510 : memref<1x64xf32, #tpu.memory_space<hbm>> -> memref<64xf32, #tpu.memory_space<hbm>>
      tpu.enqueue_dma source(%dma_start3A_511 : memref<64xf32, #tpu.memory_space<hbm>>) target(%dma_start3A_508 : memref<64xf32, #tpu.memory_space<vmem>>) target_semaphore(%arg16 : memref<!tpu.dma_semaphore, #tpu.memory_space<semaphore_mem>>)
      %slice3A_512 = vector.extract_strided_slice %get3A_80 {offsets = [13], sizes = [1], strides = [1]} : vector<16xi32> to vector<1xi32>
      %squeeze3A_513 = vector.extract %slice3A_512[0] : i32 from vector<1xi32>
      %dma_start3A_514 = arith.constant 64 : i32
      %dma_start3A_515 = tpu.memref_slice %arg10[%add3A_497, %dma_start3A_514] : memref<512x128xf32, #tpu.memory_space<vmem>> -> memref<1x64xf32, #tpu.memory_space<vmem>>
      %dma_start3A_516 = tpu.memref_squeeze %dma_start3A_515 : memref<1x64xf32, #tpu.memory_space<vmem>> -> memref<64xf32, #tpu.memory_space<vmem>>
      %dma_start3A_517 = arith.constant 0 : i32
      %dma_start3A_518 = tpu.memref_slice %arg3[%squeeze3A_513, %dma_start3A_517] : memref<100000x64xf32, #tpu.memory_space<hbm>> -> memref<1x64xf32, #tpu.memory_space<hbm>>
      %dma_start3A_519 = tpu.memref_squeeze %dma_start3A_518 : memref<1x64xf32, #tpu.memory_space<hbm>> -> memref<64xf32, #tpu.memory_space<hbm>>
      %dma_start3A_520 = arith.constant 64 : i32
      %dma_start3A_521 = tpu.memref_slice %arg10[%add3A_497, %dma_start3A_520] : memref<512x128xf32, #tpu.memory_space<vmem>> -> memref<1x64xf32, #tpu.memory_space<vmem>>
      %dma_start3A_522 = tpu.memref_squeeze %dma_start3A_521 : memref<1x64xf32, #tpu.memory_space<vmem>> -> memref<64xf32, #tpu.memory_space<vmem>>
      %dma_start3A_523 = arith.constant 0 : i32
      %dma_start3A_524 = tpu.memref_slice %arg3[%squeeze3A_513, %dma_start3A_523] : memref<100000x64xf32, #tpu.memory_space<hbm>> -> memref<1x64xf32, #tpu.memory_space<hbm>>
      %dma_start3A_525 = tpu.memref_squeeze %dma_start3A_524 : memref<1x64xf32, #tpu.memory_space<hbm>> -> memref<64xf32, #tpu.memory_space<hbm>>
      tpu.enqueue_dma source(%dma_start3A_525 : memref<64xf32, #tpu.memory_space<hbm>>) target(%dma_start3A_522 : memref<64xf32, #tpu.memory_space<vmem>>) target_semaphore(%arg16 : memref<!tpu.dma_semaphore, #tpu.memory_space<semaphore_mem>>)
      %mul3A_526 = arith.constant 16 : i32
      %mul3A_527 = arith.muli %scan3A_76, %mul3A_526 : i32
      %add3A_528 = arith.constant 14 : i32
      %add3A_529 = arith.addi %mul3A_527, %add3A_528 : i32
      %slice3A_530 = vector.extract_strided_slice %get3A_80 {offsets = [14], sizes = [1], strides = [1]} : vector<16xi32> to vector<1xi32>
      %squeeze3A_531 = vector.extract %slice3A_530[0] : i32 from vector<1xi32>
      %dma_start3A_532 = arith.constant 0 : i32
      %dma_start3A_533 = tpu.memref_slice %arg10[%add3A_529, %dma_start3A_532] : memref<512x128xf32, #tpu.memory_space<vmem>> -> memref<1x64xf32, #tpu.memory_space<vmem>>
      %dma_start3A_534 = tpu.memref_squeeze %dma_start3A_533 : memref<1x64xf32, #tpu.memory_space<vmem>> -> memref<64xf32, #tpu.memory_space<vmem>>
      %dma_start3A_535 = arith.constant 0 : i32
      %dma_start3A_536 = tpu.memref_slice %arg2[%squeeze3A_531, %dma_start3A_535] : memref<100000x64xf32, #tpu.memory_space<hbm>> -> memref<1x64xf32, #tpu.memory_space<hbm>>
      %dma_start3A_537 = tpu.memref_squeeze %dma_start3A_536 : memref<1x64xf32, #tpu.memory_space<hbm>> -> memref<64xf32, #tpu.memory_space<hbm>>
      %dma_start3A_538 = arith.constant 0 : i32
      %dma_start3A_539 = tpu.memref_slice %arg10[%add3A_529, %dma_start3A_538] : memref<512x128xf32, #tpu.memory_space<vmem>> -> memref<1x64xf32, #tpu.memory_space<vmem>>
      %dma_start3A_540 = tpu.memref_squeeze %dma_start3A_539 : memref<1x64xf32, #tpu.memory_space<vmem>> -> memref<64xf32, #tpu.memory_space<vmem>>
      %dma_start3A_541 = arith.constant 0 : i32
      %dma_start3A_542 = tpu.memref_slice %arg2[%squeeze3A_531, %dma_start3A_541] : memref<100000x64xf32, #tpu.memory_space<hbm>> -> memref<1x64xf32, #tpu.memory_space<hbm>>
      %dma_start3A_543 = tpu.memref_squeeze %dma_start3A_542 : memref<1x64xf32, #tpu.memory_space<hbm>> -> memref<64xf32, #tpu.memory_space<hbm>>
      tpu.enqueue_dma source(%dma_start3A_543 : memref<64xf32, #tpu.memory_space<hbm>>) target(%dma_start3A_540 : memref<64xf32, #tpu.memory_space<vmem>>) target_semaphore(%arg16 : memref<!tpu.dma_semaphore, #tpu.memory_space<semaphore_mem>>)
      %slice3A_544 = vector.extract_strided_slice %get3A_80 {offsets = [14], sizes = [1], strides = [1]} : vector<16xi32> to vector<1xi32>
      %squeeze3A_545 = vector.extract %slice3A_544[0] : i32 from vector<1xi32>
      %dma_start3A_546 = arith.constant 64 : i32
      %dma_start3A_547 = tpu.memref_slice %arg10[%add3A_529, %dma_start3A_546] : memref<512x128xf32, #tpu.memory_space<vmem>> -> memref<1x64xf32, #tpu.memory_space<vmem>>
      %dma_start3A_548 = tpu.memref_squeeze %dma_start3A_547 : memref<1x64xf32, #tpu.memory_space<vmem>> -> memref<64xf32, #tpu.memory_space<vmem>>
      %dma_start3A_549 = arith.constant 0 : i32
      %dma_start3A_550 = tpu.memref_slice %arg3[%squeeze3A_545, %dma_start3A_549] : memref<100000x64xf32, #tpu.memory_space<hbm>> -> memref<1x64xf32, #tpu.memory_space<hbm>>
      %dma_start3A_551 = tpu.memref_squeeze %dma_start3A_550 : memref<1x64xf32, #tpu.memory_space<hbm>> -> memref<64xf32, #tpu.memory_space<hbm>>
      %dma_start3A_552 = arith.constant 64 : i32
      %dma_start3A_553 = tpu.memref_slice %arg10[%add3A_529, %dma_start3A_552] : memref<512x128xf32, #tpu.memory_space<vmem>> -> memref<1x64xf32, #tpu.memory_space<vmem>>
      %dma_start3A_554 = tpu.memref_squeeze %dma_start3A_553 : memref<1x64xf32, #tpu.memory_space<vmem>> -> memref<64xf32, #tpu.memory_space<vmem>>
      %dma_start3A_555 = arith.constant 0 : i32
      %dma_start3A_556 = tpu.memref_slice %arg3[%squeeze3A_545, %dma_start3A_555] : memref<100000x64xf32, #tpu.memory_space<hbm>> -> memref<1x64xf32, #tpu.memory_space<hbm>>
      %dma_start3A_557 = tpu.memref_squeeze %dma_start3A_556 : memref<1x64xf32, #tpu.memory_space<hbm>> -> memref<64xf32, #tpu.memory_space<hbm>>
      tpu.enqueue_dma source(%dma_start3A_557 : memref<64xf32, #tpu.memory_space<hbm>>) target(%dma_start3A_554 : memref<64xf32, #tpu.memory_space<vmem>>) target_semaphore(%arg16 : memref<!tpu.dma_semaphore, #tpu.memory_space<semaphore_mem>>)
      %mul3A_558 = arith.constant 16 : i32
      %mul3A_559 = arith.muli %scan3A_76, %mul3A_558 : i32
      %add3A_560 = arith.constant 15 : i32
      %add3A_561 = arith.addi %mul3A_559, %add3A_560 : i32
      %slice3A_562 = vector.extract_strided_slice %get3A_80 {offsets = [15], sizes = [1], strides = [1]} : vector<16xi32> to vector<1xi32>
      %squeeze3A_563 = vector.extract %slice3A_562[0] : i32 from vector<1xi32>
      %dma_start3A_564 = arith.constant 0 : i32
      %dma_start3A_565 = tpu.memref_slice %arg10[%add3A_561, %dma_start3A_564] : memref<512x128xf32, #tpu.memory_space<vmem>> -> memref<1x64xf32, #tpu.memory_space<vmem>>
      %dma_start3A_566 = tpu.memref_squeeze %dma_start3A_565 : memref<1x64xf32, #tpu.memory_space<vmem>> -> memref<64xf32, #tpu.memory_space<vmem>>
      %dma_start3A_567 = arith.constant 0 : i32
      %dma_start3A_568 = tpu.memref_slice %arg2[%squeeze3A_563, %dma_start3A_567] : memref<100000x64xf32, #tpu.memory_space<hbm>> -> memref<1x64xf32, #tpu.memory_space<hbm>>
      %dma_start3A_569 = tpu.memref_squeeze %dma_start3A_568 : memref<1x64xf32, #tpu.memory_space<hbm>> -> memref<64xf32, #tpu.memory_space<hbm>>
      %dma_start3A_570 = arith.constant 0 : i32
      %dma_start3A_571 = tpu.memref_slice %arg10[%add3A_561, %dma_start3A_570] : memref<512x128xf32, #tpu.memory_space<vmem>> -> memref<1x64xf32, #tpu.memory_space<vmem>>
      %dma_start3A_572 = tpu.memref_squeeze %dma_start3A_571 : memref<1x64xf32, #tpu.memory_space<vmem>> -> memref<64xf32, #tpu.memory_space<vmem>>
      %dma_start3A_573 = arith.constant 0 : i32
      %dma_start3A_574 = tpu.memref_slice %arg2[%squeeze3A_563, %dma_start3A_573] : memref<100000x64xf32, #tpu.memory_space<hbm>> -> memref<1x64xf32, #tpu.memory_space<hbm>>
      %dma_start3A_575 = tpu.memref_squeeze %dma_start3A_574 : memref<1x64xf32, #tpu.memory_space<hbm>> -> memref<64xf32, #tpu.memory_space<hbm>>
      tpu.enqueue_dma source(%dma_start3A_575 : memref<64xf32, #tpu.memory_space<hbm>>) target(%dma_start3A_572 : memref<64xf32, #tpu.memory_space<vmem>>) target_semaphore(%arg16 : memref<!tpu.dma_semaphore, #tpu.memory_space<semaphore_mem>>)
      %slice3A_576 = vector.extract_strided_slice %get3A_80 {offsets = [15], sizes = [1], strides = [1]} : vector<16xi32> to vector<1xi32>
      %squeeze3A_577 = vector.extract %slice3A_576[0] : i32 from vector<1xi32>
      %dma_start3A_578 = arith.constant 64 : i32
      %dma_start3A_579 = tpu.memref_slice %arg10[%add3A_561, %dma_start3A_578] : memref<512x128xf32, #tpu.memory_space<vmem>> -> memref<1x64xf32, #tpu.memory_space<vmem>>
      %dma_start3A_580 = tpu.memref_squeeze %dma_start3A_579 : memref<1x64xf32, #tpu.memory_space<vmem>> -> memref<64xf32, #tpu.memory_space<vmem>>
      %dma_start3A_581 = arith.constant 0 : i32
      %dma_start3A_582 = tpu.memref_slice %arg3[%squeeze3A_577, %dma_start3A_581] : memref<100000x64xf32, #tpu.memory_space<hbm>> -> memref<1x64xf32, #tpu.memory_space<hbm>>
      %dma_start3A_583 = tpu.memref_squeeze %dma_start3A_582 : memref<1x64xf32, #tpu.memory_space<hbm>> -> memref<64xf32, #tpu.memory_space<hbm>>
      %dma_start3A_584 = arith.constant 64 : i32
      %dma_start3A_585 = tpu.memref_slice %arg10[%add3A_561, %dma_start3A_584] : memref<512x128xf32, #tpu.memory_space<vmem>> -> memref<1x64xf32, #tpu.memory_space<vmem>>
      %dma_start3A_586 = tpu.memref_squeeze %dma_start3A_585 : memref<1x64xf32, #tpu.memory_space<vmem>> -> memref<64xf32, #tpu.memory_space<vmem>>
      %dma_start3A_587 = arith.constant 0 : i32
      %dma_start3A_588 = tpu.memref_slice %arg3[%squeeze3A_577, %dma_start3A_587] : memref<100000x64xf32, #tpu.memory_space<hbm>> -> memref<1x64xf32, #tpu.memory_space<hbm>>
      %dma_start3A_589 = tpu.memref_squeeze %dma_start3A_588 : memref<1x64xf32, #tpu.memory_space<hbm>> -> memref<64xf32, #tpu.memory_space<hbm>>
      tpu.enqueue_dma source(%dma_start3A_589 : memref<64xf32, #tpu.memory_space<hbm>>) target(%dma_start3A_586 : memref<64xf32, #tpu.memory_space<vmem>>) target_semaphore(%arg16 : memref<!tpu.dma_semaphore, #tpu.memory_space<semaphore_mem>>)
    }
    %scan3A_12 = arith.constant 32 : i32
    %broadcast_in_dim3A = arith.constant -1 : i32
    %broadcast_in_dim3A_13 = vector.broadcast %broadcast_in_dim3A : i32 to vector<16xi32>
    %scan3A_14 = arith.constant 0 : i32
    %scan3A_15 = arith.constant 0 : i32
    %scan3A_16 = arith.constant 200 : i32
    %scan3A_17 = arith.addi %scan3A_15, %scan3A_16 : i32
    %scan3A_18 = arith.constant 1 : i32
    scf.for %scan3A_76 = %scan3A_15 to %scan3A_17 step %scan3A_18  : i32 {
      %mul3A_77 = arith.constant 16 : i32
      %mul3A_78 = arith.muli %scan3A_76, %mul3A_77 : i32
      %swap3A_79 = arith.index_cast %mul3A_78 : i32 to index
      %swap3A_80 = tpu.vector_load %arg11[%swap3A_79] {strides = array<i32>} : memref<3200xi32, #tpu.memory_space<vmem>>, vector<16xi32>,
      tpu.vector_store %arg11[%swap3A_79], %broadcast_in_dim3A_13 {strides = array<i32>} : memref<3200xi32, #tpu.memory_space<vmem>>, vector<16xi32>,
    }
    %scan3A_19 = arith.constant 200 : i32
    %iota3A = tpu.iota {dimensions = array<i32: 0>} : vector<16xi32>
    %scan3A_20 = arith.constant 0 : i32
    %scan3A_21 = arith.constant 0 : i32
    %scan3A_22 = arith.constant 1024 : i32
    %scan3A_23 = arith.addi %scan3A_21, %scan3A_22 : i32
    %scan3A_24 = arith.constant 1 : i32
    %scan3A_25 = scf.for %scan3A_76 = %scan3A_21 to %scan3A_23 step %scan3A_24 iter_args(%scan3A_77 = %scan3A_20) -> (i32)  : i32 {
      %mul3A_78 = arith.constant 16 : i32
      %mul3A_79 = arith.muli %scan3A_76, %mul3A_78 : i32
      %get3A = arith.index_cast %mul3A_79 : i32 to index
      %get3A_80 = tpu.vector_load %arg9[%get3A] {strides = array<i32>} : memref<16384xi32, #tpu.memory_space<vmem>>, vector<16xi32>,
      %ge3A = vector.broadcast %mul3A_4 : i32 to vector<16xi32>
      %ge3A_81 = arith.cmpi sge, %get3A_80, %ge3A : vector<16xi32>
      %lt3A = vector.broadcast %min3A_7 : i32 to vector<16xi32>
      %lt3A_82 = arith.cmpi slt, %get3A_80, %lt3A : vector<16xi32>
      %and3A_83 = arith.andi %ge3A_81, %lt3A_82 : vector<16xi1>
      %mul3A_84 = arith.constant 16384 : i32
      %mul3A_85 = vector.broadcast %mul3A_84 : i32 to vector<16xi32>
      %mul3A_86 = arith.muli %get3A_80, %mul3A_85 : vector<16xi32>
      %mul3A_87 = arith.constant 16 : i32
      %mul3A_88 = arith.muli %scan3A_76, %mul3A_87 : i32
      %add3A_89 = vector.broadcast %mul3A_88 : i32 to vector<16xi32>
      %add3A_90 = arith.addi %add3A_89, %iota3A : vector<16xi32>
      %add3A_91 = arith.addi %mul3A_86, %add3A_90 : vector<16xi32>
      %swap3A_92 = arith.index_cast %scan3A_77 : i32 to index
      %swap3A_93 = tpu.vector_load %arg12[%swap3A_92] masked %and3A_83 {strides = array<i32>} : memref<16400xi32, #tpu.memory_space<vmem>>, vector<16xi32>, vector<16xi1>
      tpu.vector_store %arg12[%swap3A_92], %add3A_91 masked %and3A_83 {strides = array<i32>} : memref<16400xi32, #tpu.memory_space<vmem>>, vector<16xi32>, vector<16xi1>
      %convert_element_type3A_94 = arith.extui %and3A_83 : vector<16xi1> to vector<16xi32>
      %reduce_sum3A = arith.constant true
      %reduce_sum3A_95 = vector.broadcast %reduce_sum3A : i1 to vector<16xi1>
      %reduce_sum3A_96 = tpu.scan <sum>, %convert_element_type3A_94 masked %reduce_sum3A_95 : vector<16xi32>, vector<16xi1> -> vector<16xi32>
      %reduce_sum3A_97 = vector.extract %reduce_sum3A_96[15] : i32 from vector<16xi32>
      %add3A_98 = arith.addi %scan3A_77, %reduce_sum3A_97 : i32
      scf.yield %add3A_98 : i32
    }
    %scan3A_26 = arith.constant 1024 : i32
    %gt3A = arith.constant 0 : i32
    %gt3A_27 = arith.cmpi sgt, %scan3A_25, %gt3A : i32
    %convert_element_type3A = arith.extui %gt3A_27 : i1 to i32
    %cond3A = arith.constant 0 : i32
    %cond3A_28 = arith.cmpi ne, %convert_element_type3A, %cond3A : i32
    scf.if %cond3A_28 {
      %sub3A_76 = arith.constant 1 : i32
      %sub3A_77 = arith.subi %scan3A_25, %sub3A_76 : i32
      %and3A_78 = arith.constant -16 : i32
      %and3A_79 = arith.andi %sub3A_77, %and3A_78 : i32
      %get3A = arith.index_cast %and3A_79 : i32 to index
      %get3A_80 = tpu.vector_load %arg12[%get3A] {strides = array<i32>} : memref<16400xi32, #tpu.memory_space<vmem>>, vector<16xi32>,
      %sub3A_81 = arith.constant 1 : i32
      %sub3A_82 = arith.subi %scan3A_25, %sub3A_81 : i32
      %sub3A_83 = arith.subi %sub3A_82, %and3A_79 : i32
      %broadcast_in_dim3A_84 = vector.broadcast %sub3A_83 : i32 to vector<16xi32>
      %lt3A = arith.constant 0 : i32
      %lt3A_85 = vector.broadcast %lt3A : i32 to vector<16xi32>
      %lt3A_86 = arith.cmpi slt, %broadcast_in_dim3A_84, %lt3A_85 : vector<16xi32>
      %add3A_87 = arith.constant 16 : i32
      %add3A_88 = vector.broadcast %add3A_87 : i32 to vector<16xi32>
      %add3A_89 = arith.addi %broadcast_in_dim3A_84, %add3A_88 : vector<16xi32>
      %select_n3A_90 = arith.select %lt3A_86, %add3A_89, %broadcast_in_dim3A_84 : vector<16xi1>, vector<16xi32>
      %broadcast_in_dim3A_91 = vector.shape_cast %select_n3A_90 : vector<16xi32> to vector<16x1xi32>
      %gather3A = vector.shape_cast %broadcast_in_dim3A_91 : vector<16x1xi32> to vector<16xi32>
      %gather3A_92 = tpu.dynamic_gather %get3A_80[%gather3A] in [0] : vector<16xi32>, vector<16xi32> -> vector<16xi32>
      %add3A_93 = vector.broadcast %and3A_79 : i32 to vector<16xi32>
      %add3A_94 = arith.addi %add3A_93, %iota3A : vector<16xi32>
      %lt3A_95 = vector.broadcast %scan3A_25 : i32 to vector<16xi32>
      %lt3A_96 = arith.cmpi slt, %add3A_94, %lt3A_95 : vector<16xi32>
      %select_n3A_97 = arith.select %lt3A_96, %get3A_80, %gather3A_92 : vector<16xi1>, vector<16xi32>
      %swap3A_98 = arith.index_cast %and3A_79 : i32 to index
      %swap3A_99 = tpu.vector_load %arg12[%swap3A_98] {strides = array<i32>} : memref<16400xi32, #tpu.memory_space<vmem>>, vector<16xi32>,
      tpu.vector_store %arg12[%swap3A_98], %select_n3A_97 {strides = array<i32>} : memref<16400xi32, #tpu.memory_space<vmem>>, vector<16xi32>,
    } else {
    }
    %add3A_29 = arith.constant 1 : i32
    %add3A_30 = vector.broadcast %add3A_29 : i32 to vector<16xi32>
    %add3A_31 = arith.addi %iota3A, %add3A_30 : vector<16xi32>
    %and3A = arith.constant 15 : i32
    %and3A_32 = vector.broadcast %and3A : i32 to vector<16xi32>
    %and3A_33 = arith.andi %add3A_31, %and3A_32 : vector<16xi32>
    %add3A_34 = arith.constant 16 : i32
    %add3A_35 = arith.addi %scan3A_25, %add3A_34 : i32
    %sub3A = arith.constant 1 : i32
    %sub3A_36 = arith.subi %add3A_35, %sub3A : i32
    %jit3A = arith.constant 16 : i32
    %div3A = arith.divsi %sub3A_36, %jit3A : i32
    %sign3A = arith.constant 0 : i32
    %sign3A_37 = arith.cmpi sgt, %sub3A_36, %sign3A : i32
    %sign3A_38 = arith.extui %sign3A_37 : i1 to i32
    %sign3A_39 = arith.constant 0 : i32
    %sign3A_40 = arith.cmpi slt, %sub3A_36, %sign3A_39 : i32
    %sign3A_41 = arith.extui %sign3A_40 : i1 to i32
    %sign3A_42 = arith.subi %sign3A_38, %sign3A_41 : i32
    %sign3A_43 = arith.constant 0 : i32
    %sign3A_44 = arith.cmpi sgt, %jit3A, %sign3A_43 : i32
    %sign3A_45 = arith.extui %sign3A_44 : i1 to i32
    %sign3A_46 = arith.constant 0 : i32
    %sign3A_47 = arith.cmpi slt, %jit3A, %sign3A_46 : i32
    %sign3A_48 = arith.extui %sign3A_47 : i1 to i32
    %sign3A_49 = arith.subi %sign3A_45, %sign3A_48 : i32
    %ne3A = arith.cmpi ne, %sign3A_42, %sign3A_49 : i32
    %rem3A = arith.remsi %sub3A_36, %jit3A : i32
    %ne3A_50 = arith.constant 0 : i32
    %ne3A_51 = arith.cmpi ne, %rem3A, %ne3A_50 : i32
    %and3A_52 = arith.andi %ne3A, %ne3A_51 : i1
    %sub3A_53 = arith.constant 1 : i32
    %sub3A_54 = arith.subi %div3A, %sub3A_53 : i32
    %select_n3A = arith.select %and3A_52, %sub3A_54, %div3A : i32
    %while3A = arith.constant 0 : i32
    %while3A_55 = arith.constant 0 : i32
    %while3A_56 = arith.subi %select_n3A, %while3A_55 : i32
    %while3A_57 = arith.addi %while3A_55, %while3A_56 : i32
    %while3A_58 = arith.constant 1 : i32
    %while3A_59 = arith.divsi %while3A_56, %while3A_58 : i32
    %while3A_60 = arith.muli %while3A_59, %while3A_58 : i32
    %while3A_61 = arith.addi %while3A_55, %while3A_60 : i32
    %while3A_62 = arith.constant 1 : i32
    scf.for %while3A_76 = %while3A_55 to %while3A_61 step %while3A_62  : i32 {
      %mul3A_77 = arith.constant 16 : i32
      %mul3A_78 = arith.muli %while3A_76, %mul3A_77 : i32
      %get3A = arith.index_cast %mul3A_78 : i32 to index
      %get3A_79 = tpu.vector_load %arg12[%get3A] {strides = array<i32>} : memref<16400xi32, #tpu.memory_space<vmem>>, vector<16xi32>,
      %masked_sort3A = arith.constant dense<true> : vector<16xi1>
      %masked_sort3A_80 = arith.constant -2147483648 : i32
      %masked_sort3A_81 = vector.broadcast %masked_sort3A_80 : i32 to vector<16xi32>
      %masked_sort3A_82 = arith.xori %get3A_79, %masked_sort3A_81 : vector<16xi32>
      %masked_sort3A_83, %masked_sort3A_84, %masked_sort3A_85 = tpu.sort %masked_sort3A_82, %get3A_79 masked %masked_sort3A : (vector<16xi32>, vector<16xi32>, vector<16xi1>) -> (vector<16xi1>, vector<16xi32>, vector<16xi32>)
      %masked_sort3A_86 = arith.xori %masked_sort3A_84, %masked_sort3A_81 : vector<16xi32>
      %shift_right_logical3A = arith.constant 14 : i32
      %shift_right_logical3A_87 = vector.broadcast %shift_right_logical3A : i32 to vector<16xi32>
      %shift_right_logical3A_88 = arith.shrui %masked_sort3A_86, %shift_right_logical3A_87 : vector<16xi32>
      %lt3A = arith.constant 0 : i32
      %lt3A_89 = vector.broadcast %lt3A : i32 to vector<16xi32>
      %lt3A_90 = arith.cmpi slt, %and3A_33, %lt3A_89 : vector<16xi32>
      %add3A_91 = arith.constant 16 : i32
      %add3A_92 = vector.broadcast %add3A_91 : i32 to vector<16xi32>
      %add3A_93 = arith.addi %and3A_33, %add3A_92 : vector<16xi32>
      %select_n3A_94 = arith.select %lt3A_90, %add3A_93, %and3A_33 : vector<16xi1>, vector<16xi32>
      %broadcast_in_dim3A_95 = vector.shape_cast %select_n3A_94 : vector<16xi32> to vector<16x1xi32>
      %gather3A = vector.shape_cast %broadcast_in_dim3A_95 : vector<16x1xi32> to vector<16xi32>
      %gather3A_96 = tpu.dynamic_gather %shift_right_logical3A_88[%gather3A] in [0] : vector<16xi32>, vector<16xi32> -> vector<16xi32>
      %ne3A_97 = arith.cmpi ne, %shift_right_logical3A_88, %gather3A_96 : vector<16xi32>
      %eq3A = arith.constant 15 : i32
      %eq3A_98 = vector.broadcast %eq3A : i32 to vector<16xi32>
      %eq3A_99 = arith.cmpi eq, %iota3A, %eq3A_98 : vector<16xi32>
      %or3A = arith.ori %ne3A_97, %eq3A_99 : vector<16xi1>
      %and3A_100 = arith.constant 16383 : i32
      %and3A_101 = vector.broadcast %and3A_100 : i32 to vector<16xi32>
      %and3A_102 = arith.andi %masked_sort3A_86, %and3A_101 : vector<16xi32>
      %sub3A_103 = vector.broadcast %mul3A_4 : i32 to vector<16xi32>
      %sub3A_104 = arith.subi %shift_right_logical3A_88, %sub3A_103 : vector<16xi32>
      tpu.vector_store_idx %arg11[%sub3A_104], %and3A_102 masked %or3A : memref<3200xi32, #tpu.memory_space<vmem>>[vector<16xi32>], vector<16xi32>, vector<16xi1>
    }
    %while3A_63 = arith.constant 1 : i32
    scf.for %while3A_76 = %while3A_61 to %while3A_57 step %while3A_63  : i32 {
      %mul3A_77 = arith.constant 16 : i32
      %mul3A_78 = arith.muli %while3A_76, %mul3A_77 : i32
      %get3A = arith.index_cast %mul3A_78 : i32 to index
      %get3A_79 = tpu.vector_load %arg12[%get3A] {strides = array<i32>} : memref<16400xi32, #tpu.memory_space<vmem>>, vector<16xi32>,
      %masked_sort3A = arith.constant dense<true> : vector<16xi1>
      %masked_sort3A_80 = arith.constant -2147483648 : i32
      %masked_sort3A_81 = vector.broadcast %masked_sort3A_80 : i32 to vector<16xi32>
      %masked_sort3A_82 = arith.xori %get3A_79, %masked_sort3A_81 : vector<16xi32>
      %masked_sort3A_83, %masked_sort3A_84, %masked_sort3A_85 = tpu.sort %masked_sort3A_82, %get3A_79 masked %masked_sort3A : (vector<16xi32>, vector<16xi32>, vector<16xi1>) -> (vector<16xi1>, vector<16xi32>, vector<16xi32>)
      %masked_sort3A_86 = arith.xori %masked_sort3A_84, %masked_sort3A_81 : vector<16xi32>
      %shift_right_logical3A = arith.constant 14 : i32
      %shift_right_logical3A_87 = vector.broadcast %shift_right_logical3A : i32 to vector<16xi32>
      %shift_right_logical3A_88 = arith.shrui %masked_sort3A_86, %shift_right_logical3A_87 : vector<16xi32>
      %lt3A = arith.constant 0 : i32
      %lt3A_89 = vector.broadcast %lt3A : i32 to vector<16xi32>
      %lt3A_90 = arith.cmpi slt, %and3A_33, %lt3A_89 : vector<16xi32>
      %add3A_91 = arith.constant 16 : i32
      %add3A_92 = vector.broadcast %add3A_91 : i32 to vector<16xi32>
      %add3A_93 = arith.addi %and3A_33, %add3A_92 : vector<16xi32>
      %select_n3A_94 = arith.select %lt3A_90, %add3A_93, %and3A_33 : vector<16xi1>, vector<16xi32>
      %broadcast_in_dim3A_95 = vector.shape_cast %select_n3A_94 : vector<16xi32> to vector<16x1xi32>
      %gather3A = vector.shape_cast %broadcast_in_dim3A_95 : vector<16x1xi32> to vector<16xi32>
      %gather3A_96 = tpu.dynamic_gather %shift_right_logical3A_88[%gather3A] in [0] : vector<16xi32>, vector<16xi32> -> vector<16xi32>
      %ne3A_97 = arith.cmpi ne, %shift_right_logical3A_88, %gather3A_96 : vector<16xi32>
      %eq3A = arith.constant 15 : i32
      %eq3A_98 = vector.broadcast %eq3A : i32 to vector<16xi32>
      %eq3A_99 = arith.cmpi eq, %iota3A, %eq3A_98 : vector<16xi32>
      %or3A = arith.ori %ne3A_97, %eq3A_99 : vector<16xi1>
      %and3A_100 = arith.constant 16383 : i32
      %and3A_101 = vector.broadcast %and3A_100 : i32 to vector<16xi32>
      %and3A_102 = arith.andi %masked_sort3A_86, %and3A_101 : vector<16xi32>
      %sub3A_103 = vector.broadcast %mul3A_4 : i32 to vector<16xi32>
      %sub3A_104 = arith.subi %shift_right_logical3A_88, %sub3A_103 : vector<16xi32>
      tpu.vector_store_idx %arg11[%sub3A_104], %and3A_102 masked %or3A : memref<3200xi32, #tpu.memory_space<vmem>>[vector<16xi32>], vector<16xi32>, vector<16xi1>
    }
    %scan3A_64 = arith.constant 0 : i32
    %scan3A_65 = arith.constant 0 : i32
    %scan3A_66 = arith.constant 200 : i32
    %scan3A_67 = arith.addi %scan3A_65, %scan3A_66 : i32
    %scan3A_68 = arith.constant 1 : i32
    %scan3A_69 = scf.for %scan3A_76 = %scan3A_65 to %scan3A_67 step %scan3A_68 iter_args(%scan3A_77 = %scan3A_64) -> (i32)  : i32 {
      %mul3A_78 = arith.constant 16 : i32
      %mul3A_79 = arith.muli %scan3A_76, %mul3A_78 : i32
      %get3A = arith.index_cast %mul3A_79 : i32 to index
      %get3A_80 = tpu.vector_load %arg11[%get3A] {strides = array<i32>} : memref<3200xi32, #tpu.memory_space<vmem>>, vector<16xi32>,
      %ge3A = arith.constant 0 : i32
      %ge3A_81 = vector.broadcast %ge3A : i32 to vector<16xi32>
      %ge3A_82 = arith.cmpi sge, %get3A_80, %ge3A_81 : vector<16xi32>
      %mul3A_83 = arith.constant 16 : i32
      %mul3A_84 = arith.muli %scan3A_76, %mul3A_83 : i32
      %add3A_85 = arith.addi %mul3A_4, %mul3A_84 : i32
      %add3A_86 = vector.broadcast %add3A_85 : i32 to vector<16xi32>
      %add3A_87 = arith.addi %add3A_86, %iota3A : vector<16xi32>
      %swap3A_88 = arith.index_cast %scan3A_77 : i32 to index
      %swap3A_89 = tpu.vector_load %arg13[%swap3A_88] masked %ge3A_82 {strides = array<i32>} : memref<3216xi32, #tpu.memory_space<vmem>>, vector<16xi32>, vector<16xi1>
      tpu.vector_store %arg13[%swap3A_88], %add3A_87 masked %ge3A_82 {strides = array<i32>} : memref<3216xi32, #tpu.memory_space<vmem>>, vector<16xi32>, vector<16xi1>
      %swap3A_90 = arith.index_cast %scan3A_77 : i32 to index
      %swap3A_91 = tpu.vector_load %arg14[%swap3A_90] masked %ge3A_82 {strides = array<i32>} : memref<3216xi32, #tpu.memory_space<vmem>>, vector<16xi32>, vector<16xi1>
      tpu.vector_store %arg14[%swap3A_90], %get3A_80 masked %ge3A_82 {strides = array<i32>} : memref<3216xi32, #tpu.memory_space<vmem>>, vector<16xi32>, vector<16xi1>
      %convert_element_type3A_92 = arith.extui %ge3A_82 : vector<16xi1> to vector<16xi32>
      %reduce_sum3A = arith.constant true
      %reduce_sum3A_93 = vector.broadcast %reduce_sum3A : i1 to vector<16xi1>
      %reduce_sum3A_94 = tpu.scan <sum>, %convert_element_type3A_92 masked %reduce_sum3A_93 : vector<16xi32>, vector<16xi1> -> vector<16xi32>
      %reduce_sum3A_95 = vector.extract %reduce_sum3A_94[15] : i32 from vector<16xi32>
      %add3A_96 = arith.addi %scan3A_77, %reduce_sum3A_95 : i32
      scf.yield %add3A_96 : i32
    }
    %scan3A_70 = arith.constant 200 : i32
    %broadcast_in_dim3A_71 = vector.broadcast %scan3A_69 : i32 to vector<16xi32>
    %swap3A = arith.constant 0 : index
    %swap3A_72 = tpu.vector_load %arg15[%swap3A] {strides = array<i32>} : memref<16xi32, #tpu.memory_space<vmem>>, vector<16xi32>,
    tpu.vector_store %arg15[%swap3A], %broadcast_in_dim3A_71 {strides = array<i32>} : memref<16xi32, #tpu.memory_space<vmem>>, vector<16xi32>,
    "tpu.region"() ({
      %run_scoped3A = tpu.sem_alloc : memref<!tpu.dma_semaphore, #tpu.memory_space<semaphore_mem>>
      %dma_start3A = arith.constant 0 : i32
      %dma_start3A_76 = tpu.memref_slice %arg6[%add3A, %dma_start3A] : memref<32x3216xi32, #tpu.memory_space<hbm>> -> memref<1x3216xi32, #tpu.memory_space<hbm>>
      %dma_start3A_77 = tpu.memref_squeeze %dma_start3A_76 : memref<1x3216xi32, #tpu.memory_space<hbm>> -> memref<3216xi32, #tpu.memory_space<hbm>>
      %dma_start3A_78 = arith.constant 0 : i32
      %dma_start3A_79 = tpu.memref_slice %arg6[%add3A, %dma_start3A_78] : memref<32x3216xi32, #tpu.memory_space<hbm>> -> memref<1x3216xi32, #tpu.memory_space<hbm>>
      %dma_start3A_80 = tpu.memref_squeeze %dma_start3A_79 : memref<1x3216xi32, #tpu.memory_space<hbm>> -> memref<3216xi32, #tpu.memory_space<hbm>>
      tpu.enqueue_dma source(%arg13 : memref<3216xi32, #tpu.memory_space<vmem>>) target(%dma_start3A_80 : memref<3216xi32, #tpu.memory_space<hbm>>) target_semaphore(%run_scoped3A : memref<!tpu.dma_semaphore, #tpu.memory_space<semaphore_mem>>)
      %dma_wait3A_81 = arith.constant 0 : i32
      %dma_wait3A_82 = tpu.memref_slice %arg6[%add3A, %dma_wait3A_81] : memref<32x3216xi32, #tpu.memory_space<hbm>> -> memref<1x3216xi32, #tpu.memory_space<hbm>>
      %dma_wait3A_83 = tpu.memref_squeeze %dma_wait3A_82 : memref<1x3216xi32, #tpu.memory_space<hbm>> -> memref<3216xi32, #tpu.memory_space<hbm>>
      %dma_wait3A_84 = arith.constant 0 : i32
      %dma_wait3A_85 = tpu.memref_slice %arg6[%add3A, %dma_wait3A_84] : memref<32x3216xi32, #tpu.memory_space<hbm>> -> memref<1x3216xi32, #tpu.memory_space<hbm>>
      %dma_wait3A_86 = tpu.memref_squeeze %dma_wait3A_85 : memref<1x3216xi32, #tpu.memory_space<hbm>> -> memref<3216xi32, #tpu.memory_space<hbm>>
      tpu.wait_dma2 semaphore(%run_scoped3A : memref<!tpu.dma_semaphore, #tpu.memory_space<semaphore_mem>>) src(%arg13 : memref<3216xi32, #tpu.memory_space<vmem>>) dst(%dma_wait3A_86 : memref<3216xi32, #tpu.memory_space<hbm>>)
      tpu.yield
    }) : () -> ()
    "tpu.region"() ({
      %run_scoped3A = tpu.sem_alloc : memref<!tpu.dma_semaphore, #tpu.memory_space<semaphore_mem>>
      %dma_start3A = arith.constant 0 : i32
      %dma_start3A_76 = tpu.memref_slice %arg7[%add3A, %dma_start3A] : memref<32x3216xi32, #tpu.memory_space<hbm>> -> memref<1x3216xi32, #tpu.memory_space<hbm>>
      %dma_start3A_77 = tpu.memref_squeeze %dma_start3A_76 : memref<1x3216xi32, #tpu.memory_space<hbm>> -> memref<3216xi32, #tpu.memory_space<hbm>>
      %dma_start3A_78 = arith.constant 0 : i32
      %dma_start3A_79 = tpu.memref_slice %arg7[%add3A, %dma_start3A_78] : memref<32x3216xi32, #tpu.memory_space<hbm>> -> memref<1x3216xi32, #tpu.memory_space<hbm>>
      %dma_start3A_80 = tpu.memref_squeeze %dma_start3A_79 : memref<1x3216xi32, #tpu.memory_space<hbm>> -> memref<3216xi32, #tpu.memory_space<hbm>>
      tpu.enqueue_dma source(%arg14 : memref<3216xi32, #tpu.memory_space<vmem>>) target(%dma_start3A_80 : memref<3216xi32, #tpu.memory_space<hbm>>) target_semaphore(%run_scoped3A : memref<!tpu.dma_semaphore, #tpu.memory_space<semaphore_mem>>)
      %dma_wait3A_81 = arith.constant 0 : i32
      %dma_wait3A_82 = tpu.memref_slice %arg7[%add3A, %dma_wait3A_81] : memref<32x3216xi32, #tpu.memory_space<hbm>> -> memref<1x3216xi32, #tpu.memory_space<hbm>>
      %dma_wait3A_83 = tpu.memref_squeeze %dma_wait3A_82 : memref<1x3216xi32, #tpu.memory_space<hbm>> -> memref<3216xi32, #tpu.memory_space<hbm>>
      %dma_wait3A_84 = arith.constant 0 : i32
      %dma_wait3A_85 = tpu.memref_slice %arg7[%add3A, %dma_wait3A_84] : memref<32x3216xi32, #tpu.memory_space<hbm>> -> memref<1x3216xi32, #tpu.memory_space<hbm>>
      %dma_wait3A_86 = tpu.memref_squeeze %dma_wait3A_85 : memref<1x3216xi32, #tpu.memory_space<hbm>> -> memref<3216xi32, #tpu.memory_space<hbm>>
      tpu.wait_dma2 semaphore(%run_scoped3A : memref<!tpu.dma_semaphore, #tpu.memory_space<semaphore_mem>>) src(%arg14 : memref<3216xi32, #tpu.memory_space<vmem>>) dst(%dma_wait3A_86 : memref<3216xi32, #tpu.memory_space<hbm>>)
      tpu.yield
    }) : () -> ()
    "tpu.region"() ({
      %run_scoped3A = tpu.sem_alloc : memref<!tpu.dma_semaphore, #tpu.memory_space<semaphore_mem>>
      %dma_start3A = arith.constant 0 : i32
      %dma_start3A_76 = tpu.memref_slice %arg8[%add3A, %dma_start3A] : memref<32x16xi32, #tpu.memory_space<hbm>> -> memref<1x16xi32, #tpu.memory_space<hbm>>
      %dma_start3A_77 = tpu.memref_squeeze %dma_start3A_76 : memref<1x16xi32, #tpu.memory_space<hbm>> -> memref<16xi32, #tpu.memory_space<hbm>>
      %dma_start3A_78 = arith.constant 0 : i32
      %dma_start3A_79 = tpu.memref_slice %arg8[%add3A, %dma_start3A_78] : memref<32x16xi32, #tpu.memory_space<hbm>> -> memref<1x16xi32, #tpu.memory_space<hbm>>
      %dma_start3A_80 = tpu.memref_squeeze %dma_start3A_79 : memref<1x16xi32, #tpu.memory_space<hbm>> -> memref<16xi32, #tpu.memory_space<hbm>>
      tpu.enqueue_dma source(%arg15 : memref<16xi32, #tpu.memory_space<vmem>>) target(%dma_start3A_80 : memref<16xi32, #tpu.memory_space<hbm>>) target_semaphore(%run_scoped3A : memref<!tpu.dma_semaphore, #tpu.memory_space<semaphore_mem>>)
      %dma_wait3A_81 = arith.constant 0 : i32
      %dma_wait3A_82 = tpu.memref_slice %arg8[%add3A, %dma_wait3A_81] : memref<32x16xi32, #tpu.memory_space<hbm>> -> memref<1x16xi32, #tpu.memory_space<hbm>>
      %dma_wait3A_83 = tpu.memref_squeeze %dma_wait3A_82 : memref<1x16xi32, #tpu.memory_space<hbm>> -> memref<16xi32, #tpu.memory_space<hbm>>
      %dma_wait3A_84 = arith.constant 0 : i32
      %dma_wait3A_85 = tpu.memref_slice %arg8[%add3A, %dma_wait3A_84] : memref<32x16xi32, #tpu.memory_space<hbm>> -> memref<1x16xi32, #tpu.memory_space<hbm>>
      %dma_wait3A_86 = tpu.memref_squeeze %dma_wait3A_85 : memref<1x16xi32, #tpu.memory_space<hbm>> -> memref<16xi32, #tpu.memory_space<hbm>>
      tpu.wait_dma2 semaphore(%run_scoped3A : memref<!tpu.dma_semaphore, #tpu.memory_space<semaphore_mem>>) src(%arg15 : memref<16xi32, #tpu.memory_space<vmem>>) dst(%dma_wait3A_86 : memref<16xi32, #tpu.memory_space<hbm>>)
      tpu.yield
    }) : () -> ()
    %dma_wait3A = arith.constant 0 : i32
    %dma_wait3A_73 = tpu.memref_slice %arg5[%mul3A_2, %dma_wait3A] : memref<16384x128xf32, #tpu.memory_space<hbm>> -> memref<512x128xf32, #tpu.memory_space<hbm>>
    %dma_wait3A_74 = arith.constant 0 : i32
    %dma_wait3A_75 = tpu.memref_slice %arg5[%mul3A_2, %dma_wait3A_74] : memref<16384x128xf32, #tpu.memory_space<hbm>> -> memref<512x128xf32, #tpu.memory_space<hbm>>
    tpu.wait_dma2 semaphore(%arg16 : memref<!tpu.dma_semaphore, #tpu.memory_space<semaphore_mem>>) src(%dma_wait3A_75 : memref<512x128xf32, #tpu.memory_space<hbm>>) dst(%arg10 : memref<512x128xf32, #tpu.memory_space<vmem>>)
    "tpu.region"() ({
      %run_scoped3A = tpu.sem_alloc : memref<!tpu.dma_semaphore, #tpu.memory_space<semaphore_mem>>
      %dma_start3A = arith.constant 0 : i32
      %dma_start3A_76 = tpu.memref_slice %arg5[%mul3A_2, %dma_start3A] : memref<16384x128xf32, #tpu.memory_space<hbm>> -> memref<512x128xf32, #tpu.memory_space<hbm>>
      %dma_start3A_77 = arith.constant 0 : i32
      %dma_start3A_78 = tpu.memref_slice %arg5[%mul3A_2, %dma_start3A_77] : memref<16384x128xf32, #tpu.memory_space<hbm>> -> memref<512x128xf32, #tpu.memory_space<hbm>>
      tpu.enqueue_dma source(%arg10 : memref<512x128xf32, #tpu.memory_space<vmem>>) target(%dma_start3A_78 : memref<512x128xf32, #tpu.memory_space<hbm>>) target_semaphore(%run_scoped3A : memref<!tpu.dma_semaphore, #tpu.memory_space<semaphore_mem>>)
      %dma_wait3A_79 = arith.constant 0 : i32
      %dma_wait3A_80 = tpu.memref_slice %arg5[%mul3A_2, %dma_wait3A_79] : memref<16384x128xf32, #tpu.memory_space<hbm>> -> memref<512x128xf32, #tpu.memory_space<hbm>>
      %dma_wait3A_81 = arith.constant 0 : i32
      %dma_wait3A_82 = tpu.memref_slice %arg5[%mul3A_2, %dma_wait3A_81] : memref<16384x128xf32, #tpu.memory_space<hbm>> -> memref<512x128xf32, #tpu.memory_space<hbm>>
      tpu.wait_dma2 semaphore(%run_scoped3A : memref<!tpu.dma_semaphore, #tpu.memory_space<semaphore_mem>>) src(%arg10 : memref<512x128xf32, #tpu.memory_space<vmem>>) dst(%dma_wait3A_82 : memref<512x128xf32, #tpu.memory_space<hbm>>)
      tpu.yield
    }) : () -> ()
    return
  }
}

module attributes {stable_mosaic.version = 14 : i64} {
  func.func @body(%arg0: i32, %arg1: memref<4000x64xf32, #tpu.memory_space<vmem>>, %arg2: memref<4000x64xf32, #tpu.memory_space<vmem>>, %arg3: memref<2x4000x64xf32, #tpu.memory_space<vmem>>) attributes {dimension_semantics = [#tpu.dimension_semantics<arbitrary>], iteration_bounds = array<i64: 25>, scalar_prefetch = 0 : i64, scratch_operands = 0 : i64, tpu.core_type = #tpu.core_type<tc>, window_params = [{transform_indices = @transform_0, window_bounds = array<i64: 4000, 64>}, {transform_indices = @transform_1, window_bounds = array<i64: 4000, 64>}, {transform_indices = @transform_2, window_bounds = array<i64: 2, 4000, 64>}]} {
    %get3A = arith.constant 0 : index
    %get3A_0 = arith.constant 0 : index
    %get3A_1 = vector.load %arg1[%get3A, %get3A_0] : memref<4000x64xf32, #tpu.memory_space<vmem>>, vector<4000x64xf32>
    %swap3A = arith.constant 0 : index
    %swap3A_2 = arith.constant 0 : index
    %swap3A_3 = arith.constant 0 : index
    %swap3A_4 = vector.load %arg3[%swap3A, %swap3A_2, %swap3A_3] : memref<2x4000x64xf32, #tpu.memory_space<vmem>>, vector<1x4000x64xf32>
    %swap3A_5 = vector.shape_cast %swap3A_4 : vector<1x4000x64xf32> to vector<4000x64xf32>
    %swap3A_6 = vector.shape_cast %get3A_1 : vector<4000x64xf32> to vector<1x4000x64xf32>
    tpu.vector_store %arg3[%swap3A, %swap3A_2, %swap3A_3], %swap3A_6 {strides = array<i32>} : memref<2x4000x64xf32, #tpu.memory_space<vmem>>, vector<1x4000x64xf32>,
    %get3A_7 = arith.constant 0 : index
    %get3A_8 = arith.constant 0 : index
    %get3A_9 = vector.load %arg2[%get3A_7, %get3A_8] : memref<4000x64xf32, #tpu.memory_space<vmem>>, vector<4000x64xf32>
    %swap3A_10 = arith.constant 1 : index
    %swap3A_11 = arith.constant 0 : index
    %swap3A_12 = arith.constant 0 : index
    %swap3A_13 = vector.load %arg3[%swap3A_10, %swap3A_11, %swap3A_12] : memref<2x4000x64xf32, #tpu.memory_space<vmem>>, vector<1x4000x64xf32>
    %swap3A_14 = vector.shape_cast %swap3A_13 : vector<1x4000x64xf32> to vector<4000x64xf32>
    %swap3A_15 = vector.shape_cast %get3A_9 : vector<4000x64xf32> to vector<1x4000x64xf32>
    tpu.vector_store %arg3[%swap3A_10, %swap3A_11, %swap3A_12], %swap3A_15 {strides = array<i32>} : memref<2x4000x64xf32, #tpu.memory_space<vmem>>, vector<1x4000x64xf32>,
    return
  }
  func.func @transform_0(%arg0: i32) -> (i32, i32) {
    %c0_i32 = arith.constant 0 : i32
    %c0_i32_0 = arith.constant 0 : i32
    return %arg0, %c0_i32 : i32, i32
  }
  func.func @transform_1(%arg0: i32) -> (i32, i32) {
    %c0_i32 = arith.constant 0 : i32
    %c0_i32_0 = arith.constant 0 : i32
    return %arg0, %c0_i32 : i32, i32
  }
  func.func @transform_2(%arg0: i32) -> (i32, i32, i32) {
    %c0_i32 = arith.constant 0 : i32
    %c0_i32_0 = arith.constant 0 : i32
    %c0_i32_1 = arith.constant 0 : i32
    return %c0_i32, %arg0, %c0_i32_0 : i32, i32, i32
  }
}

module attributes {stable_mosaic.version = 14 : i64} {
  func.func @body(%arg0: i32, %arg1: memref<2048x64xf32, #tpu.memory_space<vmem>>, %arg2: memref<2048x128xf32, #tpu.memory_space<vmem>>, %arg3: memref<64x192xf32, #tpu.memory_space<vmem>>, %arg4: memref<64x192xf32, #tpu.memory_space<vmem>>, %arg5: memref<1x64xf32, #tpu.memory_space<vmem>>, %arg6: memref<1x64xf32, #tpu.memory_space<vmem>>, %arg7: memref<1x64xf32, #tpu.memory_space<vmem>>, %arg8: memref<1x64xf32, #tpu.memory_space<vmem>>, %arg9: memref<2048x128xf32, #tpu.memory_space<vmem>>) attributes {dimension_semantics = [#tpu.dimension_semantics<arbitrary>], iteration_bounds = array<i64: 8>, scalar_prefetch = 0 : i64, scratch_operands = 0 : i64, tpu.core_type = #tpu.core_type<tc>, window_params = [{transform_indices = @transform_0, window_bounds = array<i64: 2048, 64>}, {transform_indices = @transform_1, window_bounds = array<i64: 2048, 128>}, {pipeline_mode = #tpu.pipeline_mode<synchronous>, transform_indices = @transform_2, window_bounds = array<i64: 64, 192>}, {pipeline_mode = #tpu.pipeline_mode<synchronous>, transform_indices = @transform_3, window_bounds = array<i64: 64, 192>}, {pipeline_mode = #tpu.pipeline_mode<synchronous>, transform_indices = @transform_4, window_bounds = array<i64: 1, 64>}, {pipeline_mode = #tpu.pipeline_mode<synchronous>, transform_indices = @transform_5, window_bounds = array<i64: 1, 64>}, {pipeline_mode = #tpu.pipeline_mode<synchronous>, transform_indices = @transform_6, window_bounds = array<i64: 1, 64>}, {pipeline_mode = #tpu.pipeline_mode<synchronous>, transform_indices = @transform_7, window_bounds = array<i64: 1, 64>}, {transform_indices = @transform_8, window_bounds = array<i64: 2048, 128>}]} {
    %get3A = arith.constant 0 : index
    %get3A_0 = arith.constant 0 : index
    %get3A_1 = vector.load %arg1[%get3A, %get3A_0] : memref<2048x64xf32, #tpu.memory_space<vmem>>, vector<2048x64xf32>
    %get3A_2 = arith.constant 0 : index
    %get3A_3 = arith.constant 0 : index
    %get3A_4 = vector.load %arg2[%get3A_2, %get3A_3] : memref<2048x128xf32, #tpu.memory_space<vmem>>, vector<2048x64xf32>
    %get3A_5 = arith.constant 0 : index
    %get3A_6 = arith.constant 64 : index
    %get3A_7 = vector.load %arg2[%get3A_5, %get3A_6] : memref<2048x128xf32, #tpu.memory_space<vmem>>, vector<2048x64xf32>
    %get3A_8 = arith.constant 0 : index
    %get3A_9 = arith.constant 0 : index
    %get3A_10 = vector.load %arg3[%get3A_8, %get3A_9] : memref<64x192xf32, #tpu.memory_space<vmem>>, vector<64x192xf32>
    %dot_general3A = arith.constant dense<0.000000e+00> : vector<2048x192xf32>
    %dot_general3A_11 = tpu.matmul %get3A_1, %get3A_10, %dot_general3A {dimension_numbers = #tpu.dot_dimension_numbers<[1], [0], [0], [1], [0, 0, 1, 1], [], []>, transpose_lhs_hint = false} : vector<2048x64xf32>, vector<64x192xf32>, vector<2048x192xf32> -> vector<2048x192xf32>
    %get3A_12 = arith.constant 0 : index
    %get3A_13 = arith.constant 0 : index
    %get3A_14 = vector.load %arg4[%get3A_12, %get3A_13] : memref<64x192xf32, #tpu.memory_space<vmem>>, vector<64x192xf32>
    %dot_general3A_15 = arith.constant dense<0.000000e+00> : vector<2048x192xf32>
    %dot_general3A_16 = tpu.matmul %get3A_4, %get3A_14, %dot_general3A_15 {dimension_numbers = #tpu.dot_dimension_numbers<[1], [0], [0], [1], [0, 0, 1, 1], [], []>, transpose_lhs_hint = false} : vector<2048x64xf32>, vector<64x192xf32>, vector<2048x192xf32> -> vector<2048x192xf32>
    %slice3A = vector.extract_strided_slice %dot_general3A_11 {offsets = [0, 0], sizes = [2048, 64], strides = [1, 1]} : vector<2048x192xf32> to vector<2048x64xf32>
    %slice3A_17 = vector.extract_strided_slice %dot_general3A_16 {offsets = [0, 0], sizes = [2048, 64], strides = [1, 1]} : vector<2048x192xf32> to vector<2048x64xf32>
    %add3A = arith.addf %slice3A, %slice3A_17 : vector<2048x64xf32>
    %get3A_18 = arith.constant 0 : index
    %get3A_19 = arith.constant 0 : index
    %get3A_20 = vector.load %arg5[%get3A_18, %get3A_19] : memref<1x64xf32, #tpu.memory_space<vmem>>, vector<1x64xf32>
    %add3A_21 = vector.broadcast %get3A_20 : vector<1x64xf32> to vector<2048x64xf32>
    %add3A_22 = arith.addf %add3A, %add3A_21 : vector<2048x64xf32>
    %logistic3A = arith.negf %add3A_22 : vector<2048x64xf32>
    %logistic3A_23 = math.exp %logistic3A : vector<2048x64xf32>
    %logistic3A_24 = arith.constant 1.000000e+00 : f32
    %logistic3A_25 = vector.broadcast %logistic3A_24 : f32 to vector<2048x64xf32>
    %logistic3A_26 = arith.addf %logistic3A_25, %logistic3A_23 : vector<2048x64xf32>
    %logistic3A_27 = arith.divf %logistic3A_25, %logistic3A_26 : vector<2048x64xf32>
    %slice3A_28 = vector.extract_strided_slice %dot_general3A_11 {offsets = [0, 64], sizes = [2048, 64], strides = [1, 1]} : vector<2048x192xf32> to vector<2048x64xf32>
    %slice3A_29 = vector.extract_strided_slice %dot_general3A_16 {offsets = [0, 64], sizes = [2048, 64], strides = [1, 1]} : vector<2048x192xf32> to vector<2048x64xf32>
    %add3A_30 = arith.addf %slice3A_28, %slice3A_29 : vector<2048x64xf32>
    %get3A_31 = arith.constant 0 : index
    %get3A_32 = arith.constant 0 : index
    %get3A_33 = vector.load %arg6[%get3A_31, %get3A_32] : memref<1x64xf32, #tpu.memory_space<vmem>>, vector<1x64xf32>
    %add3A_34 = vector.broadcast %get3A_33 : vector<1x64xf32> to vector<2048x64xf32>
    %add3A_35 = arith.addf %add3A_30, %add3A_34 : vector<2048x64xf32>
    %logistic3A_36 = arith.negf %add3A_35 : vector<2048x64xf32>
    %logistic3A_37 = math.exp %logistic3A_36 : vector<2048x64xf32>
    %logistic3A_38 = arith.constant 1.000000e+00 : f32
    %logistic3A_39 = vector.broadcast %logistic3A_38 : f32 to vector<2048x64xf32>
    %logistic3A_40 = arith.addf %logistic3A_39, %logistic3A_37 : vector<2048x64xf32>
    %logistic3A_41 = arith.divf %logistic3A_39, %logistic3A_40 : vector<2048x64xf32>
    %slice3A_42 = vector.extract_strided_slice %dot_general3A_11 {offsets = [0, 128], sizes = [2048, 64], strides = [1, 1]} : vector<2048x192xf32> to vector<2048x64xf32>
    %get3A_43 = arith.constant 0 : index
    %get3A_44 = arith.constant 0 : index
    %get3A_45 = vector.load %arg7[%get3A_43, %get3A_44] : memref<1x64xf32, #tpu.memory_space<vmem>>, vector<1x64xf32>
    %add3A_46 = vector.broadcast %get3A_45 : vector<1x64xf32> to vector<2048x64xf32>
    %add3A_47 = arith.addf %slice3A_42, %add3A_46 : vector<2048x64xf32>
    %slice3A_48 = vector.extract_strided_slice %dot_general3A_16 {offsets = [0, 128], sizes = [2048, 64], strides = [1, 1]} : vector<2048x192xf32> to vector<2048x64xf32>
    %get3A_49 = arith.constant 0 : index
    %get3A_50 = arith.constant 0 : index
    %get3A_51 = vector.load %arg8[%get3A_49, %get3A_50] : memref<1x64xf32, #tpu.memory_space<vmem>>, vector<1x64xf32>
    %add3A_52 = vector.broadcast %get3A_51 : vector<1x64xf32> to vector<2048x64xf32>
    %add3A_53 = arith.addf %slice3A_48, %add3A_52 : vector<2048x64xf32>
    %mul3A = arith.mulf %logistic3A_27, %add3A_53 : vector<2048x64xf32>
    %add3A_54 = arith.addf %add3A_47, %mul3A : vector<2048x64xf32>
    %tanh3A = math.tanh %add3A_54 : vector<2048x64xf32>
    %sub3A = arith.constant 1.000000e+00 : f32
    %sub3A_55 = vector.broadcast %sub3A : f32 to vector<2048x64xf32>
    %sub3A_56 = arith.subf %sub3A_55, %logistic3A_41 : vector<2048x64xf32>
    %mul3A_57 = arith.mulf %sub3A_56, %tanh3A : vector<2048x64xf32>
    %mul3A_58 = arith.mulf %logistic3A_41, %get3A_4 : vector<2048x64xf32>
    %add3A_59 = arith.addf %mul3A_57, %mul3A_58 : vector<2048x64xf32>
    %sub3A_60 = arith.subf %add3A_59, %get3A_4 : vector<2048x64xf32>
    %swap3A = arith.constant 0 : index
    %swap3A_61 = arith.constant 0 : index
    %swap3A_62 = vector.load %arg9[%swap3A, %swap3A_61] : memref<2048x128xf32, #tpu.memory_space<vmem>>, vector<2048x64xf32>
    tpu.vector_store %arg9[%swap3A, %swap3A_61], %add3A_59 {strides = array<i32>} : memref<2048x128xf32, #tpu.memory_space<vmem>>, vector<2048x64xf32>,
    %mul3A_63 = arith.constant 0.899999976 : f32
    %mul3A_64 = vector.broadcast %mul3A_63 : f32 to vector<2048x64xf32>
    %mul3A_65 = arith.mulf %mul3A_64, %get3A_7 : vector<2048x64xf32>
    %mul3A_66 = arith.constant 1.000000e-01 : f32
    %mul3A_67 = vector.broadcast %mul3A_66 : f32 to vector<2048x64xf32>
    %mul3A_68 = arith.mulf %mul3A_67, %sub3A_60 : vector<2048x64xf32>
    %mul3A_69 = arith.mulf %mul3A_68, %sub3A_60 : vector<2048x64xf32>
    %add3A_70 = arith.addf %mul3A_65, %mul3A_69 : vector<2048x64xf32>
    %swap3A_71 = arith.constant 0 : index
    %swap3A_72 = arith.constant 64 : index
    %swap3A_73 = vector.load %arg9[%swap3A_71, %swap3A_72] : memref<2048x128xf32, #tpu.memory_space<vmem>>, vector<2048x64xf32>
    tpu.vector_store %arg9[%swap3A_71, %swap3A_72], %add3A_70 {strides = array<i32>} : memref<2048x128xf32, #tpu.memory_space<vmem>>, vector<2048x64xf32>,
    return
  }
  func.func @transform_0(%arg0: i32) -> (i32, i32) {
    %c0_i32 = arith.constant 0 : i32
    %c0_i32_0 = arith.constant 0 : i32
    return %arg0, %c0_i32 : i32, i32
  }
  func.func @transform_1(%arg0: i32) -> (i32, i32) {
    %c0_i32 = arith.constant 0 : i32
    %c0_i32_0 = arith.constant 0 : i32
    return %arg0, %c0_i32 : i32, i32
  }
  func.func @transform_2(%arg0: i32) -> (i32, i32) {
    %c0_i32 = arith.constant 0 : i32
    %c0_i32_0 = arith.constant 0 : i32
    %c0_i32_1 = arith.constant 0 : i32
    return %c0_i32, %c0_i32_0 : i32, i32
  }
  func.func @transform_3(%arg0: i32) -> (i32, i32) {
    %c0_i32 = arith.constant 0 : i32
    %c0_i32_0 = arith.constant 0 : i32
    %c0_i32_1 = arith.constant 0 : i32
    return %c0_i32, %c0_i32_0 : i32, i32
  }
  func.func @transform_4(%arg0: i32) -> (i32, i32) {
    %c0_i32 = arith.constant 0 : i32
    %c0_i32_0 = arith.constant 0 : i32
    %c0_i32_1 = arith.constant 0 : i32
    return %c0_i32, %c0_i32_0 : i32, i32
  }
  func.func @transform_5(%arg0: i32) -> (i32, i32) {
    %c0_i32 = arith.constant 0 : i32
    %c0_i32_0 = arith.constant 0 : i32
    %c0_i32_1 = arith.constant 0 : i32
    return %c0_i32, %c0_i32_0 : i32, i32
  }
  func.func @transform_6(%arg0: i32) -> (i32, i32) {
    %c0_i32 = arith.constant 0 : i32
    %c0_i32_0 = arith.constant 0 : i32
    %c0_i32_1 = arith.constant 0 : i32
    return %c0_i32, %c0_i32_0 : i32, i32
  }
  func.func @transform_7(%arg0: i32) -> (i32, i32) {
    %c0_i32 = arith.constant 0 : i32
    %c0_i32_0 = arith.constant 0 : i32
    %c0_i32_1 = arith.constant 0 : i32
    return %c0_i32, %c0_i32_0 : i32, i32
  }
  func.func @transform_8(%arg0: i32) -> (i32, i32) {
    %c0_i32 = arith.constant 0 : i32
    %c0_i32_0 = arith.constant 0 : i32
    return %arg0, %c0_i32 : i32, i32
  }
}

</mosaic_0001>

<sc_bundles>
// kernel: kernel.6.cloned.1.call-start
scs
__scs_entry_jumppad:
0x0: {  	(pc) =	sbr.rel $0x88, $3  }
0x1: {  	(tag) =	ssettag $0x0;
	lr =	simm.s32 $0x1  }
0x2: {  	[smem:$0x3F99] =	sst lr;
	_ =	strace $0xD0000000  }
0x3: {  	_ = 	snop  }
0x4: {  	_ = 	snop  }
0x5: {  	_ = 	snop  }
0x6: {  	_ = 	snop  }
0x7: {  	_ = 	snop  }
__scs_overlays_trampoline_lowered:
0x8: {  	[smem:$0x3FA8] =	sst s0  }
0x9: {  	[smem:$0x3FA9] =	sst s1  }
0xa: {  	[smem:$0x3FAA] =	sst s2  }
0xb: {  	[smem:$0x3FAB] =	sst s3  }
0xc: {  	[smem:$0x3FAC] =	sst s4  }
0xd: {  	[smem:$0x3FAD] =	sst s5  }
0xe: {  	[smem:$0x3FAE] =	sst s6  }
0xf: {  	[smem:$0x3FAF] =	sst s7  }
0x10: {  	[smem:$0x3FB0] =	sst s8  }
0x11: {  	[smem:$0x3FB1] =	sst s9;
	s0 =	simm.s32 @!p0 $0x0  }
0x12: {  	s1 =	sld [smem:$0x3F97];
	s0 =	simm.s32 @p0 $0x1  }
0x13: {  	[smem:$0x3FB2] =	sst s0;
	s0 =	simm.s32 @!p1 $0x0  }
0x14: {  	s2 =	sld [smem:$0x3F96];
	s0 =	simm.s32 @p1 $0x1  }
0x15: {  	[smem:$0x3FB3] =	sst s0;
	s0 =	simm.s32 @!p2 $0x0  }
0x16: {  	s3 =	sld [smem:$0x3FDB];
	s0 =	simm.s32 @p2 $0x1  }
0x17: {  	s4 =	simm.s32 $0x1BF5;
	[smem:$0x3FB5] =	sst s0  }
0x18: {  	s0 =	sld [smem:$0x3F98];
	_ =	swait.ge [sflag:s4], $0x0  }
0x19: {  	s7 =	sld [smem:$0x3F99]  }
0x1a: {  	s8 =	sadd.s32 $0xFFFFE003, lr  }
0x1b: {  	s9 =	sadd.s32 $0xFFFFFEF7, lr;
	s5 =	simm.s32 $0xFFFFFFFF;
	p2 =	slt.u32 s8, $0xFFFFF086  }
0x1c: {  	p1 =	slt.u32 s9, $0xF7A;
	s5 =	simm.s32 @!p2 $0x0  }
0x1d: {  	s5 =	simm.s32 @p1 $0x1;
	p0 =	seq.s32 s7, s2  }
0x1e: {  	s7 =	smul.u32 @!p0 $0xF7A, s2;
	p2 =	seq.s32 @!p0 s5, $0x0  }
0x1f: {  	s9 =	smul.u32 $0xF7A, s1;
	s8 =	simm.s32 @!p0 $0x1BF5;
	p2 =	por !p2, p0  }
0x20: {  	[sflag:s8] =	ssyncset.s32 @!p0 $0xFFFFF086;
	s6 =	sadd.s32 @!p0 s3, s7;
	s7 =	simm.s32 @!p0 $0x108  }
0x21: {  	s3 =	sadd.s32 s3, s9;
	s6 =	sadd.s32 @!p0 $0x88, s6;
	s7 =	simm.s32 @p2 $0x1082  }
0x22: {  	[simem:s7], [sflag:s8] =	dma.local @!p0 [hbm:s6], $0xF7A  }
0x23: {  	s9 =	sor.u32 $0xD0000000, s2;
	s6 =	simm.s32 $0x108;
	_ =	swait.ge @!p0 [sflag:s8], $0x0  }
0x24: {  	s3 =	sadd.s32 $0x88, s3;
	s6 =	simm.s32 @!p1 $0x1082;
	[sflag:s4] =	ssyncset.s32 $0xFFFFF086  }
0x25: {  	[simem:s6], [sflag:s4] =	dma.local [hbm:s3], $0xF7A  }
0x26: {  	[smem:$0x3F99] =	sst s1;
	(tag) =	ssettag s2;
	_ =	strace s9  }
0x27: {  	s1 =	sld [smem:$0x3FA9]  }
0x28: {  	s2 =	sld [smem:$0x3FAA]  }
0x29: {  	s4 =	sld [smem:$0x3FAC]  }
0x2a: {  	p0 =	seq.s32 s5, $0x0;
	s5 =	sld [smem:$0x3FAD]  }
0x2b: {  	s6 =	sld [smem:$0x3FAE]  }
0x2c: {  	s7 =	sld [smem:$0x3FAF]  }
0x2d: {  	s3 =	simm.s32 $0x108;
	s8 =	sld [smem:$0x3FB0]  }
0x2e: {  	s3 =	simm.s32 @!p0 $0x1082;
	s9 =	sld [smem:$0x3FB1]  }
0x2f: {  	lr =	sadd.s32 s0, s3;
	s0 =	sld [smem:$0x3FA8]  }
0x30: {  	s3 =	sld [smem:$0x3FAB]  }
0x31: {  	[smem:$0x3FB4] =	sst s10  }
0x32: {  	s10 =	sld [smem:$0x3FB2];
	_ =	sdelay $0x3  }
0x33: {  	p0 =	seq.s32 s10, $0x1;
	s10 =	sld [smem:$0x3FB4];
	_ =	sdelay $0x3  }
0x34: {  	[smem:$0x3FB4] =	sst s10  }
0x35: {  	s10 =	sld [smem:$0x3FB3];
	_ =	sdelay $0x3  }
0x36: {  	p1 =	seq.s32 s10, $0x1;
	s10 =	sld [smem:$0x3FB4];
	_ =	sdelay $0x3  }
0x37: {  	[smem:$0x3FB4] =	sst s10  }
0x38: {  	s10 =	sld [smem:$0x3FB5]  }
0x39: {  	_ = 	snop;
	(pc) =	sbr.ind lr, $3  }
0x3a: {  	_ = 	snop  }
0x3b: {  	_ = 	snop  }
0x3c: {  	p2 =	seq.s32 s10, $0x1;
	s10 =	sld [smem:$0x3FB4]  }
0x3d: {  	_ =	shalt  }
0x3e: {  	_ =	shalt  }
0x3f: {  	_ =	shalt  }
0x40: {  	_ =	shalt  }
0x41: {  	_ =	shalt  }
0x42: {  	_ =	shalt  }
0x43: {  	_ =	shalt  }
0x44: {  	_ =	shalt  }
0x45: {  	_ =	shalt  }
0x46: {  	_ =	shalt  }
0x47: {  	_ =	shalt  }
0x48: {  	_ =	shalt  }
0x49: {  	_ =	shalt  }
0x4a: {  	_ =	shalt  }
0x4b: {  	_ =	shalt  }
0x4c: {  	_ =	shalt  }
0x4d: {  	_ =	shalt  }
0x4e: {  	_ =	shalt  }
0x4f: {  	_ =	shalt  }
0x50: {  	_ =	shalt  }
0x51: {  	_ =	shalt  }
0x52: {  	_ =	shalt  }
0x53: {  	_ =	shalt  }
0x54: {  	_ =	shalt  }
0x55: {  	_ =	shalt  }
0x56: {  	_ =	shalt  }
0x57: {  	_ =	shalt  }
0x58: {  	_ =	shalt  }
0x59: {  	_ =	shalt  }
0x5a: {  	_ =	shalt  }
0x5b: {  	_ =	shalt  }
0x5c: {  	_ =	shalt  }
0x5d: {  	_ =	shalt  }
0x5e: {  	_ =	shalt  }
0x5f: {  	_ =	shalt  }
0x60: {  	_ =	shalt  }
0x61: {  	_ =	shalt  }
0x62: {  	_ =	shalt  }
0x63: {  	_ =	shalt  }
0x64: {  	_ =	shalt  }
0x65: {  	_ =	shalt  }
0x66: {  	_ =	shalt  }
0x67: {  	_ =	shalt  }
0x68: {  	_ =	shalt  }
0x69: {  	_ =	shalt  }
0x6a: {  	_ =	shalt  }
0x6b: {  	_ =	shalt  }
0x6c: {  	_ =	shalt  }
0x6d: {  	_ =	shalt  }
0x6e: {  	_ =	shalt  }
0x6f: {  	_ =	shalt  }
0x70: {  	_ =	shalt  }
0x71: {  	_ =	shalt  }
0x72: {  	_ =	shalt  }
0x73: {  	_ =	shalt  }
0x74: {  	_ =	shalt  }
0x75: {  	_ =	shalt  }
0x76: {  	_ =	shalt  }
0x77: {  	_ =	shalt  }
0x78: {  	_ =	shalt  }
0x79: {  	_ =	shalt  }
0x7a: {  	_ =	shalt  }
0x7b: {  	_ =	shalt  }
0x7c: {  	_ =	shalt  }
0x7d: {  	_ =	shalt  }
0x7e: {  	_ =	shalt  }
0x7f: {  	_ =	shalt  }
0x80: {  	_ =	shalt  }
0x81: {  	_ =	shalt  }
0x82: {  	_ =	shalt  }
0x83: {  	_ =	shalt  }
0x84: {  	_ =	shalt  }
0x85: {  	_ =	shalt  }
0x86: {  	_ =	shalt  }
0x87: {  	_ =	shalt  }
.Lfunc_end0:
.L_simem_size_0:
called_computation_lowered:
.L_overlay_start_0:
0x88: {  	s2 =	sld [smem:$0x3FD9]  }
0x89: {  	s3 =	sld [smem:$0x3FFE];
	_ =	sdelay $0x1  }
0x8a: {  	s1 =	srdreg.scid  }
0x8b: {  	s0 =	sand.u32 $0x1, s1  }
0x8c: {  	s17 =	sshll.u32 s0, $0xA;
	s2 =	sadd.s32 s3, s2  }
0x8d: {  	s2 =	sadd.s32 s2, s17  }
0x8e: {  	[smem:$0x3FC0] =	sst s2  }
0x8f: {  	_ = 	snop  }
0x90: {  	s2 =	sld [smem:$0x3FC8]  }
0x91: {  	s18 =	sld [smem:$0x3FD0];
	(tm) =	ssettm $0x1  }
0x92: {  	s4 =	sld [smem:$0x3FFB];
	_ =	sdelay $0x3  }
0x93: {  	_ =	strace s4  }
0x94: {  	s4 =	sld [smem:$0x3FFC];
	_ =	sdelay $0x3  }
0x95: {  	_ =	strace s4  }
0x96: {  	s4 =	sld [smem:$0x3FFD];
	_ =	sdelay $0x3  }
0x97: {  	_ =	strace s4  }
0x98: {  	_ =	strace $0x8FFFFFFF  }
0x99: {  	s19 =	sld [smem:$0x3FDB];
	_ =	sdelay $0x1  }
0x9a: {  	s5 =	simm.s32 $_scs_section_size  }
0x9b: {  	s6 =	simm.s32 $_size__tile_overlayer_lowered;
	s7 =	simm.s32 $_tile_overlayer_lowered  }
0x9c: {  	s22 =	simm.s32 $0x1BFF;
	s21 =	sshll.u32 s7, $0x1;
	s4 =	sadd.s32 s5, s19  }
0x9d: {  	s8 =	simm.s32 $0x0;
	s20 =	sshll.u32 s6, $0x1;
	s6 =	sadd.s32 s21, s4  }
0x9e: {  	[timem:s8], [sflag:s22] =	dma.local [hbm:s6], s20  }
0x9f: {  	_ =	swait.ge [sflag:s22], s20  }
0xa0: {  	s5 =	ssub.s32 $0x0, s20;
	[sflag:s22] =	ssyncset.done $0x0  }
0xa1: {  	[sflag:s22] =	ssyncadd.s32 s5;
	_ =	sdelay $0x1  }
0xa2: {  	s23 =	simm.s32 $0x1B8B  }
0xa3: {  	_ =	swait.ge [sflag:s23], $0x1  }
0xa4: {  	[sflag:s23] =	ssyncset.done $0x0  }
0xa5: {  	s25 =	simm.s32 $0x1B8E;
	s24 =	sld [smem:$0x3FFE];
	[sflag:s23] =	ssyncadd.s32 $0xFFFFFFFF  }
0xa6: {  	s26 =	simm.s32 $execute0_lowered;
	[smem:$0x3FD2] =	sst s25  }
0xa7: {  	s6 =	sshll.u32 s26, $0x1;
	_ =	strace $0x80000046;
	[dreg:$0x1] =	wrdreg $0xFFFFFFFF  }
0xa8: {  	s28 =	simm.s32 $_size_execute0_lowered;
	s4 =	sadd.s32 s4, s6;
	[dreg:$0x0] =	wrdreg $0x0  }
0xa9: {  	s6 =	sshll.u32 s28, $0x1;
	[dreg:$0x2] =	wrdreg s4  }
0xaa: {  	[dreg:$0x3] =	wrdreg s6  }
0xab: {  	[dreg:$0x4] =	wrdreg $0xC0  }
0xac: {  	_ =	task [dreg:s8], $0x5FFFF  }
0xad: {  	[dreg:$0x1] =	wrdreg $0xFFFFFFFF  }
0xae: {  	[dreg:$0x0] =	wrdreg $0x60  }
0xaf: {  	[dreg:$0x2] =	wrdreg s18  }
0xb0: {  	[dreg:$0x3] =	wrdreg s24  }
0xb1: {  	[dreg:$0x4] =	wrdreg s2  }
0xb2: {  	[dreg:$0x5] =	wrdreg $0x9  }
0xb3: {  	_ =	task.clear_ibuf [dreg:s8], $0x6FFFF;
	_ =	strace $0x90000046  }
0xb4: {  	s29 =	simm.s32 $0x9;
	_ =	strace $0x80000048  }
0xb5: {  	_ =	swait.ge [sflag:s29], $0x1  }
0xb6: {  	[sflag:s29] =	ssyncadd.s32 $0xFFFFFFFF  }
0xb7: {  	_ =	strace $0x90000048  }
0xb8: {  	_ =	sfence  }
0xb9: {  	s30 =	sld [smem:$0x0];
	_ =	sdelay $0x2  }
0xba: {  	s31 =	sshll.u32 s1, $0xD;
	s1 =	sshrl.u32 s1, $0x2  }
0xbb: {  	s3 =	sand.u32 $0x4000, s31;
	s1 =	sadd.s32 s1, s30  }
0xbc: {  	s0 =	sor.u32 s3, s0;
	s1 =	sshll.u32 s1, $0x11  }
0xbd: {  	s0 =	sor.u32 s1, s0  }
0xbe: {  	s0 =	sadd.s32 $0x8F2B, s0  }
0xbf: {  	[sflag:s0] =	ssyncadd.remote.s32 $0x1  }
0xc0: {  	_ =	sfence.sel $0xFFFF  }
0xc1: {  	[dreg:$0x0] =	wrdreg $0xFFFFFFFF;
	(pc) =	sbr.abs _section_cstart, $3  }
0xc2: {  	[dreg:$0x1] =	wrdreg $0xFFFFFFFF  }
0xc3: {  	_ =	task.clear_ibuf [dreg:s8], $0x2FFFF;
	_ =	strace $0x9FFFFFFF  }
0xc4: {  	(tm) =	ssettm $0x7FFFFFFF  }
0xc5: {  	_ =	shalt  }
tec
execute0_lowered:
.L_overlay_start_1:
0x0: {  	(tag) =	ssettag $0x1  }
0x1: {  	s2 =	rddreg [dreg:$0x0]  }
0x2: {  	s0 =	rddreg [dreg:$0x1]  }
0x3: {  	s1 =	srdreg.scid;
	s11 =	stileid.u32  }
0x4: {  	s4 =	simm.s32 $0x0;
	s12 =	simm.s32 $0x2;
	s14 =	simm.s32 $0x400  }
0x5: {  	s15 =	simm.s32 $0x1;
	s21 =	simm.s32 $0x0;
	s1 =	sand.u32 $0x1, s1  }
0x6: {  	s3 =	sshll.u32 s11, $0x1;
	s6 =	sshrl.u32 s11, $0x2;
	s11 =	smul.u32 $0x1900, s11  }
0x7: {  	[smem:$0x7FF] =	sst s4;
	s3 =	sor.u32 s1, s3;
	s7 =	smul.u32 $0x6800, s6  }
0x8: {  	_ =	strace $0x80000047;
	s6 =	sshll.u32 s6, $0xA;
	s28 =	ssub.s32 $0x2, s1  }
0x9: {  	s1 =	smul.u32 $0xC80, s1;
	s5 =	sshll.u32 s3, $0x7;
	s9 =	sshll.u32 s3, $0xD  }
0xa: {  	s10 =	sshrl.u32 s28, $0x1;
	s13 =	smul.u32 $0xC80, s3;
	s3 =	sshll.u32 s3, $0x9  }
0xb: {  	s8 =	sand.u32 $0x380, s5;
	s5 =	sadd.s32 $0x1C00, s0;
	s9 =	sadd.s32 s9, s0  }
0xc: {  	s29 =	ssub.s32 s28, s10;
	[dreg:$0x4] =	wrdreg s3;
	s7 =	sor.u32 s7, s8  }
0xd: {  	v0 =	vimm.s32 $0xFEDCBA9;
	v1 =	vimm.s32 $0x87654321;
	s11 =	sadd.s32 s1, s11;
	s6 =	sor.u32 s6, s8;
	s7 =	sshrl.u32 s7, $0x3  }
0xe: {  	v2 =	vunpack.c.l.s4.s8 v0;
	v1 =	vunpack.c.l.s4.s8 v1;
	s31 =	smin.u32 s13, $0x17A20;
	s9 =	sadd.s32 $0x188600, s9;
	s7 =	sadd.s32 s7, s0  }
0xf: {  	s10 =	smax.u32 s29, $0x1;
	s6 =	sshrl.u32 s6, $0x3;
	s30 =	sadd.s32 $0x1C8600, s7  }
0x10: {  	v3 =	vlaneseq.u32;
	v5 =	vunpack.c.0.s8.s32 v2;
	v6 =	vunpack.c.0.s8.s32 v1;
	s0 =	sadd.s32 s6, s0;
	s7 =	sadd.s32 $0x1CBA00, s7;
	[dreg:$0x5] =	wrdreg s30  }
0x11: {  	v4 =	vimm.s32 $0x0;
	vm0 =	vcmask $0x3F3C;
	v2 =	vimm.s32 $0xFFFFFFFF;
	s16 =	sadd.s32 $0xC80, s31;
	s0 =	sadd.s32 $0x1CEE00, s0;
	[dreg:$0x6] =	wrdreg s7  }
0x12: {  	v0 =	vmov s13;
	s13 =	simm.s32 $0x80;
	v5 =	vcombine.low v6, v5;
	v1 =	vmov s16;
	s16 =	simm.s32 $0x14000;
	[dreg:$0x7] =	wrdreg s0  }
.LBB2_1:
0x13: {  	s0 =	rddreg [dreg:$0x2]  }
0x14: {  	[tilespmem:s4], [sflag:$0x2] =	stream.linear.gather [hbm4b:s0+s4], $0x4000, $0x38;
	[tilespmem:$0x1A780] =	vst v63  }
0x15: {  	_ =	swait.ge [sflag:s12], $0x4000  }
0x16: {  	s1 =	sand.u32 $0x180, s4;
	s20 =	rddreg [dreg:$0x4]  }
0x17: {  	s3 =	sand.u32 $0x70, s4;
	[sflag:s12] =	ssyncset.done $0x0;
	s0 =	sadd.s32 s1, s20  }
0x18: {  	[sflag:s12] =	ssyncadd.s32 $0xFFFFC000;
	s0 =	sadd.s32 s3, s0  }
0x19: {  	v6 =	vld [tilespmem:s0+$0x0];
	_ =	sdelay $0x4  }
0x1a: {  	v6 =	vshll.u32 v6, $0x4  }
0x1b: {  	(v2sf) =	vpush v6, $0x0;
	_ =	sdelay $0x5  }
0x1c: {  	(v2sf) =	vpush v6, $0x1;
	_ =	sdelay $0x7  }
0x1d: {  	(v2sf) =	vpush v6, $0x2  }
0x1e: {  	s22 =	spop (v2sf)  }
0x1f: {  	s0 =	sand.u32 $0x1FFFFFF0, s22  }
0x20: {  	s23 =	simm.s32 $0x4000;
	s24 =	sadd.s32 s2, s0  }
0x21: {  	[tilespmem:s23], [sflag:$0x1] =	stream.strided.gather [hbm4b:s24+s13], $0x0, s14, s13, $0x38;
	[tilespmem:$0x1A780] =	vst v63  }
0x22: {  	_ = 	snop  }
0x23: {  	[tilespmem:s23], [sflag:$0x1] =	stream.linear.gather [hbm4b:s24+s4], $0x40, $0x38;
	[tilespmem:$0x1A780] =	vst v63  }
0x24: {  	s26 =	simm.s32 $0x4040;
	s25 =	spop (v2sf);
	s0 =	sadd.s32 s5, s0  }
0x25: {  	(v2sf) =	vpush v6, $0x3;
	[tilespmem:s26], [sflag:$0x1] =	stream.strided.gather [hbm4b:s0+s13], $0x0, s14, s13, $0x38;
	[tilespmem:$0x1A780] =	vst v63  }
0x26: {  	s1 =	sand.u32 $0x1FFFFFF0, s25  }
0x27: {  	[tilespmem:s26], [sflag:$0x1] =	stream.linear.gather [hbm4b:s0+s4], $0x40, $0x38;
	[tilespmem:$0x1A780] =	vst v63  }
0x28: {  	s29 =	simm.s32 $0x4080;
	s31 =	sadd.s32 s2, s1  }
0x29: {  	[tilespmem:s29], [sflag:$0x1] =	stream.strided.gather [hbm4b:s31+s13], $0x0, s14, s13, $0x38;
	[tilespmem:$0x1A780] =	vst v63  }
0x2a: {  	_ = 	snop  }
0x2b: {  	[tilespmem:s29], [sflag:$0x1] =	stream.linear.gather [hbm4b:s31+s4], $0x40, $0x38;
	[tilespmem:$0x1A780] =	vst v63  }
0x2c: {  	s7 =	simm.s32 $0x40C0;
	s6 =	spop (v2sf);
	s1 =	sadd.s32 s5, s1  }
0x2d: {  	(v2sf) =	vpush v6, $0x4;
	[tilespmem:s7], [sflag:$0x1] =	stream.strided.gather [hbm4b:s1+s13], $0x0, s14, s13, $0x38;
	[tilespmem:$0x1A780] =	vst v63  }
0x2e: {  	s0 =	sand.u32 $0x1FFFFFF0, s6  }
0x2f: {  	[tilespmem:s7], [sflag:$0x1] =	stream.linear.gather [hbm4b:s1+s4], $0x40, $0x38;
	[tilespmem:$0x1A780] =	vst v63  }
0x30: {  	s8 =	simm.s32 $0x4100;
	s17 =	sadd.s32 s2, s0  }
0x31: {  	[tilespmem:s8], [sflag:$0x1] =	stream.strided.gather [hbm4b:s17+s13], $0x0, s14, s13, $0x38;
	[tilespmem:$0x1A780] =	vst v63  }
0x32: {  	_ = 	snop  }
0x33: {  	[tilespmem:s8], [sflag:$0x1] =	stream.linear.gather [hbm4b:s17+s4], $0x40, $0x38;
	[tilespmem:$0x1A780] =	vst v63  }
0x34: {  	s19 =	simm.s32 $0x4140;
	s0 =	sadd.s32 s5, s0;
	s18 =	spop (v2sf)  }
0x35: {  	(v2sf) =	vpush v6, $0x5;
	[tilespmem:s19], [sflag:$0x1] =	stream.strided.gather [hbm4b:s0+s13], $0x0, s14, s13, $0x38;
	[tilespmem:$0x1A780] =	vst v63  }
0x36: {  	s1 =	sand.u32 $0x1FFFFFF0, s18  }
0x37: {  	[tilespmem:s19], [sflag:$0x1] =	stream.linear.gather [hbm4b:s0+s4], $0x40, $0x38;
	[tilespmem:$0x1A780] =	vst v63  }
0x38: {  	s20 =	simm.s32 $0x4180;
	s22 =	sadd.s32 s2, s1  }
0x39: {  	[tilespmem:s20], [sflag:$0x1] =	stream.strided.gather [hbm4b:s22+s13], $0x0, s14, s13, $0x38;
	[tilespmem:$0x1A780] =	vst v63  }
0x3a: {  	_ = 	snop  }
0x3b: {  	[tilespmem:s20], [sflag:$0x1] =	stream.linear.gather [hbm4b:s22+s4], $0x40, $0x38;
	[tilespmem:$0x1A780] =	vst v63  }
0x3c: {  	s24 =	simm.s32 $0x41C0;
	s23 =	spop (v2sf);
	s1 =	sadd.s32 s5, s1  }
0x3d: {  	(v2sf) =	vpush v6, $0x6;
	[tilespmem:s24], [sflag:$0x1] =	stream.strided.gather [hbm4b:s1+s13], $0x0, s14, s13, $0x38;
	[tilespmem:$0x1A780] =	vst v63  }
0x3e: {  	s0 =	sand.u32 $0x1FFFFFF0, s23  }
0x3f: {  	[tilespmem:s24], [sflag:$0x1] =	stream.linear.gather [hbm4b:s1+s4], $0x40, $0x38;
	[tilespmem:$0x1A780] =	vst v63  }
0x40: {  	s25 =	simm.s32 $0x4200;
	s26 =	sadd.s32 s2, s0  }
0x41: {  	[tilespmem:s25], [sflag:$0x1] =	stream.strided.gather [hbm4b:s26+s13], $0x0, s14, s13, $0x38;
	[tilespmem:$0x1A780] =	vst v63  }
0x42: {  	_ = 	snop  }
0x43: {  	[tilespmem:s25], [sflag:$0x1] =	stream.linear.gather [hbm4b:s26+s4], $0x40, $0x38;
	[tilespmem:$0x1A780] =	vst v63  }
0x44: {  	s31 =	simm.s32 $0x4240;
	s0 =	sadd.s32 s5, s0;
	s29 =	spop (v2sf)  }
0x45: {  	(v2sf) =	vpush v6, $0x7;
	[tilespmem:s31], [sflag:$0x1] =	stream.strided.gather [hbm4b:s0+s13], $0x0, s14, s13, $0x38;
	[tilespmem:$0x1A780] =	vst v63  }
0x46: {  	s1 =	sand.u32 $0x1FFFFFF0, s29  }
0x47: {  	[tilespmem:s31], [sflag:$0x1] =	stream.linear.gather [hbm4b:s0+s4], $0x40, $0x38;
	[tilespmem:$0x1A780] =	vst v63  }
0x48: {  	s6 =	simm.s32 $0x4280;
	s7 =	sadd.s32 s2, s1  }
0x49: {  	[tilespmem:s6], [sflag:$0x1] =	stream.strided.gather [hbm4b:s7+s13], $0x0, s14, s13, $0x38;
	[tilespmem:$0x1A780] =	vst v63  }
0x4a: {  	_ = 	snop  }
0x4b: {  	[tilespmem:s6], [sflag:$0x1] =	stream.linear.gather [hbm4b:s7+s4], $0x40, $0x38;
	[tilespmem:$0x1A780] =	vst v63  }
0x4c: {  	s17 =	simm.s32 $0x42C0;
	s8 =	spop (v2sf);
	s1 =	sadd.s32 s5, s1  }
0x4d: {  	(v2sf) =	vpush v6, $0x8;
	[tilespmem:s17], [sflag:$0x1] =	stream.strided.gather [hbm4b:s1+s13], $0x0, s14, s13, $0x38;
	[tilespmem:$0x1A780] =	vst v63  }
0x4e: {  	s0 =	sand.u32 $0x1FFFFFF0, s8  }
0x4f: {  	[tilespmem:s17], [sflag:$0x1] =	stream.linear.gather [hbm4b:s1+s4], $0x40, $0x38;
	[tilespmem:$0x1A780] =	vst v63  }
0x50: {  	s18 =	simm.s32 $0x4300;
	s19 =	sadd.s32 s2, s0  }
0x51: {  	[tilespmem:s18], [sflag:$0x1] =	stream.strided.gather [hbm4b:s19+s13], $0x0, s14, s13, $0x38;
	[tilespmem:$0x1A780] =	vst v63  }
0x52: {  	_ = 	snop  }
0x53: {  	[tilespmem:s18], [sflag:$0x1] =	stream.linear.gather [hbm4b:s19+s4], $0x40, $0x38;
	[tilespmem:$0x1A780] =	vst v63  }
0x54: {  	s22 =	simm.s32 $0x4340;
	s0 =	sadd.s32 s5, s0;
	s20 =	spop (v2sf)  }
0x55: {  	(v2sf) =	vpush v6, $0x9;
	[tilespmem:s22], [sflag:$0x1] =	stream.strided.gather [hbm4b:s0+s13], $0x0, s14, s13, $0x38;
	[tilespmem:$0x1A780] =	vst v63  }
0x56: {  	s1 =	sand.u32 $0x1FFFFFF0, s20  }
0x57: {  	[tilespmem:s22], [sflag:$0x1] =	stream.linear.gather [hbm4b:s0+s4], $0x40, $0x38;
	[tilespmem:$0x1A780] =	vst v63  }
0x58: {  	s23 =	simm.s32 $0x4380;
	s24 =	sadd.s32 s2, s1  }
0x59: {  	[tilespmem:s23], [sflag:$0x1] =	stream.strided.gather [hbm4b:s24+s13], $0x0, s14, s13, $0x38;
	[tilespmem:$0x1A780] =	vst v63  }
0x5a: {  	_ = 	snop  }
0x5b: {  	[tilespmem:s23], [sflag:$0x1] =	stream.linear.gather [hbm4b:s24+s4], $0x40, $0x38;
	[tilespmem:$0x1A780] =	vst v63  }
0x5c: {  	s26 =	simm.s32 $0x43C0;
	s25 =	spop (v2sf);
	s1 =	sadd.s32 s5, s1  }
0x5d: {  	(v2sf) =	vpush v6, $0xA;
	[tilespmem:s26], [sflag:$0x1] =	stream.strided.gather [hbm4b:s1+s13], $0x0, s14, s13, $0x38;
	[tilespmem:$0x1A780] =	vst v63  }
0x5e: {  	s0 =	sand.u32 $0x1FFFFFF0, s25  }
0x5f: {  	[tilespmem:s26], [sflag:$0x1] =	stream.linear.gather [hbm4b:s1+s4], $0x40, $0x38;
	[tilespmem:$0x1A780] =	vst v63  }
0x60: {  	s29 =	simm.s32 $0x4400;
	s31 =	sadd.s32 s2, s0  }
0x61: {  	[tilespmem:s29], [sflag:$0x1] =	stream.strided.gather [hbm4b:s31+s13], $0x0, s14, s13, $0x38;
	[tilespmem:$0x1A780] =	vst v63  }
0x62: {  	_ = 	snop  }
0x63: {  	[tilespmem:s29], [sflag:$0x1] =	stream.linear.gather [hbm4b:s31+s4], $0x40, $0x38;
	[tilespmem:$0x1A780] =	vst v63  }
0x64: {  	s7 =	simm.s32 $0x4440;
	s0 =	sadd.s32 s5, s0;
	s6 =	spop (v2sf)  }
0x65: {  	(v2sf) =	vpush v6, $0xB;
	[tilespmem:s7], [sflag:$0x1] =	stream.strided.gather [hbm4b:s0+s13], $0x0, s14, s13, $0x38;
	[tilespmem:$0x1A780] =	vst v63  }
0x66: {  	s1 =	sand.u32 $0x1FFFFFF0, s6  }
0x67: {  	[tilespmem:s7], [sflag:$0x1] =	stream.linear.gather [hbm4b:s0+s4], $0x40, $0x38;
	[tilespmem:$0x1A780] =	vst v63  }
0x68: {  	s8 =	simm.s32 $0x4480;
	s17 =	sadd.s32 s2, s1  }
0x69: {  	[tilespmem:s8], [sflag:$0x1] =	stream.strided.gather [hbm4b:s17+s13], $0x0, s14, s13, $0x38;
	[tilespmem:$0x1A780] =	vst v63  }
0x6a: {  	_ = 	snop  }
0x6b: {  	[tilespmem:s8], [sflag:$0x1] =	stream.linear.gather [hbm4b:s17+s4], $0x40, $0x38;
	[tilespmem:$0x1A780] =	vst v63  }
0x6c: {  	s19 =	simm.s32 $0x44C0;
	s18 =	spop (v2sf);
	s1 =	sadd.s32 s5, s1  }
0x6d: {  	(v2sf) =	vpush v6, $0xC;
	[tilespmem:s19], [sflag:$0x1] =	stream.strided.gather [hbm4b:s1+s13], $0x0, s14, s13, $0x38;
	[tilespmem:$0x1A780] =	vst v63  }
0x6e: {  	s0 =	sand.u32 $0x1FFFFFF0, s18  }
0x6f: {  	[tilespmem:s19], [sflag:$0x1] =	stream.linear.gather [hbm4b:s1+s4], $0x40, $0x38;
	[tilespmem:$0x1A780] =	vst v63  }
0x70: {  	s20 =	simm.s32 $0x4500;
	s22 =	sadd.s32 s2, s0  }
0x71: {  	[tilespmem:s20], [sflag:$0x1] =	stream.strided.gather [hbm4b:s22+s13], $0x0, s14, s13, $0x38;
	[tilespmem:$0x1A780] =	vst v63  }
0x72: {  	_ = 	snop  }
0x73: {  	[tilespmem:s20], [sflag:$0x1] =	stream.linear.gather [hbm4b:s22+s4], $0x40, $0x38;
	[tilespmem:$0x1A780] =	vst v63  }
0x74: {  	s24 =	simm.s32 $0x4540;
	s0 =	sadd.s32 s5, s0;
	s23 =	spop (v2sf)  }
0x75: {  	(v2sf) =	vpush v6, $0xD;
	[tilespmem:s24], [sflag:$0x1] =	stream.strided.gather [hbm4b:s0+s13], $0x0, s14, s13, $0x38;
	[tilespmem:$0x1A780] =	vst v63  }
0x76: {  	s1 =	sand.u32 $0x1FFFFFF0, s23  }
0x77: {  	[tilespmem:s24], [sflag:$0x1] =	stream.linear.gather [hbm4b:s0+s4], $0x40, $0x38;
	[tilespmem:$0x1A780] =	vst v63  }
0x78: {  	s25 =	simm.s32 $0x4580;
	s26 =	sadd.s32 s2, s1  }
0x79: {  	[tilespmem:s25], [sflag:$0x1] =	stream.strided.gather [hbm4b:s26+s13], $0x0, s14, s13, $0x38;
	[tilespmem:$0x1A780] =	vst v63  }
0x7a: {  	_ = 	snop  }
0x7b: {  	[tilespmem:s25], [sflag:$0x1] =	stream.linear.gather [hbm4b:s26+s4], $0x40, $0x38;
	[tilespmem:$0x1A780] =	vst v63  }
0x7c: {  	s31 =	simm.s32 $0x45C0;
	s29 =	spop (v2sf);
	s1 =	sadd.s32 s5, s1  }
0x7d: {  	(v2sf) =	vpush v6, $0xE;
	[tilespmem:s31], [sflag:$0x1] =	stream.strided.gather [hbm4b:s1+s13], $0x0, s14, s13, $0x38;
	[tilespmem:$0x1A780] =	vst v63  }
0x7e: {  	s0 =	sand.u32 $0x1FFFFFF0, s29  }
0x7f: {  	[tilespmem:s31], [sflag:$0x1] =	stream.linear.gather [hbm4b:s1+s4], $0x40, $0x38;
	[tilespmem:$0x1A780] =	vst v63  }
0x80: {  	s6 =	simm.s32 $0x4600;
	s7 =	sadd.s32 s2, s0  }
0x81: {  	[tilespmem:s6], [sflag:$0x1] =	stream.strided.gather [hbm4b:s7+s13], $0x0, s14, s13, $0x38;
	[tilespmem:$0x1A780] =	vst v63  }
0x82: {  	_ = 	snop  }
0x83: {  	[tilespmem:s6], [sflag:$0x1] =	stream.linear.gather [hbm4b:s7+s4], $0x40, $0x38;
	[tilespmem:$0x1A780] =	vst v63  }
0x84: {  	s17 =	simm.s32 $0x4640;
	s8 =	spop (v2sf);
	s0 =	sadd.s32 s5, s0  }
0x85: {  	(v2sf) =	vpush v6, $0xF;
	[tilespmem:s17], [sflag:$0x1] =	stream.strided.gather [hbm4b:s0+s13], $0x0, s14, s13, $0x38;
	[tilespmem:$0x1A780] =	vst v63  }
0x86: {  	s1 =	sand.u32 $0x1FFFFFF0, s8  }
0x87: {  	[tilespmem:s17], [sflag:$0x1] =	stream.linear.gather [hbm4b:s0+s4], $0x40, $0x38;
	[tilespmem:$0x1A780] =	vst v63  }
0x88: {  	s18 =	simm.s32 $0x4680;
	s19 =	sadd.s32 s2, s1  }
0x89: {  	[tilespmem:s18], [sflag:$0x1] =	stream.strided.gather [hbm4b:s19+s13], $0x0, s14, s13, $0x38;
	[tilespmem:$0x1A780] =	vst v63  }
0x8a: {  	_ = 	snop  }
0x8b: {  	[tilespmem:s18], [sflag:$0x1] =	stream.linear.gather [hbm4b:s19+s4], $0x40, $0x38;
	[tilespmem:$0x1A780] =	vst v63  }
0x8c: {  	s22 =	simm.s32 $0x46C0;
	s20 =	spop (v2sf);
	s1 =	sadd.s32 s5, s1  }
0x8d: {  	[tilespmem:s22], [sflag:$0x1] =	stream.strided.gather [hbm4b:s1+s13], $0x0, s14, s13, $0x38;
	[tilespmem:$0x1A780] =	vst v63  }
0x8e: {  	s0 =	sand.u32 $0x1FFFFFF0, s20  }
0x8f: {  	[tilespmem:s22], [sflag:$0x1] =	stream.linear.gather [hbm4b:s1+s4], $0x40, $0x38;
	[tilespmem:$0x1A780] =	vst v63  }
0x90: {  	s23 =	simm.s32 $0x4700;
	s24 =	sadd.s32 s2, s0  }
0x91: {  	[tilespmem:s23], [sflag:$0x1] =	stream.strided.gather [hbm4b:s24+s13], $0x0, s14, s13, $0x38;
	[tilespmem:$0x1A780] =	vst v63  }
0x92: {  	s28 =	simm.s32 $0x47C0;
	s29 =	simm.s32 $0x4780  }
0x93: {  	[tilespmem:s23], [sflag:$0x1] =	stream.linear.gather [hbm4b:s24+s4], $0x40, $0x38;
	[tilespmem:$0x1A780] =	vst v63  }
0x94: {  	s26 =	simm.s32 $0x4740;
	s25 =	spop (v2sf);
	s0 =	sadd.s32 s5, s0  }
0x95: {  	[tilespmem:s26], [sflag:$0x1] =	stream.strided.gather [hbm4b:s0+s13], $0x0, s14, s13, $0x38;
	[tilespmem:$0x1A780] =	vst v63  }
0x96: {  	s1 =	sand.u32 $0x1FFFFFF0, s25;
	s25 =	simm.s32 $0x10;
	s22 =	simm.s32 $0x0  }
0x97: {  	[tilespmem:s26], [sflag:$0x1] =	stream.linear.gather [hbm4b:s0+s4], $0x40, $0x38;
	[tilespmem:$0x1A780] =	vst v63  }
0x98: {  	s31 =	sadd.s32 s2, s1;
	s30 =	sadd.s32 s5, s1;
	s23 =	simm.s32 $0x2000  }
0x99: {  	[tilespmem:s29], [sflag:$0x1] =	stream.strided.gather [hbm4b:s31+s13], $0x0, s14, s13, $0x38;
	[tilespmem:$0x1A780] =	vst v63  }
0x9a: {  	s24 =	simm.s32 $0x4000;
	s0 =	rddreg [dreg:$0x4];
	s26 =	simm.s32 $0x10  }
0x9b: {  	[tilespmem:s29], [sflag:$0x1] =	stream.linear.gather [hbm4b:s31+s4], $0x40, $0x38;
	[tilespmem:$0x1A780] =	vst v63  }
.LBB2_2:
0x9c: {  	s1 =	sand.u32 $0x180, s25  }
0x9d: {  	[tilespmem:s28], [sflag:$0x1] =	stream.strided.gather [hbm4b:s30+s13], $0x0, s14, s13, $0x38;
	[tilespmem:$0x1A780] =	vst v63  }
0x9e: {  	s6 =	sand.u32 $0x70, s25;
	s0 =	sadd.s32 s1, s0  }
0x9f: {  	[tilespmem:s28], [sflag:$0x1] =	stream.linear.gather [hbm4b:s30+s22], $0x40, $0x38;
	[tilespmem:$0x1A780] =	vst v63  }
0xa0: {  	s0 =	sadd.s32 s6, s0  }
0xa1: {  	v6 =	vld [tilespmem:s0+$0x0];
	_ =	sdelay $0x4  }
0xa2: {  	v6 =	vshll.u32 v6, $0x4  }
0xa3: {  	(v2sf) =	vpush v6, $0x0;
	_ =	sdelay $0x5  }
0xa4: {  	(v2sf) =	vpush v6, $0x1;
	_ =	sdelay $0x1  }
0xa5: {  	(v2sf) =	vpush v6, $0x2;
	_ =	sdelay $0x3  }
0xa6: {  	(v2sf) =	vpush v6, $0x3;
	_ =	sdelay $0x2  }
0xa7: {  	s6 =	spop (v2sf)  }
0xa8: {  	s29 =	sshra.s32 s23, $0x2;
	(v2sf) =	vpush v6, $0x4;
	s0 =	sand.u32 $0x1FFFFFF0, s6  }
0xa9: {  	s8 =	sadd.s32 $0x4000, s29;
	s17 =	sadd.s32 s2, s0  }
0xaa: {  	[tilespmem:s8], [sflag:$0x1] =	stream.strided.gather [hbm4b:s17+s13], $0x0, s14, s13, $0x38;
	[tilespmem:$0x1A780] =	vst v63  }
0xab: {  	s22 =	simm.s32 $0x0  }
0xac: {  	(v2sf) =	vpush v6, $0x5;
	[tilespmem:s8], [sflag:$0x1] =	stream.linear.gather [hbm4b:s17+s22], $0x40, $0x38;
	[tilespmem:$0x1A780] =	vst v63  }
0xad: {  	s20 =	sadd.s32 $0x4040, s29;
	s7 =	spop (v2sf);
	s0 =	sadd.s32 s5, s0  }
0xae: {  	(v2sf) =	vpush v6, $0x6;
	[tilespmem:s20], [sflag:$0x1] =	stream.strided.gather [hbm4b:s0+s13], $0x0, s14, s13, $0x38;
	[tilespmem:$0x1A780] =	vst v63  }
0xaf: {  	s18 =	sand.u32 $0x1FFFFFF0, s7;
	s19 =	spop (v2sf)  }
0xb0: {  	(v2sf) =	vpush v6, $0x7;
	[tilespmem:s20], [sflag:$0x1] =	stream.linear.gather [hbm4b:s0+s22], $0x40, $0x38;
	[tilespmem:$0x1A780] =	vst v63  }
0xb1: {  	s1 =	sadd.s32 $0x4080, s29;
	s6 =	sadd.s32 s2, s18  }
0xb2: {  	[tilespmem:s1], [sflag:$0x1] =	stream.strided.gather [hbm4b:s6+s13], $0x0, s14, s13, $0x38;
	[tilespmem:$0x1A780] =	vst v63  }
0xb3: {  	s31 =	spop (v2sf)  }
0xb4: {  	(v2sf) =	vpush v6, $0x8;
	[tilespmem:s1], [sflag:$0x1] =	stream.linear.gather [hbm4b:s6+s22], $0x40, $0x38;
	[tilespmem:$0x1A780] =	vst v63  }
0xb5: {  	s3 =	smov.u32 s24;
	s18 =	sadd.s32 s5, s18;
	s20 =	sadd.s32 $0x40C0, s29  }
0xb6: {  	[tilespmem:s20], [sflag:$0x1] =	stream.strided.gather [hbm4b:s18+s13], $0x0, s14, s13, $0x38;
	[tilespmem:$0x1A780] =	vst v63  }
0xb7: {  	s23 =	smov.u32 s3;
	s7 =	spop (v2sf);
	s17 =	sand.u32 $0x1FFFFFF0, s19  }
0xb8: {  	[tilespmem:s20], [sflag:$0x1] =	stream.linear.gather [hbm4b:s18+s22], $0x40, $0x38;
	[tilespmem:$0x1A780] =	vst v63  }
0xb9: {  	s3 =	sand.u32 $0x1FFFFFF0, s7;
	s7 =	sadd.s32 $0x4100, s29;
	s20 =	sadd.s32 s2, s17  }
0xba: {  	[tilespmem:s7], [sflag:$0x1] =	stream.strided.gather [hbm4b:s20+s13], $0x0, s14, s13, $0x38;
	[tilespmem:$0x1A780] =	vst v63  }
0xbb: {  	s19 =	sand.u32 $0x1FFFFFF0, s31;
	s8 =	spop (v2sf)  }
0xbc: {  	[tilespmem:s7], [sflag:$0x1] =	stream.linear.gather [hbm4b:s20+s22], $0x40, $0x38;
	[tilespmem:$0x1A780] =	vst v63  }
0xbd: {  	s31 =	spop (v2sf);
	s17 =	sadd.s32 s5, s17;
	s20 =	sadd.s32 $0x4140, s29  }
0xbe: {  	[tilespmem:s20], [sflag:$0x1] =	stream.strided.gather [hbm4b:s17+s13], $0x0, s14, s13, $0x38;
	[tilespmem:$0x1A780] =	vst v63  }
0xbf: {  	s1 =	sand.u32 $0x1FFFFFF0, s8;
	s8 =	spop (v2sf)  }
0xc0: {  	[tilespmem:s20], [sflag:$0x1] =	stream.linear.gather [hbm4b:s17+s22], $0x40, $0x38;
	[tilespmem:$0x1A780] =	vst v63  }
0xc1: {  	s6 =	sand.u32 $0x1FFFFFF0, s8;
	s8 =	sadd.s32 s2, s19;
	s7 =	sadd.s32 $0x4180, s29  }
0xc2: {  	[tilespmem:s7], [sflag:$0x1] =	stream.strided.gather [hbm4b:s8+s13], $0x0, s14, s13, $0x38;
	[tilespmem:$0x1A780] =	vst v63  }
0xc3: {  	s0 =	sand.u32 $0x1FFFFFF0, s31;
	s31 =	spop (v2sf)  }
0xc4: {  	[tilespmem:s7], [sflag:$0x1] =	stream.linear.gather [hbm4b:s8+s22], $0x40, $0x38;
	[tilespmem:$0x1A780] =	vst v63  }
0xc5: {  	s20 =	sand.u32 $0x1FFFFFF0, s31;
	s31 =	sadd.s32 $0x41C0, s29;
	s7 =	sadd.s32 s5, s19  }
0xc6: {  	[tilespmem:s31], [sflag:$0x1] =	stream.strided.gather [hbm4b:s7+s13], $0x0, s14, s13, $0x38;
	[tilespmem:$0x1A780] =	vst v63  }
0xc7: {  	_ = 	snop  }
0xc8: {  	[tilespmem:s31], [sflag:$0x1] =	stream.linear.gather [hbm4b:s7+s22], $0x40, $0x38;
	[tilespmem:$0x1A780] =	vst v63  }
0xc9: {  	s8 =	sadd.s32 $0x4200, s29;
	s31 =	sadd.s32 s2, s3  }
0xca: {  	[tilespmem:s8], [sflag:$0x1] =	stream.strided.gather [hbm4b:s31+s13], $0x0, s14, s13, $0x38;
	[tilespmem:$0x1A780] =	vst v63  }
0xcb: {  	_ = 	snop  }
0xcc: {  	[tilespmem:s8], [sflag:$0x1] =	stream.linear.gather [hbm4b:s31+s22], $0x40, $0x38;
	[tilespmem:$0x1A780] =	vst v63  }
0xcd: {  	s7 =	sadd.s32 $0x4240, s29;
	s3 =	sadd.s32 s5, s3  }
0xce: {  	[tilespmem:s7], [sflag:$0x1] =	stream.strided.gather [hbm4b:s3+s13], $0x0, s14, s13, $0x38;
	[tilespmem:$0x1A780] =	vst v63  }
0xcf: {  	_ = 	snop  }
0xd0: {  	[tilespmem:s7], [sflag:$0x1] =	stream.linear.gather [hbm4b:s3+s22], $0x40, $0x38;
	[tilespmem:$0x1A780] =	vst v63  }
0xd1: {  	s8 =	sadd.s32 $0x4280, s29;
	s7 =	sadd.s32 s2, s1  }
0xd2: {  	[tilespmem:s8], [sflag:$0x1] =	stream.strided.gather [hbm4b:s7+s13], $0x0, s14, s13, $0x38;
	[tilespmem:$0x1A780] =	vst v63  }
0xd3: {  	_ = 	snop  }
0xd4: {  	[tilespmem:s8], [sflag:$0x1] =	stream.linear.gather [hbm4b:s7+s22], $0x40, $0x38;
	[tilespmem:$0x1A780] =	vst v63  }
0xd5: {  	s7 =	sadd.s32 $0x42C0, s29;
	s8 =	sadd.s32 s5, s1  }
0xd6: {  	[tilespmem:s7], [sflag:$0x1] =	stream.strided.gather [hbm4b:s8+s13], $0x0, s14, s13, $0x38;
	[tilespmem:$0x1A780] =	vst v63  }
0xd7: {  	_ = 	snop  }
0xd8: {  	[tilespmem:s7], [sflag:$0x1] =	stream.linear.gather [hbm4b:s8+s22], $0x40, $0x38;
	[tilespmem:$0x1A780] =	vst v63  }
0xd9: {  	s7 =	sadd.s32 $0x4300, s29;
	s8 =	sadd.s32 s2, s0  }
0xda: {  	[tilespmem:s7], [sflag:$0x1] =	stream.strided.gather [hbm4b:s8+s13], $0x0, s14, s13, $0x38;
	[tilespmem:$0x1A780] =	vst v63  }
0xdb: {  	_ = 	snop  }
0xdc: {  	[tilespmem:s7], [sflag:$0x1] =	stream.linear.gather [hbm4b:s8+s22], $0x40, $0x38;
	[tilespmem:$0x1A780] =	vst v63  }
0xdd: {  	s7 =	sadd.s32 $0x4340, s29;
	s8 =	sadd.s32 s5, s0  }
0xde: {  	(v2sf) =	vpush v6, $0x9;
	[tilespmem:s7], [sflag:$0x1] =	stream.strided.gather [hbm4b:s8+s13], $0x0, s14, s13, $0x38;
	[tilespmem:$0x1A780] =	vst v63  }
0xdf: {  	_ = 	snop  }
0xe0: {  	[tilespmem:s7], [sflag:$0x1] =	stream.linear.gather [hbm4b:s8+s22], $0x40, $0x38;
	[tilespmem:$0x1A780] =	vst v63  }
0xe1: {  	s7 =	sadd.s32 $0x4380, s29;
	s8 =	sadd.s32 s2, s6  }
0xe2: {  	[tilespmem:s7], [sflag:$0x1] =	stream.strided.gather [hbm4b:s8+s13], $0x0, s14, s13, $0x38;
	[tilespmem:$0x1A780] =	vst v63  }
0xe3: {  	_ = 	snop  }
0xe4: {  	[tilespmem:s7], [sflag:$0x1] =	stream.linear.gather [hbm4b:s8+s22], $0x40, $0x38;
	[tilespmem:$0x1A780] =	vst v63  }
0xe5: {  	s6 =	sadd.s32 s5, s6;
	s8 =	sadd.s32 $0x43C0, s29  }
0xe6: {  	(v2sf) =	vpush v6, $0xA;
	[tilespmem:s8], [sflag:$0x1] =	stream.strided.gather [hbm4b:s6+s13], $0x0, s14, s13, $0x38;
	[tilespmem:$0x1A780] =	vst v63  }
0xe7: {  	_ = 	snop  }
0xe8: {  	[tilespmem:s8], [sflag:$0x1] =	stream.linear.gather [hbm4b:s6+s22], $0x40, $0x38;
	[tilespmem:$0x1A780] =	vst v63  }
0xe9: {  	s7 =	sadd.s32 $0x4400, s29;
	s8 =	sadd.s32 s2, s20  }
0xea: {  	[tilespmem:s7], [sflag:$0x1] =	stream.strided.gather [hbm4b:s8+s13], $0x0, s14, s13, $0x38;
	[tilespmem:$0x1A780] =	vst v63  }
0xeb: {  	_ = 	snop  }
0xec: {  	[tilespmem:s7], [sflag:$0x1] =	stream.linear.gather [hbm4b:s8+s22], $0x40, $0x38;
	[tilespmem:$0x1A780] =	vst v63  }
0xed: {  	s30 =	spop (v2sf);
	s20 =	sadd.s32 s5, s20;
	s8 =	sadd.s32 $0x4440, s29  }
0xee: {  	(v2sf) =	vpush v6, $0xB;
	[tilespmem:s8], [sflag:$0x1] =	stream.strided.gather [hbm4b:s20+s13], $0x0, s14, s13, $0x38;
	[tilespmem:$0x1A780] =	vst v63  }
0xef: {  	s19 =	sand.u32 $0x1FFFFFF0, s30  }
0xf0: {  	[tilespmem:s8], [sflag:$0x1] =	stream.linear.gather [hbm4b:s20+s22], $0x40, $0x38;
	[tilespmem:$0x1A780] =	vst v63  }
0xf1: {  	s8 =	sadd.s32 $0x4480, s29;
	s20 =	sadd.s32 s2, s19  }
0xf2: {  	[tilespmem:s8], [sflag:$0x1] =	stream.strided.gather [hbm4b:s20+s13], $0x0, s14, s13, $0x38;
	[tilespmem:$0x1A780] =	vst v63  }
0xf3: {  	_ = 	snop  }
0xf4: {  	[tilespmem:s8], [sflag:$0x1] =	stream.linear.gather [hbm4b:s20+s22], $0x40, $0x38;
	[tilespmem:$0x1A780] =	vst v63  }
0xf5: {  	s30 =	spop (v2sf);
	s7 =	sadd.s32 $0x44C0, s29;
	s8 =	sadd.s32 s5, s19  }
0xf6: {  	(v2sf) =	vpush v6, $0xC;
	[tilespmem:s7], [sflag:$0x1] =	stream.strided.gather [hbm4b:s8+s13], $0x0, s14, s13, $0x38;
	[tilespmem:$0x1A780] =	vst v63  }
0xf7: {  	s18 =	sand.u32 $0x1FFFFFF0, s30  }
0xf8: {  	[tilespmem:s7], [sflag:$0x1] =	stream.linear.gather [hbm4b:s8+s22], $0x40, $0x38;
	[tilespmem:$0x1A780] =	vst v63  }
0xf9: {  	s19 =	sadd.s32 $0x4500, s29;
	s20 =	sadd.s32 s2, s18  }
0xfa: {  	[tilespmem:s19], [sflag:$0x1] =	stream.strided.gather [hbm4b:s20+s13], $0x0, s14, s13, $0x38;
	[tilespmem:$0x1A780] =	vst v63  }
0xfb: {  	_ = 	snop  }
0xfc: {  	[tilespmem:s19], [sflag:$0x1] =	stream.linear.gather [hbm4b:s20+s22], $0x40, $0x38;
	[tilespmem:$0x1A780] =	vst v63  }
0xfd: {  	s30 =	spop (v2sf);
	s18 =	sadd.s32 s5, s18;
	s8 =	sadd.s32 $0x4540, s29  }
0xfe: {  	(v2sf) =	vpush v6, $0xD;
	[tilespmem:s8], [sflag:$0x1] =	stream.strided.gather [hbm4b:s18+s13], $0x0, s14, s13, $0x38;
	[tilespmem:$0x1A780] =	vst v63  }
0xff: {  	s17 =	sand.u32 $0x1FFFFFF0, s30  }
0x100: {  	[tilespmem:s8], [sflag:$0x1] =	stream.linear.gather [hbm4b:s18+s22], $0x40, $0x38;
	[tilespmem:$0x1A780] =	vst v63  }
0x101: {  	s19 =	sadd.s32 $0x4580, s29;
	s20 =	sadd.s32 s2, s17  }
0x102: {  	[tilespmem:s19], [sflag:$0x1] =	stream.strided.gather [hbm4b:s20+s13], $0x0, s14, s13, $0x38;
	[tilespmem:$0x1A780] =	vst v63  }
0x103: {  	_ = 	snop  }
0x104: {  	[tilespmem:s19], [sflag:$0x1] =	stream.linear.gather [hbm4b:s20+s22], $0x40, $0x38;
	[tilespmem:$0x1A780] =	vst v63  }
0x105: {  	s30 =	spop (v2sf);
	s17 =	sadd.s32 s5, s17;
	s8 =	sadd.s32 $0x45C0, s29  }
0x106: {  	(v2sf) =	vpush v6, $0xE;
	[tilespmem:s8], [sflag:$0x1] =	stream.strided.gather [hbm4b:s17+s13], $0x0, s14, s13, $0x38;
	[tilespmem:$0x1A780] =	vst v63  }
0x107: {  	s3 =	sand.u32 $0x1FFFFFF0, s30  }
0x108: {  	[tilespmem:s8], [sflag:$0x1] =	stream.linear.gather [hbm4b:s17+s22], $0x40, $0x38;
	[tilespmem:$0x1A780] =	vst v63  }
0x109: {  	s18 =	sadd.s32 $0x4600, s29;
	s19 =	sadd.s32 s2, s3  }
0x10a: {  	[tilespmem:s18], [sflag:$0x1] =	stream.strided.gather [hbm4b:s19+s13], $0x0, s14, s13, $0x38;
	[tilespmem:$0x1A780] =	vst v63  }
0x10b: {  	_ = 	snop  }
0x10c: {  	[tilespmem:s18], [sflag:$0x1] =	stream.linear.gather [hbm4b:s19+s22], $0x40, $0x38;
	[tilespmem:$0x1A780] =	vst v63  }
0x10d: {  	s30 =	spop (v2sf);
	s20 =	sadd.s32 $0x4640, s29;
	s3 =	sadd.s32 s5, s3  }
0x10e: {  	[tilespmem:s20], [sflag:$0x1] =	stream.strided.gather [hbm4b:s3+s13], $0x0, s14, s13, $0x38;
	[tilespmem:$0x1A780] =	vst v63  }
0x10f: {  	s1 =	sand.u32 $0x1FFFFFF0, s30  }
0x110: {  	(v2sf) =	vpush v6, $0xF;
	[tilespmem:s20], [sflag:$0x1] =	stream.linear.gather [hbm4b:s3+s22], $0x40, $0x38;
	[tilespmem:$0x1A780] =	vst v63  }
0x111: {  	s6 =	sadd.s32 $0x4680, s29;
	s7 =	sadd.s32 s2, s1  }
0x112: {  	[tilespmem:s6], [sflag:$0x1] =	stream.strided.gather [hbm4b:s7+s13], $0x0, s14, s13, $0x38;
	[tilespmem:$0x1A780] =	vst v63  }
0x113: {  	_ = 	snop  }
0x114: {  	[tilespmem:s6], [sflag:$0x1] =	stream.linear.gather [hbm4b:s7+s22], $0x40, $0x38;
	[tilespmem:$0x1A780] =	vst v63  }
0x115: {  	s30 =	spop (v2sf);
	s1 =	sadd.s32 s5, s1;
	s8 =	sadd.s32 $0x46C0, s29  }
0x116: {  	[tilespmem:s8], [sflag:$0x1] =	stream.strided.gather [hbm4b:s1+s13], $0x0, s14, s13, $0x38;
	[tilespmem:$0x1A780] =	vst v63  }
0x117: {  	s31 =	sand.u32 $0x1FFFFFF0, s30  }
0x118: {  	[tilespmem:s8], [sflag:$0x1] =	stream.linear.gather [hbm4b:s1+s22], $0x40, $0x38;
	[tilespmem:$0x1A780] =	vst v63  }
0x119: {  	s17 =	sadd.s32 $0x4700, s29;
	s18 =	sadd.s32 s2, s31  }
0x11a: {  	[tilespmem:s17], [sflag:$0x1] =	stream.strided.gather [hbm4b:s18+s13], $0x0, s14, s13, $0x38;
	[tilespmem:$0x1A780] =	vst v63  }
0x11b: {  	_ = 	snop  }
0x11c: {  	[tilespmem:s17], [sflag:$0x1] =	stream.linear.gather [hbm4b:s18+s22], $0x40, $0x38;
	[tilespmem:$0x1A780] =	vst v63  }
0x11d: {  	s19 =	sadd.s32 $0x4740, s29;
	s20 =	sadd.s32 s5, s31  }
0x11e: {  	[tilespmem:s19], [sflag:$0x1] =	stream.strided.gather [hbm4b:s20+s13], $0x0, s14, s13, $0x38;
	[tilespmem:$0x1A780] =	vst v63  }
0x11f: {  	p0 =	sne.s32 s24, $0x3E000;
	s26 =	sadd.s32 $0x10, s26;
	s30 =	spop (v2sf)  }
0x120: {  	[tilespmem:s19], [sflag:$0x1] =	stream.linear.gather [hbm4b:s20+s22], $0x40, $0x38;
	[tilespmem:$0x1A780] =	vst v63  }
.Ltmp0:
0x121: {  	s24 =	sadd.s32 $0x2000, s24;
	s0 =	sand.u32 $0x1FFFFFF0, s30;
	(pc) =	sbr.rel @p0 .LBB2_2-.Ltmp0, $4  }
0x122: {  	s28 =	sadd.s32 $0x47C0, s29;
	s29 =	sadd.s32 $0x4780, s29;
	s31 =	sadd.s32 s2, s0  }
0x123: {  	[tilespmem:s29], [sflag:$0x1] =	stream.strided.gather [hbm4b:s31+s13], $0x0, s14, s13, $0x38;
	[tilespmem:$0x1A780] =	vst v63  }
0x124: {  	s25 =	smov.u32 s26;
	s30 =	sadd.s32 s5, s0;
	s0 =	rddreg [dreg:$0x4]  }
0x125: {  	[tilespmem:s29], [sflag:$0x1] =	stream.linear.gather [hbm4b:s31+s22], $0x40, $0x38;
	[tilespmem:$0x1A780] =	vst v63  }
0x126: {  	s1 =	sand.u32 $0x180, s25  }
0x127: {  	[tilespmem:s28], [sflag:$0x1] =	stream.strided.gather [hbm4b:s30+s13], $0x0, s14, s13, $0x38;
	[tilespmem:$0x1A780] =	vst v63  }
0x128: {  	s3 =	sand.u32 $0x70, s25;
	s0 =	sadd.s32 s1, s0  }
0x129: {  	[tilespmem:s28], [sflag:$0x1] =	stream.linear.gather [hbm4b:s30+s22], $0x40, $0x38;
	[tilespmem:$0x1A780] =	vst v63  }
0x12a: {  	s0 =	sadd.s32 s3, s0  }
0x12b: {  	v6 =	vld [tilespmem:s0+$0x0];
	_ =	sdelay $0x4  }
0x12c: {  	v6 =	vshll.u32 v6, $0x4  }
0x12d: {  	(v2sf) =	vpush v6, $0x0;
	_ =	sdelay $0x5  }
0x12e: {  	(v2sf) =	vpush v6, $0x1;
	_ =	sdelay $0x7  }
0x12f: {  	(v2sf) =	vpush v6, $0x2  }
0x130: {  	s24 =	spop (v2sf)  }
0x131: {  	s23 =	sshra.s32 s23, $0x2;
	s0 =	sand.u32 $0x1FFFFFF0, s24  }
0x132: {  	s25 =	sadd.s32 $0x4000, s23;
	s26 =	sadd.s32 s2, s0  }
0x133: {  	[tilespmem:s25], [sflag:$0x1] =	stream.strided.gather [hbm4b:s26+s13], $0x0, s14, s13, $0x38;
	[tilespmem:$0x1A780] =	vst v63  }
0x134: {  	_ = 	snop  }
0x135: {  	[tilespmem:s25], [sflag:$0x1] =	stream.linear.gather [hbm4b:s26+s22], $0x40, $0x38;
	[tilespmem:$0x1A780] =	vst v63  }
0x136: {  	s29 =	sadd.s32 $0x4040, s23;
	s28 =	spop (v2sf);
	s0 =	sadd.s32 s5, s0  }
0x137: {  	(v2sf) =	vpush v6, $0x3;
	[tilespmem:s29], [sflag:$0x1] =	stream.strided.gather [hbm4b:s0+s13], $0x0, s14, s13, $0x38;
	[tilespmem:$0x1A780] =	vst v63  }
0x138: {  	s1 =	sand.u32 $0x1FFFFFF0, s28  }
0x139: {  	[tilespmem:s29], [sflag:$0x1] =	stream.linear.gather [hbm4b:s0+s22], $0x40, $0x38;
	[tilespmem:$0x1A780] =	vst v63  }
0x13a: {  	s30 =	sadd.s32 $0x4080, s23;
	s31 =	sadd.s32 s2, s1  }
0x13b: {  	[tilespmem:s30], [sflag:$0x1] =	stream.strided.gather [hbm4b:s31+s13], $0x0, s14, s13, $0x38;
	[tilespmem:$0x1A780] =	vst v63  }
0x13c: {  	_ = 	snop  }
0x13d: {  	[tilespmem:s30], [sflag:$0x1] =	stream.linear.gather [hbm4b:s31+s22], $0x40, $0x38;
	[tilespmem:$0x1A780] =	vst v63  }
0x13e: {  	s7 =	sadd.s32 $0x40C0, s23;
	s6 =	spop (v2sf);
	s1 =	sadd.s32 s5, s1  }
0x13f: {  	(v2sf) =	vpush v6, $0x4;
	[tilespmem:s7], [sflag:$0x1] =	stream.strided.gather [hbm4b:s1+s13], $0x0, s14, s13, $0x38;
	[tilespmem:$0x1A780] =	vst v63  }
0x140: {  	s0 =	sand.u32 $0x1FFFFFF0, s6  }
0x141: {  	[tilespmem:s7], [sflag:$0x1] =	stream.linear.gather [hbm4b:s1+s22], $0x40, $0x38;
	[tilespmem:$0x1A780] =	vst v63  }
0x142: {  	s8 =	sadd.s32 $0x4100, s23;
	s17 =	sadd.s32 s2, s0  }
0x143: {  	[tilespmem:s8], [sflag:$0x1] =	stream.strided.gather [hbm4b:s17+s13], $0x0, s14, s13, $0x38;
	[tilespmem:$0x1A780] =	vst v63  }
0x144: {  	_ = 	snop  }
0x145: {  	[tilespmem:s8], [sflag:$0x1] =	stream.linear.gather [hbm4b:s17+s22], $0x40, $0x38;
	[tilespmem:$0x1A780] =	vst v63  }
0x146: {  	s19 =	sadd.s32 $0x4140, s23;
	s0 =	sadd.s32 s5, s0;
	s18 =	spop (v2sf)  }
0x147: {  	(v2sf) =	vpush v6, $0x5;
	[tilespmem:s19], [sflag:$0x1] =	stream.strided.gather [hbm4b:s0+s13], $0x0, s14, s13, $0x38;
	[tilespmem:$0x1A780] =	vst v63  }
0x148: {  	s1 =	sand.u32 $0x1FFFFFF0, s18  }
0x149: {  	[tilespmem:s19], [sflag:$0x1] =	stream.linear.gather [hbm4b:s0+s22], $0x40, $0x38;
	[tilespmem:$0x1A780] =	vst v63  }
0x14a: {  	s20 =	sadd.s32 $0x4180, s23;
	s24 =	sadd.s32 s2, s1  }
0x14b: {  	[tilespmem:s20], [sflag:$0x1] =	stream.strided.gather [hbm4b:s24+s13], $0x0, s14, s13, $0x38;
	[tilespmem:$0x1A780] =	vst v63  }
0x14c: {  	_ = 	snop  }
0x14d: {  	[tilespmem:s20], [sflag:$0x1] =	stream.linear.gather [hbm4b:s24+s22], $0x40, $0x38;
	[tilespmem:$0x1A780] =	vst v63  }
0x14e: {  	s26 =	sadd.s32 $0x41C0, s23;
	s25 =	spop (v2sf);
	s1 =	sadd.s32 s5, s1  }
0x14f: {  	(v2sf) =	vpush v6, $0x6;
	[tilespmem:s26], [sflag:$0x1] =	stream.strided.gather [hbm4b:s1+s13], $0x0, s14, s13, $0x38;
	[tilespmem:$0x1A780] =	vst v63  }
0x150: {  	s0 =	sand.u32 $0x1FFFFFF0, s25  }
0x151: {  	[tilespmem:s26], [sflag:$0x1] =	stream.linear.gather [hbm4b:s1+s22], $0x40, $0x38;
	[tilespmem:$0x1A780] =	vst v63  }
0x152: {  	s28 =	sadd.s32 $0x4200, s23;
	s29 =	sadd.s32 s2, s0  }
0x153: {  	[tilespmem:s28], [sflag:$0x1] =	stream.strided.gather [hbm4b:s29+s13], $0x0, s14, s13, $0x38;
	[tilespmem:$0x1A780] =	vst v63  }
0x154: {  	_ = 	snop  }
0x155: {  	[tilespmem:s28], [sflag:$0x1] =	stream.linear.gather [hbm4b:s29+s22], $0x40, $0x38;
	[tilespmem:$0x1A780] =	vst v63  }
0x156: {  	s31 =	sadd.s32 $0x4240, s23;
	s0 =	sadd.s32 s5, s0;
	s30 =	spop (v2sf)  }
0x157: {  	(v2sf) =	vpush v6, $0x7;
	[tilespmem:s31], [sflag:$0x1] =	stream.strided.gather [hbm4b:s0+s13], $0x0, s14, s13, $0x38;
	[tilespmem:$0x1A780] =	vst v63  }
0x158: {  	s1 =	sand.u32 $0x1FFFFFF0, s30  }
0x159: {  	[tilespmem:s31], [sflag:$0x1] =	stream.linear.gather [hbm4b:s0+s22], $0x40, $0x38;
	[tilespmem:$0x1A780] =	vst v63  }
0x15a: {  	s6 =	sadd.s32 $0x4280, s23;
	s7 =	sadd.s32 s2, s1  }
0x15b: {  	[tilespmem:s6], [sflag:$0x1] =	stream.strided.gather [hbm4b:s7+s13], $0x0, s14, s13, $0x38;
	[tilespmem:$0x1A780] =	vst v63  }
0x15c: {  	_ = 	snop  }
0x15d: {  	[tilespmem:s6], [sflag:$0x1] =	stream.linear.gather [hbm4b:s7+s22], $0x40, $0x38;
	[tilespmem:$0x1A780] =	vst v63  }
0x15e: {  	s17 =	sadd.s32 $0x42C0, s23;
	s8 =	spop (v2sf);
	s1 =	sadd.s32 s5, s1  }
0x15f: {  	(v2sf) =	vpush v6, $0x8;
	[tilespmem:s17], [sflag:$0x1] =	stream.strided.gather [hbm4b:s1+s13], $0x0, s14, s13, $0x38;
	[tilespmem:$0x1A780] =	vst v63  }
0x160: {  	s0 =	sand.u32 $0x1FFFFFF0, s8  }
0x161: {  	[tilespmem:s17], [sflag:$0x1] =	stream.linear.gather [hbm4b:s1+s22], $0x40, $0x38;
	[tilespmem:$0x1A780] =	vst v63  }
0x162: {  	s18 =	sadd.s32 $0x4300, s23;
	s19 =	sadd.s32 s2, s0  }
0x163: {  	[tilespmem:s18], [sflag:$0x1] =	stream.strided.gather [hbm4b:s19+s13], $0x0, s14, s13, $0x38;
	[tilespmem:$0x1A780] =	vst v63  }
0x164: {  	_ = 	snop  }
0x165: {  	[tilespmem:s18], [sflag:$0x1] =	stream.linear.gather [hbm4b:s19+s22], $0x40, $0x38;
	[tilespmem:$0x1A780] =	vst v63  }
0x166: {  	s24 =	sadd.s32 $0x4340, s23;
	s0 =	sadd.s32 s5, s0;
	s20 =	spop (v2sf)  }
0x167: {  	(v2sf) =	vpush v6, $0x9;
	[tilespmem:s24], [sflag:$0x1] =	stream.strided.gather [hbm4b:s0+s13], $0x0, s14, s13, $0x38;
	[tilespmem:$0x1A780] =	vst v63  }
0x168: {  	s1 =	sand.u32 $0x1FFFFFF0, s20  }
0x169: {  	[tilespmem:s24], [sflag:$0x1] =	stream.linear.gather [hbm4b:s0+s22], $0x40, $0x38;
	[tilespmem:$0x1A780] =	vst v63  }
0x16a: {  	s25 =	sadd.s32 $0x4380, s23;
	s26 =	sadd.s32 s2, s1  }
0x16b: {  	[tilespmem:s25], [sflag:$0x1] =	stream.strided.gather [hbm4b:s26+s13], $0x0, s14, s13, $0x38;
	[tilespmem:$0x1A780] =	vst v63  }
0x16c: {  	_ = 	snop  }
0x16d: {  	[tilespmem:s25], [sflag:$0x1] =	stream.linear.gather [hbm4b:s26+s22], $0x40, $0x38;
	[tilespmem:$0x1A780] =	vst v63  }
0x16e: {  	s29 =	sadd.s32 $0x43C0, s23;
	s28 =	spop (v2sf);
	s1 =	sadd.s32 s5, s1  }
0x16f: {  	(v2sf) =	vpush v6, $0xA;
	[tilespmem:s29], [sflag:$0x1] =	stream.strided.gather [hbm4b:s1+s13], $0x0, s14, s13, $0x38;
	[tilespmem:$0x1A780] =	vst v63  }
0x170: {  	s0 =	sand.u32 $0x1FFFFFF0, s28  }
0x171: {  	[tilespmem:s29], [sflag:$0x1] =	stream.linear.gather [hbm4b:s1+s22], $0x40, $0x38;
	[tilespmem:$0x1A780] =	vst v63  }
0x172: {  	s30 =	sadd.s32 $0x4400, s23;
	s31 =	sadd.s32 s2, s0  }
0x173: {  	[tilespmem:s30], [sflag:$0x1] =	stream.strided.gather [hbm4b:s31+s13], $0x0, s14, s13, $0x38;
	[tilespmem:$0x1A780] =	vst v63  }
0x174: {  	_ = 	snop  }
0x175: {  	[tilespmem:s30], [sflag:$0x1] =	stream.linear.gather [hbm4b:s31+s22], $0x40, $0x38;
	[tilespmem:$0x1A780] =	vst v63  }
0x176: {  	s7 =	sadd.s32 $0x4440, s23;
	s0 =	sadd.s32 s5, s0;
	s6 =	spop (v2sf)  }
0x177: {  	(v2sf) =	vpush v6, $0xB;
	[tilespmem:s7], [sflag:$0x1] =	stream.strided.gather [hbm4b:s0+s13], $0x0, s14, s13, $0x38;
	[tilespmem:$0x1A780] =	vst v63  }
0x178: {  	s1 =	sand.u32 $0x1FFFFFF0, s6  }
0x179: {  	[tilespmem:s7], [sflag:$0x1] =	stream.linear.gather [hbm4b:s0+s22], $0x40, $0x38;
	[tilespmem:$0x1A780] =	vst v63  }
0x17a: {  	s8 =	sadd.s32 $0x4480, s23;
	s17 =	sadd.s32 s2, s1  }
0x17b: {  	[tilespmem:s8], [sflag:$0x1] =	stream.strided.gather [hbm4b:s17+s13], $0x0, s14, s13, $0x38;
	[tilespmem:$0x1A780] =	vst v63  }
0x17c: {  	_ = 	snop  }
0x17d: {  	[tilespmem:s8], [sflag:$0x1] =	stream.linear.gather [hbm4b:s17+s22], $0x40, $0x38;
	[tilespmem:$0x1A780] =	vst v63  }
0x17e: {  	s19 =	sadd.s32 $0x44C0, s23;
	s18 =	spop (v2sf);
	s1 =	sadd.s32 s5, s1  }
0x17f: {  	(v2sf) =	vpush v6, $0xC;
	[tilespmem:s19], [sflag:$0x1] =	stream.strided.gather [hbm4b:s1+s13], $0x0, s14, s13, $0x38;
	[tilespmem:$0x1A780] =	vst v63  }
0x180: {  	s0 =	sand.u32 $0x1FFFFFF0, s18  }
0x181: {  	[tilespmem:s19], [sflag:$0x1] =	stream.linear.gather [hbm4b:s1+s22], $0x40, $0x38;
	[tilespmem:$0x1A780] =	vst v63  }
0x182: {  	s20 =	sadd.s32 $0x4500, s23;
	s24 =	sadd.s32 s2, s0  }
0x183: {  	[tilespmem:s20], [sflag:$0x1] =	stream.strided.gather [hbm4b:s24+s13], $0x0, s14, s13, $0x38;
	[tilespmem:$0x1A780] =	vst v63  }
0x184: {  	_ = 	snop  }
0x185: {  	[tilespmem:s20], [sflag:$0x1] =	stream.linear.gather [hbm4b:s24+s22], $0x40, $0x38;
	[tilespmem:$0x1A780] =	vst v63  }
0x186: {  	s26 =	sadd.s32 $0x4540, s23;
	s0 =	sadd.s32 s5, s0;
	s25 =	spop (v2sf)  }
0x187: {  	(v2sf) =	vpush v6, $0xD;
	[tilespmem:s26], [sflag:$0x1] =	stream.strided.gather [hbm4b:s0+s13], $0x0, s14, s13, $0x38;
	[tilespmem:$0x1A780] =	vst v63  }
0x188: {  	s1 =	sand.u32 $0x1FFFFFF0, s25  }
0x189: {  	[tilespmem:s26], [sflag:$0x1] =	stream.linear.gather [hbm4b:s0+s22], $0x40, $0x38;
	[tilespmem:$0x1A780] =	vst v63  }
0x18a: {  	s28 =	sadd.s32 $0x4580, s23;
	s29 =	sadd.s32 s2, s1  }
0x18b: {  	[tilespmem:s28], [sflag:$0x1] =	stream.strided.gather [hbm4b:s29+s13], $0x0, s14, s13, $0x38;
	[tilespmem:$0x1A780] =	vst v63  }
0x18c: {  	_ = 	snop  }
0x18d: {  	[tilespmem:s28], [sflag:$0x1] =	stream.linear.gather [hbm4b:s29+s22], $0x40, $0x38;
	[tilespmem:$0x1A780] =	vst v63  }
0x18e: {  	s31 =	sadd.s32 $0x45C0, s23;
	s30 =	spop (v2sf);
	s1 =	sadd.s32 s5, s1  }
0x18f: {  	(v2sf) =	vpush v6, $0xE;
	[tilespmem:s31], [sflag:$0x1] =	stream.strided.gather [hbm4b:s1+s13], $0x0, s14, s13, $0x38;
	[tilespmem:$0x1A780] =	vst v63  }
0x190: {  	s0 =	sand.u32 $0x1FFFFFF0, s30  }
0x191: {  	[tilespmem:s31], [sflag:$0x1] =	stream.linear.gather [hbm4b:s1+s22], $0x40, $0x38;
	[tilespmem:$0x1A780] =	vst v63  }
0x192: {  	s3 =	sadd.s32 $0x4600, s23;
	s6 =	sadd.s32 s2, s0  }
0x193: {  	[tilespmem:s3], [sflag:$0x1] =	stream.strided.gather [hbm4b:s6+s13], $0x0, s14, s13, $0x38;
	[tilespmem:$0x1A780] =	vst v63  }
0x194: {  	_ = 	snop  }
0x195: {  	[tilespmem:s3], [sflag:$0x1] =	stream.linear.gather [hbm4b:s6+s22], $0x40, $0x38;
	[tilespmem:$0x1A780] =	vst v63  }
0x196: {  	s8 =	sadd.s32 $0x4640, s23;
	s7 =	spop (v2sf);
	s0 =	sadd.s32 s5, s0  }
0x197: {  	(v2sf) =	vpush v6, $0xF;
	[tilespmem:s8], [sflag:$0x1] =	stream.strided.gather [hbm4b:s0+s13], $0x0, s14, s13, $0x38;
	[tilespmem:$0x1A780] =	vst v63  }
0x198: {  	s1 =	sand.u32 $0x1FFFFFF0, s7  }
0x199: {  	[tilespmem:s8], [sflag:$0x1] =	stream.linear.gather [hbm4b:s0+s22], $0x40, $0x38;
	[tilespmem:$0x1A780] =	vst v63  }
0x19a: {  	s17 =	sadd.s32 $0x4680, s23;
	s18 =	sadd.s32 s2, s1  }
0x19b: {  	[tilespmem:s17], [sflag:$0x1] =	stream.strided.gather [hbm4b:s18+s13], $0x0, s14, s13, $0x38;
	[tilespmem:$0x1A780] =	vst v63  }
0x19c: {  	_ = 	snop  }
0x19d: {  	[tilespmem:s17], [sflag:$0x1] =	stream.linear.gather [hbm4b:s18+s22], $0x40, $0x38;
	[tilespmem:$0x1A780] =	vst v63  }
0x19e: {  	s20 =	sadd.s32 $0x46C0, s23;
	s19 =	spop (v2sf);
	s1 =	sadd.s32 s5, s1  }
0x19f: {  	[tilespmem:s20], [sflag:$0x1] =	stream.strided.gather [hbm4b:s1+s13], $0x0, s14, s13, $0x38;
	[tilespmem:$0x1A780] =	vst v63  }
0x1a0: {  	s0 =	sand.u32 $0x1FFFFFF0, s19  }
0x1a1: {  	[tilespmem:s20], [sflag:$0x1] =	stream.linear.gather [hbm4b:s1+s22], $0x40, $0x38;
	[tilespmem:$0x1A780] =	vst v63  }
0x1a2: {  	s24 =	sadd.s32 $0x4700, s23;
	s25 =	sadd.s32 s2, s0  }
0x1a3: {  	[tilespmem:s24], [sflag:$0x1] =	stream.strided.gather [hbm4b:s25+s13], $0x0, s14, s13, $0x38;
	[tilespmem:$0x1A780] =	vst v63  }
0x1a4: {  	_ = 	snop  }
0x1a5: {  	[tilespmem:s24], [sflag:$0x1] =	stream.linear.gather [hbm4b:s25+s22], $0x40, $0x38;
	[tilespmem:$0x1A780] =	vst v63  }
0x1a6: {  	s28 =	sadd.s32 $0x4740, s23;
	s26 =	spop (v2sf);
	s0 =	sadd.s32 s5, s0  }
0x1a7: {  	[tilespmem:s28], [sflag:$0x1] =	stream.strided.gather [hbm4b:s0+s13], $0x0, s14, s13, $0x38;
	[tilespmem:$0x1A780] =	vst v63  }
0x1a8: {  	s1 =	sand.u32 $0x1FFFFFF0, s26  }
0x1a9: {  	[tilespmem:s28], [sflag:$0x1] =	stream.linear.gather [hbm4b:s0+s22], $0x40, $0x38;
	[tilespmem:$0x1A780] =	vst v63  }
0x1aa: {  	s29 =	sadd.s32 $0x4780, s23;
	s30 =	sadd.s32 s2, s1  }
0x1ab: {  	[tilespmem:s29], [sflag:$0x1] =	stream.strided.gather [hbm4b:s30+s13], $0x0, s14, s13, $0x38;
	[tilespmem:$0x1A780] =	vst v63  }
0x1ac: {  	p0 =	por $0x1, $0x1  }
0x1ad: {  	[tilespmem:s29], [sflag:$0x1] =	stream.linear.gather [hbm4b:s30+s22], $0x40, $0x38;
	[tilespmem:$0x1A780] =	vst v63  }
.Ltmp1:
0x1ae: {  	s31 =	sadd.s32 $0x47C0, s23;
	s1 =	sadd.s32 s5, s1;
	(pc) =	sbr.rel @!p0 .LBB2_5-.Ltmp1, $4  }
0x1af: {  	[tilespmem:s31], [sflag:$0x1] =	stream.strided.gather [hbm4b:s1+s13], $0x0, s14, s13, $0x38;
	[tilespmem:$0x1A780] =	vst v63  }
0x1b0: {  	_ = 	snop  }
0x1b1: {  	[tilespmem:s31], [sflag:$0x1] =	stream.linear.gather [hbm4b:s1+s22], $0x40, $0x38;
	[tilespmem:$0x1A780] =	vst v63  }
0x1b2: {  	s0 =	simm.s32 $0x40;
	s1 =	simm.s32 $0x0  }
.LBB2_4:
0x1b3: {  	p0 =	sne.s32 s0, $0x31C0;
	[tilespmem:s1+$0x14000] =	vst v2;
	s1 =	smov.u32 s0;
	s0 =	sadd.s32 $0x40, s0  }
.Ltmp2:
0x1b4: {  	(pc) =	sbr.rel @p0 .LBB2_4-.Ltmp2, $2  }
0x1b5: {  	_ =	sdelay $0x2  }
0x1b6: {  	s1 =	sshra.s32 s1, $0x2  }
.LBB2_5:
0x1b7: {  	p1 =	por $0x1, $0x1  }
.Ltmp3:
0x1b8: {  	_ = 	snop;
	(pc) =	sbr.rel @!p1 .LBB2_6-.Ltmp3, $3  }
0x1b9: {  	_ =	sdelay $0x1  }
0x1ba: {  	[tilespmem:s1+$0x14000] =	vst v2  }
0x1bb: {  	s0 =	simm.s32 $0x10;
	p0 =	por $0x0, $0x0;
	v6 =	vld [tilespmem:s22+$0x0]  }
0x1bc: {  	_ =	sdelay $0x3  }
0x1bd: {  	vm1 =	vge.s32 v6, v0;
	vm2 =	vlt.s32 v6, v1  }
0x1be: {  	vm1 =	vmand vm1, vm2  }
0x1bf: {  	v7 =	vsel vm1, $0x1, v4  }
0x1c0: {  	(xrf0) =	vadd.scan.msk.s32 $0xffff, v7;
	_ =	sdelay $0x3  }
0x1c1: {  	p1 =	por $0x1, $0x1  }
.Ltmp4:
0x1c2: {  	v6 =	vshll.u32 v6, $0xE;
	(pc) =	sbr.rel @!p1 .LBB2_8-.Ltmp4, $4  }
0x1c3: {  	v6 =	vadd.s32 s22, v6;
	v7, _, _ =	vpop (xrf0)  }
0x1c4: {  	v6 =	vadd.s32 v3, v6;
	(v2sf) =	vpush v7, $0xF  }
0x1c5: {  	s3 =	simm.s32 $0x20;
	[tilespmem:s22+$0x14C80] =	vst.msk vm1, v6  }
0x1c6: {  	p0 =	por $0x1, $0x1;
	s1 =	simm.s32 $0x0;
	s6 =	simm.s32 $0x10;
	v6 =	vld [tilespmem:s0+$0x0]  }
.LBB2_9:
0x1c7: {  	p1 =	sne.s32 s3, $0x3FF0;
	_ =	sdelay $0x3  }
0x1c8: {  	vm1 =	vge.s32 v6, v0;
	vm2 =	vlt.s32 v6, v1;
	v6 =	vshll.u32 v6, $0xE  }
0x1c9: {  	vm1 =	vmand vm1, vm2  }
0x1ca: {  	v7 =	vsel vm1, $0x1, v4  }
0x1cb: {  	(xrf0) =	vadd.scan.msk.s32 $0xffff, v7;
	_ =	sdelay $0x4  }
.Ltmp5:
0x1cc: {  	v6 =	vadd.s32 s0, v6;
	s0 =	smov.u32 s3;
	s7 =	spop (v2sf);
	(pc) =	sbr.rel @p1 .LBB2_9-.Ltmp5, $4  }
0x1cd: {  	v6 =	vadd.s32 v3, v6;
	v7, _, _ =	vpop (xrf0);
	s1 =	sadd.s32 s1, s7  }
0x1ce: {  	[tilespmem:s1+$0x14C80] =	vst.msk vm1, v6;
	(v2sf) =	vpush v7, $0xF  }
0x1cf: {  	s6 =	sadd.s32 $0x10, s6  }
0x1d0: {  	s3 =	sadd.s32 $0x10, s3;
	v6 =	vld [tilespmem:s6+$0x0]  }
.LBB2_10:
0x1d1: {  	_ =	sdelay $0x3  }
0x1d2: {  	vm1 =	vge.s32 v6, v0;
	vm2 =	vlt.s32 v6, v1  }
0x1d3: {  	vm1 =	vmand vm1, vm2  }
0x1d4: {  	v7 =	vsel vm1, $0x1, v4  }
0x1d5: {  	(xrf0) =	vadd.scan.msk.s32 $0xffff, v7;
	_ =	sdelay $0x5  }
0x1d6: {  	v7, _, _ =	vpop (xrf0)  }
0x1d7: {  	(v2sf) =	vpush v7, $0xF;
	_ =	sdelay $0xc  }
0x1d8: {  	s3 =	spop @p0 (v2sf)  }
0x1d9: {  	s1 =	sadd.s32 @p0 s1, s3  }
0x1da: {  	s22 =	smov.u32 @p0 s1;
	s29 =	spop (v2sf)  }
0x1db: {  	s1 =	sadd.s32 s22, s29  }
0x1dc: {  	v6 =	vshll.u32 v6, $0xE;
	p0 =	slt.s32 s1, $0x1;
	s6 =	sadd.s32 $0xF, s1  }
0x1dd: {  	v6 =	vadd.s32 s0, v6;
	s0 =	sadd.s32 @!p0 $0xFFFFFFFF, s1;
	s7 =	sand.u32 $0xF, s6  }
0x1de: {  	v6 =	vadd.s32 v3, v6;
	s30 =	sshra.s32 s6, $0x1F;
	p2 =	slt.s32 s6, $0x1;
	p1 =	sne.s32 s7, $0x0  }
0x1df: {  	[tilespmem:s22+$0x14C80] =	vst.msk vm1, v6;
	s3 =	sand.u32 @!p0 $0xFFFFFFF0, s0;
	s7 =	sshrl.u32 s30, $0x1C;
	p1 =	por !p2, !p1  }
0x1e0: {  	v8 =	vlaneseq.u32 @!p0;
	v6 =	vld @!p0 [tilespmem:s3+$0x14C80];
	s31 =	sadd.s32 s7, s6;
	s6 =	simm.s32 $0x1;
	p1 =	por !p1, !p1  }
0x1e1: {  	v7 =	vmov @!p0 s0;
	v8 =	vor.u32 @!p0 s3, v8;
	s0 =	sshra.s32 s31, $0x4;
	s6 =	simm.s32 @!p1 $0x0  }
0x1e2: {  	vm1 =	vlt.s32 @!p0 v8, s1;
	s1 =	ssub.s32 s0, s6  }
0x1e3: {  	p1 =	slt.s32 s1, $0x1  }
.Ltmp6:
0x1e4: {  	_ = 	snop;
	(pc) =	sbr.rel @p1 .LBB2_14-.Ltmp6, $3  }
0x1e5: {  	v7 =	vperm.xlane @!p0 v6, v7;
	_ =	sdelay $0x1  }
0x1e6: {  	v6 =	vsel @!p0 vm1, v6, v7  }
0x1e7: {  	s0 =	simm.s32 $0x14C80;
	[tilespmem:s3+$0x14C80] =	vst @!p0 v6  }
0x1e8: {  	p0 =	sne.s32 s1, $0x1  }
.Ltmp7:
0x1e9: {  	_ = 	snop;
	(pc) =	sbr.rel @!p0 .LBB2_13-.Ltmp7, $2  }
0x1ea: {  	_ =	sdelay $0x2  }
0x1eb: {  	v6 =	vld [tilespmem:s0+$0x0];
	s1 =	sadd.s32 $0xFFFFFFFF, s1  }
.LBB2_12:
0x1ec: {  	p0 =	sne.s32 s1, $0x1;
	_ =	sdelay $0x3  }
0x1ed: {  	v7 =	vxor.u32 $0x80000000, v6  }
0x1ee: {  	(xrf1) =	vsort.ascd.msk.u32 $0xffff, v7, v6;
	_ =	sdelay $0xd  }
0x1ef: {  	v6, _, _ =	vpop (xrf1)  }
0x1f0: {  	v7 =	vshrl.u32 v6, $0xE  }
0x1f1: {  	v8 =	vxor.u32 $0x20000, v7  }
0x1f2: {  	v9 =	vperm.xlane v8, v5;
	_ =	sdelay $0x1  }
0x1f3: {  	vm1 =	vne.s32 v8, v9;
	v8 =	vsub.s32 v8, v0  }
0x1f4: {  	v7 =	vand.u32 $0x7F, v7;
	vm1 =	vmor vm1, vm0;
	v8 =	vand.u32 $0xFFFFFF80, v8  }
0x1f5: {  	v7 =	vor.u32 v7, v8;
	_ =	sdelay $0x1  }
.Ltmp8:
0x1f6: {  	(pc) =	sbr.rel @p0 .LBB2_12-.Ltmp8, $4  }
0x1f7: {  	_ = 	snop  }
0x1f8: {  	v6 =	vand.u32 $0x3FFF, v6  }
0x1f9: {  	s0 =	sadd.s32 $0x10, s0;
	[tilespmem:v7+s16+$0x0] =	vst.idx.msk vm1, v6  }
0x1fa: {  	s1 =	sadd.s32 $0xFFFFFFFF, s1;
	v6 =	vld [tilespmem:s0+$0x0]  }
.LBB2_13:
0x1fb: {  	_ =	sdelay $0x3  }
0x1fc: {  	v7 =	vxor.u32 $0x80000000, v6  }
0x1fd: {  	(xrf1) =	vsort.ascd.msk.u32 $0xffff, v7, v6;
	_ =	sdelay $0xd  }
0x1fe: {  	v6, _, _ =	vpop (xrf1)  }
0x1ff: {  	v7 =	vshrl.u32 v6, $0xE  }
0x200: {  	v8 =	vxor.u32 $0x20000, v7  }
0x201: {  	v9 =	vperm.xlane v8, v5;
	_ =	sdelay $0x1  }
0x202: {  	vm1 =	vne.s32 v8, v9;
	v8 =	vsub.s32 v8, v0  }
0x203: {  	v7 =	vand.u32 $0x7F, v7;
	vm1 =	vmor vm1, vm0;
	v8 =	vand.u32 $0xFFFFFF80, v8  }
0x204: {  	v7 =	vor.u32 v7, v8;
	_ =	sdelay $0x3  }
0x205: {  	v6 =	vand.u32 $0x3FFF, v6  }
0x206: {  	[tilespmem:v7+s16+$0x0] =	vst.idx.msk vm1, v6  }
.LBB2_14:
0x207: {  	s0 =	simm.s32 $0x0  }
0x208: {  	v6 =	vld [tilespmem:s0+$0x14000];
	_ =	sdelay $0x4  }
0x209: {  	vm1 =	vgt.s32 v6, $0xFFFFFFFF  }
0x20a: {  	v7 =	vsel vm1, $0x1, v4  }
0x20b: {  	(xrf0) =	vadd.scan.msk.s32 $0xffff, v7;
	_ =	sdelay $0x5  }
0x20c: {  	v8, _, _ =	vpop (xrf0)  }
0x20d: {  	s0 =	simm.s32 $0x0;
	v7 =	vor.u32 s11, v3;
	(v2sf) =	vpush v8, $0xF  }
0x20e: {  	[tilespmem:s0+$0x18D00] =	vst.msk vm1, v7  }
0x20f: {  	s6 =	simm.s32 $0x10;
	s3 =	simm.s32 $0x80;
	s1 =	smov.u32 s11;
	[tilespmem:s0+$0x19A00] =	vst.msk vm1, v6  }
.LBB2_15:
0x210: {  	p0 =	sne.s32 s3, $0x31C0;
	v6 =	vld [tilespmem:s6+$0x14000];
	_ =	sdelay $0x4  }
0x211: {  	vm1 =	vgt.s32 v6, $0xFFFFFFFF  }
0x212: {  	v7 =	vsel vm1, $0x1, v4  }
0x213: {  	(xrf0) =	vadd.scan.msk.s32 $0xffff, v7;
	_ =	sdelay $0x4  }
.Ltmp9:
0x214: {  	s1 =	sadd.s32 $0x10, s1;
	s6 =	spop (v2sf);
	(pc) =	sbr.rel @p0 .LBB2_15-.Ltmp9, $4  }
0x215: {  	v7 =	vor.u32 s1, v3;
	v8, _, _ =	vpop (xrf0);
	s0 =	sadd.s32 s0, s6  }
0x216: {  	[tilespmem:s0+$0x18D00] =	vst.msk vm1, v7;
	(v2sf) =	vpush v8, $0xF  }
0x217: {  	[tilespmem:s0+$0x19A00] =	vst.msk vm1, v6  }
0x218: {  	s6 =	sshra.s32 s3, $0x2;
	s3 =	sadd.s32 $0x40, s3  }
0x219: {  	v6 =	vld [tilespmem:s6+$0x14000];
	_ =	sdelay $0x4  }
0x21a: {  	vm1 =	vgt.s32 v6, $0xFFFFFFFF  }
0x21b: {  	v7 =	vsel vm1, $0x1, v4  }
0x21c: {  	(xrf0) =	vadd.scan.msk.s32 $0xffff, v7;
	_ =	sdelay $0x5  }
0x21d: {  	v7, _, _ =	vpop (xrf0)  }
0x21e: {  	(v2sf) =	vpush v7, $0xF;
	_ =	sdelay $0xd  }
0x21f: {  	s1 =	sadd.s32 $0x10, s1;
	s3 =	spop (v2sf)  }
0x220: {  	s0 =	sadd.s32 s0, s3;
	v7 =	vor.u32 s1, v3;
	s23 =	spop (v2sf)  }
0x221: {  	[tilespmem:s0+$0x18D00] =	vst.msk vm1, v7;
	s1 =	sadd.s32 s0, s23  }
0x222: {  	[tilespmem:s0+$0x19A00] =	vst.msk vm1, v6;
	v6 =	vmov s1  }
0x223: {  	s24 =	rddreg [dreg:$0x5];
	s25 =	simm.s32 $0x18D00;
	[tilespmem:$0x1A700] =	vst v6  }
0x224: {  	[hbm4b:s24+s13] =	stream.strided.scatter [tilespmem:s25], [sflag:$0x2], $0xD00, s14, s13, $0x38;
	[tilespmem:$0x1A780] =	vst v63  }
0x225: {  	_ =	swait.ge [sflag:s12], $0xD00  }
0x226: {  	[sflag:s12] =	ssyncset.done $0x0  }
0x227: {  	s28 =	simm.s32 $0x19A00;
	s26 =	rddreg [dreg:$0x6];
	[sflag:s12] =	ssyncadd.s32 $0xFFFFF300  }
0x228: {  	[hbm4b:s26+s13] =	stream.strided.scatter [tilespmem:s28], [sflag:$0x2], $0xD00, s14, s13, $0x38;
	[tilespmem:$0x1A780] =	vst v63  }
0x229: {  	_ =	swait.ge [sflag:s12], $0xD00  }
0x22a: {  	[sflag:s12] =	ssyncset.done $0x0  }
0x22b: {  	s30 =	simm.s32 $0x1A700;
	s29 =	rddreg [dreg:$0x7];
	[sflag:s12] =	ssyncadd.s32 $0xFFFFF300  }
0x22c: {  	[hbm4b:s29+s4] =	stream.linear.scatter [tilespmem:s30], [sflag:$0x2], $0x80, $0x38;
	[tilespmem:$0x1A780] =	vst v63  }
0x22d: {  	_ =	swait.ge [sflag:s12], $0x80  }
0x22e: {  	[sflag:s12] =	ssyncset.done $0x0  }
0x22f: {  	[sflag:s12] =	ssyncadd.s32 $0xFFFFFF80  }
0x230: {  	_ =	swait.ge [sflag:s15], $0x10000  }
0x231: {  	s21 =	sadd.s32 $0x1, s21;
	[sflag:s15] =	ssyncset.done $0x0  }
0x232: {  	s31 =	simm.s32 $0x4000;
	p0 =	sne.s32 s21, s10;
	[sflag:s15] =	ssyncadd.s32 $0xFFFF0000  }
0x233: {  	[hbm4b:s9+s4] =	stream.linear.scatter [tilespmem:s31], [sflag:$0x2], $0x10000, $0x38;
	[tilespmem:$0x1A780] =	vst v63  }
.Ltmp10:
0x234: {  	_ = 	snop;
	(pc) =	sbr.rel @p0 .LBB2_1-.Ltmp10, $4  }
.Ltmp11:
0x235: {  	_ = 	snop;
	(pc) =	sbr.rel @!p0 .LBB2_17-.Ltmp11, $4  }
0x236: {  	_ =	swait.ge [sflag:s12], $0x10000  }
0x237: {  	[sflag:s12] =	ssyncset.done $0x0  }
0x238: {  	[sflag:s12] =	ssyncadd.s32 $0xFFFF0000  }
0x239: {  	_ = 	snop  }
.LBB2_6:
.Ltmp12:
0x23a: {  	(pc) =	sbr.rel .LBB2_10-.Ltmp12, $2  }
0x23b: {  	_ =	sdelay $0x2  }
0x23c: {  	s0 =	simm.s32 $0x0;
	s1 =	simm.s32 $0x0  }
.LBB2_8:
.Ltmp13:
0x23d: {  	(pc) =	sbr.rel .LBB2_10-.Ltmp13, $2  }
0x23e: {  	_ =	sdelay $0x2  }
0x23f: {  	s1 =	simm.s32 $0x0  }
.LBB2_17:
0x240: {  	_ =	sfence.sel $0x180000  }
0x241: {  	[bflag:$0x0] =	sbarrier.arrive $0xFFFF  }
0x242: {  	_ =	strace $0x90000047  }
0x243: {  	s0 =	stileid.u32;
	[bflag:$0x2] =	sbarrier.arrive $0xFFFF  }
0x244: {  	p0 =	sne.s32 s0, $0x0;
	s0 =	rddreg [dreg:$0x3]  }
0x245: {  	s0 =	sadd.s32 @!p0 $0x100000, s0  }
0x246: {  	[sflag:s0] =	ssyncadd.tile.s32 @!p0 $0x1;
	_ =	shalt  }
.Lfunc_end2:
_tile_overlayer_lowered:
.L_overlay_start_2:
0x247: {  	(tag) =	ssettag $0x2  }
0x248: {  	s0 =	rddreg [dreg:$0x0];
	s2 =	stileid.u32  }
0x249: {  	s1 =	rddreg [dreg:$0x1];
	p0 =	sne.s32 s2, $0x0  }
0x24a: {  	s3 =	rddreg [dreg:$0x2];
	[bflag:$0x3] =	sbarrier.arrive $0xFFFF;
	s2 =	simm.s32 @!p0 $0x1C02  }
0x24b: {  	[timem:s3], [sflag:s2] =	dma.local @!p0 [hbm:s0], s1  }
0x24c: {  	s0 =	simm.s32 @!p0 $0x2  }
0x24d: {  	_ =	swait.ge @!p0 [sflag:s0], s1  }
0x24e: {  	s1 =	ssub.s32 @!p0 $0x0, s1;
	[sflag:s0] =	ssyncset.done @!p0 $0x0  }
0x24f: {  	[sflag:s0] =	ssyncadd.s32 @!p0 s1  }
0x250: {  	[bflag:$0x3] =	sbarrier.arrive $0xFFFF  }
0x251: {  	_ =	shalt  }

// kernel: kernel.9.cloned.1.call-start
scs
__scs_entry_jumppad:
0x0: {  	(pc) =	sbr.rel $0x88, $3  }
0x1: {  	(tag) =	ssettag $0x0;
	lr =	simm.s32 $0x1  }
0x2: {  	[smem:$0x3F99] =	sst lr;
	_ =	strace $0xD0000000  }
0x3: {  	_ = 	snop  }
0x4: {  	_ = 	snop  }
0x5: {  	_ = 	snop  }
0x6: {  	_ = 	snop  }
0x7: {  	_ = 	snop  }
__scs_overlays_trampoline_lowered:
0x8: {  	[smem:$0x3FA8] =	sst s0  }
0x9: {  	[smem:$0x3FA9] =	sst s1  }
0xa: {  	[smem:$0x3FAA] =	sst s2  }
0xb: {  	[smem:$0x3FAB] =	sst s3  }
0xc: {  	[smem:$0x3FAC] =	sst s4  }
0xd: {  	[smem:$0x3FAD] =	sst s5  }
0xe: {  	[smem:$0x3FAE] =	sst s6  }
0xf: {  	[smem:$0x3FAF] =	sst s7  }
0x10: {  	[smem:$0x3FB0] =	sst s8  }
0x11: {  	[smem:$0x3FB1] =	sst s9;
	s0 =	simm.s32 @!p0 $0x0  }
0x12: {  	s1 =	sld [smem:$0x3F97];
	s0 =	simm.s32 @p0 $0x1  }
0x13: {  	[smem:$0x3FB2] =	sst s0;
	s0 =	simm.s32 @!p1 $0x0  }
0x14: {  	s2 =	sld [smem:$0x3F96];
	s0 =	simm.s32 @p1 $0x1  }
0x15: {  	[smem:$0x3FB3] =	sst s0;
	s0 =	simm.s32 @!p2 $0x0  }
0x16: {  	s3 =	sld [smem:$0x3FDB];
	s0 =	simm.s32 @p2 $0x1  }
0x17: {  	s4 =	simm.s32 $0x1BF5;
	[smem:$0x3FB5] =	sst s0  }
0x18: {  	s0 =	sld [smem:$0x3F98];
	_ =	swait.ge [sflag:s4], $0x0  }
0x19: {  	s7 =	sld [smem:$0x3F99]  }
0x1a: {  	s8 =	sadd.s32 $0xFFFFE003, lr  }
0x1b: {  	s9 =	sadd.s32 $0xFFFFFEF7, lr;
	s5 =	simm.s32 $0xFFFFFFFF;
	p2 =	slt.u32 s8, $0xFFFFF086  }
0x1c: {  	p1 =	slt.u32 s9, $0xF7A;
	s5 =	simm.s32 @!p2 $0x0  }
0x1d: {  	s5 =	simm.s32 @p1 $0x1;
	p0 =	seq.s32 s7, s2  }
0x1e: {  	s7 =	smul.u32 @!p0 $0xF7A, s2;
	p2 =	seq.s32 @!p0 s5, $0x0  }
0x1f: {  	s9 =	smul.u32 $0xF7A, s1;
	s8 =	simm.s32 @!p0 $0x1BF5;
	p2 =	por !p2, p0  }
0x20: {  	[sflag:s8] =	ssyncset.s32 @!p0 $0xFFFFF086;
	s6 =	sadd.s32 @!p0 s3, s7;
	s7 =	simm.s32 @!p0 $0x108  }
0x21: {  	s3 =	sadd.s32 s3, s9;
	s6 =	sadd.s32 @!p0 $0x88, s6;
	s7 =	simm.s32 @p2 $0x1082  }
0x22: {  	[simem:s7], [sflag:s8] =	dma.local @!p0 [hbm:s6], $0xF7A  }
0x23: {  	s9 =	sor.u32 $0xD0000000, s2;
	s6 =	simm.s32 $0x108;
	_ =	swait.ge @!p0 [sflag:s8], $0x0  }
0x24: {  	s3 =	sadd.s32 $0x88, s3;
	s6 =	simm.s32 @!p1 $0x1082;
	[sflag:s4] =	ssyncset.s32 $0xFFFFF086  }
0x25: {  	[simem:s6], [sflag:s4] =	dma.local [hbm:s3], $0xF7A  }
0x26: {  	[smem:$0x3F99] =	sst s1;
	(tag) =	ssettag s2;
	_ =	strace s9  }
0x27: {  	s1 =	sld [smem:$0x3FA9]  }
0x28: {  	s2 =	sld [smem:$0x3FAA]  }
0x29: {  	s4 =	sld [smem:$0x3FAC]  }
0x2a: {  	p0 =	seq.s32 s5, $0x0;
	s5 =	sld [smem:$0x3FAD]  }
0x2b: {  	s6 =	sld [smem:$0x3FAE]  }
0x2c: {  	s7 =	sld [smem:$0x3FAF]  }
0x2d: {  	s3 =	simm.s32 $0x108;
	s8 =	sld [smem:$0x3FB0]  }
0x2e: {  	s3 =	simm.s32 @!p0 $0x1082;
	s9 =	sld [smem:$0x3FB1]  }
0x2f: {  	lr =	sadd.s32 s0, s3;
	s0 =	sld [smem:$0x3FA8]  }
0x30: {  	s3 =	sld [smem:$0x3FAB]  }
0x31: {  	[smem:$0x3FB4] =	sst s10  }
0x32: {  	s10 =	sld [smem:$0x3FB2];
	_ =	sdelay $0x3  }
0x33: {  	p0 =	seq.s32 s10, $0x1;
	s10 =	sld [smem:$0x3FB4];
	_ =	sdelay $0x3  }
0x34: {  	[smem:$0x3FB4] =	sst s10  }
0x35: {  	s10 =	sld [smem:$0x3FB3];
	_ =	sdelay $0x3  }
0x36: {  	p1 =	seq.s32 s10, $0x1;
	s10 =	sld [smem:$0x3FB4];
	_ =	sdelay $0x3  }
0x37: {  	[smem:$0x3FB4] =	sst s10  }
0x38: {  	s10 =	sld [smem:$0x3FB5]  }
0x39: {  	_ = 	snop;
	(pc) =	sbr.ind lr, $3  }
0x3a: {  	_ = 	snop  }
0x3b: {  	_ = 	snop  }
0x3c: {  	p2 =	seq.s32 s10, $0x1;
	s10 =	sld [smem:$0x3FB4]  }
0x3d: {  	_ =	shalt  }
0x3e: {  	_ =	shalt  }
0x3f: {  	_ =	shalt  }
0x40: {  	_ =	shalt  }
0x41: {  	_ =	shalt  }
0x42: {  	_ =	shalt  }
0x43: {  	_ =	shalt  }
0x44: {  	_ =	shalt  }
0x45: {  	_ =	shalt  }
0x46: {  	_ =	shalt  }
0x47: {  	_ =	shalt  }
0x48: {  	_ =	shalt  }
0x49: {  	_ =	shalt  }
0x4a: {  	_ =	shalt  }
0x4b: {  	_ =	shalt  }
0x4c: {  	_ =	shalt  }
0x4d: {  	_ =	shalt  }
0x4e: {  	_ =	shalt  }
0x4f: {  	_ =	shalt  }
0x50: {  	_ =	shalt  }
0x51: {  	_ =	shalt  }
0x52: {  	_ =	shalt  }
0x53: {  	_ =	shalt  }
0x54: {  	_ =	shalt  }
0x55: {  	_ =	shalt  }
0x56: {  	_ =	shalt  }
0x57: {  	_ =	shalt  }
0x58: {  	_ =	shalt  }
0x59: {  	_ =	shalt  }
0x5a: {  	_ =	shalt  }
0x5b: {  	_ =	shalt  }
0x5c: {  	_ =	shalt  }
0x5d: {  	_ =	shalt  }
0x5e: {  	_ =	shalt  }
0x5f: {  	_ =	shalt  }
0x60: {  	_ =	shalt  }
0x61: {  	_ =	shalt  }
0x62: {  	_ =	shalt  }
0x63: {  	_ =	shalt  }
0x64: {  	_ =	shalt  }
0x65: {  	_ =	shalt  }
0x66: {  	_ =	shalt  }
0x67: {  	_ =	shalt  }
0x68: {  	_ =	shalt  }
0x69: {  	_ =	shalt  }
0x6a: {  	_ =	shalt  }
0x6b: {  	_ =	shalt  }
0x6c: {  	_ =	shalt  }
0x6d: {  	_ =	shalt  }
0x6e: {  	_ =	shalt  }
0x6f: {  	_ =	shalt  }
0x70: {  	_ =	shalt  }
0x71: {  	_ =	shalt  }
0x72: {  	_ =	shalt  }
0x73: {  	_ =	shalt  }
0x74: {  	_ =	shalt  }
0x75: {  	_ =	shalt  }
0x76: {  	_ =	shalt  }
0x77: {  	_ =	shalt  }
0x78: {  	_ =	shalt  }
0x79: {  	_ =	shalt  }
0x7a: {  	_ =	shalt  }
0x7b: {  	_ =	shalt  }
0x7c: {  	_ =	shalt  }
0x7d: {  	_ =	shalt  }
0x7e: {  	_ =	shalt  }
0x7f: {  	_ =	shalt  }
0x80: {  	_ =	shalt  }
0x81: {  	_ =	shalt  }
0x82: {  	_ =	shalt  }
0x83: {  	_ =	shalt  }
0x84: {  	_ =	shalt  }
0x85: {  	_ =	shalt  }
0x86: {  	_ =	shalt  }
0x87: {  	_ =	shalt  }
.Lfunc_end0:
.L_simem_size_0:
called_computation.1_lowered:
.L_overlay_start_0:
0x88: {  	s2 =	sld [smem:$0x3FD9]  }
0x89: {  	s3 =	sld [smem:$0x3FFE];
	_ =	sdelay $0x1  }
0x8a: {  	s1 =	srdreg.scid  }
0x8b: {  	s0 =	sand.u32 $0x1, s1  }
0x8c: {  	s17 =	sshll.u32 s0, $0xA;
	s2 =	sadd.s32 s3, s2  }
0x8d: {  	s2 =	sadd.s32 s2, s17  }
0x8e: {  	[smem:$0x3FC0] =	sst s2  }
0x8f: {  	_ = 	snop  }
0x90: {  	s2 =	sld [smem:$0x3FD0];
	(tm) =	ssettm $0x1  }
0x91: {  	s18 =	sld [smem:$0x3FFB];
	_ =	sdelay $0x3  }
0x92: {  	_ =	strace s18  }
0x93: {  	s3 =	sld [smem:$0x3FFC];
	_ =	sdelay $0x3  }
0x94: {  	_ =	strace s3  }
0x95: {  	s3 =	sld [smem:$0x3FFD];
	_ =	sdelay $0x3  }
0x96: {  	_ =	strace s3  }
0x97: {  	_ =	strace $0x8FFFFFFF  }
0x98: {  	s19 =	sld [smem:$0x3FDB];
	_ =	sdelay $0x1  }
0x99: {  	s4 =	simm.s32 $_scs_section_size  }
0x9a: {  	s5 =	simm.s32 $_size__tile_overlayer_lowered;
	s6 =	simm.s32 $_tile_overlayer_lowered  }
0x9b: {  	s22 =	simm.s32 $0x1BFF;
	s21 =	sshll.u32 s6, $0x1;
	s3 =	sadd.s32 s4, s19  }
0x9c: {  	s7 =	simm.s32 $0x0;
	s20 =	sshll.u32 s5, $0x1;
	s5 =	sadd.s32 s21, s3  }
0x9d: {  	[timem:s7], [sflag:s22] =	dma.local [hbm:s5], s20  }
0x9e: {  	_ =	swait.ge [sflag:s22], s20  }
0x9f: {  	s4 =	ssub.s32 $0x0, s20;
	[sflag:s22] =	ssyncset.done $0x0  }
0xa0: {  	[sflag:s22] =	ssyncadd.s32 s4;
	_ =	sdelay $0x1  }
0xa1: {  	s23 =	simm.s32 $0x1B8B  }
0xa2: {  	_ =	swait.ge [sflag:s23], $0x1  }
0xa3: {  	[sflag:s23] =	ssyncset.done $0x0  }
0xa4: {  	s25 =	simm.s32 $0x1B8E;
	s24 =	sld [smem:$0x3FFE];
	[sflag:s23] =	ssyncadd.s32 $0xFFFFFFFF  }
0xa5: {  	s26 =	simm.s32 $execute0_lowered;
	[smem:$0x3FD2] =	sst s25  }
0xa6: {  	s5 =	sshll.u32 s26, $0x1;
	_ =	strace $0x80000049;
	[dreg:$0x1] =	wrdreg $0xFFFFFFFF  }
0xa7: {  	s28 =	simm.s32 $_size_execute0_lowered;
	s3 =	sadd.s32 s3, s5;
	[dreg:$0x0] =	wrdreg $0x0  }
0xa8: {  	s5 =	sshll.u32 s28, $0x1;
	[dreg:$0x2] =	wrdreg s3  }
0xa9: {  	[dreg:$0x3] =	wrdreg s5  }
0xaa: {  	[dreg:$0x4] =	wrdreg $0xC0  }
0xab: {  	_ =	task [dreg:s7], $0x5FFFF  }
0xac: {  	[dreg:$0x1] =	wrdreg $0xFFFFFFFF  }
0xad: {  	[dreg:$0x0] =	wrdreg $0x60  }
0xae: {  	[dreg:$0x2] =	wrdreg s2  }
0xaf: {  	[dreg:$0x3] =	wrdreg s24  }
0xb0: {  	[dreg:$0x4] =	wrdreg $0x9  }
0xb1: {  	_ =	task.clear_ibuf [dreg:s7], $0x5FFFF;
	_ =	strace $0x90000049  }
0xb2: {  	s29 =	simm.s32 $0x9;
	_ =	strace $0x8000004B  }
0xb3: {  	_ =	swait.ge [sflag:s29], $0x1  }
0xb4: {  	[sflag:s29] =	ssyncadd.s32 $0xFFFFFFFF  }
0xb5: {  	_ =	strace $0x9000004B  }
0xb6: {  	_ =	sfence  }
0xb7: {  	s30 =	sld [smem:$0x0];
	_ =	sdelay $0x2  }
0xb8: {  	s31 =	sshll.u32 s1, $0xD;
	s1 =	sshrl.u32 s1, $0x2  }
0xb9: {  	s3 =	sand.u32 $0x4000, s31;
	s1 =	sadd.s32 s1, s30  }
0xba: {  	s0 =	sor.u32 s3, s0;
	s1 =	sshll.u32 s1, $0x11  }
0xbb: {  	s0 =	sor.u32 s1, s0  }
0xbc: {  	s0 =	sadd.s32 $0x8F2B, s0  }
0xbd: {  	[sflag:s0] =	ssyncadd.remote.s32 $0x1  }
0xbe: {  	_ =	sfence.sel $0xFFFF  }
0xbf: {  	[dreg:$0x0] =	wrdreg $0xFFFFFFFF;
	(pc) =	sbr.abs _section_cstart, $3  }
0xc0: {  	[dreg:$0x1] =	wrdreg $0xFFFFFFFF  }
0xc1: {  	_ =	task.clear_ibuf [dreg:s7], $0x2FFFF;
	_ =	strace $0x9FFFFFFF  }
0xc2: {  	(tm) =	ssettm $0x7FFFFFFF  }
0xc3: {  	_ =	shalt  }
tec
execute0_lowered:
.L_overlay_start_1:
0x0: {  	(tag) =	ssettag $0x1  }
0x1: {  	s2 =	rddreg [dreg:$0x0]  }
0x2: {  	s0 =	rddreg [dreg:$0x1]  }
0x3: {  	s1 =	srdreg.scid;
	s3 =	stileid.u32  }
0x4: {  	s1 =	sand.u32 $0x1, s1;
	s4 =	sshrl.u32 s3, $0x2;
	s3 =	sshll.u32 s3, $0x8  }
0x5: {  	s5 =	sshll.u32 s1, $0x7;
	s6 =	sand.u32 $0x300, s3;
	s7 =	smul.u32 $0x6800, s4  }
0x6: {  	s3 =	simm.s32 $0x0;
	s4 =	sshll.u32 s4, $0xA;
	s5 =	sor.u32 s5, s6  }
0x7: {  	s1 =	ssub.s32 $0x2, s1;
	[smem:$0x7FF] =	sst s3;
	s6 =	sor.u32 s7, s5  }
0x8: {  	s28 =	sshrl.u32 s1, $0x1;
	s4 =	sor.u32 s4, s5;
	s25 =	sshrl.u32 s6, $0x3  }
0x9: {  	_ =	strace $0x8000004A;
	s4 =	sshrl.u32 s4, $0x3;
	s5 =	sadd.s32 s25, s0  }
.Ltmp0:
0xa: {  	s26 =	sadd.s32 s4, s0;
	s29 =	sadd.s32 $0x1C8600, s5;
	(pc) =	sbr.rel .LBB2_1-.Ltmp0, $4  }
0xb: {  	s4 =	sadd.s32 $0x1CF000, s0;
	s30 =	sadd.s32 $0x1CBA00, s5;
	[dreg:$0x3] =	wrdreg s29  }
0xc: {  	s0 =	ssub.s32 s1, s28;
	s31 =	sadd.s32 $0x1CEE00, s26;
	[dreg:$0x4] =	wrdreg s30  }
0xd: {  	s9 =	simm.s32 $0x80;
	s0 =	smax.u32 s0, $0x1;
	[dreg:$0x5] =	wrdreg s31  }
0xe: {  	s10 =	simm.s32 $0x400;
	v0 =	vlaneseq.u32;
	s1 =	simm.s32 $0x0;
	[dreg:$0x6] =	wrdreg s0  }
.LBB2_8:
0xf: {  	s1 =	rddreg [dreg:$0x7]  }
0x10: {  	s0 =	rddreg [dreg:$0x6];
	s1 =	sadd.s32 $0x1, s1  }
0x11: {  	p0 =	sne.s32 s1, s0  }
.Ltmp1:
0x12: {  	_ = 	snop;
	(pc) =	sbr.rel @!p0 .LBB2_9-.Ltmp1, $1  }
0x13: {  	_ =	sdelay $0x3  }
.LBB2_1:
0x14: {  	[dreg:$0x7] =	wrdreg s1  }
0x15: {  	s0 =	rddreg [dreg:$0x3];
	s24 =	simm.s32 $0x3  }
0x16: {  	[tilespmem:s3], [sflag:$0x3] =	stream.strided.gather [hbm4b:s0+s9], $0xD00, s10, s9, $0x38;
	[tilespmem:$0x5A80] =	vst v63  }
0x17: {  	_ =	swait.ge [sflag:s24], $0xD00  }
0x18: {  	[sflag:s24] =	ssyncset.done $0x0  }
0x19: {  	s5 =	simm.s32 $0xD00;
	s25 =	rddreg [dreg:$0x4];
	[sflag:s24] =	ssyncadd.s32 $0xFFFFF300  }
0x1a: {  	[tilespmem:s5], [sflag:$0x3] =	stream.strided.gather [hbm4b:s25+s9], $0xD00, s10, s9, $0x38;
	[tilespmem:$0x5A80] =	vst v63  }
0x1b: {  	_ =	swait.ge [sflag:s24], $0xD00  }
0x1c: {  	[sflag:s24] =	ssyncset.done $0x0  }
0x1d: {  	s28 =	simm.s32 $0x1A00;
	s26 =	rddreg [dreg:$0x5];
	[sflag:s24] =	ssyncadd.s32 $0xFFFFF300  }
0x1e: {  	[tilespmem:s28], [sflag:$0x3] =	stream.linear.gather [hbm4b:s26+s3], $0x80, $0x38;
	[tilespmem:$0x5A80] =	vst v63  }
0x1f: {  	_ =	swait.ge [sflag:s24], $0x80  }
0x20: {  	[sflag:s24] =	ssyncset.done $0x0  }
0x21: {  	[sflag:s24] =	ssyncadd.s32 $0xFFFFFF80  }
0x22: {  	v2 =	vld [tilespmem:$0x1A00];
	_ =	sdelay $0x4  }
0x23: {  	(v2sf) =	vpush v2, $0x0;
	_ =	sdelay $0xe  }
0x24: {  	s29 =	spop (v2sf)  }
0x25: {  	s0 =	sadd.s32 $0x7F, s29  }
0x26: {  	s30 =	sand.u32 $0x7F, s0  }
0x27: {  	s31 =	sshra.s32 s0, $0x1F;
	p1 =	slt.s32 s0, $0x1;
	p0 =	sne.s32 s30, $0x0  }
0x28: {  	s1 =	sshrl.u32 s31, $0x19;
	p0 =	por !p1, !p0  }
0x29: {  	s0 =	sadd.s32 s1, s0;
	s1 =	simm.s32 $0x1;
	p0 =	por !p0, !p0  }
0x2a: {  	s0 =	sshra.s32 s0, $0x7;
	s1 =	simm.s32 @!p0 $0x0  }
0x2b: {  	s0 =	ssub.s32 s0, s1  }
0x2c: {  	p0 =	slt.s32 s0, $0x1  }
.Ltmp2:
0x2d: {  	_ = 	snop;
	(pc) =	sbr.rel @p0 .LBB2_8-.Ltmp2, $2  }
0x2e: {  	_ =	sdelay $0x2  }
0x2f: {  	[dreg:$0x8] =	wrdreg s0  }
0x30: {  	v1 =	vld.msk [tilespmem:$0xD00 ss:$0x0], $0xffff;
	s18 =	simm.s32 $0xD00  }
0x31: {  	v2 =	vbroadcast v2, $0x0;
	s19 =	simm.s32 $0x0;
	v3 =	vld.msk [tilespmem:$0x0 ss:$0x0], $0xffff;
	s20 =	simm.s32 $0x0;
	s1 =	simm.s32 $0x0  }
.LBB2_3:
0x32: {  	v4 =	vld [tilespmem:s18+$0x0];
	_ =	sdelay $0x2  }
0x33: {  	v5 =	vor.u32 s20, v0  }
0x34: {  	vm0 =	vlt.s32 v5, v2  }
0x35: {  	v4 =	vsel vm0, v4, v1  }
0x36: {  	v4 =	vshll.u32 v4, $0x4  }
0x37: {  	(v2sf) =	vpush v4, $0x0  }
0x38: {  	(v2sf) =	vpush v4, $0x1  }
0x39: {  	(v2sf) =	vpush v4, $0x2;
	_ =	sdelay $0x1  }
0x3a: {  	(v2sf) =	vpush v4, $0x4;
	_ =	sdelay $0x1  }
0x3b: {  	(v2sf) =	vpush v4, $0x3  }
0x3c: {  	[dreg:$0x9] =	wrdreg s1;
	s23 =	simm.s32 $0x2000;
	(v2sf) =	vpush v4, $0x5  }
0x3d: {  	s22 =	simm.s32 $0x0;
	s24 =	smov.u32 s18;
	s25 =	smov.u32 s20;
	(v2sf) =	vpush v4, $0x6  }
.LBB2_4:
0x3e: {  	s12 =	sadd.s32 $0x1B00, s22  }
0x3f: {  	s0 =	sadd.s32 $0x2000, s22;
	s24 =	sadd.s32 $0x10, s24;
	s26 =	smov.u32 s23  }
0x40: {  	p0 =	sne.s32 s23, $0xE000;
	s5 =	sadd.s32 $0x1E00, s22;
	s28 =	sadd.s32 $0x2080, s22;
	(v2sf) =	vpush v4, $0x7  }
0x41: {  	s8 =	sadd.s32 $0x1D00, s22;
	s1 =	sadd.s32 $0x1E80, s22;
	s29 =	sadd.s32 $0x2100, s22  }
0x42: {  	s23 =	sadd.s32 $0x2000, s23;
	s13 =	sadd.s32 $0x1A80, s22;
	s16 =	sadd.s32 $0x1C80, s22;
	(v2sf) =	vpush v4, $0x8  }
0x43: {  	s11 =	sadd.s32 $0x1D80, s22;
	s25 =	sadd.s32 $0x10, s25  }
0x44: {  	s30 =	sadd.s32 $0x1B80, s22;
	s6 =	sadd.s32 $0x1F80, s22;
	v5 =	vor.u32 s25, v0;
	s7 =	spop (v2sf);
	(v2sf) =	vpush v4, $0x9  }
0x45: {  	vm1 =	vlt.s32 v5, v2;
	s31 =	sand.u32 $0x1FFFFFF0, s7;
	s7 =	sadd.s32 $0x1F00, s22;
	s17 =	spop (v2sf)  }
0x46: {  	s31 =	sadd.s32 s2, s31;
	s17 =	sand.u32 $0x1FFFFFF0, s17;
	s14 =	spop (v2sf);
	(v2sf) =	vpush v4, $0xA  }
0x47: {  	[tilespmem:s13], [sflag:$0x1] =	stream.linear.gather [hbm4b:s31+s3], $0x80, $0x38;
	[tilespmem:$0x5A80] =	vst v63  }
0x48: {  	s13 =	sadd.s32 s2, s17;
	s17 =	sadd.s32 $0x1C00, s22;
	s31 =	spop (v2sf);
	(v2sf) =	vpush v4, $0xB  }
0x49: {  	[tilespmem:s12], [sflag:$0x1] =	stream.linear.gather [hbm4b:s13+s3], $0x80, $0x38;
	[tilespmem:$0x5A80] =	vst v63  }
0x4a: {  	s12 =	sand.u32 $0x1FFFFFF0, s14;
	s13 =	sand.u32 $0x1FFFFFF0, s31;
	s14 =	spop (v2sf);
	(v2sf) =	vpush v4, $0xC  }
0x4b: {  	s12 =	sadd.s32 s2, s12;
	s14 =	sand.u32 $0x1FFFFFF0, s14;
	s31 =	spop (v2sf)  }
0x4c: {  	[tilespmem:s30], [sflag:$0x1] =	stream.linear.gather [hbm4b:s12+s3], $0x80, $0x38;
	(v2sf) =	vpush v4, $0xD;
	[tilespmem:$0x5A80] =	vst v63  }
0x4d: {  	s12 =	sadd.s32 s2, s14;
	s14 =	sand.u32 $0x1FFFFFF0, s31;
	s30 =	spop (v2sf)  }
0x4e: {  	[tilespmem:s17], [sflag:$0x1] =	stream.linear.gather [hbm4b:s12+s3], $0x80, $0x38;
	(v2sf) =	vpush v4, $0xE;
	[tilespmem:$0x5A80] =	vst v63  }
0x4f: {  	s12 =	sadd.s32 s2, s13;
	s13 =	sand.u32 $0x1FFFFFF0, s30;
	s17 =	spop (v2sf)  }
0x50: {  	[tilespmem:s16], [sflag:$0x1] =	stream.linear.gather [hbm4b:s12+s3], $0x80, $0x38;
	(v2sf) =	vpush v4, $0xF;
	[tilespmem:$0x5A80] =	vst v63  }
0x51: {  	s12 =	sadd.s32 s2, s14;
	s14 =	sand.u32 $0x1FFFFFF0, s17;
	s16 =	spop (v2sf)  }
0x52: {  	[tilespmem:s8], [sflag:$0x1] =	stream.linear.gather [hbm4b:s12+s3], $0x80, $0x38;
	[tilespmem:$0x5A80] =	vst v63  }
0x53: {  	s8 =	sadd.s32 s2, s13;
	s12 =	sand.u32 $0x1FFFFFF0, s16;
	s13 =	spop (v2sf)  }
0x54: {  	[tilespmem:s11], [sflag:$0x1] =	stream.linear.gather [hbm4b:s8+s3], $0x80, $0x38;
	[tilespmem:$0x5A80] =	vst v63  }
0x55: {  	s8 =	sadd.s32 s2, s14;
	s11 =	sand.u32 $0x1FFFFFF0, s13;
	s13 =	spop (v2sf)  }
0x56: {  	[tilespmem:s5], [sflag:$0x1] =	stream.linear.gather [hbm4b:s8+s3], $0x80, $0x38;
	[tilespmem:$0x5A80] =	vst v63  }
0x57: {  	s5 =	sadd.s32 s2, s12;
	s8 =	sand.u32 $0x1FFFFFF0, s13;
	s12 =	spop (v2sf)  }
0x58: {  	[tilespmem:s1], [sflag:$0x1] =	stream.linear.gather [hbm4b:s5+s3], $0x80, $0x38;
	[tilespmem:$0x5A80] =	vst v63  }
0x59: {  	s1 =	sadd.s32 s2, s11;
	s5 =	sand.u32 $0x1FFFFFF0, s12;
	s11 =	spop (v2sf)  }
0x5a: {  	[tilespmem:s7], [sflag:$0x1] =	stream.linear.gather [hbm4b:s1+s3], $0x80, $0x38;
	[tilespmem:$0x5A80] =	vst v63  }
0x5b: {  	s1 =	sadd.s32 s2, s8;
	s7 =	sand.u32 $0x1FFFFFF0, s11;
	s8 =	spop (v2sf)  }
0x5c: {  	[tilespmem:s6], [sflag:$0x1] =	stream.linear.gather [hbm4b:s1+s3], $0x80, $0x38;
	[tilespmem:$0x5A80] =	vst v63  }
0x5d: {  	s1 =	sadd.s32 s2, s5;
	s5 =	sand.u32 $0x1FFFFFF0, s8;
	s6 =	spop (v2sf)  }
0x5e: {  	[tilespmem:s0], [sflag:$0x1] =	stream.linear.gather [hbm4b:s1+s3], $0x80, $0x38;
	[tilespmem:$0x5A80] =	vst v63  }
0x5f: {  	s0 =	sadd.s32 s2, s7;
	s1 =	sand.u32 $0x1FFFFFF0, s6;
	s6 =	spop (v2sf)  }
0x60: {  	[tilespmem:s28], [sflag:$0x1] =	stream.linear.gather [hbm4b:s0+s3], $0x80, $0x38;
	[tilespmem:$0x5A80] =	vst v63  }
0x61: {  	s0 =	sadd.s32 s2, s5;
	s5 =	sand.u32 $0x1FFFFFF0, s6  }
0x62: {  	[tilespmem:s29], [sflag:$0x1] =	stream.linear.gather [hbm4b:s0+s3], $0x80, $0x38;
	[tilespmem:$0x5A80] =	vst v63  }
0x63: {  	s1 =	sadd.s32 s2, s1;
	s0 =	sadd.s32 $0x2180, s22  }
0x64: {  	[tilespmem:s0], [sflag:$0x1] =	stream.linear.gather [hbm4b:s1+s3], $0x80, $0x38;
	[tilespmem:$0x5A80] =	vst v63  }
0x65: {  	s0 =	sadd.s32 $0x2200, s22;
	s1 =	sadd.s32 s2, s5  }
0x66: {  	[tilespmem:s0], [sflag:$0x1] =	stream.linear.gather [hbm4b:s1+s3], $0x80, $0x38;
	[tilespmem:$0x5A80] =	vst v63  }
0x67: {  	v4 =	vld [tilespmem:s24+$0x0];
	_ =	sdelay $0x4  }
0x68: {  	v4 =	vsel vm1, v4, v1  }
0x69: {  	v4 =	vshll.u32 v4, $0x4  }
0x6a: {  	(v2sf) =	vpush v4, $0x0  }
0x6b: {  	(v2sf) =	vpush v4, $0x1  }
0x6c: {  	(v2sf) =	vpush v4, $0x2;
	_ =	sdelay $0x1  }
0x6d: {  	(v2sf) =	vpush v4, $0x4  }
.Ltmp3:
0x6e: {  	(pc) =	sbr.rel @p0 .LBB2_4-.Ltmp3, $3  }
0x6f: {  	(v2sf) =	vpush v4, $0x3  }
0x70: {  	(v2sf) =	vpush v4, $0x5;
	_ =	sdelay $0x1  }
0x71: {  	s22 =	sshra.s32 s26, $0x2;
	(v2sf) =	vpush v4, $0x6  }
0x72: {  	_ =	sdelay $0x3  }
0x73: {  	s1 =	sadd.s32 $0x1A80, s22;
	s23 =	sadd.s32 $0x1B00, s22  }
0x74: {  	s29 =	sadd.s32 $0x1B80, s22;
	s30 =	sadd.s32 $0x1C00, s22;
	s0 =	spop (v2sf);
	(v2sf) =	vpush v4, $0x7  }
0x75: {  	s31 =	sadd.s32 $0x1C80, s22;
	s0 =	sand.u32 $0x1FFFFFF0, s0;
	s5 =	spop (v2sf)  }
0x76: {  	s0 =	sadd.s32 s2, s0;
	s5 =	sand.u32 $0x1FFFFFF0, s5;
	s6 =	spop (v2sf);
	(v2sf) =	vpush v4, $0x8  }
0x77: {  	[tilespmem:s1], [sflag:$0x1] =	stream.linear.gather [hbm4b:s0+s3], $0x80, $0x38;
	(v2sf) =	vpush v4, $0x9;
	[tilespmem:$0x5A80] =	vst v63  }
0x78: {  	s11 =	sadd.s32 $0x1D00, s22;
	s24 =	sadd.s32 s2, s5;
	s25 =	spop (v2sf)  }
0x79: {  	[tilespmem:s23], [sflag:$0x1] =	stream.linear.gather [hbm4b:s24+s3], $0x80, $0x38;
	[tilespmem:$0x5A80] =	vst v63  }
0x7a: {  	s13 =	sadd.s32 $0x1D80, s22;
	s26 =	sand.u32 $0x1FFFFFF0, s6;
	s28 =	spop (v2sf)  }
0x7b: {  	s15 =	sadd.s32 $0x1E00, s22;
	s0 =	sadd.s32 s2, s26;
	(v2sf) =	vpush v4, $0xA;
	s1 =	sand.u32 $0x1FFFFFF0, s28  }
0x7c: {  	[tilespmem:s29], [sflag:$0x1] =	stream.linear.gather [hbm4b:s0+s3], $0x80, $0x38;
	[tilespmem:$0x5A80] =	vst v63  }
0x7d: {  	s6 =	sand.u32 $0x1FFFFFF0, s25;
	(v2sf) =	vpush v4, $0xB;
	s7 =	spop (v2sf);
	s1 =	sadd.s32 s2, s1  }
0x7e: {  	(v2sf) =	vpush v4, $0xC;
	[tilespmem:s30], [sflag:$0x1] =	stream.linear.gather [hbm4b:s1+s3], $0x80, $0x38;
	[tilespmem:$0x5A80] =	vst v63  }
0x7f: {  	s5 =	sand.u32 $0x1FFFFFF0, s7;
	s8 =	spop (v2sf);
	s1 =	sadd.s32 s2, s6  }
0x80: {  	(v2sf) =	vpush v4, $0xD;
	[tilespmem:s31], [sflag:$0x1] =	stream.linear.gather [hbm4b:s1+s3], $0x80, $0x38;
	[tilespmem:$0x5A80] =	vst v63  }
0x81: {  	s23 =	sadd.s32 $0x1E80, s22;
	s5 =	sadd.s32 s2, s5;
	s12 =	sand.u32 $0x1FFFFFF0, s8  }
0x82: {  	(v2sf) =	vpush v4, $0xE;
	[tilespmem:s11], [sflag:$0x1] =	stream.linear.gather [hbm4b:s5+s3], $0x80, $0x38;
	[tilespmem:$0x5A80] =	vst v63  }
0x83: {  	s25 =	sadd.s32 $0x1F00, s22;
	s1 =	sadd.s32 s2, s12;
	s14 =	spop (v2sf)  }
0x84: {  	[tilespmem:s13], [sflag:$0x1] =	stream.linear.gather [hbm4b:s1+s3], $0x80, $0x38;
	(v2sf) =	vpush v4, $0xF;
	[tilespmem:$0x5A80] =	vst v63  }
0x85: {  	s28 =	sadd.s32 $0x1F80, s22;
	s16 =	sand.u32 $0x1FFFFFF0, s14;
	s17 =	spop (v2sf)  }
0x86: {  	s1 =	sadd.s32 s2, s16;
	s5 =	sand.u32 $0x1FFFFFF0, s17;
	s21 =	spop (v2sf)  }
0x87: {  	[tilespmem:s15], [sflag:$0x1] =	stream.linear.gather [hbm4b:s1+s3], $0x80, $0x38;
	[tilespmem:$0x5A80] =	vst v63  }
0x88: {  	s7 =	sadd.s32 $0x2000, s22;
	s24 =	sand.u32 $0x1FFFFFF0, s21;
	s5 =	sadd.s32 s2, s5  }
0x89: {  	[tilespmem:s23], [sflag:$0x1] =	stream.linear.gather [hbm4b:s5+s3], $0x80, $0x38;
	[tilespmem:$0x5A80] =	vst v63  }
0x8a: {  	s11 =	sadd.s32 $0x2080, s22;
	s1 =	sadd.s32 s2, s24;
	s26 =	spop (v2sf)  }
0x8b: {  	[tilespmem:s25], [sflag:$0x1] =	stream.linear.gather [hbm4b:s1+s3], $0x80, $0x38;
	[tilespmem:$0x5A80] =	vst v63  }
0x8c: {  	s13 =	sadd.s32 $0x2100, s22;
	s29 =	sand.u32 $0x1FFFFFF0, s26;
	s30 =	spop (v2sf)  }
0x8d: {  	s5 =	sand.u32 $0x1FFFFFF0, s30;
	s31 =	spop (v2sf);
	s1 =	sadd.s32 s2, s29  }
0x8e: {  	[tilespmem:s28], [sflag:$0x1] =	stream.linear.gather [hbm4b:s1+s3], $0x80, $0x38;
	[tilespmem:$0x5A80] =	vst v63  }
0x8f: {  	s8 =	sand.u32 $0x1FFFFFF0, s31;
	s5 =	sadd.s32 s2, s5;
	s12 =	spop (v2sf)  }
0x90: {  	[tilespmem:s7], [sflag:$0x1] =	stream.linear.gather [hbm4b:s5+s3], $0x80, $0x38;
	[tilespmem:$0x5A80] =	vst v63  }
0x91: {  	s1 =	sadd.s32 s2, s8;
	s14 =	sand.u32 $0x1FFFFFF0, s12;
	s15 =	spop (v2sf)  }
0x92: {  	[tilespmem:s11], [sflag:$0x1] =	stream.linear.gather [hbm4b:s1+s3], $0x80, $0x38;
	[tilespmem:$0x5A80] =	vst v63  }
0x93: {  	s5 =	sand.u32 $0x1FFFFFF0, s15;
	s1 =	sadd.s32 s2, s14;
	s16 =	spop (v2sf)  }
0x94: {  	[tilespmem:s13], [sflag:$0x1] =	stream.linear.gather [hbm4b:s1+s3], $0x80, $0x38;
	[tilespmem:$0x5A80] =	vst v63  }
0x95: {  	s21 =	sadd.s32 $0x2180, s22;
	s5 =	sadd.s32 s2, s5;
	s17 =	sand.u32 $0x1FFFFFF0, s16  }
0x96: {  	[tilespmem:s21], [sflag:$0x1] =	stream.linear.gather [hbm4b:s5+s3], $0x80, $0x38;
	[tilespmem:$0x5A80] =	vst v63  }
0x97: {  	s22 =	sadd.s32 $0x2200, s22;
	s23 =	simm.s32 $0x1;
	s0 =	sadd.s32 s2, s17  }
0x98: {  	[tilespmem:s22], [sflag:$0x1] =	stream.linear.gather [hbm4b:s0+s3], $0x80, $0x38;
	[tilespmem:$0x5A80] =	vst v63  }
0x99: {  	_ =	swait.ge [sflag:s23], $0x4000  }
0x9a: {  	[sflag:s23] =	ssyncset.done $0x0  }
0x9b: {  	[sflag:s23] =	ssyncadd.s32 $0xFFFFC000  }
0x9c: {  	v4 =	vld [tilespmem:s19+$0x0];
	_ =	sdelay $0x4  }
0x9d: {  	v4 =	vsel vm0, v4, v3  }
0x9e: {  	v4 =	vshll.u32 v4, $0x7  }
0x9f: {  	(v2sf) =	vpush v4, $0x0;
	_ =	sdelay $0x5  }
0xa0: {  	(v2sf) =	vpush v4, $0x1;
	_ =	sdelay $0x7  }
0xa1: {  	(v2sf) =	vpush v4, $0x2  }
0xa2: {  	s24 =	spop (v2sf)  }
0xa3: {  	s25 =	sshrl.u32 s24, $0x3  }
0xa4: {  	s26 =	simm.s32 $0x1A80;
	s0 =	sadd.s32 $0xC35000, s24;
	s1 =	sadd.s32 s4, s25  }
0xa5: {  	[hbm4b:s1+s9] =	stream.strided.scatter [tilespmem:s26], [sflag:$0x2], $0x0, s10, s9, $0x38;
	[tilespmem:$0x5A80] =	vst v63  }
0xa6: {  	s0 =	sshrl.u32 s0, $0x3  }
0xa7: {  	[hbm4b:s1+s3] =	stream.linear.scatter [tilespmem:s26], [sflag:$0x2], $0x40, $0x38;
	[tilespmem:$0x5A80] =	vst v63  }
0xa8: {  	s28 =	simm.s32 $0x1AC0;
	s29 =	spop (v2sf);
	s0 =	sadd.s32 s4, s0  }
0xa9: {  	(v2sf) =	vpush v4, $0x3;
	[hbm4b:s0+s9] =	stream.strided.scatter [tilespmem:s28], [sflag:$0x2], $0x0, s10, s9, $0x38;
	[tilespmem:$0x5A80] =	vst v63  }
0xaa: {  	s30 =	sshrl.u32 s29, $0x3  }
0xab: {  	[hbm4b:s0+s3] =	stream.linear.scatter [tilespmem:s28], [sflag:$0x2], $0x40, $0x38;
	[tilespmem:$0x5A80] =	vst v63  }
0xac: {  	s31 =	simm.s32 $0x1B00;
	s5 =	sadd.s32 $0xC35000, s29;
	s7 =	sadd.s32 s4, s30  }
0xad: {  	[hbm4b:s7+s9] =	stream.strided.scatter [tilespmem:s31], [sflag:$0x2], $0x0, s10, s9, $0x38;
	[tilespmem:$0x5A80] =	vst v63  }
0xae: {  	s1 =	sshrl.u32 s5, $0x3  }
0xaf: {  	[hbm4b:s7+s3] =	stream.linear.scatter [tilespmem:s31], [sflag:$0x2], $0x40, $0x38;
	[tilespmem:$0x5A80] =	vst v63  }
0xb0: {  	s11 =	simm.s32 $0x1B40;
	s8 =	spop (v2sf);
	s1 =	sadd.s32 s4, s1  }
0xb1: {  	(v2sf) =	vpush v4, $0x4;
	[hbm4b:s1+s9] =	stream.strided.scatter [tilespmem:s11], [sflag:$0x2], $0x0, s10, s9, $0x38;
	[tilespmem:$0x5A80] =	vst v63  }
0xb2: {  	s12 =	sshrl.u32 s8, $0x3  }
0xb3: {  	[hbm4b:s1+s3] =	stream.linear.scatter [tilespmem:s11], [sflag:$0x2], $0x40, $0x38;
	[tilespmem:$0x5A80] =	vst v63  }
0xb4: {  	s13 =	simm.s32 $0x1B80;
	s14 =	sadd.s32 s4, s12;
	s0 =	sadd.s32 $0xC35000, s8  }
0xb5: {  	[hbm4b:s14+s9] =	stream.strided.scatter [tilespmem:s13], [sflag:$0x2], $0x0, s10, s9, $0x38;
	[tilespmem:$0x5A80] =	vst v63  }
0xb6: {  	s0 =	sshrl.u32 s0, $0x3  }
0xb7: {  	[hbm4b:s14+s3] =	stream.linear.scatter [tilespmem:s13], [sflag:$0x2], $0x40, $0x38;
	[tilespmem:$0x5A80] =	vst v63  }
0xb8: {  	s16 =	simm.s32 $0x1BC0;
	s0 =	sadd.s32 s4, s0;
	s15 =	spop (v2sf)  }
0xb9: {  	(v2sf) =	vpush v4, $0x5;
	[hbm4b:s0+s9] =	stream.strided.scatter [tilespmem:s16], [sflag:$0x2], $0x0, s10, s9, $0x38;
	[tilespmem:$0x5A80] =	vst v63  }
0xba: {  	s17 =	sshrl.u32 s15, $0x3  }
0xbb: {  	[hbm4b:s0+s3] =	stream.linear.scatter [tilespmem:s16], [sflag:$0x2], $0x40, $0x38;
	[tilespmem:$0x5A80] =	vst v63  }
0xbc: {  	s21 =	simm.s32 $0x1C00;
	s1 =	sadd.s32 $0xC35000, s15;
	s22 =	sadd.s32 s4, s17  }
0xbd: {  	[hbm4b:s22+s9] =	stream.strided.scatter [tilespmem:s21], [sflag:$0x2], $0x0, s10, s9, $0x38;
	[tilespmem:$0x5A80] =	vst v63  }
0xbe: {  	s1 =	sshrl.u32 s1, $0x3  }
0xbf: {  	[hbm4b:s22+s3] =	stream.linear.scatter [tilespmem:s21], [sflag:$0x2], $0x40, $0x38;
	[tilespmem:$0x5A80] =	vst v63  }
0xc0: {  	s24 =	simm.s32 $0x1C40;
	s23 =	spop (v2sf);
	s1 =	sadd.s32 s4, s1  }
0xc1: {  	(v2sf) =	vpush v4, $0x6;
	[hbm4b:s1+s9] =	stream.strided.scatter [tilespmem:s24], [sflag:$0x2], $0x0, s10, s9, $0x38;
	[tilespmem:$0x5A80] =	vst v63  }
0xc2: {  	s25 =	sshrl.u32 s23, $0x3  }
0xc3: {  	[hbm4b:s1+s3] =	stream.linear.scatter [tilespmem:s24], [sflag:$0x2], $0x40, $0x38;
	[tilespmem:$0x5A80] =	vst v63  }
0xc4: {  	s28 =	simm.s32 $0x1C80;
	s26 =	sadd.s32 s4, s25;
	s0 =	sadd.s32 $0xC35000, s23  }
0xc5: {  	[hbm4b:s26+s9] =	stream.strided.scatter [tilespmem:s28], [sflag:$0x2], $0x0, s10, s9, $0x38;
	[tilespmem:$0x5A80] =	vst v63  }
0xc6: {  	s0 =	sshrl.u32 s0, $0x3  }
0xc7: {  	[hbm4b:s26+s3] =	stream.linear.scatter [tilespmem:s28], [sflag:$0x2], $0x40, $0x38;
	[tilespmem:$0x5A80] =	vst v63  }
0xc8: {  	s30 =	simm.s32 $0x1CC0;
	s0 =	sadd.s32 s4, s0;
	s29 =	spop (v2sf)  }
0xc9: {  	(v2sf) =	vpush v4, $0x7;
	[hbm4b:s0+s9] =	stream.strided.scatter [tilespmem:s30], [sflag:$0x2], $0x0, s10, s9, $0x38;
	[tilespmem:$0x5A80] =	vst v63  }
0xca: {  	s31 =	sshrl.u32 s29, $0x3  }
0xcb: {  	[hbm4b:s0+s3] =	stream.linear.scatter [tilespmem:s30], [sflag:$0x2], $0x40, $0x38;
	[tilespmem:$0x5A80] =	vst v63  }
0xcc: {  	s6 =	simm.s32 $0x1D00;
	s5 =	sadd.s32 s4, s31;
	s1 =	sadd.s32 $0xC35000, s29  }
0xcd: {  	[hbm4b:s5+s9] =	stream.strided.scatter [tilespmem:s6], [sflag:$0x2], $0x0, s10, s9, $0x38;
	[tilespmem:$0x5A80] =	vst v63  }
0xce: {  	s0 =	sshrl.u32 s1, $0x3  }
0xcf: {  	[hbm4b:s5+s3] =	stream.linear.scatter [tilespmem:s6], [sflag:$0x2], $0x40, $0x38;
	[tilespmem:$0x5A80] =	vst v63  }
0xd0: {  	s8 =	simm.s32 $0x1D40;
	s7 =	spop (v2sf);
	s0 =	sadd.s32 s4, s0  }
0xd1: {  	(v2sf) =	vpush v4, $0x8;
	[hbm4b:s0+s9] =	stream.strided.scatter [tilespmem:s8], [sflag:$0x2], $0x0, s10, s9, $0x38;
	[tilespmem:$0x5A80] =	vst v63  }
0xd2: {  	s11 =	sshrl.u32 s7, $0x3  }
0xd3: {  	[hbm4b:s0+s3] =	stream.linear.scatter [tilespmem:s8], [sflag:$0x2], $0x40, $0x38;
	[tilespmem:$0x5A80] =	vst v63  }
0xd4: {  	s14 =	simm.s32 $0x1D80;
	s12 =	sadd.s32 $0xC35000, s7;
	s13 =	sadd.s32 s4, s11  }
0xd5: {  	[hbm4b:s13+s9] =	stream.strided.scatter [tilespmem:s14], [sflag:$0x2], $0x0, s10, s9, $0x38;
	[tilespmem:$0x5A80] =	vst v63  }
0xd6: {  	s0 =	sshrl.u32 s12, $0x3  }
0xd7: {  	[hbm4b:s13+s3] =	stream.linear.scatter [tilespmem:s14], [sflag:$0x2], $0x40, $0x38;
	[tilespmem:$0x5A80] =	vst v63  }
0xd8: {  	s16 =	simm.s32 $0x1DC0;
	s15 =	spop (v2sf);
	s0 =	sadd.s32 s4, s0  }
0xd9: {  	(v2sf) =	vpush v4, $0x9;
	[hbm4b:s0+s9] =	stream.strided.scatter [tilespmem:s16], [sflag:$0x2], $0x0, s10, s9, $0x38;
	[tilespmem:$0x5A80] =	vst v63  }
0xda: {  	s17 =	sshrl.u32 s15, $0x3  }
0xdb: {  	[hbm4b:s0+s3] =	stream.linear.scatter [tilespmem:s16], [sflag:$0x2], $0x40, $0x38;
	[tilespmem:$0x5A80] =	vst v63  }
0xdc: {  	s23 =	simm.s32 $0x1E00;
	s21 =	sadd.s32 $0xC35000, s15;
	s22 =	sadd.s32 s4, s17  }
0xdd: {  	[hbm4b:s22+s9] =	stream.strided.scatter [tilespmem:s23], [sflag:$0x2], $0x0, s10, s9, $0x38;
	[tilespmem:$0x5A80] =	vst v63  }
0xde: {  	s0 =	sshrl.u32 s21, $0x3  }
0xdf: {  	[hbm4b:s22+s3] =	stream.linear.scatter [tilespmem:s23], [sflag:$0x2], $0x40, $0x38;
	[tilespmem:$0x5A80] =	vst v63  }
0xe0: {  	s25 =	simm.s32 $0x1E40;
	s24 =	spop (v2sf);
	s0 =	sadd.s32 s4, s0  }
0xe1: {  	(v2sf) =	vpush v4, $0xA;
	[hbm4b:s0+s9] =	stream.strided.scatter [tilespmem:s25], [sflag:$0x2], $0x0, s10, s9, $0x38;
	[tilespmem:$0x5A80] =	vst v63  }
0xe2: {  	s26 =	sshrl.u32 s24, $0x3  }
0xe3: {  	[hbm4b:s0+s3] =	stream.linear.scatter [tilespmem:s25], [sflag:$0x2], $0x40, $0x38;
	[tilespmem:$0x5A80] =	vst v63  }
0xe4: {  	s30 =	simm.s32 $0x1E80;
	s28 =	sadd.s32 $0xC35000, s24;
	s29 =	sadd.s32 s4, s26  }
0xe5: {  	[hbm4b:s29+s9] =	stream.strided.scatter [tilespmem:s30], [sflag:$0x2], $0x0, s10, s9, $0x38;
	[tilespmem:$0x5A80] =	vst v63  }
0xe6: {  	s0 =	sshrl.u32 s28, $0x3  }
0xe7: {  	[hbm4b:s29+s3] =	stream.linear.scatter [tilespmem:s30], [sflag:$0x2], $0x40, $0x38;
	[tilespmem:$0x5A80] =	vst v63  }
0xe8: {  	s6 =	simm.s32 $0x1EC0;
	s31 =	spop (v2sf);
	s0 =	sadd.s32 s4, s0  }
0xe9: {  	(v2sf) =	vpush v4, $0xB;
	[hbm4b:s0+s9] =	stream.strided.scatter [tilespmem:s6], [sflag:$0x2], $0x0, s10, s9, $0x38;
	[tilespmem:$0x5A80] =	vst v63  }
0xea: {  	s7 =	sshrl.u32 s31, $0x3  }
0xeb: {  	[hbm4b:s0+s3] =	stream.linear.scatter [tilespmem:s6], [sflag:$0x2], $0x40, $0x38;
	[tilespmem:$0x5A80] =	vst v63  }
0xec: {  	s12 =	simm.s32 $0x1F00;
	s8 =	sadd.s32 $0xC35000, s31;
	s11 =	sadd.s32 s4, s7  }
0xed: {  	[hbm4b:s11+s9] =	stream.strided.scatter [tilespmem:s12], [sflag:$0x2], $0x0, s10, s9, $0x38;
	[tilespmem:$0x5A80] =	vst v63  }
0xee: {  	s0 =	sshrl.u32 s8, $0x3  }
0xef: {  	[hbm4b:s11+s3] =	stream.linear.scatter [tilespmem:s12], [sflag:$0x2], $0x40, $0x38;
	[tilespmem:$0x5A80] =	vst v63  }
0xf0: {  	s14 =	simm.s32 $0x1F40;
	s13 =	spop (v2sf);
	s0 =	sadd.s32 s4, s0  }
0xf1: {  	(v2sf) =	vpush v4, $0xC;
	[hbm4b:s0+s9] =	stream.strided.scatter [tilespmem:s14], [sflag:$0x2], $0x0, s10, s9, $0x38;
	[tilespmem:$0x5A80] =	vst v63  }
0xf2: {  	s15 =	sshrl.u32 s13, $0x3  }
0xf3: {  	[hbm4b:s0+s3] =	stream.linear.scatter [tilespmem:s14], [sflag:$0x2], $0x40, $0x38;
	[tilespmem:$0x5A80] =	vst v63  }
0xf4: {  	s21 =	simm.s32 $0x1F80;
	s16 =	sadd.s32 $0xC35000, s13;
	s17 =	sadd.s32 s4, s15  }
0xf5: {  	[hbm4b:s17+s9] =	stream.strided.scatter [tilespmem:s21], [sflag:$0x2], $0x0, s10, s9, $0x38;
	[tilespmem:$0x5A80] =	vst v63  }
0xf6: {  	s0 =	sshrl.u32 s16, $0x3  }
0xf7: {  	[hbm4b:s17+s3] =	stream.linear.scatter [tilespmem:s21], [sflag:$0x2], $0x40, $0x38;
	[tilespmem:$0x5A80] =	vst v63  }
0xf8: {  	s23 =	simm.s32 $0x1FC0;
	s22 =	spop (v2sf);
	s0 =	sadd.s32 s4, s0  }
0xf9: {  	(v2sf) =	vpush v4, $0xD;
	[hbm4b:s0+s9] =	stream.strided.scatter [tilespmem:s23], [sflag:$0x2], $0x0, s10, s9, $0x38;
	[tilespmem:$0x5A80] =	vst v63  }
0xfa: {  	s24 =	sshrl.u32 s22, $0x3  }
0xfb: {  	[hbm4b:s0+s3] =	stream.linear.scatter [tilespmem:s23], [sflag:$0x2], $0x40, $0x38;
	[tilespmem:$0x5A80] =	vst v63  }
0xfc: {  	s28 =	simm.s32 $0x2000;
	s25 =	sadd.s32 $0xC35000, s22;
	s26 =	sadd.s32 s4, s24  }
0xfd: {  	[hbm4b:s26+s9] =	stream.strided.scatter [tilespmem:s28], [sflag:$0x2], $0x0, s10, s9, $0x38;
	[tilespmem:$0x5A80] =	vst v63  }
0xfe: {  	s0 =	sshrl.u32 s25, $0x3  }
0xff: {  	[hbm4b:s26+s3] =	stream.linear.scatter [tilespmem:s28], [sflag:$0x2], $0x40, $0x38;
	[tilespmem:$0x5A80] =	vst v63  }
0x100: {  	s30 =	simm.s32 $0x2040;
	s29 =	spop (v2sf);
	s0 =	sadd.s32 s4, s0  }
0x101: {  	(v2sf) =	vpush v4, $0xE;
	[hbm4b:s0+s9] =	stream.strided.scatter [tilespmem:s30], [sflag:$0x2], $0x0, s10, s9, $0x38;
	[tilespmem:$0x5A80] =	vst v63  }
0x102: {  	s31 =	sshrl.u32 s29, $0x3  }
0x103: {  	[hbm4b:s0+s3] =	stream.linear.scatter [tilespmem:s30], [sflag:$0x2], $0x40, $0x38;
	[tilespmem:$0x5A80] =	vst v63  }
0x104: {  	s7 =	simm.s32 $0x2080;
	s5 =	sadd.s32 $0xC35000, s29;
	s6 =	sadd.s32 s4, s31  }
0x105: {  	[hbm4b:s6+s9] =	stream.strided.scatter [tilespmem:s7], [sflag:$0x2], $0x0, s10, s9, $0x38;
	[tilespmem:$0x5A80] =	vst v63  }
0x106: {  	s0 =	sshrl.u32 s5, $0x3  }
0x107: {  	[hbm4b:s6+s3] =	stream.linear.scatter [tilespmem:s7], [sflag:$0x2], $0x40, $0x38;
	[tilespmem:$0x5A80] =	vst v63  }
0x108: {  	s11 =	simm.s32 $0x20C0;
	s8 =	spop (v2sf);
	s0 =	sadd.s32 s4, s0  }
0x109: {  	(v2sf) =	vpush v4, $0xF;
	[hbm4b:s0+s9] =	stream.strided.scatter [tilespmem:s11], [sflag:$0x2], $0x0, s10, s9, $0x38;
	[tilespmem:$0x5A80] =	vst v63  }
0x10a: {  	s12 =	sshrl.u32 s8, $0x3  }
0x10b: {  	[hbm4b:s0+s3] =	stream.linear.scatter [tilespmem:s11], [sflag:$0x2], $0x40, $0x38;
	[tilespmem:$0x5A80] =	vst v63  }
0x10c: {  	s15 =	simm.s32 $0x2100;
	s13 =	sadd.s32 $0xC35000, s8;
	s14 =	sadd.s32 s4, s12  }
0x10d: {  	[hbm4b:s14+s9] =	stream.strided.scatter [tilespmem:s15], [sflag:$0x2], $0x0, s10, s9, $0x38;
	[tilespmem:$0x5A80] =	vst v63  }
0x10e: {  	s0 =	sshrl.u32 s13, $0x3  }
0x10f: {  	[hbm4b:s14+s3] =	stream.linear.scatter [tilespmem:s15], [sflag:$0x2], $0x40, $0x38;
	[tilespmem:$0x5A80] =	vst v63  }
0x110: {  	s17 =	simm.s32 $0x2140;
	s16 =	spop (v2sf);
	s0 =	sadd.s32 s4, s0  }
0x111: {  	[hbm4b:s0+s9] =	stream.strided.scatter [tilespmem:s17], [sflag:$0x2], $0x0, s10, s9, $0x38;
	[tilespmem:$0x5A80] =	vst v63  }
0x112: {  	s21 =	sshrl.u32 s16, $0x3  }
0x113: {  	[hbm4b:s0+s3] =	stream.linear.scatter [tilespmem:s17], [sflag:$0x2], $0x40, $0x38;
	[tilespmem:$0x5A80] =	vst v63  }
0x114: {  	s24 =	simm.s32 $0x2180;
	s22 =	sadd.s32 $0xC35000, s16;
	s23 =	sadd.s32 s4, s21  }
0x115: {  	[hbm4b:s23+s9] =	stream.strided.scatter [tilespmem:s24], [sflag:$0x2], $0x0, s10, s9, $0x38;
	[tilespmem:$0x5A80] =	vst v63  }
0x116: {  	s0 =	sshrl.u32 s22, $0x3  }
0x117: {  	[hbm4b:s23+s3] =	stream.linear.scatter [tilespmem:s24], [sflag:$0x2], $0x40, $0x38;
	[tilespmem:$0x5A80] =	vst v63  }
0x118: {  	s26 =	simm.s32 $0x21C0;
	s25 =	spop (v2sf);
	s0 =	sadd.s32 s4, s0  }
0x119: {  	[hbm4b:s0+s9] =	stream.strided.scatter [tilespmem:s26], [sflag:$0x2], $0x0, s10, s9, $0x38;
	[tilespmem:$0x5A80] =	vst v63  }
0x11a: {  	s28 =	sshrl.u32 s25, $0x3  }
0x11b: {  	[hbm4b:s0+s3] =	stream.linear.scatter [tilespmem:s26], [sflag:$0x2], $0x40, $0x38;
	[tilespmem:$0x5A80] =	vst v63  }
0x11c: {  	s31 =	simm.s32 $0x2200;
	s29 =	sadd.s32 $0xC35000, s25;
	s30 =	sadd.s32 s4, s28  }
0x11d: {  	[hbm4b:s30+s9] =	stream.strided.scatter [tilespmem:s31], [sflag:$0x2], $0x0, s10, s9, $0x38;
	[tilespmem:$0x5A80] =	vst v63  }
0x11e: {  	s1 =	simm.s32 $0x2240;
	s22 =	simm.s32 $0x2000;
	s0 =	sshrl.u32 s29, $0x3  }
0x11f: {  	[hbm4b:s30+s3] =	stream.linear.scatter [tilespmem:s31], [sflag:$0x2], $0x40, $0x38;
	[tilespmem:$0x5A80] =	vst v63  }
0x120: {  	s23 =	smov.u32 s19;
	s24 =	smov.u32 s20;
	s0 =	sadd.s32 s4, s0  }
0x121: {  	[hbm4b:s0+s9] =	stream.strided.scatter [tilespmem:s1], [sflag:$0x2], $0x0, s10, s9, $0x38;
	[tilespmem:$0x5A80] =	vst v63  }
.LBB2_6:
0x122: {  	p0 =	sne.s32 s22, $0xE000;
	s23 =	sadd.s32 $0x10, s23;
	s24 =	sadd.s32 $0x10, s24  }
0x123: {  	[hbm4b:s0+s3] =	stream.linear.scatter [tilespmem:s1], [sflag:$0x2], $0x40, $0x38;
	[tilespmem:$0x5A80] =	vst v63  }
0x124: {  	s0 =	smov.u32 s22;
	s22 =	sadd.s32 $0x2000, s22;
	v4 =	vld [tilespmem:s23+$0x0];
	_ =	sdelay $0x2  }
0x125: {  	v5 =	vor.u32 s24, v0  }
0x126: {  	vm0 =	vlt.s32 v5, v2  }
0x127: {  	v4 =	vsel vm0, v4, v3  }
0x128: {  	v4 =	vshll.u32 v4, $0x7  }
0x129: {  	(v2sf) =	vpush v4, $0x0  }
0x12a: {  	(v2sf) =	vpush v4, $0x1;
	_ =	sdelay $0x3  }
0x12b: {  	(v2sf) =	vpush v4, $0x2;
	_ =	sdelay $0x1  }
0x12c: {  	(v2sf) =	vpush v4, $0x3;
	_ =	sdelay $0x1  }
0x12d: {  	(v2sf) =	vpush v4, $0x4;
	_ =	sdelay $0x5  }
0x12e: {  	s25 =	sshra.s32 s0, $0x2;
	s0 =	spop (v2sf);
	(v2sf) =	vpush v4, $0x5  }
0x12f: {  	s5 =	sadd.s32 $0x1AC0, s25;
	s1 =	sshrl.u32 s0, $0x3;
	s6 =	spop (v2sf)  }
0x130: {  	s8 =	sadd.s32 $0x1B00, s25;
	s0 =	sadd.s32 $0xC35000, s0;
	s1 =	sadd.s32 s4, s1  }
0x131: {  	s7 =	sadd.s32 $0x1A80, s25;
	s0 =	sshrl.u32 s0, $0x3;
	s11 =	sshrl.u32 s6, $0x3  }
0x132: {  	[hbm4b:s1+s9] =	stream.strided.scatter [tilespmem:s7], [sflag:$0x2], $0x0, s10, s9, $0x38;
	[tilespmem:$0x5A80] =	vst v63  }
0x133: {  	s6 =	sadd.s32 $0xC35000, s6;
	s0 =	sadd.s32 s4, s0;
	s12 =	spop (v2sf)  }
0x134: {  	[hbm4b:s1+s3] =	stream.linear.scatter [tilespmem:s7], [sflag:$0x2], $0x40, $0x38;
	(v2sf) =	vpush v4, $0x6;
	[tilespmem:$0x5A80] =	vst v63  }
0x135: {  	s13 =	sshrl.u32 s12, $0x3;
	s12 =	sadd.s32 $0xC35000, s12;
	s14 =	spop (v2sf)  }
0x136: {  	[hbm4b:s0+s9] =	stream.strided.scatter [tilespmem:s5], [sflag:$0x2], $0x0, s10, s9, $0x38;
	(v2sf) =	vpush v4, $0x7;
	[tilespmem:$0x5A80] =	vst v63  }
0x137: {  	s16 =	sshrl.u32 s14, $0x3;
	s1 =	spop (v2sf)  }
0x138: {  	[hbm4b:s0+s3] =	stream.linear.scatter [tilespmem:s5], [sflag:$0x2], $0x40, $0x38;
	[tilespmem:$0x5A80] =	vst v63  }
0x139: {  	s0 =	sadd.s32 s4, s11;
	s5 =	sshrl.u32 s6, $0x3;
	s7 =	sshrl.u32 s1, $0x3  }
0x13a: {  	[hbm4b:s0+s9] =	stream.strided.scatter [tilespmem:s8], [sflag:$0x2], $0x0, s10, s9, $0x38;
	[tilespmem:$0x5A80] =	vst v63  }
0x13b: {  	s11 =	sadd.s32 $0x1B40, s25;
	s1 =	sadd.s32 $0xC35000, s1;
	s5 =	sadd.s32 s4, s5  }
0x13c: {  	[hbm4b:s0+s3] =	stream.linear.scatter [tilespmem:s8], [sflag:$0x2], $0x40, $0x38;
	[tilespmem:$0x5A80] =	vst v63  }
0x13d: {  	s6 =	sshrl.u32 s1, $0x3;
	s0 =	spop (v2sf)  }
0x13e: {  	[hbm4b:s5+s9] =	stream.strided.scatter [tilespmem:s11], [sflag:$0x2], $0x0, s10, s9, $0x38;
	(v2sf) =	vpush v4, $0x8;
	[tilespmem:$0x5A80] =	vst v63  }
0x13f: {  	s8 =	sadd.s32 $0x1B80, s25;
	s1 =	sshrl.u32 s0, $0x3;
	s0 =	sadd.s32 $0xC35000, s0  }
0x140: {  	[hbm4b:s5+s3] =	stream.linear.scatter [tilespmem:s11], [sflag:$0x2], $0x40, $0x38;
	[tilespmem:$0x5A80] =	vst v63  }
0x141: {  	s5 =	sadd.s32 s4, s13;
	s11 =	sshrl.u32 s12, $0x3;
	s12 =	sshrl.u32 s0, $0x3  }
0x142: {  	[hbm4b:s5+s9] =	stream.strided.scatter [tilespmem:s8], [sflag:$0x2], $0x0, s10, s9, $0x38;
	(v2sf) =	vpush v4, $0x9;
	[tilespmem:$0x5A80] =	vst v63  }
0x143: {  	s17 =	sadd.s32 $0x1BC0, s25;
	s11 =	sadd.s32 s4, s11;
	s0 =	spop (v2sf)  }
0x144: {  	[hbm4b:s5+s3] =	stream.linear.scatter [tilespmem:s8], [sflag:$0x2], $0x40, $0x38;
	[tilespmem:$0x5A80] =	vst v63  }
0x145: {  	s13 =	sshrl.u32 s0, $0x3;
	s5 =	sadd.s32 $0xC35000, s0;
	s8 =	spop (v2sf)  }
0x146: {  	[hbm4b:s11+s9] =	stream.strided.scatter [tilespmem:s17], [sflag:$0x2], $0x0, s10, s9, $0x38;
	(v2sf) =	vpush v4, $0xA;
	[tilespmem:$0x5A80] =	vst v63  }
0x147: {  	s26 =	sadd.s32 $0x1C00, s25;
	s14 =	sadd.s32 $0xC35000, s14;
	s0 =	sshrl.u32 s8, $0x3  }
0x148: {  	[hbm4b:s11+s3] =	stream.linear.scatter [tilespmem:s17], [sflag:$0x2], $0x40, $0x38;
	[tilespmem:$0x5A80] =	vst v63  }
0x149: {  	s14 =	sshrl.u32 s14, $0x3;
	s8 =	sadd.s32 $0xC35000, s8;
	s11 =	sadd.s32 s4, s16  }
0x14a: {  	[hbm4b:s11+s9] =	stream.strided.scatter [tilespmem:s26], [sflag:$0x2], $0x0, s10, s9, $0x38;
	(v2sf) =	vpush v4, $0xB;
	[tilespmem:$0x5A80] =	vst v63  }
0x14b: {  	s14 =	sadd.s32 s4, s14;
	s28 =	sshrl.u32 s8, $0x3;
	s16 =	sadd.s32 $0x1C40, s25  }
0x14c: {  	[hbm4b:s11+s3] =	stream.linear.scatter [tilespmem:s26], [sflag:$0x2], $0x40, $0x38;
	[tilespmem:$0x5A80] =	vst v63  }
0x14d: {  	s8 =	spop (v2sf)  }
0x14e: {  	[hbm4b:s14+s9] =	stream.strided.scatter [tilespmem:s16], [sflag:$0x2], $0x0, s10, s9, $0x38;
	[tilespmem:$0x5A80] =	vst v63  }
0x14f: {  	s7 =	sadd.s32 s4, s7;
	s11 =	sadd.s32 $0x1C80, s25;
	s26 =	sshrl.u32 s8, $0x3  }
0x150: {  	[hbm4b:s14+s3] =	stream.linear.scatter [tilespmem:s16], [sflag:$0x2], $0x40, $0x38;
	(v2sf) =	vpush v4, $0xC;
	[tilespmem:$0x5A80] =	vst v63  }
0x151: {  	s8 =	sadd.s32 $0xC35000, s8;
	s14 =	spop (v2sf)  }
0x152: {  	[hbm4b:s7+s9] =	stream.strided.scatter [tilespmem:s11], [sflag:$0x2], $0x0, s10, s9, $0x38;
	[tilespmem:$0x5A80] =	vst v63  }
0x153: {  	s6 =	sadd.s32 s4, s6;
	s17 =	sadd.s32 $0x1CC0, s25;
	s16 =	sshrl.u32 s8, $0x3  }
0x154: {  	[hbm4b:s7+s3] =	stream.linear.scatter [tilespmem:s11], [sflag:$0x2], $0x40, $0x38;
	(v2sf) =	vpush v4, $0xD;
	[tilespmem:$0x5A80] =	vst v63  }
0x155: {  	s8 =	sshrl.u32 s14, $0x3;
	s7 =	sadd.s32 $0xC35000, s14;
	s14 =	spop (v2sf)  }
0x156: {  	[hbm4b:s6+s9] =	stream.strided.scatter [tilespmem:s17], [sflag:$0x2], $0x0, s10, s9, $0x38;
	[tilespmem:$0x5A80] =	vst v63  }
0x157: {  	s30 =	sadd.s32 $0x1D00, s25;
	s29 =	sadd.s32 s4, s1;
	s11 =	sshrl.u32 s7, $0x3  }
0x158: {  	[hbm4b:s6+s3] =	stream.linear.scatter [tilespmem:s17], [sflag:$0x2], $0x40, $0x38;
	(v2sf) =	vpush v4, $0xE;
	[tilespmem:$0x5A80] =	vst v63  }
0x159: {  	s7 =	sshrl.u32 s14, $0x3;
	s1 =	sadd.s32 $0xC35000, s14;
	s14 =	spop (v2sf)  }
0x15a: {  	[hbm4b:s29+s9] =	stream.strided.scatter [tilespmem:s30], [sflag:$0x2], $0x0, s10, s9, $0x38;
	[tilespmem:$0x5A80] =	vst v63  }
0x15b: {  	s6 =	sshrl.u32 s1, $0x3;
	s1 =	sshrl.u32 s14, $0x3;
	s14 =	sadd.s32 $0xC35000, s14  }
0x15c: {  	[hbm4b:s29+s3] =	stream.linear.scatter [tilespmem:s30], [sflag:$0x2], $0x40, $0x38;
	(v2sf) =	vpush v4, $0xF;
	[tilespmem:$0x5A80] =	vst v63  }
0x15d: {  	s17 =	sadd.s32 s4, s12;
	s12 =	sshrl.u32 s14, $0x3;
	s29 =	sadd.s32 $0x1D40, s25  }
0x15e: {  	[hbm4b:s17+s9] =	stream.strided.scatter [tilespmem:s29], [sflag:$0x2], $0x0, s10, s9, $0x38;
	[tilespmem:$0x5A80] =	vst v63  }
0x15f: {  	s14 =	spop (v2sf)  }
0x160: {  	[hbm4b:s17+s3] =	stream.linear.scatter [tilespmem:s29], [sflag:$0x2], $0x40, $0x38;
	[tilespmem:$0x5A80] =	vst v63  }
0x161: {  	s17 =	sadd.s32 s4, s13;
	s29 =	sadd.s32 $0x1D80, s25;
	s13 =	sshrl.u32 s14, $0x3  }
0x162: {  	[hbm4b:s17+s9] =	stream.strided.scatter [tilespmem:s29], [sflag:$0x2], $0x0, s10, s9, $0x38;
	[tilespmem:$0x5A80] =	vst v63  }
0x163: {  	s30 =	sshrl.u32 s5, $0x3;
	s5 =	sadd.s32 $0xC35000, s14;
	s31 =	spop (v2sf)  }
0x164: {  	[hbm4b:s17+s3] =	stream.linear.scatter [tilespmem:s29], [sflag:$0x2], $0x40, $0x38;
	[tilespmem:$0x5A80] =	vst v63  }
0x165: {  	s14 =	sadd.s32 s4, s30;
	s17 =	sadd.s32 $0x1DC0, s25;
	s29 =	sadd.s32 $0xC35000, s31  }
0x166: {  	[hbm4b:s14+s9] =	stream.strided.scatter [tilespmem:s17], [sflag:$0x2], $0x0, s10, s9, $0x38;
	[tilespmem:$0x5A80] =	vst v63  }
0x167: {  	s30 =	sshrl.u32 s29, $0x3;
	s15 =	spop (v2sf)  }
0x168: {  	[hbm4b:s14+s3] =	stream.linear.scatter [tilespmem:s17], [sflag:$0x2], $0x40, $0x38;
	[tilespmem:$0x5A80] =	vst v63  }
0x169: {  	s0 =	sadd.s32 s4, s0;
	s14 =	sadd.s32 $0x1E00, s25;
	s29 =	sshrl.u32 s15, $0x3  }
0x16a: {  	[hbm4b:s0+s9] =	stream.strided.scatter [tilespmem:s14], [sflag:$0x2], $0x0, s10, s9, $0x38;
	[tilespmem:$0x5A80] =	vst v63  }
0x16b: {  	s15 =	sadd.s32 $0xC35000, s15;
	s17 =	spop (v2sf)  }
0x16c: {  	[hbm4b:s0+s3] =	stream.linear.scatter [tilespmem:s14], [sflag:$0x2], $0x40, $0x38;
	[tilespmem:$0x5A80] =	vst v63  }
0x16d: {  	s21 =	sadd.s32 $0x1E40, s25;
	s14 =	sadd.s32 s4, s28;
	s0 =	sshrl.u32 s15, $0x3  }
0x16e: {  	[hbm4b:s14+s9] =	stream.strided.scatter [tilespmem:s21], [sflag:$0x2], $0x0, s10, s9, $0x38;
	[tilespmem:$0x5A80] =	vst v63  }
0x16f: {  	s28 =	sshrl.u32 s17, $0x3;
	s15 =	sadd.s32 $0xC35000, s17  }
0x170: {  	[hbm4b:s14+s3] =	stream.linear.scatter [tilespmem:s21], [sflag:$0x2], $0x40, $0x38;
	[tilespmem:$0x5A80] =	vst v63  }
0x171: {  	s17 =	sadd.s32 $0x1E80, s25;
	s14 =	sadd.s32 s4, s26;
	s26 =	sshrl.u32 s15, $0x3  }
0x172: {  	[hbm4b:s14+s9] =	stream.strided.scatter [tilespmem:s17], [sflag:$0x2], $0x0, s10, s9, $0x38;
	[tilespmem:$0x5A80] =	vst v63  }
0x173: {  	_ = 	snop  }
0x174: {  	[hbm4b:s14+s3] =	stream.linear.scatter [tilespmem:s17], [sflag:$0x2], $0x40, $0x38;
	[tilespmem:$0x5A80] =	vst v63  }
0x175: {  	s15 =	sadd.s32 $0x1EC0, s25;
	s14 =	sadd.s32 s4, s16  }
0x176: {  	[hbm4b:s14+s9] =	stream.strided.scatter [tilespmem:s15], [sflag:$0x2], $0x0, s10, s9, $0x38;
	[tilespmem:$0x5A80] =	vst v63  }
0x177: {  	_ = 	snop  }
0x178: {  	[hbm4b:s14+s3] =	stream.linear.scatter [tilespmem:s15], [sflag:$0x2], $0x40, $0x38;
	[tilespmem:$0x5A80] =	vst v63  }
0x179: {  	s8 =	sadd.s32 s4, s8;
	s14 =	sadd.s32 $0x1F00, s25  }
0x17a: {  	[hbm4b:s8+s9] =	stream.strided.scatter [tilespmem:s14], [sflag:$0x2], $0x0, s10, s9, $0x38;
	[tilespmem:$0x5A80] =	vst v63  }
0x17b: {  	_ = 	snop  }
0x17c: {  	[hbm4b:s8+s3] =	stream.linear.scatter [tilespmem:s14], [sflag:$0x2], $0x40, $0x38;
	[tilespmem:$0x5A80] =	vst v63  }
0x17d: {  	s8 =	sadd.s32 s4, s11;
	s11 =	sadd.s32 $0x1F40, s25  }
0x17e: {  	[hbm4b:s8+s9] =	stream.strided.scatter [tilespmem:s11], [sflag:$0x2], $0x0, s10, s9, $0x38;
	[tilespmem:$0x5A80] =	vst v63  }
0x17f: {  	_ = 	snop  }
0x180: {  	[hbm4b:s8+s3] =	stream.linear.scatter [tilespmem:s11], [sflag:$0x2], $0x40, $0x38;
	[tilespmem:$0x5A80] =	vst v63  }
0x181: {  	s7 =	sadd.s32 s4, s7;
	s8 =	sadd.s32 $0x1F80, s25  }
0x182: {  	[hbm4b:s7+s9] =	stream.strided.scatter [tilespmem:s8], [sflag:$0x2], $0x0, s10, s9, $0x38;
	[tilespmem:$0x5A80] =	vst v63  }
0x183: {  	_ = 	snop  }
0x184: {  	[hbm4b:s7+s3] =	stream.linear.scatter [tilespmem:s8], [sflag:$0x2], $0x40, $0x38;
	[tilespmem:$0x5A80] =	vst v63  }
0x185: {  	s6 =	sadd.s32 s4, s6;
	s7 =	sadd.s32 $0x1FC0, s25  }
0x186: {  	[hbm4b:s6+s9] =	stream.strided.scatter [tilespmem:s7], [sflag:$0x2], $0x0, s10, s9, $0x38;
	[tilespmem:$0x5A80] =	vst v63  }
0x187: {  	_ = 	snop  }
0x188: {  	[hbm4b:s6+s3] =	stream.linear.scatter [tilespmem:s7], [sflag:$0x2], $0x40, $0x38;
	[tilespmem:$0x5A80] =	vst v63  }
0x189: {  	s1 =	sadd.s32 s4, s1;
	s6 =	sadd.s32 $0x2000, s25  }
0x18a: {  	[hbm4b:s1+s9] =	stream.strided.scatter [tilespmem:s6], [sflag:$0x2], $0x0, s10, s9, $0x38;
	[tilespmem:$0x5A80] =	vst v63  }
0x18b: {  	_ = 	snop  }
0x18c: {  	[hbm4b:s1+s3] =	stream.linear.scatter [tilespmem:s6], [sflag:$0x2], $0x40, $0x38;
	[tilespmem:$0x5A80] =	vst v63  }
0x18d: {  	s1 =	sadd.s32 s4, s12;
	s6 =	sadd.s32 $0x2040, s25  }
0x18e: {  	[hbm4b:s1+s9] =	stream.strided.scatter [tilespmem:s6], [sflag:$0x2], $0x0, s10, s9, $0x38;
	[tilespmem:$0x5A80] =	vst v63  }
0x18f: {  	_ = 	snop  }
0x190: {  	[hbm4b:s1+s3] =	stream.linear.scatter [tilespmem:s6], [sflag:$0x2], $0x40, $0x38;
	[tilespmem:$0x5A80] =	vst v63  }
0x191: {  	s1 =	sadd.s32 s4, s13;
	s6 =	sadd.s32 $0x2080, s25  }
0x192: {  	[hbm4b:s1+s9] =	stream.strided.scatter [tilespmem:s6], [sflag:$0x2], $0x0, s10, s9, $0x38;
	[tilespmem:$0x5A80] =	vst v63  }
0x193: {  	s5 =	sshrl.u32 s5, $0x3  }
0x194: {  	[hbm4b:s1+s3] =	stream.linear.scatter [tilespmem:s6], [sflag:$0x2], $0x40, $0x38;
	[tilespmem:$0x5A80] =	vst v63  }
0x195: {  	s1 =	sadd.s32 s4, s5;
	s5 =	sadd.s32 $0x20C0, s25  }
0x196: {  	[hbm4b:s1+s9] =	stream.strided.scatter [tilespmem:s5], [sflag:$0x2], $0x0, s10, s9, $0x38;
	[tilespmem:$0x5A80] =	vst v63  }
0x197: {  	s6 =	sshrl.u32 s31, $0x3  }
0x198: {  	[hbm4b:s1+s3] =	stream.linear.scatter [tilespmem:s5], [sflag:$0x2], $0x40, $0x38;
	[tilespmem:$0x5A80] =	vst v63  }
0x199: {  	s1 =	sadd.s32 s4, s6;
	s5 =	sadd.s32 $0x2100, s25  }
0x19a: {  	[hbm4b:s1+s9] =	stream.strided.scatter [tilespmem:s5], [sflag:$0x2], $0x0, s10, s9, $0x38;
	[tilespmem:$0x5A80] =	vst v63  }
0x19b: {  	_ = 	snop  }
0x19c: {  	[hbm4b:s1+s3] =	stream.linear.scatter [tilespmem:s5], [sflag:$0x2], $0x40, $0x38;
	[tilespmem:$0x5A80] =	vst v63  }
0x19d: {  	s1 =	sadd.s32 s4, s30;
	s5 =	sadd.s32 $0x2140, s25  }
0x19e: {  	[hbm4b:s1+s9] =	stream.strided.scatter [tilespmem:s5], [sflag:$0x2], $0x0, s10, s9, $0x38;
	[tilespmem:$0x5A80] =	vst v63  }
0x19f: {  	_ = 	snop  }
0x1a0: {  	[hbm4b:s1+s3] =	stream.linear.scatter [tilespmem:s5], [sflag:$0x2], $0x40, $0x38;
	[tilespmem:$0x5A80] =	vst v63  }
0x1a1: {  	s1 =	sadd.s32 s4, s29;
	s5 =	sadd.s32 $0x2180, s25  }
0x1a2: {  	[hbm4b:s1+s9] =	stream.strided.scatter [tilespmem:s5], [sflag:$0x2], $0x0, s10, s9, $0x38;
	[tilespmem:$0x5A80] =	vst v63  }
0x1a3: {  	_ = 	snop  }
0x1a4: {  	[hbm4b:s1+s3] =	stream.linear.scatter [tilespmem:s5], [sflag:$0x2], $0x40, $0x38;
	[tilespmem:$0x5A80] =	vst v63  }
0x1a5: {  	s0 =	sadd.s32 s4, s0;
	s1 =	sadd.s32 $0x21C0, s25  }
0x1a6: {  	[hbm4b:s0+s9] =	stream.strided.scatter [tilespmem:s1], [sflag:$0x2], $0x0, s10, s9, $0x38;
	[tilespmem:$0x5A80] =	vst v63  }
0x1a7: {  	_ = 	snop  }
0x1a8: {  	[hbm4b:s0+s3] =	stream.linear.scatter [tilespmem:s1], [sflag:$0x2], $0x40, $0x38;
	[tilespmem:$0x5A80] =	vst v63  }
0x1a9: {  	s0 =	sadd.s32 s4, s28;
	s1 =	sadd.s32 $0x2200, s25  }
0x1aa: {  	[hbm4b:s0+s9] =	stream.strided.scatter [tilespmem:s1], [sflag:$0x2], $0x0, s10, s9, $0x38;
	[tilespmem:$0x5A80] =	vst v63  }
.Ltmp4:
0x1ab: {  	_ = 	snop;
	(pc) =	sbr.rel @p0 .LBB2_6-.Ltmp4, $4  }
0x1ac: {  	_ = 	snop  }
0x1ad: {  	[hbm4b:s0+s3] =	stream.linear.scatter [tilespmem:s1], [sflag:$0x2], $0x40, $0x38;
	[tilespmem:$0x5A80] =	vst v63  }
0x1ae: {  	s0 =	sadd.s32 s4, s26;
	s1 =	sadd.s32 $0x2240, s25  }
0x1af: {  	[hbm4b:s0+s9] =	stream.strided.scatter [tilespmem:s1], [sflag:$0x2], $0x0, s10, s9, $0x38;
	[tilespmem:$0x5A80] =	vst v63  }
0x1b0: {  	[hbm4b:s0+s3] =	stream.linear.scatter [tilespmem:s1], [sflag:$0x2], $0x40, $0x38;
	[tilespmem:$0x5A80] =	vst v63  }
0x1b1: {  	s29 =	simm.s32 $0x2  }
0x1b2: {  	_ =	swait.ge [sflag:s29], $0x4000  }
0x1b3: {  	s30 =	rddreg [dreg:$0x9]  }
0x1b4: {  	s31 =	rddreg [dreg:$0x8];
	s1 =	sadd.s32 $0x1, s30  }
0x1b5: {  	p0 =	sne.s32 s1, s31  }
.Ltmp5:
0x1b6: {  	_ = 	snop;
	(pc) =	sbr.rel @p0 .LBB2_3-.Ltmp5, $4  }
.Ltmp6:
0x1b7: {  	_ = 	snop;
	(pc) =	sbr.rel @!p0 .LBB2_8-.Ltmp6, $4  }
0x1b8: {  	_ = 	snop  }
0x1b9: {  	s18 =	sadd.s32 $0x80, s18;
	[sflag:s29] =	ssyncset.done $0x0  }
0x1ba: {  	s20 =	sadd.s32 $0x80, s20;
	s19 =	sadd.s32 $0x80, s19;
	[sflag:s29] =	ssyncadd.s32 $0xFFFFC000  }
0x1bb: {  	_ = 	snop  }
.LBB2_9:
0x1bc: {  	_ =	sfence.sel $0x180000  }
0x1bd: {  	[bflag:$0x0] =	sbarrier.arrive $0xFFFF  }
0x1be: {  	_ =	strace $0x9000004A  }
0x1bf: {  	s0 =	stileid.u32;
	[bflag:$0x2] =	sbarrier.arrive $0xFFFF  }
0x1c0: {  	p0 =	sne.s32 s0, $0x0;
	s0 =	rddreg [dreg:$0x2]  }
0x1c1: {  	s0 =	sadd.s32 @!p0 $0x100000, s0  }
0x1c2: {  	[sflag:s0] =	ssyncadd.tile.s32 @!p0 $0x1;
	_ =	shalt  }
.Lfunc_end2:
_tile_overlayer_lowered:
.L_overlay_start_2:
0x1c3: {  	(tag) =	ssettag $0x2  }
0x1c4: {  	s0 =	rddreg [dreg:$0x0];
	s2 =	stileid.u32  }
0x1c5: {  	s1 =	rddreg [dreg:$0x1];
	p0 =	sne.s32 s2, $0x0  }
0x1c6: {  	s3 =	rddreg [dreg:$0x2];
	[bflag:$0x3] =	sbarrier.arrive $0xFFFF;
	s2 =	simm.s32 @!p0 $0x1C03  }
0x1c7: {  	[timem:s3], [sflag:s2] =	dma.local @!p0 [hbm:s0], s1  }
0x1c8: {  	s0 =	simm.s32 @!p0 $0x3  }
0x1c9: {  	_ =	swait.ge @!p0 [sflag:s0], s1  }
0x1ca: {  	s1 =	ssub.s32 @!p0 $0x0, s1;
	[sflag:s0] =	ssyncset.done @!p0 $0x0  }
0x1cb: {  	[sflag:s0] =	ssyncadd.s32 @!p0 s1  }
0x1cc: {  	[bflag:$0x3] =	sbarrier.arrive $0xFFFF  }
0x1cd: {  	_ =	shalt  }

</sc_bundles>
